<compile_context>
chip_gen: v7x
topology: tpu7x:2x2x1
jax: 0.10.2.dev20260603
libtpu: 0.0.44.dev20260713+nightly
codegen_flags: <defaults>
</compile_context>

<pallas_src>
import functools

import jax
import jax.numpy as jnp
from jax import lax
from jax.experimental import pallas as pl
from jax.experimental.pallas import tpu as pltpu
from jax.experimental.pallas import tpu_sc as plsc

N = 10000
E = 160000
DIM = 32
EDGE_DIM = 16
LANES = 128
CNT = DIM

NC = 2
NS = 16
NW = NC * NS
CHUNK = 128
CPW = 40
GRP = 5
E_PAD = NW * CPW * CHUNK
NP = 10112
ROWS_PT = NP // NS
_K512 = DIM * EDGE_DIM


@functools.cache
def _mesh():
    return plsc.VectorSubcoreMesh(
        core_axis_name="c", subcore_axis_name="s",
        num_cores=NC, num_subcores=NS)


_BLK_S = 3200


def _bn_stats_body(ea_ref, sum_ref, sumsq_ref, eat_ref):
    i = pl.program_id(0)

    @pl.when(i == 0)
    def _init():
        sum_ref[...] = jnp.zeros_like(sum_ref)
        sumsq_ref[...] = jnp.zeros_like(sumsq_ref)

    ea = ea_ref[...]
    sum_ref[0:1, :] += jnp.sum(ea, axis=0, keepdims=True)
    sumsq_ref[0:1, :] += jnp.sum(ea * ea, axis=0, keepdims=True)
    eat_ref[...] = ea.T


def _bn_stats(edge_attr):
    return pl.pallas_call(
        _bn_stats_body,
        grid=(E // _BLK_S,),
        in_specs=[pl.BlockSpec((_BLK_S, EDGE_DIM), lambda i: (i, 0))],
        out_specs=(pl.BlockSpec((8, EDGE_DIM), lambda i: (0, 0)),
                   pl.BlockSpec((8, EDGE_DIM), lambda i: (0, 0)),
                   pl.BlockSpec((EDGE_DIM, _BLK_S), lambda i: (0, i))),
        out_shape=(jax.ShapeDtypeStruct((8, EDGE_DIM), jnp.float32),
                   jax.ShapeDtypeStruct((8, EDGE_DIM), jnp.float32),
                   jax.ShapeDtypeStruct((EDGE_DIM, E_PAD), jnp.float32)),
    )(edge_attr)


GCH0 = 60
GCH1 = 20
CH0_TOT = NS * GCH0
GGRP = 10


NREP = 8


@functools.cache
def _sc_gather_call():
    return pl.kernel(
        _sc_gather_body,
        out_type=(jax.ShapeDtypeStruct((E_PAD, DIM), jnp.float32),
                  jax.ShapeDtypeStruct((NREP * N, DIM), jnp.float32)),
        mesh=_mesh(),
        scratch_types=[
            pltpu.VMEM((GCH0, CHUNK), jnp.int32),
            pltpu.VMEM((GGRP * CHUNK, DIM), jnp.float32),
            pltpu.SemaphoreType.DMA,
        ],
        compiler_params=pltpu.CompilerParams(use_tc_tiling_on_sc=False),
    )


def _sc_gather(*args):
    return _sc_gather_call()(*args)


def _sc_gather_body(x_hbm, src_hbm, xj_hbm, xrep_hbm, src_v, rows_v, sem):
    c = lax.axis_index("c")
    s = lax.axis_index("s")
    cbase = jnp.where(c == 0, s * GCH0, CH0_TOT + s * GCH1)
    ngrp = jnp.where(c == 0, GCH0 // GGRP, GCH1 // GGRP)

    pltpu.sync_copy(src_hbm.at[pl.ds(pl.multiple_of(cbase, 4), GCH0)], src_v)

    rep = s % NREP
    half = s // NREP
    for p in range(5):
        roff = pl.multiple_of(half * 5000 + p * 1000, 8)
        pltpu.sync_copy(x_hbm.at[pl.ds(roff, 1000)],
                        rows_v.at[pl.ds(0, 1000)])
        pltpu.sync_copy(rows_v.at[pl.ds(0, 1000)],
                        xrep_hbm.at[pl.ds(pl.multiple_of(rep * N + roff, 8),
                                          1000)])
    plsc.subcore_barrier()

    def _group(g, carry):
        cps = [
            pltpu.async_copy(xrep_hbm.at[src_v.at[g * GGRP + j]],
                             rows_v.at[pl.ds(j * CHUNK, CHUNK)], sem)
            for j in range(GGRP)
        ]
        for cp in cps:
            cp.wait()
        off = pl.multiple_of((cbase + g * GGRP) * CHUNK, GGRP * CHUNK)
        pltpu.sync_copy(rows_v, xj_hbm.at[pl.ds(off, GGRP * CHUNK)])
        return carry

    lax.fori_loop(0, ngrp, _group, 0)


NPH = NP // NC
NPH_A = 5120
ROWS_SC = NPH_A // NS
CPT = E_PAD // CHUNK // NS
OUT_L = 48
SGRP = 2


@functools.cache
def _sc_scatter_call():
    return pl.kernel(
        _sc_scatter_body,
        out_type=jax.ShapeDtypeStruct((NC, NPH_A, OUT_L), jnp.float32),
        mesh=_mesh(),
        scratch_types=[
            pltpu.VMEM((CPT, CHUNK), jnp.int32),
            pltpu.VMEM((SGRP * CHUNK, LANES), jnp.float32),
            pltpu.VMEM_SHARED((NPH_A, LANES), jnp.float32),
            pltpu.SemaphoreType.DMA,
        ],
        compiler_params=pltpu.CompilerParams(use_tc_tiling_on_sc=False),
    )


def _sc_scatter(*args):
    return _sc_scatter_call()(*args)


def _sc_scatter_body(msg_hbm, dst_hbm, acc_hbm,
                     dst_v, rows_v, acc_sh, sem):
    c = lax.axis_index("c")
    s = lax.axis_index("s")
    base = c * NPH
    ebase = s * (CPT * CHUNK)

    pltpu.sync_copy(dst_hbm.at[pl.ds(s * CPT, CPT)], dst_v)

    def _zero(i, carry):
        r = i // 8
        k = pl.multiple_of((i % 8) * 16, 16)
        rows_v[r, pl.ds(k, 16)] = jnp.zeros((16,), jnp.float32)
        return carry

    lax.fori_loop(0, (ROWS_SC // 2) * 8, _zero, 0)
    pltpu.sync_copy(rows_v.at[pl.ds(0, ROWS_SC // 2)],
                    acc_sh.at[pl.ds(s * ROWS_SC, ROWS_SC // 2)])
    pltpu.sync_copy(rows_v.at[pl.ds(0, ROWS_SC // 2)],
                    acc_sh.at[pl.ds(s * ROWS_SC + ROWS_SC // 2,
                                    ROWS_SC // 2)])

    def _xform(i, carry):
        r = i // 8
        k = pl.multiple_of((i % 8) * 16, 16)
        v = dst_v[r, pl.ds(k, 16)] - base
        ok = (v >= 0) & (v < NPH)
        dst_v[r, pl.ds(k, 16)] = jnp.where(ok, v, NPH)
        return carry

    lax.fori_loop(0, CPT * 8, _xform, 0)
    plsc.subcore_barrier()

    for g in range(CPT // SGRP):
        pltpu.sync_copy(
            msg_hbm.at[pl.ds(ebase + g * SGRP * CHUNK, SGRP * CHUNK)], rows_v)
        cps = [
            pltpu.async_copy(rows_v.at[pl.ds(j * CHUNK, CHUNK)],
                             acc_sh.at[dst_v.at[g * SGRP + j]], sem, add=True)
            for j in range(SGRP)
        ]
        for cp in cps:
            cp.wait()

    plsc.subcore_barrier()
    pltpu.sync_copy(
        acc_sh.at[pl.ds(s * ROWS_SC, ROWS_SC), pl.ds(0, OUT_L)],
        acc_hbm.at[c].at[pl.ds(s * ROWS_SC, ROWS_SC)])


_BLK_E = 2048


def _edge_msg_body(eat_ref, xjw_ref, sum_ref, sumsq_ref, gamma_ref, beta_ref,
                   r_ref, wcat_ref, s_ref, b_ref, c_ref, out_ref):
    mean = sum_ref[0:1, :] * (1.0 / E)
    var = sumsq_ref[0:1, :] * (1.0 / E) - mean * mean
    scale = gamma_ref[...] * lax.rsqrt(var + 1e-5)
    bf16 = jnp.bfloat16
    ea = ((eat_ref[...].T - mean) * scale + beta_ref[...]).astype(bf16)
    xj = xjw_ref[...].astype(bf16)
    ea_rep = jnp.dot(ea, r_ref[...], preferred_element_type=jnp.float32)
    t = jnp.dot(xj, wcat_ref[...], preferred_element_type=jnp.float32)
    u = (ea_rep * t).astype(bf16)
    out_ref[...] = (
        jnp.dot(u, s_ref[...], preferred_element_type=jnp.float32)
        + jnp.dot(xj, b_ref[...], preferred_element_type=jnp.float32)
        + c_ref[...])


def _edge_msg(ea_t, xjw, sums, sumsq, gamma, beta, r_m, wcat, s_m, b_m, c_m):
    return pl.pallas_call(
        _edge_msg_body,
        grid=(E_PAD // _BLK_E,),
        in_specs=[
            pl.BlockSpec((EDGE_DIM, _BLK_E), lambda i: (0, i)),
            pl.BlockSpec((_BLK_E, DIM), lambda i: (i, 0)),
            pl.BlockSpec((8, EDGE_DIM), lambda i: (0, 0)),
            pl.BlockSpec((8, EDGE_DIM), lambda i: (0, 0)),
            pl.BlockSpec((1, EDGE_DIM), lambda i: (0, 0)),
            pl.BlockSpec((1, EDGE_DIM), lambda i: (0, 0)),
            pl.BlockSpec((EDGE_DIM, _K512), lambda i: (0, 0)),
            pl.BlockSpec((DIM, _K512), lambda i: (0, 0)),
            pl.BlockSpec((_K512, LANES), lambda i: (0, 0)),
            pl.BlockSpec((DIM, LANES), lambda i: (0, 0)),
            pl.BlockSpec((1, LANES), lambda i: (0, 0)),
        ],
        out_specs=pl.BlockSpec((_BLK_E, LANES), lambda i: (i, 0)),
        out_shape=jax.ShapeDtypeStruct((E_PAD, LANES), jnp.float32),
    )(ea_t, xjw, sums, sumsq, gamma, beta, r_m, wcat, s_m, b_m, c_m)


def _finish_body(x_ref, acc0_ref, acc1_ref, cb_ref,
                 wihT_ref, whhT_ref, bih_ref, bhh_ref, out_ref):
    x = x_ref[...]
    summed = jnp.concatenate(
        [acc0_ref[0, :, 0:DIM], acc1_ref[0, :, 0:DIM]], axis=0)
    cnt = jnp.concatenate(
        [acc0_ref[0, :, CNT:CNT + 1], acc1_ref[0, :, CNT:CNT + 1]], axis=0)
    agg = summed / jnp.maximum(cnt, 1.0)
    m = jnp.maximum(agg + cb_ref[...], 0.0)
    gi = jnp.dot(m, wihT_ref[...], preferred_element_type=jnp.float32) \
        + bih_ref[...]
    gh = jnp.dot(x, whhT_ref[...], preferred_element_type=jnp.float32) \
        + bhh_ref[...]
    r = jax.nn.sigmoid(gi[:, 0:DIM] + gh[:, 0:DIM])
    z = jax.nn.sigmoid(gi[:, DIM:2 * DIM] + gh[:, DIM:2 * DIM])
    n = jnp.tanh(gi[:, 2 * DIM:] + r * gh[:, 2 * DIM:])
    out_ref[...] = (1.0 - z) * n + z * x


def _finish(x, acc, cb, wihT, whhT, bih, bhh):
    return pl.pallas_call(
        _finish_body,
        grid=(1,),
        in_specs=[
            pl.BlockSpec((N, DIM), lambda i: (0, 0)),
            pl.BlockSpec((1, NPH, OUT_L), lambda i: (0, 0, 0)),
            pl.BlockSpec((1, N - NPH, OUT_L), lambda i: (1, 0, 0)),
            pl.BlockSpec((1, DIM), lambda i: (0, 0)),
            pl.BlockSpec((DIM, 3 * DIM), lambda i: (0, 0)),
            pl.BlockSpec((DIM, 3 * DIM), lambda i: (0, 0)),
            pl.BlockSpec((1, 3 * DIM), lambda i: (0, 0)),
            pl.BlockSpec((1, 3 * DIM), lambda i: (0, 0)),
        ],
        out_specs=pl.BlockSpec((N, DIM), lambda i: (0, 0)),
        out_shape=jax.ShapeDtypeStruct((N, DIM), jnp.float32),
    )(x, acc, acc, cb, wihT, whhT, bih, bhh)


def kernel(x, edge_index, edge_attr, bn_gamma, bn_beta, W_nn, b_nn,
           conv_bias, w_ih, w_hh, b_ih, b_hh):
    f32 = jnp.float32
    x = x.astype(f32)
    src = edge_index[0].astype(jnp.int32)
    dst = edge_index[1].astype(jnp.int32)

    src_rows = E_PAD // CHUNK + (GCH0 - GCH1)
    src2d = jnp.concatenate(
        [src, jnp.zeros((src_rows * CHUNK - E,), jnp.int32)]
    ).reshape(src_rows, CHUNK)
    src2d = src2d + (jnp.arange(src_rows, dtype=jnp.int32) % NREP * N)[:, None]
    pad = E_PAD - E
    dst2d = jnp.concatenate(
        [dst, jnp.full((8 * E_PAD // CHUNK * CHUNK - E,), N, jnp.int32)]
    ).reshape(8 * E_PAD // CHUNK, CHUNK)


    r_m = jnp.repeat(jnp.eye(EDGE_DIM, dtype=f32), DIM, axis=1)
    wcat = jnp.transpose(
        W_nn.astype(f32).reshape(EDGE_DIM, DIM, DIM),
        (1, 0, 2)).reshape(DIM, _K512)
    s_m = jnp.concatenate(
        [jnp.tile(jnp.eye(DIM, dtype=f32), (EDGE_DIM, 1)),
         jnp.zeros((_K512, LANES - DIM), f32)], axis=1)
    b_m = jnp.concatenate(
        [b_nn.astype(f32).reshape(DIM, DIM),
         jnp.zeros((DIM, LANES - DIM), f32)], axis=1)
    c_m = jnp.zeros((1, LANES), f32).at[0, CNT].set(1.0)

    sums, sumsq, ea_t = _bn_stats(edge_attr.astype(f32))
    xjw, _ = _sc_gather(x, src2d)
    bf16 = jnp.bfloat16
    msg = _edge_msg(ea_t, xjw, sums, sumsq,
                    bn_gamma.reshape(1, EDGE_DIM).astype(f32),
                    bn_beta.reshape(1, EDGE_DIM).astype(f32),
                    r_m.astype(bf16), wcat.astype(bf16),
                    s_m.astype(bf16), b_m.astype(bf16), c_m)
    acc = _sc_scatter(msg, dst2d)

    h = _finish(x, acc,
                conv_bias.reshape(1, DIM).astype(f32),
                w_ih.T.astype(f32), w_hh.T.astype(f32),
                b_ih.reshape(1, 3 * DIM).astype(f32),
                b_hh.reshape(1, 3 * DIM).astype(f32))
    return h

# --- scband reference (transcript-rebuilt; emitter-appended) ---
"""Pipeline reference for scband-nnconv-block-58291296141370 (READ-ONLY COPY).

The authoritative reference and input builder live on the scoring server;
editing this copy changes nothing except your own understanding.
"""

import jax, jax.numpy as jnp
import numpy as np

N = 10000
E = 160000
DIM = 32
EDGE_DIM = 16


def setup_inputs(seed: int = 0) -> dict:
    key = jax.random.key(seed)
    ks = jax.random.split(key, 8)
    x = jax.random.normal(ks[0], (N, DIM), dtype=jnp.float32)
    edge_index = jax.random.randint(ks[1], (2, E), 0, N)
    edge_attr = jax.random.normal(ks[2], (E, EDGE_DIM), dtype=jnp.float32)
    # BatchNorm1d(edge_dim) params (torch init: gamma=1, beta=0)
    bn_gamma = jnp.ones((EDGE_DIM,), dtype=jnp.float32)
    bn_beta = jnp.zeros((EDGE_DIM,), dtype=jnp.float32)
    # Linear(edge_dim, dim*dim) params
    s_lin = 1.0 / np.sqrt(EDGE_DIM)
    W_nn = jax.random.uniform(ks[3], (EDGE_DIM, DIM * DIM), minval=-s_lin, maxval=s_lin, dtype=jnp.float32)
    b_nn = jax.random.uniform(ks[4], (DIM * DIM,), minval=-s_lin, maxval=s_lin, dtype=jnp.float32)
    # NNConv bias (root_weight=False, bias=True)
    conv_bias = jnp.zeros((DIM,), dtype=jnp.float32)
    # GRU(dim, dim) params, gate order (r, z, n) as in torch
    s_gru = 1.0 / np.sqrt(DIM)
    k5, k6, k7, k8 = jax.random.split(ks[5], 4)
    w_ih = jax.random.uniform(k5, (3 * DIM, DIM), minval=-s_gru, maxval=s_gru, dtype=jnp.float32)
    w_hh = jax.random.uniform(k6, (3 * DIM, DIM), minval=-s_gru, maxval=s_gru, dtype=jnp.float32)
    b_ih = jax.random.uniform(k7, (3 * DIM,), minval=-s_gru, maxval=s_gru, dtype=jnp.float32)
    b_hh = jax.random.uniform(k8, (3 * DIM,), minval=-s_gru, maxval=s_gru, dtype=jnp.float32)
    return {
        "x": x, "edge_index": edge_index, "edge_attr": edge_attr,
        "bn_gamma": bn_gamma, "bn_beta": bn_beta,
        "W_nn": W_nn, "b_nn": b_nn, "conv_bias": conv_bias,
        "w_ih": w_ih, "w_hh": w_hh, "b_ih": b_ih, "b_hh": b_hh,
    }


def reference(x, edge_index, edge_attr, bn_gamma, bn_beta, W_nn, b_nn, conv_bias, w_ih, w_hh, b_ih, b_hh):
    # ---- edge network: BatchNorm1d (training mode, batch stats) + Linear ----
    mean = jnp.mean(edge_attr, axis=0)
    var = jnp.var(edge_attr, axis=0)  # biased, matches torch BN normalization
    ea = (edge_attr - mean) / jnp.sqrt(var + 1e-5) * bn_gamma + bn_beta
    w = ea @ W_nn + b_nn                 # [E, DIM*DIM]
    w = w.reshape(E, DIM, DIM)           # [E, in, out]
    # ---- NNConv message passing (aggr='mean', root_weight=False) ----
    src = edge_index[0]
    dst = edge_index[1]
    xj = jnp.take(x, src, axis=0)        # gather source features [E, DIM]
    msg = jnp.einsum('ei,eio->eo', xj, w)  # per-edge matvec [E, DIM]
    summed = jax.ops.segment_sum(msg, dst, num_segments=N)
    cnt = jax.ops.segment_sum(jnp.ones((E,), dtype=msg.dtype), dst, num_segments=N)
    agg = summed / jnp.clip(cnt, 1.0, None)[:, None]
    m = jax.nn.relu(agg + conv_bias)     # F.relu(conv(...))
    # ---- GRU(dim, dim) single step: input m, hidden x ----
    gi = m @ w_ih.T + b_ih
    gh = x @ w_hh.T + b_hh
    i_r, i_z, i_n = jnp.split(gi, 3, axis=1)
    h_r, h_z, h_n = jnp.split(gh, 3, axis=1)
    r = jax.nn.sigmoid(i_r + h_r)
    z = jax.nn.sigmoid(i_z + h_z)
    n = jnp.tanh(i_n + r * h_n)
    h = (1.0 - z) * n + z * x
    return h

if __name__ == "__main__":
    import jax
    _d = setup_inputs()
    print(jax.jit(kernel)(*tuple(_d.values())))

</pallas_src>

<mosaic_0001>
#map = affine_map<(d0, d1) -> (0, 0)>
module attributes {stable_mosaic.version = 14 : i64} {
  func.func @_sc_gather_body(%arg0: i32, %arg1: i32, %arg2: memref<10000x32xf32, #tpu.memory_space<hbm>>, %arg3: memref<1320x128xi32, #tpu.memory_space<hbm>>, %arg4: memref<163840x32xf32, #tpu.memory_space<hbm>>, %arg5: memref<80000x32xf32, #tpu.memory_space<hbm>>, %arg6: memref<60x128xi32, #tpu.memory_space<vmem>>, %arg7: memref<1280x32xf32, #tpu.memory_space<vmem>>, %arg8: memref<!tpu.dma_semaphore, #tpu.memory_space<semaphore_mem>>) attributes {dimension_semantics = [#tpu.dimension_semantics<core_parallel>, #tpu.dimension_semantics<subcore_parallel>], iteration_bounds = array<i64: 2, 16>, scalar_prefetch = 0 : i64, scratch_operands = 3 : i64, tpu.core_type = #tpu.core_type<sc_vector_subcore>, window_params = [{transform_indices = #map}, {transform_indices = #map}, {transform_indices = #map}, {transform_indices = #map}]} {
    %eq3A = arith.constant 0 : i32
    %eq3A_0 = arith.cmpi eq, %arg0, %eq3A : i32
    %mul3A = arith.constant 60 : i32
    %mul3A_1 = arith.muli %arg1, %mul3A : i32
    %mul3A_2 = arith.constant 20 : i32
    %mul3A_3 = arith.muli %arg1, %mul3A_2 : i32
    %add3A = arith.constant 960 : i32
    %add3A_4 = arith.addi %add3A, %mul3A_3 : i32
    %select_n3A = arith.select %eq3A_0, %mul3A_1, %add3A_4 : i32
    %eq3A_5 = arith.constant 0 : i32
    %eq3A_6 = arith.cmpi eq, %arg0, %eq3A_5 : i32
    %jit3A = arith.constant 6 : i32
    %jit3A_7 = arith.constant 2 : i32
    %select_n3A_8 = arith.select %eq3A_6, %jit3A, %jit3A_7 : i32
    %multiple_of3A = tpu.assume_multiple %select_n3A, 4 : i32
    "tpu.region"() ({
      %run_scoped3A = tpu.sem_alloc : memref<!tpu.dma_semaphore, #tpu.memory_space<semaphore_mem>>
      %dma_start3A = arith.constant 0 : i32
      %dma_start3A_96 = tpu.memref_slice %arg3[%multiple_of3A, %dma_start3A] : memref<1320x128xi32, #tpu.memory_space<hbm>> -> memref<60x128xi32, #tpu.memory_space<hbm>>
      %dma_start3A_97 = arith.constant 0 : i32
      %dma_start3A_98 = tpu.memref_slice %arg3[%multiple_of3A, %dma_start3A_97] : memref<1320x128xi32, #tpu.memory_space<hbm>> -> memref<60x128xi32, #tpu.memory_space<hbm>>
      tpu.enqueue_dma source(%dma_start3A_98 : memref<60x128xi32, #tpu.memory_space<hbm>>) target(%arg6 : memref<60x128xi32, #tpu.memory_space<vmem>>) target_semaphore(%run_scoped3A : memref<!tpu.dma_semaphore, #tpu.memory_space<semaphore_mem>>)
      %dma_wait3A = arith.constant 0 : i32
      %dma_wait3A_99 = tpu.memref_slice %arg3[%multiple_of3A, %dma_wait3A] : memref<1320x128xi32, #tpu.memory_space<hbm>> -> memref<60x128xi32, #tpu.memory_space<hbm>>
      %dma_wait3A_100 = arith.constant 0 : i32
      %dma_wait3A_101 = tpu.memref_slice %arg3[%multiple_of3A, %dma_wait3A_100] : memref<1320x128xi32, #tpu.memory_space<hbm>> -> memref<60x128xi32, #tpu.memory_space<hbm>>
      tpu.wait_dma2 semaphore(%run_scoped3A : memref<!tpu.dma_semaphore, #tpu.memory_space<semaphore_mem>>) src(%dma_wait3A_101 : memref<60x128xi32, #tpu.memory_space<hbm>>) dst(%arg6 : memref<60x128xi32, #tpu.memory_space<vmem>>)
      tpu.yield
    }) : () -> ()
    %jit3A_9 = arith.constant 8 : i32
    %eq3A_10 = arith.constant 0 : i32
    %eq3A_11 = arith.cmpi eq, %jit3A_9, %eq3A_10 : i32
    %jit3A_12 = arith.constant 1 : i32
    %select_n3A_13 = arith.select %eq3A_11, %jit3A_12, %jit3A_9 : i32
    %rem3A = arith.remsi %arg1, %select_n3A_13 : i32
    %ne3A = arith.constant 0 : i32
    %ne3A_14 = arith.cmpi ne, %rem3A, %ne3A : i32
    %lt3A = arith.constant 0 : i32
    %lt3A_15 = arith.cmpi slt, %rem3A, %lt3A : i32
    %lt3A_16 = arith.constant 0 : i32
    %lt3A_17 = arith.cmpi slt, %select_n3A_13, %lt3A_16 : i32
    %ne3A_18 = arith.xori %lt3A_15, %lt3A_17 : i1
    %and3A = arith.andi %ne3A_18, %ne3A_14 : i1
    %add3A_19 = arith.addi %rem3A, %select_n3A_13 : i32
    %select_n3A_20 = arith.select %and3A, %add3A_19, %rem3A : i32
    %jit3A_21 = arith.constant 8 : i32
    %div3A = arith.divsi %arg1, %jit3A_21 : i32
    %sign3A = arith.constant 0 : i32
    %sign3A_22 = arith.cmpi sgt, %arg1, %sign3A : i32
    %sign3A_23 = arith.extui %sign3A_22 : i1 to i32
    %sign3A_24 = arith.constant 0 : i32
    %sign3A_25 = arith.cmpi slt, %arg1, %sign3A_24 : i32
    %sign3A_26 = arith.extui %sign3A_25 : i1 to i32
    %sign3A_27 = arith.subi %sign3A_23, %sign3A_26 : i32
    %sign3A_28 = arith.constant 0 : i32
    %sign3A_29 = arith.cmpi sgt, %jit3A_21, %sign3A_28 : i32
    %sign3A_30 = arith.extui %sign3A_29 : i1 to i32
    %sign3A_31 = arith.constant 0 : i32
    %sign3A_32 = arith.cmpi slt, %jit3A_21, %sign3A_31 : i32
    %sign3A_33 = arith.extui %sign3A_32 : i1 to i32
    %sign3A_34 = arith.subi %sign3A_30, %sign3A_33 : i32
    %ne3A_35 = arith.cmpi ne, %sign3A_27, %sign3A_34 : i32
    %rem3A_36 = arith.remsi %arg1, %jit3A_21 : i32
    %ne3A_37 = arith.constant 0 : i32
    %ne3A_38 = arith.cmpi ne, %rem3A_36, %ne3A_37 : i32
    %and3A_39 = arith.andi %ne3A_35, %ne3A_38 : i1
    %sub3A = arith.constant 1 : i32
    %sub3A_40 = arith.subi %div3A, %sub3A : i32
    %select_n3A_41 = arith.select %and3A_39, %sub3A_40, %div3A : i32
    %mul3A_42 = arith.constant 5000 : i32
    %mul3A_43 = arith.muli %select_n3A_41, %mul3A_42 : i32
    %add3A_44 = arith.constant 0 : i32
    %add3A_45 = arith.addi %mul3A_43, %add3A_44 : i32
    %multiple_of3A_46 = tpu.assume_multiple %add3A_45, 8 : i32
    "tpu.region"() ({
      %run_scoped3A = tpu.sem_alloc : memref<!tpu.dma_semaphore, #tpu.memory_space<semaphore_mem>>
      %dma_start3A = arith.constant 0 : i32
      %dma_start3A_96 = arith.constant 0 : i32
      %dma_start3A_97 = tpu.memref_slice %arg7[%dma_start3A, %dma_start3A_96] : memref<1280x32xf32, #tpu.memory_space<vmem>> -> memref<1000x32xf32, #tpu.memory_space<vmem>>
      %dma_start3A_98 = arith.constant 0 : i32
      %dma_start3A_99 = tpu.memref_slice %arg2[%multiple_of3A_46, %dma_start3A_98] : memref<10000x32xf32, #tpu.memory_space<hbm>> -> memref<1000x32xf32, #tpu.memory_space<hbm>>
      %dma_start3A_100 = arith.constant 0 : i32
      %dma_start3A_101 = arith.constant 0 : i32
      %dma_start3A_102 = tpu.memref_slice %arg7[%dma_start3A_100, %dma_start3A_101] : memref<1280x32xf32, #tpu.memory_space<vmem>> -> memref<1000x32xf32, #tpu.memory_space<vmem>>
      %dma_start3A_103 = arith.constant 0 : i32
      %dma_start3A_104 = tpu.memref_slice %arg2[%multiple_of3A_46, %dma_start3A_103] : memref<10000x32xf32, #tpu.memory_space<hbm>> -> memref<1000x32xf32, #tpu.memory_space<hbm>>
      tpu.enqueue_dma source(%dma_start3A_104 : memref<1000x32xf32, #tpu.memory_space<hbm>>) target(%dma_start3A_102 : memref<1000x32xf32, #tpu.memory_space<vmem>>) target_semaphore(%run_scoped3A : memref<!tpu.dma_semaphore, #tpu.memory_space<semaphore_mem>>)
      %dma_wait3A = arith.constant 0 : i32
      %dma_wait3A_105 = arith.constant 0 : i32
      %dma_wait3A_106 = tpu.memref_slice %arg7[%dma_wait3A, %dma_wait3A_105] : memref<1280x32xf32, #tpu.memory_space<vmem>> -> memref<1000x32xf32, #tpu.memory_space<vmem>>
      %dma_wait3A_107 = arith.constant 0 : i32
      %dma_wait3A_108 = tpu.memref_slice %arg2[%multiple_of3A_46, %dma_wait3A_107] : memref<10000x32xf32, #tpu.memory_space<hbm>> -> memref<1000x32xf32, #tpu.memory_space<hbm>>
      %dma_wait3A_109 = arith.constant 0 : i32
      %dma_wait3A_110 = arith.constant 0 : i32
      %dma_wait3A_111 = tpu.memref_slice %arg7[%dma_wait3A_109, %dma_wait3A_110] : memref<1280x32xf32, #tpu.memory_space<vmem>> -> memref<1000x32xf32, #tpu.memory_space<vmem>>
      %dma_wait3A_112 = arith.constant 0 : i32
      %dma_wait3A_113 = tpu.memref_slice %arg2[%multiple_of3A_46, %dma_wait3A_112] : memref<10000x32xf32, #tpu.memory_space<hbm>> -> memref<1000x32xf32, #tpu.memory_space<hbm>>
      tpu.wait_dma2 semaphore(%run_scoped3A : memref<!tpu.dma_semaphore, #tpu.memory_space<semaphore_mem>>) src(%dma_wait3A_113 : memref<1000x32xf32, #tpu.memory_space<hbm>>) dst(%dma_wait3A_111 : memref<1000x32xf32, #tpu.memory_space<vmem>>)
      tpu.yield
    }) : () -> ()
    %mul3A_47 = arith.constant 10000 : i32
    %mul3A_48 = arith.muli %select_n3A_20, %mul3A_47 : i32
    %add3A_49 = arith.addi %mul3A_48, %multiple_of3A_46 : i32
    %multiple_of3A_50 = tpu.assume_multiple %add3A_49, 8 : i32
    "tpu.region"() ({
      %run_scoped3A = tpu.sem_alloc : memref<!tpu.dma_semaphore, #tpu.memory_space<semaphore_mem>>
      %dma_start3A = arith.constant 0 : i32
      %dma_start3A_96 = arith.constant 0 : i32
      %dma_start3A_97 = tpu.memref_slice %arg7[%dma_start3A, %dma_start3A_96] : memref<1280x32xf32, #tpu.memory_space<vmem>> -> memref<1000x32xf32, #tpu.memory_space<vmem>>
      %dma_start3A_98 = arith.constant 0 : i32
      %dma_start3A_99 = tpu.memref_slice %arg5[%multiple_of3A_50, %dma_start3A_98] : memref<80000x32xf32, #tpu.memory_space<hbm>> -> memref<1000x32xf32, #tpu.memory_space<hbm>>
      %dma_start3A_100 = arith.constant 0 : i32
      %dma_start3A_101 = tpu.memref_slice %arg5[%multiple_of3A_50, %dma_start3A_100] : memref<80000x32xf32, #tpu.memory_space<hbm>> -> memref<1000x32xf32, #tpu.memory_space<hbm>>
      %dma_start3A_102 = arith.constant 0 : i32
      %dma_start3A_103 = arith.constant 0 : i32
      %dma_start3A_104 = tpu.memref_slice %arg7[%dma_start3A_102, %dma_start3A_103] : memref<1280x32xf32, #tpu.memory_space<vmem>> -> memref<1000x32xf32, #tpu.memory_space<vmem>>
      tpu.enqueue_dma source(%dma_start3A_104 : memref<1000x32xf32, #tpu.memory_space<vmem>>) target(%dma_start3A_101 : memref<1000x32xf32, #tpu.memory_space<hbm>>) target_semaphore(%run_scoped3A : memref<!tpu.dma_semaphore, #tpu.memory_space<semaphore_mem>>)
      %dma_wait3A = arith.constant 0 : i32
      %dma_wait3A_105 = arith.constant 0 : i32
      %dma_wait3A_106 = tpu.memref_slice %arg7[%dma_wait3A, %dma_wait3A_105] : memref<1280x32xf32, #tpu.memory_space<vmem>> -> memref<1000x32xf32, #tpu.memory_space<vmem>>
      %dma_wait3A_107 = arith.constant 0 : i32
      %dma_wait3A_108 = tpu.memref_slice %arg5[%multiple_of3A_50, %dma_wait3A_107] : memref<80000x32xf32, #tpu.memory_space<hbm>> -> memref<1000x32xf32, #tpu.memory_space<hbm>>
      %dma_wait3A_109 = arith.constant 0 : i32
      %dma_wait3A_110 = tpu.memref_slice %arg5[%multiple_of3A_50, %dma_wait3A_109] : memref<80000x32xf32, #tpu.memory_space<hbm>> -> memref<1000x32xf32, #tpu.memory_space<hbm>>
      %dma_wait3A_111 = arith.constant 0 : i32
      %dma_wait3A_112 = arith.constant 0 : i32
      %dma_wait3A_113 = tpu.memref_slice %arg7[%dma_wait3A_111, %dma_wait3A_112] : memref<1280x32xf32, #tpu.memory_space<vmem>> -> memref<1000x32xf32, #tpu.memory_space<vmem>>
      tpu.wait_dma2 semaphore(%run_scoped3A : memref<!tpu.dma_semaphore, #tpu.memory_space<semaphore_mem>>) src(%dma_wait3A_113 : memref<1000x32xf32, #tpu.memory_space<vmem>>) dst(%dma_wait3A_110 : memref<1000x32xf32, #tpu.memory_space<hbm>>)
      tpu.yield
    }) : () -> ()
    %mul3A_51 = arith.constant 5000 : i32
    %mul3A_52 = arith.muli %select_n3A_41, %mul3A_51 : i32
    %add3A_53 = arith.constant 1000 : i32
    %add3A_54 = arith.addi %mul3A_52, %add3A_53 : i32
    %multiple_of3A_55 = tpu.assume_multiple %add3A_54, 8 : i32
    "tpu.region"() ({
      %run_scoped3A = tpu.sem_alloc : memref<!tpu.dma_semaphore, #tpu.memory_space<semaphore_mem>>
      %dma_start3A = arith.constant 0 : i32
      %dma_start3A_96 = arith.constant 0 : i32
      %dma_start3A_97 = tpu.memref_slice %arg7[%dma_start3A, %dma_start3A_96] : memref<1280x32xf32, #tpu.memory_space<vmem>> -> memref<1000x32xf32, #tpu.memory_space<vmem>>
      %dma_start3A_98 = arith.constant 0 : i32
      %dma_start3A_99 = tpu.memref_slice %arg2[%multiple_of3A_55, %dma_start3A_98] : memref<10000x32xf32, #tpu.memory_space<hbm>> -> memref<1000x32xf32, #tpu.memory_space<hbm>>
      %dma_start3A_100 = arith.constant 0 : i32
      %dma_start3A_101 = arith.constant 0 : i32
      %dma_start3A_102 = tpu.memref_slice %arg7[%dma_start3A_100, %dma_start3A_101] : memref<1280x32xf32, #tpu.memory_space<vmem>> -> memref<1000x32xf32, #tpu.memory_space<vmem>>
      %dma_start3A_103 = arith.constant 0 : i32
      %dma_start3A_104 = tpu.memref_slice %arg2[%multiple_of3A_55, %dma_start3A_103] : memref<10000x32xf32, #tpu.memory_space<hbm>> -> memref<1000x32xf32, #tpu.memory_space<hbm>>
      tpu.enqueue_dma source(%dma_start3A_104 : memref<1000x32xf32, #tpu.memory_space<hbm>>) target(%dma_start3A_102 : memref<1000x32xf32, #tpu.memory_space<vmem>>) target_semaphore(%run_scoped3A : memref<!tpu.dma_semaphore, #tpu.memory_space<semaphore_mem>>)
      %dma_wait3A = arith.constant 0 : i32
      %dma_wait3A_105 = arith.constant 0 : i32
      %dma_wait3A_106 = tpu.memref_slice %arg7[%dma_wait3A, %dma_wait3A_105] : memref<1280x32xf32, #tpu.memory_space<vmem>> -> memref<1000x32xf32, #tpu.memory_space<vmem>>
      %dma_wait3A_107 = arith.constant 0 : i32
      %dma_wait3A_108 = tpu.memref_slice %arg2[%multiple_of3A_55, %dma_wait3A_107] : memref<10000x32xf32, #tpu.memory_space<hbm>> -> memref<1000x32xf32, #tpu.memory_space<hbm>>
      %dma_wait3A_109 = arith.constant 0 : i32
      %dma_wait3A_110 = arith.constant 0 : i32
      %dma_wait3A_111 = tpu.memref_slice %arg7[%dma_wait3A_109, %dma_wait3A_110] : memref<1280x32xf32, #tpu.memory_space<vmem>> -> memref<1000x32xf32, #tpu.memory_space<vmem>>
      %dma_wait3A_112 = arith.constant 0 : i32
      %dma_wait3A_113 = tpu.memref_slice %arg2[%multiple_of3A_55, %dma_wait3A_112] : memref<10000x32xf32, #tpu.memory_space<hbm>> -> memref<1000x32xf32, #tpu.memory_space<hbm>>
      tpu.wait_dma2 semaphore(%run_scoped3A : memref<!tpu.dma_semaphore, #tpu.memory_space<semaphore_mem>>) src(%dma_wait3A_113 : memref<1000x32xf32, #tpu.memory_space<hbm>>) dst(%dma_wait3A_111 : memref<1000x32xf32, #tpu.memory_space<vmem>>)
      tpu.yield
    }) : () -> ()
    %mul3A_56 = arith.constant 10000 : i32
    %mul3A_57 = arith.muli %select_n3A_20, %mul3A_56 : i32
    %add3A_58 = arith.addi %mul3A_57, %multiple_of3A_55 : i32
    %multiple_of3A_59 = tpu.assume_multiple %add3A_58, 8 : i32
    "tpu.region"() ({
      %run_scoped3A = tpu.sem_alloc : memref<!tpu.dma_semaphore, #tpu.memory_space<semaphore_mem>>
      %dma_start3A = arith.constant 0 : i32
      %dma_start3A_96 = arith.constant 0 : i32
      %dma_start3A_97 = tpu.memref_slice %arg7[%dma_start3A, %dma_start3A_96] : memref<1280x32xf32, #tpu.memory_space<vmem>> -> memref<1000x32xf32, #tpu.memory_space<vmem>>
      %dma_start3A_98 = arith.constant 0 : i32
      %dma_start3A_99 = tpu.memref_slice %arg5[%multiple_of3A_59, %dma_start3A_98] : memref<80000x32xf32, #tpu.memory_space<hbm>> -> memref<1000x32xf32, #tpu.memory_space<hbm>>
      %dma_start3A_100 = arith.constant 0 : i32
      %dma_start3A_101 = tpu.memref_slice %arg5[%multiple_of3A_59, %dma_start3A_100] : memref<80000x32xf32, #tpu.memory_space<hbm>> -> memref<1000x32xf32, #tpu.memory_space<hbm>>
      %dma_start3A_102 = arith.constant 0 : i32
      %dma_start3A_103 = arith.constant 0 : i32
      %dma_start3A_104 = tpu.memref_slice %arg7[%dma_start3A_102, %dma_start3A_103] : memref<1280x32xf32, #tpu.memory_space<vmem>> -> memref<1000x32xf32, #tpu.memory_space<vmem>>
      tpu.enqueue_dma source(%dma_start3A_104 : memref<1000x32xf32, #tpu.memory_space<vmem>>) target(%dma_start3A_101 : memref<1000x32xf32, #tpu.memory_space<hbm>>) target_semaphore(%run_scoped3A : memref<!tpu.dma_semaphore, #tpu.memory_space<semaphore_mem>>)
      %dma_wait3A = arith.constant 0 : i32
      %dma_wait3A_105 = arith.constant 0 : i32
      %dma_wait3A_106 = tpu.memref_slice %arg7[%dma_wait3A, %dma_wait3A_105] : memref<1280x32xf32, #tpu.memory_space<vmem>> -> memref<1000x32xf32, #tpu.memory_space<vmem>>
      %dma_wait3A_107 = arith.constant 0 : i32
      %dma_wait3A_108 = tpu.memref_slice %arg5[%multiple_of3A_59, %dma_wait3A_107] : memref<80000x32xf32, #tpu.memory_space<hbm>> -> memref<1000x32xf32, #tpu.memory_space<hbm>>
      %dma_wait3A_109 = arith.constant 0 : i32
      %dma_wait3A_110 = tpu.memref_slice %arg5[%multiple_of3A_59, %dma_wait3A_109] : memref<80000x32xf32, #tpu.memory_space<hbm>> -> memref<1000x32xf32, #tpu.memory_space<hbm>>
      %dma_wait3A_111 = arith.constant 0 : i32
      %dma_wait3A_112 = arith.constant 0 : i32
      %dma_wait3A_113 = tpu.memref_slice %arg7[%dma_wait3A_111, %dma_wait3A_112] : memref<1280x32xf32, #tpu.memory_space<vmem>> -> memref<1000x32xf32, #tpu.memory_space<vmem>>
      tpu.wait_dma2 semaphore(%run_scoped3A : memref<!tpu.dma_semaphore, #tpu.memory_space<semaphore_mem>>) src(%dma_wait3A_113 : memref<1000x32xf32, #tpu.memory_space<vmem>>) dst(%dma_wait3A_110 : memref<1000x32xf32, #tpu.memory_space<hbm>>)
      tpu.yield
    }) : () -> ()
    %mul3A_60 = arith.constant 5000 : i32
    %mul3A_61 = arith.muli %select_n3A_41, %mul3A_60 : i32
    %add3A_62 = arith.constant 2000 : i32
    %add3A_63 = arith.addi %mul3A_61, %add3A_62 : i32
    %multiple_of3A_64 = tpu.assume_multiple %add3A_63, 8 : i32
    "tpu.region"() ({
      %run_scoped3A = tpu.sem_alloc : memref<!tpu.dma_semaphore, #tpu.memory_space<semaphore_mem>>
      %dma_start3A = arith.constant 0 : i32
      %dma_start3A_96 = arith.constant 0 : i32
      %dma_start3A_97 = tpu.memref_slice %arg7[%dma_start3A, %dma_start3A_96] : memref<1280x32xf32, #tpu.memory_space<vmem>> -> memref<1000x32xf32, #tpu.memory_space<vmem>>
      %dma_start3A_98 = arith.constant 0 : i32
      %dma_start3A_99 = tpu.memref_slice %arg2[%multiple_of3A_64, %dma_start3A_98] : memref<10000x32xf32, #tpu.memory_space<hbm>> -> memref<1000x32xf32, #tpu.memory_space<hbm>>
      %dma_start3A_100 = arith.constant 0 : i32
      %dma_start3A_101 = arith.constant 0 : i32
      %dma_start3A_102 = tpu.memref_slice %arg7[%dma_start3A_100, %dma_start3A_101] : memref<1280x32xf32, #tpu.memory_space<vmem>> -> memref<1000x32xf32, #tpu.memory_space<vmem>>
      %dma_start3A_103 = arith.constant 0 : i32
      %dma_start3A_104 = tpu.memref_slice %arg2[%multiple_of3A_64, %dma_start3A_103] : memref<10000x32xf32, #tpu.memory_space<hbm>> -> memref<1000x32xf32, #tpu.memory_space<hbm>>
      tpu.enqueue_dma source(%dma_start3A_104 : memref<1000x32xf32, #tpu.memory_space<hbm>>) target(%dma_start3A_102 : memref<1000x32xf32, #tpu.memory_space<vmem>>) target_semaphore(%run_scoped3A : memref<!tpu.dma_semaphore, #tpu.memory_space<semaphore_mem>>)
      %dma_wait3A = arith.constant 0 : i32
      %dma_wait3A_105 = arith.constant 0 : i32
      %dma_wait3A_106 = tpu.memref_slice %arg7[%dma_wait3A, %dma_wait3A_105] : memref<1280x32xf32, #tpu.memory_space<vmem>> -> memref<1000x32xf32, #tpu.memory_space<vmem>>
      %dma_wait3A_107 = arith.constant 0 : i32
      %dma_wait3A_108 = tpu.memref_slice %arg2[%multiple_of3A_64, %dma_wait3A_107] : memref<10000x32xf32, #tpu.memory_space<hbm>> -> memref<1000x32xf32, #tpu.memory_space<hbm>>
      %dma_wait3A_109 = arith.constant 0 : i32
      %dma_wait3A_110 = arith.constant 0 : i32
      %dma_wait3A_111 = tpu.memref_slice %arg7[%dma_wait3A_109, %dma_wait3A_110] : memref<1280x32xf32, #tpu.memory_space<vmem>> -> memref<1000x32xf32, #tpu.memory_space<vmem>>
      %dma_wait3A_112 = arith.constant 0 : i32
      %dma_wait3A_113 = tpu.memref_slice %arg2[%multiple_of3A_64, %dma_wait3A_112] : memref<10000x32xf32, #tpu.memory_space<hbm>> -> memref<1000x32xf32, #tpu.memory_space<hbm>>
      tpu.wait_dma2 semaphore(%run_scoped3A : memref<!tpu.dma_semaphore, #tpu.memory_space<semaphore_mem>>) src(%dma_wait3A_113 : memref<1000x32xf32, #tpu.memory_space<hbm>>) dst(%dma_wait3A_111 : memref<1000x32xf32, #tpu.memory_space<vmem>>)
      tpu.yield
    }) : () -> ()
    %mul3A_65 = arith.constant 10000 : i32
    %mul3A_66 = arith.muli %select_n3A_20, %mul3A_65 : i32
    %add3A_67 = arith.addi %mul3A_66, %multiple_of3A_64 : i32
    %multiple_of3A_68 = tpu.assume_multiple %add3A_67, 8 : i32
    "tpu.region"() ({
      %run_scoped3A = tpu.sem_alloc : memref<!tpu.dma_semaphore, #tpu.memory_space<semaphore_mem>>
      %dma_start3A = arith.constant 0 : i32
      %dma_start3A_96 = arith.constant 0 : i32
      %dma_start3A_97 = tpu.memref_slice %arg7[%dma_start3A, %dma_start3A_96] : memref<1280x32xf32, #tpu.memory_space<vmem>> -> memref<1000x32xf32, #tpu.memory_space<vmem>>
      %dma_start3A_98 = arith.constant 0 : i32
      %dma_start3A_99 = tpu.memref_slice %arg5[%multiple_of3A_68, %dma_start3A_98] : memref<80000x32xf32, #tpu.memory_space<hbm>> -> memref<1000x32xf32, #tpu.memory_space<hbm>>
      %dma_start3A_100 = arith.constant 0 : i32
      %dma_start3A_101 = tpu.memref_slice %arg5[%multiple_of3A_68, %dma_start3A_100] : memref<80000x32xf32, #tpu.memory_space<hbm>> -> memref<1000x32xf32, #tpu.memory_space<hbm>>
      %dma_start3A_102 = arith.constant 0 : i32
      %dma_start3A_103 = arith.constant 0 : i32
      %dma_start3A_104 = tpu.memref_slice %arg7[%dma_start3A_102, %dma_start3A_103] : memref<1280x32xf32, #tpu.memory_space<vmem>> -> memref<1000x32xf32, #tpu.memory_space<vmem>>
      tpu.enqueue_dma source(%dma_start3A_104 : memref<1000x32xf32, #tpu.memory_space<vmem>>) target(%dma_start3A_101 : memref<1000x32xf32, #tpu.memory_space<hbm>>) target_semaphore(%run_scoped3A : memref<!tpu.dma_semaphore, #tpu.memory_space<semaphore_mem>>)
      %dma_wait3A = arith.constant 0 : i32
      %dma_wait3A_105 = arith.constant 0 : i32
      %dma_wait3A_106 = tpu.memref_slice %arg7[%dma_wait3A, %dma_wait3A_105] : memref<1280x32xf32, #tpu.memory_space<vmem>> -> memref<1000x32xf32, #tpu.memory_space<vmem>>
      %dma_wait3A_107 = arith.constant 0 : i32
      %dma_wait3A_108 = tpu.memref_slice %arg5[%multiple_of3A_68, %dma_wait3A_107] : memref<80000x32xf32, #tpu.memory_space<hbm>> -> memref<1000x32xf32, #tpu.memory_space<hbm>>
      %dma_wait3A_109 = arith.constant 0 : i32
      %dma_wait3A_110 = tpu.memref_slice %arg5[%multiple_of3A_68, %dma_wait3A_109] : memref<80000x32xf32, #tpu.memory_space<hbm>> -> memref<1000x32xf32, #tpu.memory_space<hbm>>
      %dma_wait3A_111 = arith.constant 0 : i32
      %dma_wait3A_112 = arith.constant 0 : i32
      %dma_wait3A_113 = tpu.memref_slice %arg7[%dma_wait3A_111, %dma_wait3A_112] : memref<1280x32xf32, #tpu.memory_space<vmem>> -> memref<1000x32xf32, #tpu.memory_space<vmem>>
      tpu.wait_dma2 semaphore(%run_scoped3A : memref<!tpu.dma_semaphore, #tpu.memory_space<semaphore_mem>>) src(%dma_wait3A_113 : memref<1000x32xf32, #tpu.memory_space<vmem>>) dst(%dma_wait3A_110 : memref<1000x32xf32, #tpu.memory_space<hbm>>)
      tpu.yield
    }) : () -> ()
    %mul3A_69 = arith.constant 5000 : i32
    %mul3A_70 = arith.muli %select_n3A_41, %mul3A_69 : i32
    %add3A_71 = arith.constant 3000 : i32
    %add3A_72 = arith.addi %mul3A_70, %add3A_71 : i32
    %multiple_of3A_73 = tpu.assume_multiple %add3A_72, 8 : i32
    "tpu.region"() ({
      %run_scoped3A = tpu.sem_alloc : memref<!tpu.dma_semaphore, #tpu.memory_space<semaphore_mem>>
      %dma_start3A = arith.constant 0 : i32
      %dma_start3A_96 = arith.constant 0 : i32
      %dma_start3A_97 = tpu.memref_slice %arg7[%dma_start3A, %dma_start3A_96] : memref<1280x32xf32, #tpu.memory_space<vmem>> -> memref<1000x32xf32, #tpu.memory_space<vmem>>
      %dma_start3A_98 = arith.constant 0 : i32
      %dma_start3A_99 = tpu.memref_slice %arg2[%multiple_of3A_73, %dma_start3A_98] : memref<10000x32xf32, #tpu.memory_space<hbm>> -> memref<1000x32xf32, #tpu.memory_space<hbm>>
      %dma_start3A_100 = arith.constant 0 : i32
      %dma_start3A_101 = arith.constant 0 : i32
      %dma_start3A_102 = tpu.memref_slice %arg7[%dma_start3A_100, %dma_start3A_101] : memref<1280x32xf32, #tpu.memory_space<vmem>> -> memref<1000x32xf32, #tpu.memory_space<vmem>>
      %dma_start3A_103 = arith.constant 0 : i32
      %dma_start3A_104 = tpu.memref_slice %arg2[%multiple_of3A_73, %dma_start3A_103] : memref<10000x32xf32, #tpu.memory_space<hbm>> -> memref<1000x32xf32, #tpu.memory_space<hbm>>
      tpu.enqueue_dma source(%dma_start3A_104 : memref<1000x32xf32, #tpu.memory_space<hbm>>) target(%dma_start3A_102 : memref<1000x32xf32, #tpu.memory_space<vmem>>) target_semaphore(%run_scoped3A : memref<!tpu.dma_semaphore, #tpu.memory_space<semaphore_mem>>)
      %dma_wait3A = arith.constant 0 : i32
      %dma_wait3A_105 = arith.constant 0 : i32
      %dma_wait3A_106 = tpu.memref_slice %arg7[%dma_wait3A, %dma_wait3A_105] : memref<1280x32xf32, #tpu.memory_space<vmem>> -> memref<1000x32xf32, #tpu.memory_space<vmem>>
      %dma_wait3A_107 = arith.constant 0 : i32
      %dma_wait3A_108 = tpu.memref_slice %arg2[%multiple_of3A_73, %dma_wait3A_107] : memref<10000x32xf32, #tpu.memory_space<hbm>> -> memref<1000x32xf32, #tpu.memory_space<hbm>>
      %dma_wait3A_109 = arith.constant 0 : i32
      %dma_wait3A_110 = arith.constant 0 : i32
      %dma_wait3A_111 = tpu.memref_slice %arg7[%dma_wait3A_109, %dma_wait3A_110] : memref<1280x32xf32, #tpu.memory_space<vmem>> -> memref<1000x32xf32, #tpu.memory_space<vmem>>
      %dma_wait3A_112 = arith.constant 0 : i32
      %dma_wait3A_113 = tpu.memref_slice %arg2[%multiple_of3A_73, %dma_wait3A_112] : memref<10000x32xf32, #tpu.memory_space<hbm>> -> memref<1000x32xf32, #tpu.memory_space<hbm>>
      tpu.wait_dma2 semaphore(%run_scoped3A : memref<!tpu.dma_semaphore, #tpu.memory_space<semaphore_mem>>) src(%dma_wait3A_113 : memref<1000x32xf32, #tpu.memory_space<hbm>>) dst(%dma_wait3A_111 : memref<1000x32xf32, #tpu.memory_space<vmem>>)
      tpu.yield
    }) : () -> ()
    %mul3A_74 = arith.constant 10000 : i32
    %mul3A_75 = arith.muli %select_n3A_20, %mul3A_74 : i32
    %add3A_76 = arith.addi %mul3A_75, %multiple_of3A_73 : i32
    %multiple_of3A_77 = tpu.assume_multiple %add3A_76, 8 : i32
    "tpu.region"() ({
      %run_scoped3A = tpu.sem_alloc : memref<!tpu.dma_semaphore, #tpu.memory_space<semaphore_mem>>
      %dma_start3A = arith.constant 0 : i32
      %dma_start3A_96 = arith.constant 0 : i32
      %dma_start3A_97 = tpu.memref_slice %arg7[%dma_start3A, %dma_start3A_96] : memref<1280x32xf32, #tpu.memory_space<vmem>> -> memref<1000x32xf32, #tpu.memory_space<vmem>>
      %dma_start3A_98 = arith.constant 0 : i32
      %dma_start3A_99 = tpu.memref_slice %arg5[%multiple_of3A_77, %dma_start3A_98] : memref<80000x32xf32, #tpu.memory_space<hbm>> -> memref<1000x32xf32, #tpu.memory_space<hbm>>
      %dma_start3A_100 = arith.constant 0 : i32
      %dma_start3A_101 = tpu.memref_slice %arg5[%multiple_of3A_77, %dma_start3A_100] : memref<80000x32xf32, #tpu.memory_space<hbm>> -> memref<1000x32xf32, #tpu.memory_space<hbm>>
      %dma_start3A_102 = arith.constant 0 : i32
      %dma_start3A_103 = arith.constant 0 : i32
      %dma_start3A_104 = tpu.memref_slice %arg7[%dma_start3A_102, %dma_start3A_103] : memref<1280x32xf32, #tpu.memory_space<vmem>> -> memref<1000x32xf32, #tpu.memory_space<vmem>>
      tpu.enqueue_dma source(%dma_start3A_104 : memref<1000x32xf32, #tpu.memory_space<vmem>>) target(%dma_start3A_101 : memref<1000x32xf32, #tpu.memory_space<hbm>>) target_semaphore(%run_scoped3A : memref<!tpu.dma_semaphore, #tpu.memory_space<semaphore_mem>>)
      %dma_wait3A = arith.constant 0 : i32
      %dma_wait3A_105 = arith.constant 0 : i32
      %dma_wait3A_106 = tpu.memref_slice %arg7[%dma_wait3A, %dma_wait3A_105] : memref<1280x32xf32, #tpu.memory_space<vmem>> -> memref<1000x32xf32, #tpu.memory_space<vmem>>
      %dma_wait3A_107 = arith.constant 0 : i32
      %dma_wait3A_108 = tpu.memref_slice %arg5[%multiple_of3A_77, %dma_wait3A_107] : memref<80000x32xf32, #tpu.memory_space<hbm>> -> memref<1000x32xf32, #tpu.memory_space<hbm>>
      %dma_wait3A_109 = arith.constant 0 : i32
      %dma_wait3A_110 = tpu.memref_slice %arg5[%multiple_of3A_77, %dma_wait3A_109] : memref<80000x32xf32, #tpu.memory_space<hbm>> -> memref<1000x32xf32, #tpu.memory_space<hbm>>
      %dma_wait3A_111 = arith.constant 0 : i32
      %dma_wait3A_112 = arith.constant 0 : i32
      %dma_wait3A_113 = tpu.memref_slice %arg7[%dma_wait3A_111, %dma_wait3A_112] : memref<1280x32xf32, #tpu.memory_space<vmem>> -> memref<1000x32xf32, #tpu.memory_space<vmem>>
      tpu.wait_dma2 semaphore(%run_scoped3A : memref<!tpu.dma_semaphore, #tpu.memory_space<semaphore_mem>>) src(%dma_wait3A_113 : memref<1000x32xf32, #tpu.memory_space<vmem>>) dst(%dma_wait3A_110 : memref<1000x32xf32, #tpu.memory_space<hbm>>)
      tpu.yield
    }) : () -> ()
    %mul3A_78 = arith.constant 5000 : i32
    %mul3A_79 = arith.muli %select_n3A_41, %mul3A_78 : i32
    %add3A_80 = arith.constant 4000 : i32
    %add3A_81 = arith.addi %mul3A_79, %add3A_80 : i32
    %multiple_of3A_82 = tpu.assume_multiple %add3A_81, 8 : i32
    "tpu.region"() ({
      %run_scoped3A = tpu.sem_alloc : memref<!tpu.dma_semaphore, #tpu.memory_space<semaphore_mem>>
      %dma_start3A = arith.constant 0 : i32
      %dma_start3A_96 = arith.constant 0 : i32
      %dma_start3A_97 = tpu.memref_slice %arg7[%dma_start3A, %dma_start3A_96] : memref<1280x32xf32, #tpu.memory_space<vmem>> -> memref<1000x32xf32, #tpu.memory_space<vmem>>
      %dma_start3A_98 = arith.constant 0 : i32
      %dma_start3A_99 = tpu.memref_slice %arg2[%multiple_of3A_82, %dma_start3A_98] : memref<10000x32xf32, #tpu.memory_space<hbm>> -> memref<1000x32xf32, #tpu.memory_space<hbm>>
      %dma_start3A_100 = arith.constant 0 : i32
      %dma_start3A_101 = arith.constant 0 : i32
      %dma_start3A_102 = tpu.memref_slice %arg7[%dma_start3A_100, %dma_start3A_101] : memref<1280x32xf32, #tpu.memory_space<vmem>> -> memref<1000x32xf32, #tpu.memory_space<vmem>>
      %dma_start3A_103 = arith.constant 0 : i32
      %dma_start3A_104 = tpu.memref_slice %arg2[%multiple_of3A_82, %dma_start3A_103] : memref<10000x32xf32, #tpu.memory_space<hbm>> -> memref<1000x32xf32, #tpu.memory_space<hbm>>
      tpu.enqueue_dma source(%dma_start3A_104 : memref<1000x32xf32, #tpu.memory_space<hbm>>) target(%dma_start3A_102 : memref<1000x32xf32, #tpu.memory_space<vmem>>) target_semaphore(%run_scoped3A : memref<!tpu.dma_semaphore, #tpu.memory_space<semaphore_mem>>)
      %dma_wait3A = arith.constant 0 : i32
      %dma_wait3A_105 = arith.constant 0 : i32
      %dma_wait3A_106 = tpu.memref_slice %arg7[%dma_wait3A, %dma_wait3A_105] : memref<1280x32xf32, #tpu.memory_space<vmem>> -> memref<1000x32xf32, #tpu.memory_space<vmem>>
      %dma_wait3A_107 = arith.constant 0 : i32
      %dma_wait3A_108 = tpu.memref_slice %arg2[%multiple_of3A_82, %dma_wait3A_107] : memref<10000x32xf32, #tpu.memory_space<hbm>> -> memref<1000x32xf32, #tpu.memory_space<hbm>>
      %dma_wait3A_109 = arith.constant 0 : i32
      %dma_wait3A_110 = arith.constant 0 : i32
      %dma_wait3A_111 = tpu.memref_slice %arg7[%dma_wait3A_109, %dma_wait3A_110] : memref<1280x32xf32, #tpu.memory_space<vmem>> -> memref<1000x32xf32, #tpu.memory_space<vmem>>
      %dma_wait3A_112 = arith.constant 0 : i32
      %dma_wait3A_113 = tpu.memref_slice %arg2[%multiple_of3A_82, %dma_wait3A_112] : memref<10000x32xf32, #tpu.memory_space<hbm>> -> memref<1000x32xf32, #tpu.memory_space<hbm>>
      tpu.wait_dma2 semaphore(%run_scoped3A : memref<!tpu.dma_semaphore, #tpu.memory_space<semaphore_mem>>) src(%dma_wait3A_113 : memref<1000x32xf32, #tpu.memory_space<hbm>>) dst(%dma_wait3A_111 : memref<1000x32xf32, #tpu.memory_space<vmem>>)
      tpu.yield
    }) : () -> ()
    %mul3A_83 = arith.constant 10000 : i32
    %mul3A_84 = arith.muli %select_n3A_20, %mul3A_83 : i32
    %add3A_85 = arith.addi %mul3A_84, %multiple_of3A_82 : i32
    %multiple_of3A_86 = tpu.assume_multiple %add3A_85, 8 : i32
    "tpu.region"() ({
      %run_scoped3A = tpu.sem_alloc : memref<!tpu.dma_semaphore, #tpu.memory_space<semaphore_mem>>
      %dma_start3A = arith.constant 0 : i32
      %dma_start3A_96 = arith.constant 0 : i32
      %dma_start3A_97 = tpu.memref_slice %arg7[%dma_start3A, %dma_start3A_96] : memref<1280x32xf32, #tpu.memory_space<vmem>> -> memref<1000x32xf32, #tpu.memory_space<vmem>>
      %dma_start3A_98 = arith.constant 0 : i32
      %dma_start3A_99 = tpu.memref_slice %arg5[%multiple_of3A_86, %dma_start3A_98] : memref<80000x32xf32, #tpu.memory_space<hbm>> -> memref<1000x32xf32, #tpu.memory_space<hbm>>
      %dma_start3A_100 = arith.constant 0 : i32
      %dma_start3A_101 = tpu.memref_slice %arg5[%multiple_of3A_86, %dma_start3A_100] : memref<80000x32xf32, #tpu.memory_space<hbm>> -> memref<1000x32xf32, #tpu.memory_space<hbm>>
      %dma_start3A_102 = arith.constant 0 : i32
      %dma_start3A_103 = arith.constant 0 : i32
      %dma_start3A_104 = tpu.memref_slice %arg7[%dma_start3A_102, %dma_start3A_103] : memref<1280x32xf32, #tpu.memory_space<vmem>> -> memref<1000x32xf32, #tpu.memory_space<vmem>>
      tpu.enqueue_dma source(%dma_start3A_104 : memref<1000x32xf32, #tpu.memory_space<vmem>>) target(%dma_start3A_101 : memref<1000x32xf32, #tpu.memory_space<hbm>>) target_semaphore(%run_scoped3A : memref<!tpu.dma_semaphore, #tpu.memory_space<semaphore_mem>>)
      %dma_wait3A = arith.constant 0 : i32
      %dma_wait3A_105 = arith.constant 0 : i32
      %dma_wait3A_106 = tpu.memref_slice %arg7[%dma_wait3A, %dma_wait3A_105] : memref<1280x32xf32, #tpu.memory_space<vmem>> -> memref<1000x32xf32, #tpu.memory_space<vmem>>
      %dma_wait3A_107 = arith.constant 0 : i32
      %dma_wait3A_108 = tpu.memref_slice %arg5[%multiple_of3A_86, %dma_wait3A_107] : memref<80000x32xf32, #tpu.memory_space<hbm>> -> memref<1000x32xf32, #tpu.memory_space<hbm>>
      %dma_wait3A_109 = arith.constant 0 : i32
      %dma_wait3A_110 = tpu.memref_slice %arg5[%multiple_of3A_86, %dma_wait3A_109] : memref<80000x32xf32, #tpu.memory_space<hbm>> -> memref<1000x32xf32, #tpu.memory_space<hbm>>
      %dma_wait3A_111 = arith.constant 0 : i32
      %dma_wait3A_112 = arith.constant 0 : i32
      %dma_wait3A_113 = tpu.memref_slice %arg7[%dma_wait3A_111, %dma_wait3A_112] : memref<1280x32xf32, #tpu.memory_space<vmem>> -> memref<1000x32xf32, #tpu.memory_space<vmem>>
      tpu.wait_dma2 semaphore(%run_scoped3A : memref<!tpu.dma_semaphore, #tpu.memory_space<semaphore_mem>>) src(%dma_wait3A_113 : memref<1000x32xf32, #tpu.memory_space<vmem>>) dst(%dma_wait3A_110 : memref<1000x32xf32, #tpu.memory_space<hbm>>)
      tpu.yield
    }) : () -> ()
    %barrier3A = arith.constant 0 : index
    tpu.barrier barrier_id(%barrier3A)
    %while3A = arith.constant 0 : i32
    %while3A_87 = arith.constant 0 : i32
    %while3A_88 = arith.subi %select_n3A_8, %while3A_87 : i32
    %while3A_89 = arith.addi %while3A_87, %while3A_88 : i32
    %while3A_90 = arith.constant 1 : i32
    %while3A_91 = arith.divsi %while3A_88, %while3A_90 : i32
    %while3A_92 = arith.muli %while3A_91, %while3A_90 : i32
    %while3A_93 = arith.addi %while3A_87, %while3A_92 : i32
    %while3A_94 = arith.constant 1 : i32
    scf.for %while3A_96 = %while3A_87 to %while3A_93 step %while3A_94  : i32 {
      %mul3A_97 = arith.constant 10 : i32
      %mul3A_98 = arith.muli %while3A_96, %mul3A_97 : i32
      %add3A_99 = arith.constant 0 : i32
      %add3A_100 = arith.addi %mul3A_98, %add3A_99 : i32
      %dma_start3A = arith.constant 0 : i32
      %dma_start3A_101 = arith.constant 0 : i32
      %dma_start3A_102 = tpu.memref_slice %arg7[%dma_start3A, %dma_start3A_101] : memref<1280x32xf32, #tpu.memory_space<vmem>> -> memref<128x32xf32, #tpu.memory_space<vmem>>
      %dma_start3A_103 = arith.constant 0 : i32
      %dma_start3A_104 = tpu.memref_slice %arg6[%add3A_100, %dma_start3A_103] : memref<60x128xi32, #tpu.memory_space<vmem>> -> memref<1x128xi32, #tpu.memory_space<vmem>>
      %dma_start3A_105 = tpu.memref_squeeze %dma_start3A_104 : memref<1x128xi32, #tpu.memory_space<vmem>> -> memref<128xi32, #tpu.memory_space<vmem>>
      %dma_start3A_106 = arith.constant 0 : i32
      %dma_start3A_107 = arith.constant 0 : i32
      %dma_start3A_108 = tpu.memref_slice %arg5[%dma_start3A_106, %dma_start3A_107] : memref<80000x32xf32, #tpu.memory_space<hbm>> -> memref<80000x32xf32, #tpu.memory_space<hbm>>
      tpu.enqueue_indirect_dma source(%dma_start3A_108 : memref<80000x32xf32, #tpu.memory_space<hbm>>) target(%dma_start3A_102 : memref<128x32xf32, #tpu.memory_space<vmem>>) offsets(%dma_start3A_105 : memref<128xi32, #tpu.memory_space<vmem>>) semaphore(%arg8 : memref<!tpu.dma_semaphore, #tpu.memory_space<semaphore_mem>>)
      %mul3A_109 = arith.constant 10 : i32
      %mul3A_110 = arith.muli %while3A_96, %mul3A_109 : i32
      %add3A_111 = arith.constant 1 : i32
      %add3A_112 = arith.addi %mul3A_110, %add3A_111 : i32
      %dma_start3A_113 = arith.constant 128 : i32
      %dma_start3A_114 = arith.constant 0 : i32
      %dma_start3A_115 = tpu.memref_slice %arg7[%dma_start3A_113, %dma_start3A_114] : memref<1280x32xf32, #tpu.memory_space<vmem>> -> memref<128x32xf32, #tpu.memory_space<vmem>>
      %dma_start3A_116 = arith.constant 0 : i32
      %dma_start3A_117 = tpu.memref_slice %arg6[%add3A_112, %dma_start3A_116] : memref<60x128xi32, #tpu.memory_space<vmem>> -> memref<1x128xi32, #tpu.memory_space<vmem>>
      %dma_start3A_118 = tpu.memref_squeeze %dma_start3A_117 : memref<1x128xi32, #tpu.memory_space<vmem>> -> memref<128xi32, #tpu.memory_space<vmem>>
      %dma_start3A_119 = arith.constant 0 : i32
      %dma_start3A_120 = arith.constant 0 : i32
      %dma_start3A_121 = tpu.memref_slice %arg5[%dma_start3A_119, %dma_start3A_120] : memref<80000x32xf32, #tpu.memory_space<hbm>> -> memref<80000x32xf32, #tpu.memory_space<hbm>>
      tpu.enqueue_indirect_dma source(%dma_start3A_121 : memref<80000x32xf32, #tpu.memory_space<hbm>>) target(%dma_start3A_115 : memref<128x32xf32, #tpu.memory_space<vmem>>) offsets(%dma_start3A_118 : memref<128xi32, #tpu.memory_space<vmem>>) semaphore(%arg8 : memref<!tpu.dma_semaphore, #tpu.memory_space<semaphore_mem>>)
      %mul3A_122 = arith.constant 10 : i32
      %mul3A_123 = arith.muli %while3A_96, %mul3A_122 : i32
      %add3A_124 = arith.constant 2 : i32
      %add3A_125 = arith.addi %mul3A_123, %add3A_124 : i32
      %dma_start3A_126 = arith.constant 256 : i32
      %dma_start3A_127 = arith.constant 0 : i32
      %dma_start3A_128 = tpu.memref_slice %arg7[%dma_start3A_126, %dma_start3A_127] : memref<1280x32xf32, #tpu.memory_space<vmem>> -> memref<128x32xf32, #tpu.memory_space<vmem>>
      %dma_start3A_129 = arith.constant 0 : i32
      %dma_start3A_130 = tpu.memref_slice %arg6[%add3A_125, %dma_start3A_129] : memref<60x128xi32, #tpu.memory_space<vmem>> -> memref<1x128xi32, #tpu.memory_space<vmem>>
      %dma_start3A_131 = tpu.memref_squeeze %dma_start3A_130 : memref<1x128xi32, #tpu.memory_space<vmem>> -> memref<128xi32, #tpu.memory_space<vmem>>
      %dma_start3A_132 = arith.constant 0 : i32
      %dma_start3A_133 = arith.constant 0 : i32
      %dma_start3A_134 = tpu.memref_slice %arg5[%dma_start3A_132, %dma_start3A_133] : memref<80000x32xf32, #tpu.memory_space<hbm>> -> memref<80000x32xf32, #tpu.memory_space<hbm>>
      tpu.enqueue_indirect_dma source(%dma_start3A_134 : memref<80000x32xf32, #tpu.memory_space<hbm>>) target(%dma_start3A_128 : memref<128x32xf32, #tpu.memory_space<vmem>>) offsets(%dma_start3A_131 : memref<128xi32, #tpu.memory_space<vmem>>) semaphore(%arg8 : memref<!tpu.dma_semaphore, #tpu.memory_space<semaphore_mem>>)
      %mul3A_135 = arith.constant 10 : i32
      %mul3A_136 = arith.muli %while3A_96, %mul3A_135 : i32
      %add3A_137 = arith.constant 3 : i32
      %add3A_138 = arith.addi %mul3A_136, %add3A_137 : i32
      %dma_start3A_139 = arith.constant 384 : i32
      %dma_start3A_140 = arith.constant 0 : i32
      %dma_start3A_141 = tpu.memref_slice %arg7[%dma_start3A_139, %dma_start3A_140] : memref<1280x32xf32, #tpu.memory_space<vmem>> -> memref<128x32xf32, #tpu.memory_space<vmem>>
      %dma_start3A_142 = arith.constant 0 : i32
      %dma_start3A_143 = tpu.memref_slice %arg6[%add3A_138, %dma_start3A_142] : memref<60x128xi32, #tpu.memory_space<vmem>> -> memref<1x128xi32, #tpu.memory_space<vmem>>
      %dma_start3A_144 = tpu.memref_squeeze %dma_start3A_143 : memref<1x128xi32, #tpu.memory_space<vmem>> -> memref<128xi32, #tpu.memory_space<vmem>>
      %dma_start3A_145 = arith.constant 0 : i32
      %dma_start3A_146 = arith.constant 0 : i32
      %dma_start3A_147 = tpu.memref_slice %arg5[%dma_start3A_145, %dma_start3A_146] : memref<80000x32xf32, #tpu.memory_space<hbm>> -> memref<80000x32xf32, #tpu.memory_space<hbm>>
      tpu.enqueue_indirect_dma source(%dma_start3A_147 : memref<80000x32xf32, #tpu.memory_space<hbm>>) target(%dma_start3A_141 : memref<128x32xf32, #tpu.memory_space<vmem>>) offsets(%dma_start3A_144 : memref<128xi32, #tpu.memory_space<vmem>>) semaphore(%arg8 : memref<!tpu.dma_semaphore, #tpu.memory_space<semaphore_mem>>)
      %mul3A_148 = arith.constant 10 : i32
      %mul3A_149 = arith.muli %while3A_96, %mul3A_148 : i32
      %add3A_150 = arith.constant 4 : i32
      %add3A_151 = arith.addi %mul3A_149, %add3A_150 : i32
      %dma_start3A_152 = arith.constant 512 : i32
      %dma_start3A_153 = arith.constant 0 : i32
      %dma_start3A_154 = tpu.memref_slice %arg7[%dma_start3A_152, %dma_start3A_153] : memref<1280x32xf32, #tpu.memory_space<vmem>> -> memref<128x32xf32, #tpu.memory_space<vmem>>
      %dma_start3A_155 = arith.constant 0 : i32
      %dma_start3A_156 = tpu.memref_slice %arg6[%add3A_151, %dma_start3A_155] : memref<60x128xi32, #tpu.memory_space<vmem>> -> memref<1x128xi32, #tpu.memory_space<vmem>>
      %dma_start3A_157 = tpu.memref_squeeze %dma_start3A_156 : memref<1x128xi32, #tpu.memory_space<vmem>> -> memref<128xi32, #tpu.memory_space<vmem>>
      %dma_start3A_158 = arith.constant 0 : i32
      %dma_start3A_159 = arith.constant 0 : i32
      %dma_start3A_160 = tpu.memref_slice %arg5[%dma_start3A_158, %dma_start3A_159] : memref<80000x32xf32, #tpu.memory_space<hbm>> -> memref<80000x32xf32, #tpu.memory_space<hbm>>
      tpu.enqueue_indirect_dma source(%dma_start3A_160 : memref<80000x32xf32, #tpu.memory_space<hbm>>) target(%dma_start3A_154 : memref<128x32xf32, #tpu.memory_space<vmem>>) offsets(%dma_start3A_157 : memref<128xi32, #tpu.memory_space<vmem>>) semaphore(%arg8 : memref<!tpu.dma_semaphore, #tpu.memory_space<semaphore_mem>>)
      %mul3A_161 = arith.constant 10 : i32
      %mul3A_162 = arith.muli %while3A_96, %mul3A_161 : i32
      %add3A_163 = arith.constant 5 : i32
      %add3A_164 = arith.addi %mul3A_162, %add3A_163 : i32
      %dma_start3A_165 = arith.constant 640 : i32
      %dma_start3A_166 = arith.constant 0 : i32
      %dma_start3A_167 = tpu.memref_slice %arg7[%dma_start3A_165, %dma_start3A_166] : memref<1280x32xf32, #tpu.memory_space<vmem>> -> memref<128x32xf32, #tpu.memory_space<vmem>>
      %dma_start3A_168 = arith.constant 0 : i32
      %dma_start3A_169 = tpu.memref_slice %arg6[%add3A_164, %dma_start3A_168] : memref<60x128xi32, #tpu.memory_space<vmem>> -> memref<1x128xi32, #tpu.memory_space<vmem>>
      %dma_start3A_170 = tpu.memref_squeeze %dma_start3A_169 : memref<1x128xi32, #tpu.memory_space<vmem>> -> memref<128xi32, #tpu.memory_space<vmem>>
      %dma_start3A_171 = arith.constant 0 : i32
      %dma_start3A_172 = arith.constant 0 : i32
      %dma_start3A_173 = tpu.memref_slice %arg5[%dma_start3A_171, %dma_start3A_172] : memref<80000x32xf32, #tpu.memory_space<hbm>> -> memref<80000x32xf32, #tpu.memory_space<hbm>>
      tpu.enqueue_indirect_dma source(%dma_start3A_173 : memref<80000x32xf32, #tpu.memory_space<hbm>>) target(%dma_start3A_167 : memref<128x32xf32, #tpu.memory_space<vmem>>) offsets(%dma_start3A_170 : memref<128xi32, #tpu.memory_space<vmem>>) semaphore(%arg8 : memref<!tpu.dma_semaphore, #tpu.memory_space<semaphore_mem>>)
      %mul3A_174 = arith.constant 10 : i32
      %mul3A_175 = arith.muli %while3A_96, %mul3A_174 : i32
      %add3A_176 = arith.constant 6 : i32
      %add3A_177 = arith.addi %mul3A_175, %add3A_176 : i32
      %dma_start3A_178 = arith.constant 768 : i32
      %dma_start3A_179 = arith.constant 0 : i32
      %dma_start3A_180 = tpu.memref_slice %arg7[%dma_start3A_178, %dma_start3A_179] : memref<1280x32xf32, #tpu.memory_space<vmem>> -> memref<128x32xf32, #tpu.memory_space<vmem>>
      %dma_start3A_181 = arith.constant 0 : i32
      %dma_start3A_182 = tpu.memref_slice %arg6[%add3A_177, %dma_start3A_181] : memref<60x128xi32, #tpu.memory_space<vmem>> -> memref<1x128xi32, #tpu.memory_space<vmem>>
      %dma_start3A_183 = tpu.memref_squeeze %dma_start3A_182 : memref<1x128xi32, #tpu.memory_space<vmem>> -> memref<128xi32, #tpu.memory_space<vmem>>
      %dma_start3A_184 = arith.constant 0 : i32
      %dma_start3A_185 = arith.constant 0 : i32
      %dma_start3A_186 = tpu.memref_slice %arg5[%dma_start3A_184, %dma_start3A_185] : memref<80000x32xf32, #tpu.memory_space<hbm>> -> memref<80000x32xf32, #tpu.memory_space<hbm>>
      tpu.enqueue_indirect_dma source(%dma_start3A_186 : memref<80000x32xf32, #tpu.memory_space<hbm>>) target(%dma_start3A_180 : memref<128x32xf32, #tpu.memory_space<vmem>>) offsets(%dma_start3A_183 : memref<128xi32, #tpu.memory_space<vmem>>) semaphore(%arg8 : memref<!tpu.dma_semaphore, #tpu.memory_space<semaphore_mem>>)
      %mul3A_187 = arith.constant 10 : i32
      %mul3A_188 = arith.muli %while3A_96, %mul3A_187 : i32
      %add3A_189 = arith.constant 7 : i32
      %add3A_190 = arith.addi %mul3A_188, %add3A_189 : i32
      %dma_start3A_191 = arith.constant 896 : i32
      %dma_start3A_192 = arith.constant 0 : i32
      %dma_start3A_193 = tpu.memref_slice %arg7[%dma_start3A_191, %dma_start3A_192] : memref<1280x32xf32, #tpu.memory_space<vmem>> -> memref<128x32xf32, #tpu.memory_space<vmem>>
      %dma_start3A_194 = arith.constant 0 : i32
      %dma_start3A_195 = tpu.memref_slice %arg6[%add3A_190, %dma_start3A_194] : memref<60x128xi32, #tpu.memory_space<vmem>> -> memref<1x128xi32, #tpu.memory_space<vmem>>
      %dma_start3A_196 = tpu.memref_squeeze %dma_start3A_195 : memref<1x128xi32, #tpu.memory_space<vmem>> -> memref<128xi32, #tpu.memory_space<vmem>>
      %dma_start3A_197 = arith.constant 0 : i32
      %dma_start3A_198 = arith.constant 0 : i32
      %dma_start3A_199 = tpu.memref_slice %arg5[%dma_start3A_197, %dma_start3A_198] : memref<80000x32xf32, #tpu.memory_space<hbm>> -> memref<80000x32xf32, #tpu.memory_space<hbm>>
      tpu.enqueue_indirect_dma source(%dma_start3A_199 : memref<80000x32xf32, #tpu.memory_space<hbm>>) target(%dma_start3A_193 : memref<128x32xf32, #tpu.memory_space<vmem>>) offsets(%dma_start3A_196 : memref<128xi32, #tpu.memory_space<vmem>>) semaphore(%arg8 : memref<!tpu.dma_semaphore, #tpu.memory_space<semaphore_mem>>)
      %mul3A_200 = arith.constant 10 : i32
      %mul3A_201 = arith.muli %while3A_96, %mul3A_200 : i32
      %add3A_202 = arith.constant 8 : i32
      %add3A_203 = arith.addi %mul3A_201, %add3A_202 : i32
      %dma_start3A_204 = arith.constant 1024 : i32
      %dma_start3A_205 = arith.constant 0 : i32
      %dma_start3A_206 = tpu.memref_slice %arg7[%dma_start3A_204, %dma_start3A_205] : memref<1280x32xf32, #tpu.memory_space<vmem>> -> memref<128x32xf32, #tpu.memory_space<vmem>>
      %dma_start3A_207 = arith.constant 0 : i32
      %dma_start3A_208 = tpu.memref_slice %arg6[%add3A_203, %dma_start3A_207] : memref<60x128xi32, #tpu.memory_space<vmem>> -> memref<1x128xi32, #tpu.memory_space<vmem>>
      %dma_start3A_209 = tpu.memref_squeeze %dma_start3A_208 : memref<1x128xi32, #tpu.memory_space<vmem>> -> memref<128xi32, #tpu.memory_space<vmem>>
      %dma_start3A_210 = arith.constant 0 : i32
      %dma_start3A_211 = arith.constant 0 : i32
      %dma_start3A_212 = tpu.memref_slice %arg5[%dma_start3A_210, %dma_start3A_211] : memref<80000x32xf32, #tpu.memory_space<hbm>> -> memref<80000x32xf32, #tpu.memory_space<hbm>>
      tpu.enqueue_indirect_dma source(%dma_start3A_212 : memref<80000x32xf32, #tpu.memory_space<hbm>>) target(%dma_start3A_206 : memref<128x32xf32, #tpu.memory_space<vmem>>) offsets(%dma_start3A_209 : memref<128xi32, #tpu.memory_space<vmem>>) semaphore(%arg8 : memref<!tpu.dma_semaphore, #tpu.memory_space<semaphore_mem>>)
      %mul3A_213 = arith.constant 10 : i32
      %mul3A_214 = arith.muli %while3A_96, %mul3A_213 : i32
      %add3A_215 = arith.constant 9 : i32
      %add3A_216 = arith.addi %mul3A_214, %add3A_215 : i32
      %dma_start3A_217 = arith.constant 1152 : i32
      %dma_start3A_218 = arith.constant 0 : i32
      %dma_start3A_219 = tpu.memref_slice %arg7[%dma_start3A_217, %dma_start3A_218] : memref<1280x32xf32, #tpu.memory_space<vmem>> -> memref<128x32xf32, #tpu.memory_space<vmem>>
      %dma_start3A_220 = arith.constant 0 : i32
      %dma_start3A_221 = tpu.memref_slice %arg6[%add3A_216, %dma_start3A_220] : memref<60x128xi32, #tpu.memory_space<vmem>> -> memref<1x128xi32, #tpu.memory_space<vmem>>
      %dma_start3A_222 = tpu.memref_squeeze %dma_start3A_221 : memref<1x128xi32, #tpu.memory_space<vmem>> -> memref<128xi32, #tpu.memory_space<vmem>>
      %dma_start3A_223 = arith.constant 0 : i32
      %dma_start3A_224 = arith.constant 0 : i32
      %dma_start3A_225 = tpu.memref_slice %arg5[%dma_start3A_223, %dma_start3A_224] : memref<80000x32xf32, #tpu.memory_space<hbm>> -> memref<80000x32xf32, #tpu.memory_space<hbm>>
      tpu.enqueue_indirect_dma source(%dma_start3A_225 : memref<80000x32xf32, #tpu.memory_space<hbm>>) target(%dma_start3A_219 : memref<128x32xf32, #tpu.memory_space<vmem>>) offsets(%dma_start3A_222 : memref<128xi32, #tpu.memory_space<vmem>>) semaphore(%arg8 : memref<!tpu.dma_semaphore, #tpu.memory_space<semaphore_mem>>)
      %dma_wait3A = arith.constant 0 : i32
      %dma_wait3A_226 = arith.constant 0 : i32
      %dma_wait3A_227 = tpu.memref_slice %arg7[%dma_wait3A, %dma_wait3A_226] : memref<1280x32xf32, #tpu.memory_space<vmem>> -> memref<128x32xf32, #tpu.memory_space<vmem>>
      %dma_wait3A_228 = arith.constant 0 : i32
      %dma_wait3A_229 = tpu.memref_slice %arg6[%add3A_100, %dma_wait3A_228] : memref<60x128xi32, #tpu.memory_space<vmem>> -> memref<1x128xi32, #tpu.memory_space<vmem>>
      %dma_wait3A_230 = tpu.memref_squeeze %dma_wait3A_229 : memref<1x128xi32, #tpu.memory_space<vmem>> -> memref<128xi32, #tpu.memory_space<vmem>>
      %dma_wait3A_231 = arith.constant 0 : i32
      %dma_wait3A_232 = arith.constant 0 : i32
      %dma_wait3A_233 = tpu.memref_slice %arg5[%dma_wait3A_231, %dma_wait3A_232] : memref<80000x32xf32, #tpu.memory_space<hbm>> -> memref<80000x32xf32, #tpu.memory_space<hbm>>
      tpu.wait_indirect_dma semaphore(%arg8 : memref<!tpu.dma_semaphore, #tpu.memory_space<semaphore_mem>>) src(%dma_wait3A_233 : memref<80000x32xf32, #tpu.memory_space<hbm>>) dst(%dma_wait3A_227 : memref<128x32xf32, #tpu.memory_space<vmem>>)
      %dma_wait3A_234 = arith.constant 128 : i32
      %dma_wait3A_235 = arith.constant 0 : i32
      %dma_wait3A_236 = tpu.memref_slice %arg7[%dma_wait3A_234, %dma_wait3A_235] : memref<1280x32xf32, #tpu.memory_space<vmem>> -> memref<128x32xf32, #tpu.memory_space<vmem>>
      %dma_wait3A_237 = arith.constant 0 : i32
      %dma_wait3A_238 = tpu.memref_slice %arg6[%add3A_112, %dma_wait3A_237] : memref<60x128xi32, #tpu.memory_space<vmem>> -> memref<1x128xi32, #tpu.memory_space<vmem>>
      %dma_wait3A_239 = tpu.memref_squeeze %dma_wait3A_238 : memref<1x128xi32, #tpu.memory_space<vmem>> -> memref<128xi32, #tpu.memory_space<vmem>>
      %dma_wait3A_240 = arith.constant 0 : i32
      %dma_wait3A_241 = arith.constant 0 : i32
      %dma_wait3A_242 = tpu.memref_slice %arg5[%dma_wait3A_240, %dma_wait3A_241] : memref<80000x32xf32, #tpu.memory_space<hbm>> -> memref<80000x32xf32, #tpu.memory_space<hbm>>
      tpu.wait_indirect_dma semaphore(%arg8 : memref<!tpu.dma_semaphore, #tpu.memory_space<semaphore_mem>>) src(%dma_wait3A_242 : memref<80000x32xf32, #tpu.memory_space<hbm>>) dst(%dma_wait3A_236 : memref<128x32xf32, #tpu.memory_space<vmem>>)
      %dma_wait3A_243 = arith.constant 256 : i32
      %dma_wait3A_244 = arith.constant 0 : i32
      %dma_wait3A_245 = tpu.memref_slice %arg7[%dma_wait3A_243, %dma_wait3A_244] : memref<1280x32xf32, #tpu.memory_space<vmem>> -> memref<128x32xf32, #tpu.memory_space<vmem>>
      %dma_wait3A_246 = arith.constant 0 : i32
      %dma_wait3A_247 = tpu.memref_slice %arg6[%add3A_125, %dma_wait3A_246] : memref<60x128xi32, #tpu.memory_space<vmem>> -> memref<1x128xi32, #tpu.memory_space<vmem>>
      %dma_wait3A_248 = tpu.memref_squeeze %dma_wait3A_247 : memref<1x128xi32, #tpu.memory_space<vmem>> -> memref<128xi32, #tpu.memory_space<vmem>>
      %dma_wait3A_249 = arith.constant 0 : i32
      %dma_wait3A_250 = arith.constant 0 : i32
      %dma_wait3A_251 = tpu.memref_slice %arg5[%dma_wait3A_249, %dma_wait3A_250] : memref<80000x32xf32, #tpu.memory_space<hbm>> -> memref<80000x32xf32, #tpu.memory_space<hbm>>
      tpu.wait_indirect_dma semaphore(%arg8 : memref<!tpu.dma_semaphore, #tpu.memory_space<semaphore_mem>>) src(%dma_wait3A_251 : memref<80000x32xf32, #tpu.memory_space<hbm>>) dst(%dma_wait3A_245 : memref<128x32xf32, #tpu.memory_space<vmem>>)
      %dma_wait3A_252 = arith.constant 384 : i32
      %dma_wait3A_253 = arith.constant 0 : i32
      %dma_wait3A_254 = tpu.memref_slice %arg7[%dma_wait3A_252, %dma_wait3A_253] : memref<1280x32xf32, #tpu.memory_space<vmem>> -> memref<128x32xf32, #tpu.memory_space<vmem>>
      %dma_wait3A_255 = arith.constant 0 : i32
      %dma_wait3A_256 = tpu.memref_slice %arg6[%add3A_138, %dma_wait3A_255] : memref<60x128xi32, #tpu.memory_space<vmem>> -> memref<1x128xi32, #tpu.memory_space<vmem>>
      %dma_wait3A_257 = tpu.memref_squeeze %dma_wait3A_256 : memref<1x128xi32, #tpu.memory_space<vmem>> -> memref<128xi32, #tpu.memory_space<vmem>>
      %dma_wait3A_258 = arith.constant 0 : i32
      %dma_wait3A_259 = arith.constant 0 : i32
      %dma_wait3A_260 = tpu.memref_slice %arg5[%dma_wait3A_258, %dma_wait3A_259] : memref<80000x32xf32, #tpu.memory_space<hbm>> -> memref<80000x32xf32, #tpu.memory_space<hbm>>
      tpu.wait_indirect_dma semaphore(%arg8 : memref<!tpu.dma_semaphore, #tpu.memory_space<semaphore_mem>>) src(%dma_wait3A_260 : memref<80000x32xf32, #tpu.memory_space<hbm>>) dst(%dma_wait3A_254 : memref<128x32xf32, #tpu.memory_space<vmem>>)
      %dma_wait3A_261 = arith.constant 512 : i32
      %dma_wait3A_262 = arith.constant 0 : i32
      %dma_wait3A_263 = tpu.memref_slice %arg7[%dma_wait3A_261, %dma_wait3A_262] : memref<1280x32xf32, #tpu.memory_space<vmem>> -> memref<128x32xf32, #tpu.memory_space<vmem>>
      %dma_wait3A_264 = arith.constant 0 : i32
      %dma_wait3A_265 = tpu.memref_slice %arg6[%add3A_151, %dma_wait3A_264] : memref<60x128xi32, #tpu.memory_space<vmem>> -> memref<1x128xi32, #tpu.memory_space<vmem>>
      %dma_wait3A_266 = tpu.memref_squeeze %dma_wait3A_265 : memref<1x128xi32, #tpu.memory_space<vmem>> -> memref<128xi32, #tpu.memory_space<vmem>>
      %dma_wait3A_267 = arith.constant 0 : i32
      %dma_wait3A_268 = arith.constant 0 : i32
      %dma_wait3A_269 = tpu.memref_slice %arg5[%dma_wait3A_267, %dma_wait3A_268] : memref<80000x32xf32, #tpu.memory_space<hbm>> -> memref<80000x32xf32, #tpu.memory_space<hbm>>
      tpu.wait_indirect_dma semaphore(%arg8 : memref<!tpu.dma_semaphore, #tpu.memory_space<semaphore_mem>>) src(%dma_wait3A_269 : memref<80000x32xf32, #tpu.memory_space<hbm>>) dst(%dma_wait3A_263 : memref<128x32xf32, #tpu.memory_space<vmem>>)
      %dma_wait3A_270 = arith.constant 640 : i32
      %dma_wait3A_271 = arith.constant 0 : i32
      %dma_wait3A_272 = tpu.memref_slice %arg7[%dma_wait3A_270, %dma_wait3A_271] : memref<1280x32xf32, #tpu.memory_space<vmem>> -> memref<128x32xf32, #tpu.memory_space<vmem>>
      %dma_wait3A_273 = arith.constant 0 : i32
      %dma_wait3A_274 = tpu.memref_slice %arg6[%add3A_164, %dma_wait3A_273] : memref<60x128xi32, #tpu.memory_space<vmem>> -> memref<1x128xi32, #tpu.memory_space<vmem>>
      %dma_wait3A_275 = tpu.memref_squeeze %dma_wait3A_274 : memref<1x128xi32, #tpu.memory_space<vmem>> -> memref<128xi32, #tpu.memory_space<vmem>>
      %dma_wait3A_276 = arith.constant 0 : i32
      %dma_wait3A_277 = arith.constant 0 : i32
      %dma_wait3A_278 = tpu.memref_slice %arg5[%dma_wait3A_276, %dma_wait3A_277] : memref<80000x32xf32, #tpu.memory_space<hbm>> -> memref<80000x32xf32, #tpu.memory_space<hbm>>
      tpu.wait_indirect_dma semaphore(%arg8 : memref<!tpu.dma_semaphore, #tpu.memory_space<semaphore_mem>>) src(%dma_wait3A_278 : memref<80000x32xf32, #tpu.memory_space<hbm>>) dst(%dma_wait3A_272 : memref<128x32xf32, #tpu.memory_space<vmem>>)
      %dma_wait3A_279 = arith.constant 768 : i32
      %dma_wait3A_280 = arith.constant 0 : i32
      %dma_wait3A_281 = tpu.memref_slice %arg7[%dma_wait3A_279, %dma_wait3A_280] : memref<1280x32xf32, #tpu.memory_space<vmem>> -> memref<128x32xf32, #tpu.memory_space<vmem>>
      %dma_wait3A_282 = arith.constant 0 : i32
      %dma_wait3A_283 = tpu.memref_slice %arg6[%add3A_177, %dma_wait3A_282] : memref<60x128xi32, #tpu.memory_space<vmem>> -> memref<1x128xi32, #tpu.memory_space<vmem>>
      %dma_wait3A_284 = tpu.memref_squeeze %dma_wait3A_283 : memref<1x128xi32, #tpu.memory_space<vmem>> -> memref<128xi32, #tpu.memory_space<vmem>>
      %dma_wait3A_285 = arith.constant 0 : i32
      %dma_wait3A_286 = arith.constant 0 : i32
      %dma_wait3A_287 = tpu.memref_slice %arg5[%dma_wait3A_285, %dma_wait3A_286] : memref<80000x32xf32, #tpu.memory_space<hbm>> -> memref<80000x32xf32, #tpu.memory_space<hbm>>
      tpu.wait_indirect_dma semaphore(%arg8 : memref<!tpu.dma_semaphore, #tpu.memory_space<semaphore_mem>>) src(%dma_wait3A_287 : memref<80000x32xf32, #tpu.memory_space<hbm>>) dst(%dma_wait3A_281 : memref<128x32xf32, #tpu.memory_space<vmem>>)
      %dma_wait3A_288 = arith.constant 896 : i32
      %dma_wait3A_289 = arith.constant 0 : i32
      %dma_wait3A_290 = tpu.memref_slice %arg7[%dma_wait3A_288, %dma_wait3A_289] : memref<1280x32xf32, #tpu.memory_space<vmem>> -> memref<128x32xf32, #tpu.memory_space<vmem>>
      %dma_wait3A_291 = arith.constant 0 : i32
      %dma_wait3A_292 = tpu.memref_slice %arg6[%add3A_190, %dma_wait3A_291] : memref<60x128xi32, #tpu.memory_space<vmem>> -> memref<1x128xi32, #tpu.memory_space<vmem>>
      %dma_wait3A_293 = tpu.memref_squeeze %dma_wait3A_292 : memref<1x128xi32, #tpu.memory_space<vmem>> -> memref<128xi32, #tpu.memory_space<vmem>>
      %dma_wait3A_294 = arith.constant 0 : i32
      %dma_wait3A_295 = arith.constant 0 : i32
      %dma_wait3A_296 = tpu.memref_slice %arg5[%dma_wait3A_294, %dma_wait3A_295] : memref<80000x32xf32, #tpu.memory_space<hbm>> -> memref<80000x32xf32, #tpu.memory_space<hbm>>
      tpu.wait_indirect_dma semaphore(%arg8 : memref<!tpu.dma_semaphore, #tpu.memory_space<semaphore_mem>>) src(%dma_wait3A_296 : memref<80000x32xf32, #tpu.memory_space<hbm>>) dst(%dma_wait3A_290 : memref<128x32xf32, #tpu.memory_space<vmem>>)
      %dma_wait3A_297 = arith.constant 1024 : i32
      %dma_wait3A_298 = arith.constant 0 : i32
      %dma_wait3A_299 = tpu.memref_slice %arg7[%dma_wait3A_297, %dma_wait3A_298] : memref<1280x32xf32, #tpu.memory_space<vmem>> -> memref<128x32xf32, #tpu.memory_space<vmem>>
      %dma_wait3A_300 = arith.constant 0 : i32
      %dma_wait3A_301 = tpu.memref_slice %arg6[%add3A_203, %dma_wait3A_300] : memref<60x128xi32, #tpu.memory_space<vmem>> -> memref<1x128xi32, #tpu.memory_space<vmem>>
      %dma_wait3A_302 = tpu.memref_squeeze %dma_wait3A_301 : memref<1x128xi32, #tpu.memory_space<vmem>> -> memref<128xi32, #tpu.memory_space<vmem>>
      %dma_wait3A_303 = arith.constant 0 : i32
      %dma_wait3A_304 = arith.constant 0 : i32
      %dma_wait3A_305 = tpu.memref_slice %arg5[%dma_wait3A_303, %dma_wait3A_304] : memref<80000x32xf32, #tpu.memory_space<hbm>> -> memref<80000x32xf32, #tpu.memory_space<hbm>>
      tpu.wait_indirect_dma semaphore(%arg8 : memref<!tpu.dma_semaphore, #tpu.memory_space<semaphore_mem>>) src(%dma_wait3A_305 : memref<80000x32xf32, #tpu.memory_space<hbm>>) dst(%dma_wait3A_299 : memref<128x32xf32, #tpu.memory_space<vmem>>)
      %dma_wait3A_306 = arith.constant 1152 : i32
      %dma_wait3A_307 = arith.constant 0 : i32
      %dma_wait3A_308 = tpu.memref_slice %arg7[%dma_wait3A_306, %dma_wait3A_307] : memref<1280x32xf32, #tpu.memory_space<vmem>> -> memref<128x32xf32, #tpu.memory_space<vmem>>
      %dma_wait3A_309 = arith.constant 0 : i32
      %dma_wait3A_310 = tpu.memref_slice %arg6[%add3A_216, %dma_wait3A_309] : memref<60x128xi32, #tpu.memory_space<vmem>> -> memref<1x128xi32, #tpu.memory_space<vmem>>
      %dma_wait3A_311 = tpu.memref_squeeze %dma_wait3A_310 : memref<1x128xi32, #tpu.memory_space<vmem>> -> memref<128xi32, #tpu.memory_space<vmem>>
      %dma_wait3A_312 = arith.constant 0 : i32
      %dma_wait3A_313 = arith.constant 0 : i32
      %dma_wait3A_314 = tpu.memref_slice %arg5[%dma_wait3A_312, %dma_wait3A_313] : memref<80000x32xf32, #tpu.memory_space<hbm>> -> memref<80000x32xf32, #tpu.memory_space<hbm>>
      tpu.wait_indirect_dma semaphore(%arg8 : memref<!tpu.dma_semaphore, #tpu.memory_space<semaphore_mem>>) src(%dma_wait3A_314 : memref<80000x32xf32, #tpu.memory_space<hbm>>) dst(%dma_wait3A_308 : memref<128x32xf32, #tpu.memory_space<vmem>>)
      %mul3A_315 = arith.constant 10 : i32
      %mul3A_316 = arith.muli %while3A_96, %mul3A_315 : i32
      %add3A_317 = arith.addi %select_n3A, %mul3A_316 : i32
      %mul3A_318 = arith.constant 128 : i32
      %mul3A_319 = arith.muli %add3A_317, %mul3A_318 : i32
      %multiple_of3A_320 = tpu.assume_multiple %mul3A_319, 1280 : i32
      "tpu.region"() ({
        %run_scoped3A = tpu.sem_alloc : memref<!tpu.dma_semaphore, #tpu.memory_space<semaphore_mem>>
        %dma_start3A_321 = arith.constant 0 : i32
        %dma_start3A_322 = tpu.memref_slice %arg4[%multiple_of3A_320, %dma_start3A_321] : memref<163840x32xf32, #tpu.memory_space<hbm>> -> memref<1280x32xf32, #tpu.memory_space<hbm>>
        %dma_start3A_323 = arith.constant 0 : i32
        %dma_start3A_324 = tpu.memref_slice %arg4[%multiple_of3A_320, %dma_start3A_323] : memref<163840x32xf32, #tpu.memory_space<hbm>> -> memref<1280x32xf32, #tpu.memory_space<hbm>>
        tpu.enqueue_dma source(%arg7 : memref<1280x32xf32, #tpu.memory_space<vmem>>) target(%dma_start3A_324 : memref<1280x32xf32, #tpu.memory_space<hbm>>) target_semaphore(%run_scoped3A : memref<!tpu.dma_semaphore, #tpu.memory_space<semaphore_mem>>)
        %dma_wait3A_325 = arith.constant 0 : i32
        %dma_wait3A_326 = tpu.memref_slice %arg4[%multiple_of3A_320, %dma_wait3A_325] : memref<163840x32xf32, #tpu.memory_space<hbm>> -> memref<1280x32xf32, #tpu.memory_space<hbm>>
        %dma_wait3A_327 = arith.constant 0 : i32
        %dma_wait3A_328 = tpu.memref_slice %arg4[%multiple_of3A_320, %dma_wait3A_327] : memref<163840x32xf32, #tpu.memory_space<hbm>> -> memref<1280x32xf32, #tpu.memory_space<hbm>>
        tpu.wait_dma2 semaphore(%run_scoped3A : memref<!tpu.dma_semaphore, #tpu.memory_space<semaphore_mem>>) src(%arg7 : memref<1280x32xf32, #tpu.memory_space<vmem>>) dst(%dma_wait3A_328 : memref<1280x32xf32, #tpu.memory_space<hbm>>)
        tpu.yield
      }) : () -> ()
    }
    %while3A_95 = arith.constant 1 : i32
    scf.for %while3A_96 = %while3A_93 to %while3A_89 step %while3A_95  : i32 {
      %mul3A_97 = arith.constant 10 : i32
      %mul3A_98 = arith.muli %while3A_96, %mul3A_97 : i32
      %add3A_99 = arith.constant 0 : i32
      %add3A_100 = arith.addi %mul3A_98, %add3A_99 : i32
      %dma_start3A = arith.constant 0 : i32
      %dma_start3A_101 = arith.constant 0 : i32
      %dma_start3A_102 = tpu.memref_slice %arg7[%dma_start3A, %dma_start3A_101] : memref<1280x32xf32, #tpu.memory_space<vmem>> -> memref<128x32xf32, #tpu.memory_space<vmem>>
      %dma_start3A_103 = arith.constant 0 : i32
      %dma_start3A_104 = tpu.memref_slice %arg6[%add3A_100, %dma_start3A_103] : memref<60x128xi32, #tpu.memory_space<vmem>> -> memref<1x128xi32, #tpu.memory_space<vmem>>
      %dma_start3A_105 = tpu.memref_squeeze %dma_start3A_104 : memref<1x128xi32, #tpu.memory_space<vmem>> -> memref<128xi32, #tpu.memory_space<vmem>>
      %dma_start3A_106 = arith.constant 0 : i32
      %dma_start3A_107 = arith.constant 0 : i32
      %dma_start3A_108 = tpu.memref_slice %arg5[%dma_start3A_106, %dma_start3A_107] : memref<80000x32xf32, #tpu.memory_space<hbm>> -> memref<80000x32xf32, #tpu.memory_space<hbm>>
      tpu.enqueue_indirect_dma source(%dma_start3A_108 : memref<80000x32xf32, #tpu.memory_space<hbm>>) target(%dma_start3A_102 : memref<128x32xf32, #tpu.memory_space<vmem>>) offsets(%dma_start3A_105 : memref<128xi32, #tpu.memory_space<vmem>>) semaphore(%arg8 : memref<!tpu.dma_semaphore, #tpu.memory_space<semaphore_mem>>)
      %mul3A_109 = arith.constant 10 : i32
      %mul3A_110 = arith.muli %while3A_96, %mul3A_109 : i32
      %add3A_111 = arith.constant 1 : i32
      %add3A_112 = arith.addi %mul3A_110, %add3A_111 : i32
      %dma_start3A_113 = arith.constant 128 : i32
      %dma_start3A_114 = arith.constant 0 : i32
      %dma_start3A_115 = tpu.memref_slice %arg7[%dma_start3A_113, %dma_start3A_114] : memref<1280x32xf32, #tpu.memory_space<vmem>> -> memref<128x32xf32, #tpu.memory_space<vmem>>
      %dma_start3A_116 = arith.constant 0 : i32
      %dma_start3A_117 = tpu.memref_slice %arg6[%add3A_112, %dma_start3A_116] : memref<60x128xi32, #tpu.memory_space<vmem>> -> memref<1x128xi32, #tpu.memory_space<vmem>>
      %dma_start3A_118 = tpu.memref_squeeze %dma_start3A_117 : memref<1x128xi32, #tpu.memory_space<vmem>> -> memref<128xi32, #tpu.memory_space<vmem>>
      %dma_start3A_119 = arith.constant 0 : i32
      %dma_start3A_120 = arith.constant 0 : i32
      %dma_start3A_121 = tpu.memref_slice %arg5[%dma_start3A_119, %dma_start3A_120] : memref<80000x32xf32, #tpu.memory_space<hbm>> -> memref<80000x32xf32, #tpu.memory_space<hbm>>
      tpu.enqueue_indirect_dma source(%dma_start3A_121 : memref<80000x32xf32, #tpu.memory_space<hbm>>) target(%dma_start3A_115 : memref<128x32xf32, #tpu.memory_space<vmem>>) offsets(%dma_start3A_118 : memref<128xi32, #tpu.memory_space<vmem>>) semaphore(%arg8 : memref<!tpu.dma_semaphore, #tpu.memory_space<semaphore_mem>>)
      %mul3A_122 = arith.constant 10 : i32
      %mul3A_123 = arith.muli %while3A_96, %mul3A_122 : i32
      %add3A_124 = arith.constant 2 : i32
      %add3A_125 = arith.addi %mul3A_123, %add3A_124 : i32
      %dma_start3A_126 = arith.constant 256 : i32
      %dma_start3A_127 = arith.constant 0 : i32
      %dma_start3A_128 = tpu.memref_slice %arg7[%dma_start3A_126, %dma_start3A_127] : memref<1280x32xf32, #tpu.memory_space<vmem>> -> memref<128x32xf32, #tpu.memory_space<vmem>>
      %dma_start3A_129 = arith.constant 0 : i32
      %dma_start3A_130 = tpu.memref_slice %arg6[%add3A_125, %dma_start3A_129] : memref<60x128xi32, #tpu.memory_space<vmem>> -> memref<1x128xi32, #tpu.memory_space<vmem>>
      %dma_start3A_131 = tpu.memref_squeeze %dma_start3A_130 : memref<1x128xi32, #tpu.memory_space<vmem>> -> memref<128xi32, #tpu.memory_space<vmem>>
      %dma_start3A_132 = arith.constant 0 : i32
      %dma_start3A_133 = arith.constant 0 : i32
      %dma_start3A_134 = tpu.memref_slice %arg5[%dma_start3A_132, %dma_start3A_133] : memref<80000x32xf32, #tpu.memory_space<hbm>> -> memref<80000x32xf32, #tpu.memory_space<hbm>>
      tpu.enqueue_indirect_dma source(%dma_start3A_134 : memref<80000x32xf32, #tpu.memory_space<hbm>>) target(%dma_start3A_128 : memref<128x32xf32, #tpu.memory_space<vmem>>) offsets(%dma_start3A_131 : memref<128xi32, #tpu.memory_space<vmem>>) semaphore(%arg8 : memref<!tpu.dma_semaphore, #tpu.memory_space<semaphore_mem>>)
      %mul3A_135 = arith.constant 10 : i32
      %mul3A_136 = arith.muli %while3A_96, %mul3A_135 : i32
      %add3A_137 = arith.constant 3 : i32
      %add3A_138 = arith.addi %mul3A_136, %add3A_137 : i32
      %dma_start3A_139 = arith.constant 384 : i32
      %dma_start3A_140 = arith.constant 0 : i32
      %dma_start3A_141 = tpu.memref_slice %arg7[%dma_start3A_139, %dma_start3A_140] : memref<1280x32xf32, #tpu.memory_space<vmem>> -> memref<128x32xf32, #tpu.memory_space<vmem>>
      %dma_start3A_142 = arith.constant 0 : i32
      %dma_start3A_143 = tpu.memref_slice %arg6[%add3A_138, %dma_start3A_142] : memref<60x128xi32, #tpu.memory_space<vmem>> -> memref<1x128xi32, #tpu.memory_space<vmem>>
      %dma_start3A_144 = tpu.memref_squeeze %dma_start3A_143 : memref<1x128xi32, #tpu.memory_space<vmem>> -> memref<128xi32, #tpu.memory_space<vmem>>
      %dma_start3A_145 = arith.constant 0 : i32
      %dma_start3A_146 = arith.constant 0 : i32
      %dma_start3A_147 = tpu.memref_slice %arg5[%dma_start3A_145, %dma_start3A_146] : memref<80000x32xf32, #tpu.memory_space<hbm>> -> memref<80000x32xf32, #tpu.memory_space<hbm>>
      tpu.enqueue_indirect_dma source(%dma_start3A_147 : memref<80000x32xf32, #tpu.memory_space<hbm>>) target(%dma_start3A_141 : memref<128x32xf32, #tpu.memory_space<vmem>>) offsets(%dma_start3A_144 : memref<128xi32, #tpu.memory_space<vmem>>) semaphore(%arg8 : memref<!tpu.dma_semaphore, #tpu.memory_space<semaphore_mem>>)
      %mul3A_148 = arith.constant 10 : i32
      %mul3A_149 = arith.muli %while3A_96, %mul3A_148 : i32
      %add3A_150 = arith.constant 4 : i32
      %add3A_151 = arith.addi %mul3A_149, %add3A_150 : i32
      %dma_start3A_152 = arith.constant 512 : i32
      %dma_start3A_153 = arith.constant 0 : i32
      %dma_start3A_154 = tpu.memref_slice %arg7[%dma_start3A_152, %dma_start3A_153] : memref<1280x32xf32, #tpu.memory_space<vmem>> -> memref<128x32xf32, #tpu.memory_space<vmem>>
      %dma_start3A_155 = arith.constant 0 : i32
      %dma_start3A_156 = tpu.memref_slice %arg6[%add3A_151, %dma_start3A_155] : memref<60x128xi32, #tpu.memory_space<vmem>> -> memref<1x128xi32, #tpu.memory_space<vmem>>
      %dma_start3A_157 = tpu.memref_squeeze %dma_start3A_156 : memref<1x128xi32, #tpu.memory_space<vmem>> -> memref<128xi32, #tpu.memory_space<vmem>>
      %dma_start3A_158 = arith.constant 0 : i32
      %dma_start3A_159 = arith.constant 0 : i32
      %dma_start3A_160 = tpu.memref_slice %arg5[%dma_start3A_158, %dma_start3A_159] : memref<80000x32xf32, #tpu.memory_space<hbm>> -> memref<80000x32xf32, #tpu.memory_space<hbm>>
      tpu.enqueue_indirect_dma source(%dma_start3A_160 : memref<80000x32xf32, #tpu.memory_space<hbm>>) target(%dma_start3A_154 : memref<128x32xf32, #tpu.memory_space<vmem>>) offsets(%dma_start3A_157 : memref<128xi32, #tpu.memory_space<vmem>>) semaphore(%arg8 : memref<!tpu.dma_semaphore, #tpu.memory_space<semaphore_mem>>)
      %mul3A_161 = arith.constant 10 : i32
      %mul3A_162 = arith.muli %while3A_96, %mul3A_161 : i32
      %add3A_163 = arith.constant 5 : i32
      %add3A_164 = arith.addi %mul3A_162, %add3A_163 : i32
      %dma_start3A_165 = arith.constant 640 : i32
      %dma_start3A_166 = arith.constant 0 : i32
      %dma_start3A_167 = tpu.memref_slice %arg7[%dma_start3A_165, %dma_start3A_166] : memref<1280x32xf32, #tpu.memory_space<vmem>> -> memref<128x32xf32, #tpu.memory_space<vmem>>
      %dma_start3A_168 = arith.constant 0 : i32
      %dma_start3A_169 = tpu.memref_slice %arg6[%add3A_164, %dma_start3A_168] : memref<60x128xi32, #tpu.memory_space<vmem>> -> memref<1x128xi32, #tpu.memory_space<vmem>>
      %dma_start3A_170 = tpu.memref_squeeze %dma_start3A_169 : memref<1x128xi32, #tpu.memory_space<vmem>> -> memref<128xi32, #tpu.memory_space<vmem>>
      %dma_start3A_171 = arith.constant 0 : i32
      %dma_start3A_172 = arith.constant 0 : i32
      %dma_start3A_173 = tpu.memref_slice %arg5[%dma_start3A_171, %dma_start3A_172] : memref<80000x32xf32, #tpu.memory_space<hbm>> -> memref<80000x32xf32, #tpu.memory_space<hbm>>
      tpu.enqueue_indirect_dma source(%dma_start3A_173 : memref<80000x32xf32, #tpu.memory_space<hbm>>) target(%dma_start3A_167 : memref<128x32xf32, #tpu.memory_space<vmem>>) offsets(%dma_start3A_170 : memref<128xi32, #tpu.memory_space<vmem>>) semaphore(%arg8 : memref<!tpu.dma_semaphore, #tpu.memory_space<semaphore_mem>>)
      %mul3A_174 = arith.constant 10 : i32
      %mul3A_175 = arith.muli %while3A_96, %mul3A_174 : i32
      %add3A_176 = arith.constant 6 : i32
      %add3A_177 = arith.addi %mul3A_175, %add3A_176 : i32
      %dma_start3A_178 = arith.constant 768 : i32
      %dma_start3A_179 = arith.constant 0 : i32
      %dma_start3A_180 = tpu.memref_slice %arg7[%dma_start3A_178, %dma_start3A_179] : memref<1280x32xf32, #tpu.memory_space<vmem>> -> memref<128x32xf32, #tpu.memory_space<vmem>>
      %dma_start3A_181 = arith.constant 0 : i32
      %dma_start3A_182 = tpu.memref_slice %arg6[%add3A_177, %dma_start3A_181] : memref<60x128xi32, #tpu.memory_space<vmem>> -> memref<1x128xi32, #tpu.memory_space<vmem>>
      %dma_start3A_183 = tpu.memref_squeeze %dma_start3A_182 : memref<1x128xi32, #tpu.memory_space<vmem>> -> memref<128xi32, #tpu.memory_space<vmem>>
      %dma_start3A_184 = arith.constant 0 : i32
      %dma_start3A_185 = arith.constant 0 : i32
      %dma_start3A_186 = tpu.memref_slice %arg5[%dma_start3A_184, %dma_start3A_185] : memref<80000x32xf32, #tpu.memory_space<hbm>> -> memref<80000x32xf32, #tpu.memory_space<hbm>>
      tpu.enqueue_indirect_dma source(%dma_start3A_186 : memref<80000x32xf32, #tpu.memory_space<hbm>>) target(%dma_start3A_180 : memref<128x32xf32, #tpu.memory_space<vmem>>) offsets(%dma_start3A_183 : memref<128xi32, #tpu.memory_space<vmem>>) semaphore(%arg8 : memref<!tpu.dma_semaphore, #tpu.memory_space<semaphore_mem>>)
      %mul3A_187 = arith.constant 10 : i32
      %mul3A_188 = arith.muli %while3A_96, %mul3A_187 : i32
      %add3A_189 = arith.constant 7 : i32
      %add3A_190 = arith.addi %mul3A_188, %add3A_189 : i32
      %dma_start3A_191 = arith.constant 896 : i32
      %dma_start3A_192 = arith.constant 0 : i32
      %dma_start3A_193 = tpu.memref_slice %arg7[%dma_start3A_191, %dma_start3A_192] : memref<1280x32xf32, #tpu.memory_space<vmem>> -> memref<128x32xf32, #tpu.memory_space<vmem>>
      %dma_start3A_194 = arith.constant 0 : i32
      %dma_start3A_195 = tpu.memref_slice %arg6[%add3A_190, %dma_start3A_194] : memref<60x128xi32, #tpu.memory_space<vmem>> -> memref<1x128xi32, #tpu.memory_space<vmem>>
      %dma_start3A_196 = tpu.memref_squeeze %dma_start3A_195 : memref<1x128xi32, #tpu.memory_space<vmem>> -> memref<128xi32, #tpu.memory_space<vmem>>
      %dma_start3A_197 = arith.constant 0 : i32
      %dma_start3A_198 = arith.constant 0 : i32
      %dma_start3A_199 = tpu.memref_slice %arg5[%dma_start3A_197, %dma_start3A_198] : memref<80000x32xf32, #tpu.memory_space<hbm>> -> memref<80000x32xf32, #tpu.memory_space<hbm>>
      tpu.enqueue_indirect_dma source(%dma_start3A_199 : memref<80000x32xf32, #tpu.memory_space<hbm>>) target(%dma_start3A_193 : memref<128x32xf32, #tpu.memory_space<vmem>>) offsets(%dma_start3A_196 : memref<128xi32, #tpu.memory_space<vmem>>) semaphore(%arg8 : memref<!tpu.dma_semaphore, #tpu.memory_space<semaphore_mem>>)
      %mul3A_200 = arith.constant 10 : i32
      %mul3A_201 = arith.muli %while3A_96, %mul3A_200 : i32
      %add3A_202 = arith.constant 8 : i32
      %add3A_203 = arith.addi %mul3A_201, %add3A_202 : i32
      %dma_start3A_204 = arith.constant 1024 : i32
      %dma_start3A_205 = arith.constant 0 : i32
      %dma_start3A_206 = tpu.memref_slice %arg7[%dma_start3A_204, %dma_start3A_205] : memref<1280x32xf32, #tpu.memory_space<vmem>> -> memref<128x32xf32, #tpu.memory_space<vmem>>
      %dma_start3A_207 = arith.constant 0 : i32
      %dma_start3A_208 = tpu.memref_slice %arg6[%add3A_203, %dma_start3A_207] : memref<60x128xi32, #tpu.memory_space<vmem>> -> memref<1x128xi32, #tpu.memory_space<vmem>>
      %dma_start3A_209 = tpu.memref_squeeze %dma_start3A_208 : memref<1x128xi32, #tpu.memory_space<vmem>> -> memref<128xi32, #tpu.memory_space<vmem>>
      %dma_start3A_210 = arith.constant 0 : i32
      %dma_start3A_211 = arith.constant 0 : i32
      %dma_start3A_212 = tpu.memref_slice %arg5[%dma_start3A_210, %dma_start3A_211] : memref<80000x32xf32, #tpu.memory_space<hbm>> -> memref<80000x32xf32, #tpu.memory_space<hbm>>
      tpu.enqueue_indirect_dma source(%dma_start3A_212 : memref<80000x32xf32, #tpu.memory_space<hbm>>) target(%dma_start3A_206 : memref<128x32xf32, #tpu.memory_space<vmem>>) offsets(%dma_start3A_209 : memref<128xi32, #tpu.memory_space<vmem>>) semaphore(%arg8 : memref<!tpu.dma_semaphore, #tpu.memory_space<semaphore_mem>>)
      %mul3A_213 = arith.constant 10 : i32
      %mul3A_214 = arith.muli %while3A_96, %mul3A_213 : i32
      %add3A_215 = arith.constant 9 : i32
      %add3A_216 = arith.addi %mul3A_214, %add3A_215 : i32
      %dma_start3A_217 = arith.constant 1152 : i32
      %dma_start3A_218 = arith.constant 0 : i32
      %dma_start3A_219 = tpu.memref_slice %arg7[%dma_start3A_217, %dma_start3A_218] : memref<1280x32xf32, #tpu.memory_space<vmem>> -> memref<128x32xf32, #tpu.memory_space<vmem>>
      %dma_start3A_220 = arith.constant 0 : i32
      %dma_start3A_221 = tpu.memref_slice %arg6[%add3A_216, %dma_start3A_220] : memref<60x128xi32, #tpu.memory_space<vmem>> -> memref<1x128xi32, #tpu.memory_space<vmem>>
      %dma_start3A_222 = tpu.memref_squeeze %dma_start3A_221 : memref<1x128xi32, #tpu.memory_space<vmem>> -> memref<128xi32, #tpu.memory_space<vmem>>
      %dma_start3A_223 = arith.constant 0 : i32
      %dma_start3A_224 = arith.constant 0 : i32
      %dma_start3A_225 = tpu.memref_slice %arg5[%dma_start3A_223, %dma_start3A_224] : memref<80000x32xf32, #tpu.memory_space<hbm>> -> memref<80000x32xf32, #tpu.memory_space<hbm>>
      tpu.enqueue_indirect_dma source(%dma_start3A_225 : memref<80000x32xf32, #tpu.memory_space<hbm>>) target(%dma_start3A_219 : memref<128x32xf32, #tpu.memory_space<vmem>>) offsets(%dma_start3A_222 : memref<128xi32, #tpu.memory_space<vmem>>) semaphore(%arg8 : memref<!tpu.dma_semaphore, #tpu.memory_space<semaphore_mem>>)
      %dma_wait3A = arith.constant 0 : i32
      %dma_wait3A_226 = arith.constant 0 : i32
      %dma_wait3A_227 = tpu.memref_slice %arg7[%dma_wait3A, %dma_wait3A_226] : memref<1280x32xf32, #tpu.memory_space<vmem>> -> memref<128x32xf32, #tpu.memory_space<vmem>>
      %dma_wait3A_228 = arith.constant 0 : i32
      %dma_wait3A_229 = tpu.memref_slice %arg6[%add3A_100, %dma_wait3A_228] : memref<60x128xi32, #tpu.memory_space<vmem>> -> memref<1x128xi32, #tpu.memory_space<vmem>>
      %dma_wait3A_230 = tpu.memref_squeeze %dma_wait3A_229 : memref<1x128xi32, #tpu.memory_space<vmem>> -> memref<128xi32, #tpu.memory_space<vmem>>
      %dma_wait3A_231 = arith.constant 0 : i32
      %dma_wait3A_232 = arith.constant 0 : i32
      %dma_wait3A_233 = tpu.memref_slice %arg5[%dma_wait3A_231, %dma_wait3A_232] : memref<80000x32xf32, #tpu.memory_space<hbm>> -> memref<80000x32xf32, #tpu.memory_space<hbm>>
      tpu.wait_indirect_dma semaphore(%arg8 : memref<!tpu.dma_semaphore, #tpu.memory_space<semaphore_mem>>) src(%dma_wait3A_233 : memref<80000x32xf32, #tpu.memory_space<hbm>>) dst(%dma_wait3A_227 : memref<128x32xf32, #tpu.memory_space<vmem>>)
      %dma_wait3A_234 = arith.constant 128 : i32
      %dma_wait3A_235 = arith.constant 0 : i32
      %dma_wait3A_236 = tpu.memref_slice %arg7[%dma_wait3A_234, %dma_wait3A_235] : memref<1280x32xf32, #tpu.memory_space<vmem>> -> memref<128x32xf32, #tpu.memory_space<vmem>>
      %dma_wait3A_237 = arith.constant 0 : i32
      %dma_wait3A_238 = tpu.memref_slice %arg6[%add3A_112, %dma_wait3A_237] : memref<60x128xi32, #tpu.memory_space<vmem>> -> memref<1x128xi32, #tpu.memory_space<vmem>>
      %dma_wait3A_239 = tpu.memref_squeeze %dma_wait3A_238 : memref<1x128xi32, #tpu.memory_space<vmem>> -> memref<128xi32, #tpu.memory_space<vmem>>
      %dma_wait3A_240 = arith.constant 0 : i32
      %dma_wait3A_241 = arith.constant 0 : i32
      %dma_wait3A_242 = tpu.memref_slice %arg5[%dma_wait3A_240, %dma_wait3A_241] : memref<80000x32xf32, #tpu.memory_space<hbm>> -> memref<80000x32xf32, #tpu.memory_space<hbm>>
      tpu.wait_indirect_dma semaphore(%arg8 : memref<!tpu.dma_semaphore, #tpu.memory_space<semaphore_mem>>) src(%dma_wait3A_242 : memref<80000x32xf32, #tpu.memory_space<hbm>>) dst(%dma_wait3A_236 : memref<128x32xf32, #tpu.memory_space<vmem>>)
      %dma_wait3A_243 = arith.constant 256 : i32
      %dma_wait3A_244 = arith.constant 0 : i32
      %dma_wait3A_245 = tpu.memref_slice %arg7[%dma_wait3A_243, %dma_wait3A_244] : memref<1280x32xf32, #tpu.memory_space<vmem>> -> memref<128x32xf32, #tpu.memory_space<vmem>>
      %dma_wait3A_246 = arith.constant 0 : i32
      %dma_wait3A_247 = tpu.memref_slice %arg6[%add3A_125, %dma_wait3A_246] : memref<60x128xi32, #tpu.memory_space<vmem>> -> memref<1x128xi32, #tpu.memory_space<vmem>>
      %dma_wait3A_248 = tpu.memref_squeeze %dma_wait3A_247 : memref<1x128xi32, #tpu.memory_space<vmem>> -> memref<128xi32, #tpu.memory_space<vmem>>
      %dma_wait3A_249 = arith.constant 0 : i32
      %dma_wait3A_250 = arith.constant 0 : i32
      %dma_wait3A_251 = tpu.memref_slice %arg5[%dma_wait3A_249, %dma_wait3A_250] : memref<80000x32xf32, #tpu.memory_space<hbm>> -> memref<80000x32xf32, #tpu.memory_space<hbm>>
      tpu.wait_indirect_dma semaphore(%arg8 : memref<!tpu.dma_semaphore, #tpu.memory_space<semaphore_mem>>) src(%dma_wait3A_251 : memref<80000x32xf32, #tpu.memory_space<hbm>>) dst(%dma_wait3A_245 : memref<128x32xf32, #tpu.memory_space<vmem>>)
      %dma_wait3A_252 = arith.constant 384 : i32
      %dma_wait3A_253 = arith.constant 0 : i32
      %dma_wait3A_254 = tpu.memref_slice %arg7[%dma_wait3A_252, %dma_wait3A_253] : memref<1280x32xf32, #tpu.memory_space<vmem>> -> memref<128x32xf32, #tpu.memory_space<vmem>>
      %dma_wait3A_255 = arith.constant 0 : i32
      %dma_wait3A_256 = tpu.memref_slice %arg6[%add3A_138, %dma_wait3A_255] : memref<60x128xi32, #tpu.memory_space<vmem>> -> memref<1x128xi32, #tpu.memory_space<vmem>>
      %dma_wait3A_257 = tpu.memref_squeeze %dma_wait3A_256 : memref<1x128xi32, #tpu.memory_space<vmem>> -> memref<128xi32, #tpu.memory_space<vmem>>
      %dma_wait3A_258 = arith.constant 0 : i32
      %dma_wait3A_259 = arith.constant 0 : i32
      %dma_wait3A_260 = tpu.memref_slice %arg5[%dma_wait3A_258, %dma_wait3A_259] : memref<80000x32xf32, #tpu.memory_space<hbm>> -> memref<80000x32xf32, #tpu.memory_space<hbm>>
      tpu.wait_indirect_dma semaphore(%arg8 : memref<!tpu.dma_semaphore, #tpu.memory_space<semaphore_mem>>) src(%dma_wait3A_260 : memref<80000x32xf32, #tpu.memory_space<hbm>>) dst(%dma_wait3A_254 : memref<128x32xf32, #tpu.memory_space<vmem>>)
      %dma_wait3A_261 = arith.constant 512 : i32
      %dma_wait3A_262 = arith.constant 0 : i32
      %dma_wait3A_263 = tpu.memref_slice %arg7[%dma_wait3A_261, %dma_wait3A_262] : memref<1280x32xf32, #tpu.memory_space<vmem>> -> memref<128x32xf32, #tpu.memory_space<vmem>>
      %dma_wait3A_264 = arith.constant 0 : i32
      %dma_wait3A_265 = tpu.memref_slice %arg6[%add3A_151, %dma_wait3A_264] : memref<60x128xi32, #tpu.memory_space<vmem>> -> memref<1x128xi32, #tpu.memory_space<vmem>>
      %dma_wait3A_266 = tpu.memref_squeeze %dma_wait3A_265 : memref<1x128xi32, #tpu.memory_space<vmem>> -> memref<128xi32, #tpu.memory_space<vmem>>
      %dma_wait3A_267 = arith.constant 0 : i32
      %dma_wait3A_268 = arith.constant 0 : i32
      %dma_wait3A_269 = tpu.memref_slice %arg5[%dma_wait3A_267, %dma_wait3A_268] : memref<80000x32xf32, #tpu.memory_space<hbm>> -> memref<80000x32xf32, #tpu.memory_space<hbm>>
      tpu.wait_indirect_dma semaphore(%arg8 : memref<!tpu.dma_semaphore, #tpu.memory_space<semaphore_mem>>) src(%dma_wait3A_269 : memref<80000x32xf32, #tpu.memory_space<hbm>>) dst(%dma_wait3A_263 : memref<128x32xf32, #tpu.memory_space<vmem>>)
      %dma_wait3A_270 = arith.constant 640 : i32
      %dma_wait3A_271 = arith.constant 0 : i32
      %dma_wait3A_272 = tpu.memref_slice %arg7[%dma_wait3A_270, %dma_wait3A_271] : memref<1280x32xf32, #tpu.memory_space<vmem>> -> memref<128x32xf32, #tpu.memory_space<vmem>>
      %dma_wait3A_273 = arith.constant 0 : i32
      %dma_wait3A_274 = tpu.memref_slice %arg6[%add3A_164, %dma_wait3A_273] : memref<60x128xi32, #tpu.memory_space<vmem>> -> memref<1x128xi32, #tpu.memory_space<vmem>>
      %dma_wait3A_275 = tpu.memref_squeeze %dma_wait3A_274 : memref<1x128xi32, #tpu.memory_space<vmem>> -> memref<128xi32, #tpu.memory_space<vmem>>
      %dma_wait3A_276 = arith.constant 0 : i32
      %dma_wait3A_277 = arith.constant 0 : i32
      %dma_wait3A_278 = tpu.memref_slice %arg5[%dma_wait3A_276, %dma_wait3A_277] : memref<80000x32xf32, #tpu.memory_space<hbm>> -> memref<80000x32xf32, #tpu.memory_space<hbm>>
      tpu.wait_indirect_dma semaphore(%arg8 : memref<!tpu.dma_semaphore, #tpu.memory_space<semaphore_mem>>) src(%dma_wait3A_278 : memref<80000x32xf32, #tpu.memory_space<hbm>>) dst(%dma_wait3A_272 : memref<128x32xf32, #tpu.memory_space<vmem>>)
      %dma_wait3A_279 = arith.constant 768 : i32
      %dma_wait3A_280 = arith.constant 0 : i32
      %dma_wait3A_281 = tpu.memref_slice %arg7[%dma_wait3A_279, %dma_wait3A_280] : memref<1280x32xf32, #tpu.memory_space<vmem>> -> memref<128x32xf32, #tpu.memory_space<vmem>>
      %dma_wait3A_282 = arith.constant 0 : i32
      %dma_wait3A_283 = tpu.memref_slice %arg6[%add3A_177, %dma_wait3A_282] : memref<60x128xi32, #tpu.memory_space<vmem>> -> memref<1x128xi32, #tpu.memory_space<vmem>>
      %dma_wait3A_284 = tpu.memref_squeeze %dma_wait3A_283 : memref<1x128xi32, #tpu.memory_space<vmem>> -> memref<128xi32, #tpu.memory_space<vmem>>
      %dma_wait3A_285 = arith.constant 0 : i32
      %dma_wait3A_286 = arith.constant 0 : i32
      %dma_wait3A_287 = tpu.memref_slice %arg5[%dma_wait3A_285, %dma_wait3A_286] : memref<80000x32xf32, #tpu.memory_space<hbm>> -> memref<80000x32xf32, #tpu.memory_space<hbm>>
      tpu.wait_indirect_dma semaphore(%arg8 : memref<!tpu.dma_semaphore, #tpu.memory_space<semaphore_mem>>) src(%dma_wait3A_287 : memref<80000x32xf32, #tpu.memory_space<hbm>>) dst(%dma_wait3A_281 : memref<128x32xf32, #tpu.memory_space<vmem>>)
      %dma_wait3A_288 = arith.constant 896 : i32
      %dma_wait3A_289 = arith.constant 0 : i32
      %dma_wait3A_290 = tpu.memref_slice %arg7[%dma_wait3A_288, %dma_wait3A_289] : memref<1280x32xf32, #tpu.memory_space<vmem>> -> memref<128x32xf32, #tpu.memory_space<vmem>>
      %dma_wait3A_291 = arith.constant 0 : i32
      %dma_wait3A_292 = tpu.memref_slice %arg6[%add3A_190, %dma_wait3A_291] : memref<60x128xi32, #tpu.memory_space<vmem>> -> memref<1x128xi32, #tpu.memory_space<vmem>>
      %dma_wait3A_293 = tpu.memref_squeeze %dma_wait3A_292 : memref<1x128xi32, #tpu.memory_space<vmem>> -> memref<128xi32, #tpu.memory_space<vmem>>
      %dma_wait3A_294 = arith.constant 0 : i32
      %dma_wait3A_295 = arith.constant 0 : i32
      %dma_wait3A_296 = tpu.memref_slice %arg5[%dma_wait3A_294, %dma_wait3A_295] : memref<80000x32xf32, #tpu.memory_space<hbm>> -> memref<80000x32xf32, #tpu.memory_space<hbm>>
      tpu.wait_indirect_dma semaphore(%arg8 : memref<!tpu.dma_semaphore, #tpu.memory_space<semaphore_mem>>) src(%dma_wait3A_296 : memref<80000x32xf32, #tpu.memory_space<hbm>>) dst(%dma_wait3A_290 : memref<128x32xf32, #tpu.memory_space<vmem>>)
      %dma_wait3A_297 = arith.constant 1024 : i32
      %dma_wait3A_298 = arith.constant 0 : i32
      %dma_wait3A_299 = tpu.memref_slice %arg7[%dma_wait3A_297, %dma_wait3A_298] : memref<1280x32xf32, #tpu.memory_space<vmem>> -> memref<128x32xf32, #tpu.memory_space<vmem>>
      %dma_wait3A_300 = arith.constant 0 : i32
      %dma_wait3A_301 = tpu.memref_slice %arg6[%add3A_203, %dma_wait3A_300] : memref<60x128xi32, #tpu.memory_space<vmem>> -> memref<1x128xi32, #tpu.memory_space<vmem>>
      %dma_wait3A_302 = tpu.memref_squeeze %dma_wait3A_301 : memref<1x128xi32, #tpu.memory_space<vmem>> -> memref<128xi32, #tpu.memory_space<vmem>>
      %dma_wait3A_303 = arith.constant 0 : i32
      %dma_wait3A_304 = arith.constant 0 : i32
      %dma_wait3A_305 = tpu.memref_slice %arg5[%dma_wait3A_303, %dma_wait3A_304] : memref<80000x32xf32, #tpu.memory_space<hbm>> -> memref<80000x32xf32, #tpu.memory_space<hbm>>
      tpu.wait_indirect_dma semaphore(%arg8 : memref<!tpu.dma_semaphore, #tpu.memory_space<semaphore_mem>>) src(%dma_wait3A_305 : memref<80000x32xf32, #tpu.memory_space<hbm>>) dst(%dma_wait3A_299 : memref<128x32xf32, #tpu.memory_space<vmem>>)
      %dma_wait3A_306 = arith.constant 1152 : i32
      %dma_wait3A_307 = arith.constant 0 : i32
      %dma_wait3A_308 = tpu.memref_slice %arg7[%dma_wait3A_306, %dma_wait3A_307] : memref<1280x32xf32, #tpu.memory_space<vmem>> -> memref<128x32xf32, #tpu.memory_space<vmem>>
      %dma_wait3A_309 = arith.constant 0 : i32
      %dma_wait3A_310 = tpu.memref_slice %arg6[%add3A_216, %dma_wait3A_309] : memref<60x128xi32, #tpu.memory_space<vmem>> -> memref<1x128xi32, #tpu.memory_space<vmem>>
      %dma_wait3A_311 = tpu.memref_squeeze %dma_wait3A_310 : memref<1x128xi32, #tpu.memory_space<vmem>> -> memref<128xi32, #tpu.memory_space<vmem>>
      %dma_wait3A_312 = arith.constant 0 : i32
      %dma_wait3A_313 = arith.constant 0 : i32
      %dma_wait3A_314 = tpu.memref_slice %arg5[%dma_wait3A_312, %dma_wait3A_313] : memref<80000x32xf32, #tpu.memory_space<hbm>> -> memref<80000x32xf32, #tpu.memory_space<hbm>>
      tpu.wait_indirect_dma semaphore(%arg8 : memref<!tpu.dma_semaphore, #tpu.memory_space<semaphore_mem>>) src(%dma_wait3A_314 : memref<80000x32xf32, #tpu.memory_space<hbm>>) dst(%dma_wait3A_308 : memref<128x32xf32, #tpu.memory_space<vmem>>)
      %mul3A_315 = arith.constant 10 : i32
      %mul3A_316 = arith.muli %while3A_96, %mul3A_315 : i32
      %add3A_317 = arith.addi %select_n3A, %mul3A_316 : i32
      %mul3A_318 = arith.constant 128 : i32
      %mul3A_319 = arith.muli %add3A_317, %mul3A_318 : i32
      %multiple_of3A_320 = tpu.assume_multiple %mul3A_319, 1280 : i32
      "tpu.region"() ({
        %run_scoped3A = tpu.sem_alloc : memref<!tpu.dma_semaphore, #tpu.memory_space<semaphore_mem>>
        %dma_start3A_321 = arith.constant 0 : i32
        %dma_start3A_322 = tpu.memref_slice %arg4[%multiple_of3A_320, %dma_start3A_321] : memref<163840x32xf32, #tpu.memory_space<hbm>> -> memref<1280x32xf32, #tpu.memory_space<hbm>>
        %dma_start3A_323 = arith.constant 0 : i32
        %dma_start3A_324 = tpu.memref_slice %arg4[%multiple_of3A_320, %dma_start3A_323] : memref<163840x32xf32, #tpu.memory_space<hbm>> -> memref<1280x32xf32, #tpu.memory_space<hbm>>
        tpu.enqueue_dma source(%arg7 : memref<1280x32xf32, #tpu.memory_space<vmem>>) target(%dma_start3A_324 : memref<1280x32xf32, #tpu.memory_space<hbm>>) target_semaphore(%run_scoped3A : memref<!tpu.dma_semaphore, #tpu.memory_space<semaphore_mem>>)
        %dma_wait3A_325 = arith.constant 0 : i32
        %dma_wait3A_326 = tpu.memref_slice %arg4[%multiple_of3A_320, %dma_wait3A_325] : memref<163840x32xf32, #tpu.memory_space<hbm>> -> memref<1280x32xf32, #tpu.memory_space<hbm>>
        %dma_wait3A_327 = arith.constant 0 : i32
        %dma_wait3A_328 = tpu.memref_slice %arg4[%multiple_of3A_320, %dma_wait3A_327] : memref<163840x32xf32, #tpu.memory_space<hbm>> -> memref<1280x32xf32, #tpu.memory_space<hbm>>
        tpu.wait_dma2 semaphore(%run_scoped3A : memref<!tpu.dma_semaphore, #tpu.memory_space<semaphore_mem>>) src(%arg7 : memref<1280x32xf32, #tpu.memory_space<vmem>>) dst(%dma_wait3A_328 : memref<1280x32xf32, #tpu.memory_space<hbm>>)
        tpu.yield
      }) : () -> ()
    }
    return
  }
}

#map = affine_map<(d0, d1) -> (0, 0)>
#map1 = affine_map<(d0, d1) -> (0, 0, 0)>
module attributes {stable_mosaic.version = 14 : i64} {
  func.func @_sc_scatter_body(%arg0: i32, %arg1: i32, %arg2: memref<163840x128xf32, #tpu.memory_space<hbm>>, %arg3: memref<10240x128xi32, #tpu.memory_space<hbm>>, %arg4: memref<2x5120x48xf32, #tpu.memory_space<hbm>>, %arg5: memref<80x128xi32, #tpu.memory_space<vmem>>, %arg6: memref<256x128xf32, #tpu.memory_space<vmem>>, %arg7: memref<5120x128xf32, #tpu.memory_space<vmem_shared>>, %arg8: memref<!tpu.dma_semaphore, #tpu.memory_space<semaphore_mem>>) attributes {dimension_semantics = [#tpu.dimension_semantics<core_parallel>, #tpu.dimension_semantics<subcore_parallel>], iteration_bounds = array<i64: 2, 16>, scalar_prefetch = 0 : i64, scratch_operands = 4 : i64, tpu.core_type = #tpu.core_type<sc_vector_subcore>, window_params = [{transform_indices = #map}, {transform_indices = #map}, {transform_indices = #map1}]} {
    %mul3A = arith.constant 5056 : i32
    %mul3A_0 = arith.muli %arg0, %mul3A : i32
    %mul3A_1 = arith.constant 10240 : i32
    %mul3A_2 = arith.muli %arg1, %mul3A_1 : i32
    %mul3A_3 = arith.constant 80 : i32
    %mul3A_4 = arith.muli %arg1, %mul3A_3 : i32
    "tpu.region"() ({
      %run_scoped3A = tpu.sem_alloc : memref<!tpu.dma_semaphore, #tpu.memory_space<semaphore_mem>>
      %dma_start3A_1704 = arith.constant 0 : i32
      %dma_start3A_1705 = tpu.memref_slice %arg3[%mul3A_4, %dma_start3A_1704] : memref<10240x128xi32, #tpu.memory_space<hbm>> -> memref<80x128xi32, #tpu.memory_space<hbm>>
      %dma_start3A_1706 = arith.constant 0 : i32
      %dma_start3A_1707 = tpu.memref_slice %arg3[%mul3A_4, %dma_start3A_1706] : memref<10240x128xi32, #tpu.memory_space<hbm>> -> memref<80x128xi32, #tpu.memory_space<hbm>>
      tpu.enqueue_dma source(%dma_start3A_1707 : memref<80x128xi32, #tpu.memory_space<hbm>>) target(%arg5 : memref<80x128xi32, #tpu.memory_space<vmem>>) target_semaphore(%run_scoped3A : memref<!tpu.dma_semaphore, #tpu.memory_space<semaphore_mem>>)
      %dma_wait3A_1708 = arith.constant 0 : i32
      %dma_wait3A_1709 = tpu.memref_slice %arg3[%mul3A_4, %dma_wait3A_1708] : memref<10240x128xi32, #tpu.memory_space<hbm>> -> memref<80x128xi32, #tpu.memory_space<hbm>>
      %dma_wait3A_1710 = arith.constant 0 : i32
      %dma_wait3A_1711 = tpu.memref_slice %arg3[%mul3A_4, %dma_wait3A_1710] : memref<10240x128xi32, #tpu.memory_space<hbm>> -> memref<80x128xi32, #tpu.memory_space<hbm>>
      tpu.wait_dma2 semaphore(%run_scoped3A : memref<!tpu.dma_semaphore, #tpu.memory_space<semaphore_mem>>) src(%dma_wait3A_1711 : memref<80x128xi32, #tpu.memory_space<hbm>>) dst(%arg5 : memref<80x128xi32, #tpu.memory_space<vmem>>)
      tpu.yield
    }) : () -> ()
    %scan3A = arith.constant 0 : i32
    %scan3A_5 = arith.constant 0 : i32
    %scan3A_6 = arith.constant 1280 : i32
    %scan3A_7 = arith.addi %scan3A_5, %scan3A_6 : i32
    %scan3A_8 = arith.constant 1 : i32
    scf.for %scan3A_1704 = %scan3A_5 to %scan3A_7 step %scan3A_8  : i32 {
      %jit3A = arith.constant 8 : i32
      %div3A = arith.divsi %scan3A_1704, %jit3A : i32
      %sign3A = arith.constant 0 : i32
      %sign3A_1705 = arith.cmpi sgt, %scan3A_1704, %sign3A : i32
      %sign3A_1706 = arith.extui %sign3A_1705 : i1 to i32
      %sign3A_1707 = arith.constant 0 : i32
      %sign3A_1708 = arith.cmpi slt, %scan3A_1704, %sign3A_1707 : i32
      %sign3A_1709 = arith.extui %sign3A_1708 : i1 to i32
      %sign3A_1710 = arith.subi %sign3A_1706, %sign3A_1709 : i32
      %sign3A_1711 = arith.constant 0 : i32
      %sign3A_1712 = arith.cmpi sgt, %jit3A, %sign3A_1711 : i32
      %sign3A_1713 = arith.extui %sign3A_1712 : i1 to i32
      %sign3A_1714 = arith.constant 0 : i32
      %sign3A_1715 = arith.cmpi slt, %jit3A, %sign3A_1714 : i32
      %sign3A_1716 = arith.extui %sign3A_1715 : i1 to i32
      %sign3A_1717 = arith.subi %sign3A_1713, %sign3A_1716 : i32
      %ne3A = arith.cmpi ne, %sign3A_1710, %sign3A_1717 : i32
      %rem3A = arith.remsi %scan3A_1704, %jit3A : i32
      %ne3A_1718 = arith.constant 0 : i32
      %ne3A_1719 = arith.cmpi ne, %rem3A, %ne3A_1718 : i32
      %and3A = arith.andi %ne3A, %ne3A_1719 : i1
      %sub3A = arith.constant 1 : i32
      %sub3A_1720 = arith.subi %div3A, %sub3A : i32
      %select_n3A = arith.select %and3A, %sub3A_1720, %div3A : i32
      %jit3A_1721 = arith.constant 8 : i32
      %eq3A = arith.constant 0 : i32
      %eq3A_1722 = arith.cmpi eq, %jit3A_1721, %eq3A : i32
      %jit3A_1723 = arith.constant 1 : i32
      %select_n3A_1724 = arith.select %eq3A_1722, %jit3A_1723, %jit3A_1721 : i32
      %rem3A_1725 = arith.remsi %scan3A_1704, %select_n3A_1724 : i32
      %ne3A_1726 = arith.constant 0 : i32
      %ne3A_1727 = arith.cmpi ne, %rem3A_1725, %ne3A_1726 : i32
      %lt3A = arith.constant 0 : i32
      %lt3A_1728 = arith.cmpi slt, %rem3A_1725, %lt3A : i32
      %lt3A_1729 = arith.constant 0 : i32
      %lt3A_1730 = arith.cmpi slt, %select_n3A_1724, %lt3A_1729 : i32
      %ne3A_1731 = arith.xori %lt3A_1728, %lt3A_1730 : i1
      %and3A_1732 = arith.andi %ne3A_1731, %ne3A_1727 : i1
      %add3A_1733 = arith.addi %rem3A_1725, %select_n3A_1724 : i32
      %select_n3A_1734 = arith.select %and3A_1732, %add3A_1733, %rem3A_1725 : i32
      %mul3A_1735 = arith.constant 16 : i32
      %mul3A_1736 = arith.muli %select_n3A_1734, %mul3A_1735 : i32
      %multiple_of3A = tpu.assume_multiple %mul3A_1736, 16 : i32
      %broadcast_in_dim3A = arith.constant 0.000000e+00 : f32
      %broadcast_in_dim3A_1737 = vector.broadcast %broadcast_in_dim3A : f32 to vector<16xf32>
      %swap3A = arith.index_cast %select_n3A : i32 to index
      %swap3A_1738 = arith.index_cast %multiple_of3A : i32 to index
      %swap3A_1739 = tpu.vector_load %arg6[%swap3A, %swap3A_1738] {strides = array<i32>} : memref<256x128xf32, #tpu.memory_space<vmem>>, vector<1x16xf32>,
      %swap3A_1740 = vector.shape_cast %swap3A_1739 : vector<1x16xf32> to vector<16xf32>
      %swap3A_1741 = vector.shape_cast %broadcast_in_dim3A_1737 : vector<16xf32> to vector<1x16xf32>
      tpu.vector_store %arg6[%swap3A, %swap3A_1738], %swap3A_1741 {strides = array<i32>} : memref<256x128xf32, #tpu.memory_space<vmem>>, vector<1x16xf32>,
    }
    %scan3A_9 = arith.constant 1280 : i32
    %mul3A_10 = arith.constant 320 : i32
    %mul3A_11 = arith.muli %arg1, %mul3A_10 : i32
    "tpu.region"() ({
      %run_scoped3A = tpu.sem_alloc : memref<!tpu.dma_semaphore, #tpu.memory_space<semaphore_mem>>
      %dma_start3A_1704 = arith.constant 0 : i32
      %dma_start3A_1705 = arith.constant 0 : i32
      %dma_start3A_1706 = tpu.memref_slice %arg6[%dma_start3A_1704, %dma_start3A_1705] : memref<256x128xf32, #tpu.memory_space<vmem>> -> memref<160x128xf32, #tpu.memory_space<vmem>>
      %dma_start3A_1707 = arith.constant 0 : i32
      %dma_start3A_1708 = tpu.memref_slice %arg7[%mul3A_11, %dma_start3A_1707] : memref<5120x128xf32, #tpu.memory_space<vmem_shared>> -> memref<160x128xf32, #tpu.memory_space<vmem_shared>>
      %dma_start3A_1709 = arith.constant 0 : i32
      %dma_start3A_1710 = tpu.memref_slice %arg7[%mul3A_11, %dma_start3A_1709] : memref<5120x128xf32, #tpu.memory_space<vmem_shared>> -> memref<160x128xf32, #tpu.memory_space<vmem_shared>>
      %dma_start3A_1711 = arith.constant 0 : i32
      %dma_start3A_1712 = arith.constant 0 : i32
      %dma_start3A_1713 = tpu.memref_slice %arg6[%dma_start3A_1711, %dma_start3A_1712] : memref<256x128xf32, #tpu.memory_space<vmem>> -> memref<160x128xf32, #tpu.memory_space<vmem>>
      tpu.enqueue_dma source(%dma_start3A_1713 : memref<160x128xf32, #tpu.memory_space<vmem>>) target(%dma_start3A_1710 : memref<160x128xf32, #tpu.memory_space<vmem_shared>>) target_semaphore(%run_scoped3A : memref<!tpu.dma_semaphore, #tpu.memory_space<semaphore_mem>>)
      %dma_wait3A_1714 = arith.constant 0 : i32
      %dma_wait3A_1715 = arith.constant 0 : i32
      %dma_wait3A_1716 = tpu.memref_slice %arg6[%dma_wait3A_1714, %dma_wait3A_1715] : memref<256x128xf32, #tpu.memory_space<vmem>> -> memref<160x128xf32, #tpu.memory_space<vmem>>
      %dma_wait3A_1717 = arith.constant 0 : i32
      %dma_wait3A_1718 = tpu.memref_slice %arg7[%mul3A_11, %dma_wait3A_1717] : memref<5120x128xf32, #tpu.memory_space<vmem_shared>> -> memref<160x128xf32, #tpu.memory_space<vmem_shared>>
      %dma_wait3A_1719 = arith.constant 0 : i32
      %dma_wait3A_1720 = tpu.memref_slice %arg7[%mul3A_11, %dma_wait3A_1719] : memref<5120x128xf32, #tpu.memory_space<vmem_shared>> -> memref<160x128xf32, #tpu.memory_space<vmem_shared>>
      %dma_wait3A_1721 = arith.constant 0 : i32
      %dma_wait3A_1722 = arith.constant 0 : i32
      %dma_wait3A_1723 = tpu.memref_slice %arg6[%dma_wait3A_1721, %dma_wait3A_1722] : memref<256x128xf32, #tpu.memory_space<vmem>> -> memref<160x128xf32, #tpu.memory_space<vmem>>
      tpu.wait_dma2 semaphore(%run_scoped3A : memref<!tpu.dma_semaphore, #tpu.memory_space<semaphore_mem>>) src(%dma_wait3A_1723 : memref<160x128xf32, #tpu.memory_space<vmem>>) dst(%dma_wait3A_1720 : memref<160x128xf32, #tpu.memory_space<vmem_shared>>)
      tpu.yield
    }) : () -> ()
    %mul3A_12 = arith.constant 320 : i32
    %mul3A_13 = arith.muli %arg1, %mul3A_12 : i32
    %add3A = arith.constant 160 : i32
    %add3A_14 = arith.addi %mul3A_13, %add3A : i32
    "tpu.region"() ({
      %run_scoped3A = tpu.sem_alloc : memref<!tpu.dma_semaphore, #tpu.memory_space<semaphore_mem>>
      %dma_start3A_1704 = arith.constant 0 : i32
      %dma_start3A_1705 = arith.constant 0 : i32
      %dma_start3A_1706 = tpu.memref_slice %arg6[%dma_start3A_1704, %dma_start3A_1705] : memref<256x128xf32, #tpu.memory_space<vmem>> -> memref<160x128xf32, #tpu.memory_space<vmem>>
      %dma_start3A_1707 = arith.constant 0 : i32
      %dma_start3A_1708 = tpu.memref_slice %arg7[%add3A_14, %dma_start3A_1707] : memref<5120x128xf32, #tpu.memory_space<vmem_shared>> -> memref<160x128xf32, #tpu.memory_space<vmem_shared>>
      %dma_start3A_1709 = arith.constant 0 : i32
      %dma_start3A_1710 = tpu.memref_slice %arg7[%add3A_14, %dma_start3A_1709] : memref<5120x128xf32, #tpu.memory_space<vmem_shared>> -> memref<160x128xf32, #tpu.memory_space<vmem_shared>>
      %dma_start3A_1711 = arith.constant 0 : i32
      %dma_start3A_1712 = arith.constant 0 : i32
      %dma_start3A_1713 = tpu.memref_slice %arg6[%dma_start3A_1711, %dma_start3A_1712] : memref<256x128xf32, #tpu.memory_space<vmem>> -> memref<160x128xf32, #tpu.memory_space<vmem>>
      tpu.enqueue_dma source(%dma_start3A_1713 : memref<160x128xf32, #tpu.memory_space<vmem>>) target(%dma_start3A_1710 : memref<160x128xf32, #tpu.memory_space<vmem_shared>>) target_semaphore(%run_scoped3A : memref<!tpu.dma_semaphore, #tpu.memory_space<semaphore_mem>>)
      %dma_wait3A_1714 = arith.constant 0 : i32
      %dma_wait3A_1715 = arith.constant 0 : i32
      %dma_wait3A_1716 = tpu.memref_slice %arg6[%dma_wait3A_1714, %dma_wait3A_1715] : memref<256x128xf32, #tpu.memory_space<vmem>> -> memref<160x128xf32, #tpu.memory_space<vmem>>
      %dma_wait3A_1717 = arith.constant 0 : i32
      %dma_wait3A_1718 = tpu.memref_slice %arg7[%add3A_14, %dma_wait3A_1717] : memref<5120x128xf32, #tpu.memory_space<vmem_shared>> -> memref<160x128xf32, #tpu.memory_space<vmem_shared>>
      %dma_wait3A_1719 = arith.constant 0 : i32
      %dma_wait3A_1720 = tpu.memref_slice %arg7[%add3A_14, %dma_wait3A_1719] : memref<5120x128xf32, #tpu.memory_space<vmem_shared>> -> memref<160x128xf32, #tpu.memory_space<vmem_shared>>
      %dma_wait3A_1721 = arith.constant 0 : i32
      %dma_wait3A_1722 = arith.constant 0 : i32
      %dma_wait3A_1723 = tpu.memref_slice %arg6[%dma_wait3A_1721, %dma_wait3A_1722] : memref<256x128xf32, #tpu.memory_space<vmem>> -> memref<160x128xf32, #tpu.memory_space<vmem>>
      tpu.wait_dma2 semaphore(%run_scoped3A : memref<!tpu.dma_semaphore, #tpu.memory_space<semaphore_mem>>) src(%dma_wait3A_1723 : memref<160x128xf32, #tpu.memory_space<vmem>>) dst(%dma_wait3A_1720 : memref<160x128xf32, #tpu.memory_space<vmem_shared>>)
      tpu.yield
    }) : () -> ()
    %scan3A_15 = arith.constant 0 : i32
    %scan3A_16 = arith.constant 0 : i32
    %scan3A_17 = arith.constant 640 : i32
    %scan3A_18 = arith.addi %scan3A_16, %scan3A_17 : i32
    %scan3A_19 = arith.constant 1 : i32
    scf.for %scan3A_1704 = %scan3A_16 to %scan3A_18 step %scan3A_19  : i32 {
      %jit3A = arith.constant 8 : i32
      %div3A = arith.divsi %scan3A_1704, %jit3A : i32
      %sign3A = arith.constant 0 : i32
      %sign3A_1705 = arith.cmpi sgt, %scan3A_1704, %sign3A : i32
      %sign3A_1706 = arith.extui %sign3A_1705 : i1 to i32
      %sign3A_1707 = arith.constant 0 : i32
      %sign3A_1708 = arith.cmpi slt, %scan3A_1704, %sign3A_1707 : i32
      %sign3A_1709 = arith.extui %sign3A_1708 : i1 to i32
      %sign3A_1710 = arith.subi %sign3A_1706, %sign3A_1709 : i32
      %sign3A_1711 = arith.constant 0 : i32
      %sign3A_1712 = arith.cmpi sgt, %jit3A, %sign3A_1711 : i32
      %sign3A_1713 = arith.extui %sign3A_1712 : i1 to i32
      %sign3A_1714 = arith.constant 0 : i32
      %sign3A_1715 = arith.cmpi slt, %jit3A, %sign3A_1714 : i32
      %sign3A_1716 = arith.extui %sign3A_1715 : i1 to i32
      %sign3A_1717 = arith.subi %sign3A_1713, %sign3A_1716 : i32
      %ne3A = arith.cmpi ne, %sign3A_1710, %sign3A_1717 : i32
      %rem3A = arith.remsi %scan3A_1704, %jit3A : i32
      %ne3A_1718 = arith.constant 0 : i32
      %ne3A_1719 = arith.cmpi ne, %rem3A, %ne3A_1718 : i32
      %and3A = arith.andi %ne3A, %ne3A_1719 : i1
      %sub3A = arith.constant 1 : i32
      %sub3A_1720 = arith.subi %div3A, %sub3A : i32
      %select_n3A = arith.select %and3A, %sub3A_1720, %div3A : i32
      %jit3A_1721 = arith.constant 8 : i32
      %eq3A = arith.constant 0 : i32
      %eq3A_1722 = arith.cmpi eq, %jit3A_1721, %eq3A : i32
      %jit3A_1723 = arith.constant 1 : i32
      %select_n3A_1724 = arith.select %eq3A_1722, %jit3A_1723, %jit3A_1721 : i32
      %rem3A_1725 = arith.remsi %scan3A_1704, %select_n3A_1724 : i32
      %ne3A_1726 = arith.constant 0 : i32
      %ne3A_1727 = arith.cmpi ne, %rem3A_1725, %ne3A_1726 : i32
      %lt3A = arith.constant 0 : i32
      %lt3A_1728 = arith.cmpi slt, %rem3A_1725, %lt3A : i32
      %lt3A_1729 = arith.constant 0 : i32
      %lt3A_1730 = arith.cmpi slt, %select_n3A_1724, %lt3A_1729 : i32
      %ne3A_1731 = arith.xori %lt3A_1728, %lt3A_1730 : i1
      %and3A_1732 = arith.andi %ne3A_1731, %ne3A_1727 : i1
      %add3A_1733 = arith.addi %rem3A_1725, %select_n3A_1724 : i32
      %select_n3A_1734 = arith.select %and3A_1732, %add3A_1733, %rem3A_1725 : i32
      %mul3A_1735 = arith.constant 16 : i32
      %mul3A_1736 = arith.muli %select_n3A_1734, %mul3A_1735 : i32
      %multiple_of3A = tpu.assume_multiple %mul3A_1736, 16 : i32
      %get3A = arith.index_cast %select_n3A : i32 to index
      %get3A_1737 = arith.index_cast %multiple_of3A : i32 to index
      %get3A_1738 = tpu.vector_load %arg5[%get3A, %get3A_1737] {strides = array<i32>} : memref<80x128xi32, #tpu.memory_space<vmem>>, vector<1x16xi32>,
      %get3A_1739 = vector.shape_cast %get3A_1738 : vector<1x16xi32> to vector<16xi32>
      %sub3A_1740 = vector.broadcast %mul3A_0 : i32 to vector<16xi32>
      %sub3A_1741 = arith.subi %get3A_1739, %sub3A_1740 : vector<16xi32>
      %ge3A = arith.constant 0 : i32
      %ge3A_1742 = vector.broadcast %ge3A : i32 to vector<16xi32>
      %ge3A_1743 = arith.cmpi sge, %sub3A_1741, %ge3A_1742 : vector<16xi32>
      %lt3A_1744 = arith.constant 5056 : i32
      %lt3A_1745 = vector.broadcast %lt3A_1744 : i32 to vector<16xi32>
      %lt3A_1746 = arith.cmpi slt, %sub3A_1741, %lt3A_1745 : vector<16xi32>
      %and3A_1747 = arith.andi %ge3A_1743, %lt3A_1746 : vector<16xi1>
      %jit3A_1748 = arith.constant 5056 : i32
      %broadcast_in_dim3A = vector.broadcast %jit3A_1748 : i32 to vector<16xi32>
      %select_n3A_1749 = arith.select %and3A_1747, %sub3A_1741, %broadcast_in_dim3A : vector<16xi1>, vector<16xi32>
      %swap3A = arith.index_cast %select_n3A : i32 to index
      %swap3A_1750 = arith.index_cast %multiple_of3A : i32 to index
      %swap3A_1751 = tpu.vector_load %arg5[%swap3A, %swap3A_1750] {strides = array<i32>} : memref<80x128xi32, #tpu.memory_space<vmem>>, vector<1x16xi32>,
      %swap3A_1752 = vector.shape_cast %swap3A_1751 : vector<1x16xi32> to vector<16xi32>
      %swap3A_1753 = vector.shape_cast %select_n3A_1749 : vector<16xi32> to vector<1x16xi32>
      tpu.vector_store %arg5[%swap3A, %swap3A_1750], %swap3A_1753 {strides = array<i32>} : memref<80x128xi32, #tpu.memory_space<vmem>>, vector<1x16xi32>,
    }
    %scan3A_20 = arith.constant 640 : i32
    %barrier3A = arith.constant 0 : index
    tpu.barrier barrier_id(%barrier3A)
    %add3A_21 = arith.constant 0 : i32
    %add3A_22 = arith.addi %mul3A_2, %add3A_21 : i32
    "tpu.region"() ({
      %run_scoped3A = tpu.sem_alloc : memref<!tpu.dma_semaphore, #tpu.memory_space<semaphore_mem>>
      %dma_start3A_1704 = arith.constant 0 : i32
      %dma_start3A_1705 = tpu.memref_slice %arg2[%add3A_22, %dma_start3A_1704] : memref<163840x128xf32, #tpu.memory_space<hbm>> -> memref<256x128xf32, #tpu.memory_space<hbm>>
      %dma_start3A_1706 = arith.constant 0 : i32
      %dma_start3A_1707 = tpu.memref_slice %arg2[%add3A_22, %dma_start3A_1706] : memref<163840x128xf32, #tpu.memory_space<hbm>> -> memref<256x128xf32, #tpu.memory_space<hbm>>
      tpu.enqueue_dma source(%dma_start3A_1707 : memref<256x128xf32, #tpu.memory_space<hbm>>) target(%arg6 : memref<256x128xf32, #tpu.memory_space<vmem>>) target_semaphore(%run_scoped3A : memref<!tpu.dma_semaphore, #tpu.memory_space<semaphore_mem>>)
      %dma_wait3A_1708 = arith.constant 0 : i32
      %dma_wait3A_1709 = tpu.memref_slice %arg2[%add3A_22, %dma_wait3A_1708] : memref<163840x128xf32, #tpu.memory_space<hbm>> -> memref<256x128xf32, #tpu.memory_space<hbm>>
      %dma_wait3A_1710 = arith.constant 0 : i32
      %dma_wait3A_1711 = tpu.memref_slice %arg2[%add3A_22, %dma_wait3A_1710] : memref<163840x128xf32, #tpu.memory_space<hbm>> -> memref<256x128xf32, #tpu.memory_space<hbm>>
      tpu.wait_dma2 semaphore(%run_scoped3A : memref<!tpu.dma_semaphore, #tpu.memory_space<semaphore_mem>>) src(%dma_wait3A_1711 : memref<256x128xf32, #tpu.memory_space<hbm>>) dst(%arg6 : memref<256x128xf32, #tpu.memory_space<vmem>>)
      tpu.yield
    }) : () -> ()
    %dma_start3A = arith.constant 0 : i32
    %dma_start3A_23 = arith.constant 0 : i32
    %dma_start3A_24 = arith.constant 0 : i32
    %dma_start3A_25 = tpu.memref_slice %arg6[%dma_start3A_23, %dma_start3A_24] : memref<256x128xf32, #tpu.memory_space<vmem>> -> memref<128x128xf32, #tpu.memory_space<vmem>>
    %dma_start3A_26 = arith.constant 0 : i32
    %dma_start3A_27 = tpu.memref_slice %arg5[%dma_start3A, %dma_start3A_26] : memref<80x128xi32, #tpu.memory_space<vmem>> -> memref<1x128xi32, #tpu.memory_space<vmem>>
    %dma_start3A_28 = tpu.memref_squeeze %dma_start3A_27 : memref<1x128xi32, #tpu.memory_space<vmem>> -> memref<128xi32, #tpu.memory_space<vmem>>
    %dma_start3A_29 = arith.constant 0 : i32
    %dma_start3A_30 = arith.constant 0 : i32
    %dma_start3A_31 = tpu.memref_slice %arg7[%dma_start3A_29, %dma_start3A_30] : memref<5120x128xf32, #tpu.memory_space<vmem_shared>> -> memref<5120x128xf32, #tpu.memory_space<vmem_shared>>
    tpu.enqueue_indirect_dma source(%dma_start3A_25 : memref<128x128xf32, #tpu.memory_space<vmem>>) target(%dma_start3A_31 : memref<5120x128xf32, #tpu.memory_space<vmem_shared>>) offsets(%dma_start3A_28 : memref<128xi32, #tpu.memory_space<vmem>>) semaphore(%arg8 : memref<!tpu.dma_semaphore, #tpu.memory_space<semaphore_mem>>) {add = true}
    %dma_start3A_32 = arith.constant 1 : i32
    %dma_start3A_33 = arith.constant 128 : i32
    %dma_start3A_34 = arith.constant 0 : i32
    %dma_start3A_35 = tpu.memref_slice %arg6[%dma_start3A_33, %dma_start3A_34] : memref<256x128xf32, #tpu.memory_space<vmem>> -> memref<128x128xf32, #tpu.memory_space<vmem>>
    %dma_start3A_36 = arith.constant 0 : i32
    %dma_start3A_37 = tpu.memref_slice %arg5[%dma_start3A_32, %dma_start3A_36] : memref<80x128xi32, #tpu.memory_space<vmem>> -> memref<1x128xi32, #tpu.memory_space<vmem>>
    %dma_start3A_38 = tpu.memref_squeeze %dma_start3A_37 : memref<1x128xi32, #tpu.memory_space<vmem>> -> memref<128xi32, #tpu.memory_space<vmem>>
    %dma_start3A_39 = arith.constant 0 : i32
    %dma_start3A_40 = arith.constant 0 : i32
    %dma_start3A_41 = tpu.memref_slice %arg7[%dma_start3A_39, %dma_start3A_40] : memref<5120x128xf32, #tpu.memory_space<vmem_shared>> -> memref<5120x128xf32, #tpu.memory_space<vmem_shared>>
    tpu.enqueue_indirect_dma source(%dma_start3A_35 : memref<128x128xf32, #tpu.memory_space<vmem>>) target(%dma_start3A_41 : memref<5120x128xf32, #tpu.memory_space<vmem_shared>>) offsets(%dma_start3A_38 : memref<128xi32, #tpu.memory_space<vmem>>) semaphore(%arg8 : memref<!tpu.dma_semaphore, #tpu.memory_space<semaphore_mem>>) {add = true}
    %dma_wait3A = arith.constant 0 : i32
    %dma_wait3A_42 = arith.constant 0 : i32
    %dma_wait3A_43 = arith.constant 0 : i32
    %dma_wait3A_44 = tpu.memref_slice %arg6[%dma_wait3A_42, %dma_wait3A_43] : memref<256x128xf32, #tpu.memory_space<vmem>> -> memref<128x128xf32, #tpu.memory_space<vmem>>
    %dma_wait3A_45 = arith.constant 0 : i32
    %dma_wait3A_46 = tpu.memref_slice %arg5[%dma_wait3A, %dma_wait3A_45] : memref<80x128xi32, #tpu.memory_space<vmem>> -> memref<1x128xi32, #tpu.memory_space<vmem>>
    %dma_wait3A_47 = tpu.memref_squeeze %dma_wait3A_46 : memref<1x128xi32, #tpu.memory_space<vmem>> -> memref<128xi32, #tpu.memory_space<vmem>>
    %dma_wait3A_48 = arith.constant 0 : i32
    %dma_wait3A_49 = arith.constant 0 : i32
    %dma_wait3A_50 = tpu.memref_slice %arg7[%dma_wait3A_48, %dma_wait3A_49] : memref<5120x128xf32, #tpu.memory_space<vmem_shared>> -> memref<5120x128xf32, #tpu.memory_space<vmem_shared>>
    tpu.wait_indirect_dma semaphore(%arg8 : memref<!tpu.dma_semaphore, #tpu.memory_space<semaphore_mem>>) src(%dma_wait3A_44 : memref<128x128xf32, #tpu.memory_space<vmem>>) dst(%dma_wait3A_50 : memref<5120x128xf32, #tpu.memory_space<vmem_shared>>)
    %dma_wait3A_51 = arith.constant 1 : i32
    %dma_wait3A_52 = arith.constant 128 : i32
    %dma_wait3A_53 = arith.constant 0 : i32
    %dma_wait3A_54 = tpu.memref_slice %arg6[%dma_wait3A_52, %dma_wait3A_53] : memref<256x128xf32, #tpu.memory_space<vmem>> -> memref<128x128xf32, #tpu.memory_space<vmem>>
    %dma_wait3A_55 = arith.constant 0 : i32
    %dma_wait3A_56 = tpu.memref_slice %arg5[%dma_wait3A_51, %dma_wait3A_55] : memref<80x128xi32, #tpu.memory_space<vmem>> -> memref<1x128xi32, #tpu.memory_space<vmem>>
    %dma_wait3A_57 = tpu.memref_squeeze %dma_wait3A_56 : memref<1x128xi32, #tpu.memory_space<vmem>> -> memref<128xi32, #tpu.memory_space<vmem>>
    %dma_wait3A_58 = arith.constant 0 : i32
    %dma_wait3A_59 = arith.constant 0 : i32
    %dma_wait3A_60 = tpu.memref_slice %arg7[%dma_wait3A_58, %dma_wait3A_59] : memref<5120x128xf32, #tpu.memory_space<vmem_shared>> -> memref<5120x128xf32, #tpu.memory_space<vmem_shared>>
    tpu.wait_indirect_dma semaphore(%arg8 : memref<!tpu.dma_semaphore, #tpu.memory_space<semaphore_mem>>) src(%dma_wait3A_54 : memref<128x128xf32, #tpu.memory_space<vmem>>) dst(%dma_wait3A_60 : memref<5120x128xf32, #tpu.memory_space<vmem_shared>>)
    %add3A_61 = arith.constant 256 : i32
    %add3A_62 = arith.addi %mul3A_2, %add3A_61 : i32
    "tpu.region"() ({
      %run_scoped3A = tpu.sem_alloc : memref<!tpu.dma_semaphore, #tpu.memory_space<semaphore_mem>>
      %dma_start3A_1704 = arith.constant 0 : i32
      %dma_start3A_1705 = tpu.memref_slice %arg2[%add3A_62, %dma_start3A_1704] : memref<163840x128xf32, #tpu.memory_space<hbm>> -> memref<256x128xf32, #tpu.memory_space<hbm>>
      %dma_start3A_1706 = arith.constant 0 : i32
      %dma_start3A_1707 = tpu.memref_slice %arg2[%add3A_62, %dma_start3A_1706] : memref<163840x128xf32, #tpu.memory_space<hbm>> -> memref<256x128xf32, #tpu.memory_space<hbm>>
      tpu.enqueue_dma source(%dma_start3A_1707 : memref<256x128xf32, #tpu.memory_space<hbm>>) target(%arg6 : memref<256x128xf32, #tpu.memory_space<vmem>>) target_semaphore(%run_scoped3A : memref<!tpu.dma_semaphore, #tpu.memory_space<semaphore_mem>>)
      %dma_wait3A_1708 = arith.constant 0 : i32
      %dma_wait3A_1709 = tpu.memref_slice %arg2[%add3A_62, %dma_wait3A_1708] : memref<163840x128xf32, #tpu.memory_space<hbm>> -> memref<256x128xf32, #tpu.memory_space<hbm>>
      %dma_wait3A_1710 = arith.constant 0 : i32
      %dma_wait3A_1711 = tpu.memref_slice %arg2[%add3A_62, %dma_wait3A_1710] : memref<163840x128xf32, #tpu.memory_space<hbm>> -> memref<256x128xf32, #tpu.memory_space<hbm>>
      tpu.wait_dma2 semaphore(%run_scoped3A : memref<!tpu.dma_semaphore, #tpu.memory_space<semaphore_mem>>) src(%dma_wait3A_1711 : memref<256x128xf32, #tpu.memory_space<hbm>>) dst(%arg6 : memref<256x128xf32, #tpu.memory_space<vmem>>)
      tpu.yield
    }) : () -> ()
    %dma_start3A_63 = arith.constant 2 : i32
    %dma_start3A_64 = arith.constant 0 : i32
    %dma_start3A_65 = arith.constant 0 : i32
    %dma_start3A_66 = tpu.memref_slice %arg6[%dma_start3A_64, %dma_start3A_65] : memref<256x128xf32, #tpu.memory_space<vmem>> -> memref<128x128xf32, #tpu.memory_space<vmem>>
    %dma_start3A_67 = arith.constant 0 : i32
    %dma_start3A_68 = tpu.memref_slice %arg5[%dma_start3A_63, %dma_start3A_67] : memref<80x128xi32, #tpu.memory_space<vmem>> -> memref<1x128xi32, #tpu.memory_space<vmem>>
    %dma_start3A_69 = tpu.memref_squeeze %dma_start3A_68 : memref<1x128xi32, #tpu.memory_space<vmem>> -> memref<128xi32, #tpu.memory_space<vmem>>
    %dma_start3A_70 = arith.constant 0 : i32
    %dma_start3A_71 = arith.constant 0 : i32
    %dma_start3A_72 = tpu.memref_slice %arg7[%dma_start3A_70, %dma_start3A_71] : memref<5120x128xf32, #tpu.memory_space<vmem_shared>> -> memref<5120x128xf32, #tpu.memory_space<vmem_shared>>
    tpu.enqueue_indirect_dma source(%dma_start3A_66 : memref<128x128xf32, #tpu.memory_space<vmem>>) target(%dma_start3A_72 : memref<5120x128xf32, #tpu.memory_space<vmem_shared>>) offsets(%dma_start3A_69 : memref<128xi32, #tpu.memory_space<vmem>>) semaphore(%arg8 : memref<!tpu.dma_semaphore, #tpu.memory_space<semaphore_mem>>) {add = true}
    %dma_start3A_73 = arith.constant 3 : i32
    %dma_start3A_74 = arith.constant 128 : i32
    %dma_start3A_75 = arith.constant 0 : i32
    %dma_start3A_76 = tpu.memref_slice %arg6[%dma_start3A_74, %dma_start3A_75] : memref<256x128xf32, #tpu.memory_space<vmem>> -> memref<128x128xf32, #tpu.memory_space<vmem>>
    %dma_start3A_77 = arith.constant 0 : i32
    %dma_start3A_78 = tpu.memref_slice %arg5[%dma_start3A_73, %dma_start3A_77] : memref<80x128xi32, #tpu.memory_space<vmem>> -> memref<1x128xi32, #tpu.memory_space<vmem>>
    %dma_start3A_79 = tpu.memref_squeeze %dma_start3A_78 : memref<1x128xi32, #tpu.memory_space<vmem>> -> memref<128xi32, #tpu.memory_space<vmem>>
    %dma_start3A_80 = arith.constant 0 : i32
    %dma_start3A_81 = arith.constant 0 : i32
    %dma_start3A_82 = tpu.memref_slice %arg7[%dma_start3A_80, %dma_start3A_81] : memref<5120x128xf32, #tpu.memory_space<vmem_shared>> -> memref<5120x128xf32, #tpu.memory_space<vmem_shared>>
    tpu.enqueue_indirect_dma source(%dma_start3A_76 : memref<128x128xf32, #tpu.memory_space<vmem>>) target(%dma_start3A_82 : memref<5120x128xf32, #tpu.memory_space<vmem_shared>>) offsets(%dma_start3A_79 : memref<128xi32, #tpu.memory_space<vmem>>) semaphore(%arg8 : memref<!tpu.dma_semaphore, #tpu.memory_space<semaphore_mem>>) {add = true}
    %dma_wait3A_83 = arith.constant 2 : i32
    %dma_wait3A_84 = arith.constant 0 : i32
    %dma_wait3A_85 = arith.constant 0 : i32
    %dma_wait3A_86 = tpu.memref_slice %arg6[%dma_wait3A_84, %dma_wait3A_85] : memref<256x128xf32, #tpu.memory_space<vmem>> -> memref<128x128xf32, #tpu.memory_space<vmem>>
    %dma_wait3A_87 = arith.constant 0 : i32
    %dma_wait3A_88 = tpu.memref_slice %arg5[%dma_wait3A_83, %dma_wait3A_87] : memref<80x128xi32, #tpu.memory_space<vmem>> -> memref<1x128xi32, #tpu.memory_space<vmem>>
    %dma_wait3A_89 = tpu.memref_squeeze %dma_wait3A_88 : memref<1x128xi32, #tpu.memory_space<vmem>> -> memref<128xi32, #tpu.memory_space<vmem>>
    %dma_wait3A_90 = arith.constant 0 : i32
    %dma_wait3A_91 = arith.constant 0 : i32
    %dma_wait3A_92 = tpu.memref_slice %arg7[%dma_wait3A_90, %dma_wait3A_91] : memref<5120x128xf32, #tpu.memory_space<vmem_shared>> -> memref<5120x128xf32, #tpu.memory_space<vmem_shared>>
    tpu.wait_indirect_dma semaphore(%arg8 : memref<!tpu.dma_semaphore, #tpu.memory_space<semaphore_mem>>) src(%dma_wait3A_86 : memref<128x128xf32, #tpu.memory_space<vmem>>) dst(%dma_wait3A_92 : memref<5120x128xf32, #tpu.memory_space<vmem_shared>>)
    %dma_wait3A_93 = arith.constant 3 : i32
    %dma_wait3A_94 = arith.constant 128 : i32
    %dma_wait3A_95 = arith.constant 0 : i32
    %dma_wait3A_96 = tpu.memref_slice %arg6[%dma_wait3A_94, %dma_wait3A_95] : memref<256x128xf32, #tpu.memory_space<vmem>> -> memref<128x128xf32, #tpu.memory_space<vmem>>
    %dma_wait3A_97 = arith.constant 0 : i32
    %dma_wait3A_98 = tpu.memref_slice %arg5[%dma_wait3A_93, %dma_wait3A_97] : memref<80x128xi32, #tpu.memory_space<vmem>> -> memref<1x128xi32, #tpu.memory_space<vmem>>
    %dma_wait3A_99 = tpu.memref_squeeze %dma_wait3A_98 : memref<1x128xi32, #tpu.memory_space<vmem>> -> memref<128xi32, #tpu.memory_space<vmem>>
    %dma_wait3A_100 = arith.constant 0 : i32
    %dma_wait3A_101 = arith.constant 0 : i32
    %dma_wait3A_102 = tpu.memref_slice %arg7[%dma_wait3A_100, %dma_wait3A_101] : memref<5120x128xf32, #tpu.memory_space<vmem_shared>> -> memref<5120x128xf32, #tpu.memory_space<vmem_shared>>
    tpu.wait_indirect_dma semaphore(%arg8 : memref<!tpu.dma_semaphore, #tpu.memory_space<semaphore_mem>>) src(%dma_wait3A_96 : memref<128x128xf32, #tpu.memory_space<vmem>>) dst(%dma_wait3A_102 : memref<5120x128xf32, #tpu.memory_space<vmem_shared>>)
    %add3A_103 = arith.constant 512 : i32
    %add3A_104 = arith.addi %mul3A_2, %add3A_103 : i32
    "tpu.region"() ({
      %run_scoped3A = tpu.sem_alloc : memref<!tpu.dma_semaphore, #tpu.memory_space<semaphore_mem>>
      %dma_start3A_1704 = arith.constant 0 : i32
      %dma_start3A_1705 = tpu.memref_slice %arg2[%add3A_104, %dma_start3A_1704] : memref<163840x128xf32, #tpu.memory_space<hbm>> -> memref<256x128xf32, #tpu.memory_space<hbm>>
      %dma_start3A_1706 = arith.constant 0 : i32
      %dma_start3A_1707 = tpu.memref_slice %arg2[%add3A_104, %dma_start3A_1706] : memref<163840x128xf32, #tpu.memory_space<hbm>> -> memref<256x128xf32, #tpu.memory_space<hbm>>
      tpu.enqueue_dma source(%dma_start3A_1707 : memref<256x128xf32, #tpu.memory_space<hbm>>) target(%arg6 : memref<256x128xf32, #tpu.memory_space<vmem>>) target_semaphore(%run_scoped3A : memref<!tpu.dma_semaphore, #tpu.memory_space<semaphore_mem>>)
      %dma_wait3A_1708 = arith.constant 0 : i32
      %dma_wait3A_1709 = tpu.memref_slice %arg2[%add3A_104, %dma_wait3A_1708] : memref<163840x128xf32, #tpu.memory_space<hbm>> -> memref<256x128xf32, #tpu.memory_space<hbm>>
      %dma_wait3A_1710 = arith.constant 0 : i32
      %dma_wait3A_1711 = tpu.memref_slice %arg2[%add3A_104, %dma_wait3A_1710] : memref<163840x128xf32, #tpu.memory_space<hbm>> -> memref<256x128xf32, #tpu.memory_space<hbm>>
      tpu.wait_dma2 semaphore(%run_scoped3A : memref<!tpu.dma_semaphore, #tpu.memory_space<semaphore_mem>>) src(%dma_wait3A_1711 : memref<256x128xf32, #tpu.memory_space<hbm>>) dst(%arg6 : memref<256x128xf32, #tpu.memory_space<vmem>>)
      tpu.yield
    }) : () -> ()
    %dma_start3A_105 = arith.constant 4 : i32
    %dma_start3A_106 = arith.constant 0 : i32
    %dma_start3A_107 = arith.constant 0 : i32
    %dma_start3A_108 = tpu.memref_slice %arg6[%dma_start3A_106, %dma_start3A_107] : memref<256x128xf32, #tpu.memory_space<vmem>> -> memref<128x128xf32, #tpu.memory_space<vmem>>
    %dma_start3A_109 = arith.constant 0 : i32
    %dma_start3A_110 = tpu.memref_slice %arg5[%dma_start3A_105, %dma_start3A_109] : memref<80x128xi32, #tpu.memory_space<vmem>> -> memref<1x128xi32, #tpu.memory_space<vmem>>
    %dma_start3A_111 = tpu.memref_squeeze %dma_start3A_110 : memref<1x128xi32, #tpu.memory_space<vmem>> -> memref<128xi32, #tpu.memory_space<vmem>>
    %dma_start3A_112 = arith.constant 0 : i32
    %dma_start3A_113 = arith.constant 0 : i32
    %dma_start3A_114 = tpu.memref_slice %arg7[%dma_start3A_112, %dma_start3A_113] : memref<5120x128xf32, #tpu.memory_space<vmem_shared>> -> memref<5120x128xf32, #tpu.memory_space<vmem_shared>>
    tpu.enqueue_indirect_dma source(%dma_start3A_108 : memref<128x128xf32, #tpu.memory_space<vmem>>) target(%dma_start3A_114 : memref<5120x128xf32, #tpu.memory_space<vmem_shared>>) offsets(%dma_start3A_111 : memref<128xi32, #tpu.memory_space<vmem>>) semaphore(%arg8 : memref<!tpu.dma_semaphore, #tpu.memory_space<semaphore_mem>>) {add = true}
    %dma_start3A_115 = arith.constant 5 : i32
    %dma_start3A_116 = arith.constant 128 : i32
    %dma_start3A_117 = arith.constant 0 : i32
    %dma_start3A_118 = tpu.memref_slice %arg6[%dma_start3A_116, %dma_start3A_117] : memref<256x128xf32, #tpu.memory_space<vmem>> -> memref<128x128xf32, #tpu.memory_space<vmem>>
    %dma_start3A_119 = arith.constant 0 : i32
    %dma_start3A_120 = tpu.memref_slice %arg5[%dma_start3A_115, %dma_start3A_119] : memref<80x128xi32, #tpu.memory_space<vmem>> -> memref<1x128xi32, #tpu.memory_space<vmem>>
    %dma_start3A_121 = tpu.memref_squeeze %dma_start3A_120 : memref<1x128xi32, #tpu.memory_space<vmem>> -> memref<128xi32, #tpu.memory_space<vmem>>
    %dma_start3A_122 = arith.constant 0 : i32
    %dma_start3A_123 = arith.constant 0 : i32
    %dma_start3A_124 = tpu.memref_slice %arg7[%dma_start3A_122, %dma_start3A_123] : memref<5120x128xf32, #tpu.memory_space<vmem_shared>> -> memref<5120x128xf32, #tpu.memory_space<vmem_shared>>
    tpu.enqueue_indirect_dma source(%dma_start3A_118 : memref<128x128xf32, #tpu.memory_space<vmem>>) target(%dma_start3A_124 : memref<5120x128xf32, #tpu.memory_space<vmem_shared>>) offsets(%dma_start3A_121 : memref<128xi32, #tpu.memory_space<vmem>>) semaphore(%arg8 : memref<!tpu.dma_semaphore, #tpu.memory_space<semaphore_mem>>) {add = true}
    %dma_wait3A_125 = arith.constant 4 : i32
    %dma_wait3A_126 = arith.constant 0 : i32
    %dma_wait3A_127 = arith.constant 0 : i32
    %dma_wait3A_128 = tpu.memref_slice %arg6[%dma_wait3A_126, %dma_wait3A_127] : memref<256x128xf32, #tpu.memory_space<vmem>> -> memref<128x128xf32, #tpu.memory_space<vmem>>
    %dma_wait3A_129 = arith.constant 0 : i32
    %dma_wait3A_130 = tpu.memref_slice %arg5[%dma_wait3A_125, %dma_wait3A_129] : memref<80x128xi32, #tpu.memory_space<vmem>> -> memref<1x128xi32, #tpu.memory_space<vmem>>
    %dma_wait3A_131 = tpu.memref_squeeze %dma_wait3A_130 : memref<1x128xi32, #tpu.memory_space<vmem>> -> memref<128xi32, #tpu.memory_space<vmem>>
    %dma_wait3A_132 = arith.constant 0 : i32
    %dma_wait3A_133 = arith.constant 0 : i32
    %dma_wait3A_134 = tpu.memref_slice %arg7[%dma_wait3A_132, %dma_wait3A_133] : memref<5120x128xf32, #tpu.memory_space<vmem_shared>> -> memref<5120x128xf32, #tpu.memory_space<vmem_shared>>
    tpu.wait_indirect_dma semaphore(%arg8 : memref<!tpu.dma_semaphore, #tpu.memory_space<semaphore_mem>>) src(%dma_wait3A_128 : memref<128x128xf32, #tpu.memory_space<vmem>>) dst(%dma_wait3A_134 : memref<5120x128xf32, #tpu.memory_space<vmem_shared>>)
    %dma_wait3A_135 = arith.constant 5 : i32
    %dma_wait3A_136 = arith.constant 128 : i32
    %dma_wait3A_137 = arith.constant 0 : i32
    %dma_wait3A_138 = tpu.memref_slice %arg6[%dma_wait3A_136, %dma_wait3A_137] : memref<256x128xf32, #tpu.memory_space<vmem>> -> memref<128x128xf32, #tpu.memory_space<vmem>>
    %dma_wait3A_139 = arith.constant 0 : i32
    %dma_wait3A_140 = tpu.memref_slice %arg5[%dma_wait3A_135, %dma_wait3A_139] : memref<80x128xi32, #tpu.memory_space<vmem>> -> memref<1x128xi32, #tpu.memory_space<vmem>>
    %dma_wait3A_141 = tpu.memref_squeeze %dma_wait3A_140 : memref<1x128xi32, #tpu.memory_space<vmem>> -> memref<128xi32, #tpu.memory_space<vmem>>
    %dma_wait3A_142 = arith.constant 0 : i32
    %dma_wait3A_143 = arith.constant 0 : i32
    %dma_wait3A_144 = tpu.memref_slice %arg7[%dma_wait3A_142, %dma_wait3A_143] : memref<5120x128xf32, #tpu.memory_space<vmem_shared>> -> memref<5120x128xf32, #tpu.memory_space<vmem_shared>>
    tpu.wait_indirect_dma semaphore(%arg8 : memref<!tpu.dma_semaphore, #tpu.memory_space<semaphore_mem>>) src(%dma_wait3A_138 : memref<128x128xf32, #tpu.memory_space<vmem>>) dst(%dma_wait3A_144 : memref<5120x128xf32, #tpu.memory_space<vmem_shared>>)
    %add3A_145 = arith.constant 768 : i32
    %add3A_146 = arith.addi %mul3A_2, %add3A_145 : i32
    "tpu.region"() ({
      %run_scoped3A = tpu.sem_alloc : memref<!tpu.dma_semaphore, #tpu.memory_space<semaphore_mem>>
      %dma_start3A_1704 = arith.constant 0 : i32
      %dma_start3A_1705 = tpu.memref_slice %arg2[%add3A_146, %dma_start3A_1704] : memref<163840x128xf32, #tpu.memory_space<hbm>> -> memref<256x128xf32, #tpu.memory_space<hbm>>
      %dma_start3A_1706 = arith.constant 0 : i32
      %dma_start3A_1707 = tpu.memref_slice %arg2[%add3A_146, %dma_start3A_1706] : memref<163840x128xf32, #tpu.memory_space<hbm>> -> memref<256x128xf32, #tpu.memory_space<hbm>>
      tpu.enqueue_dma source(%dma_start3A_1707 : memref<256x128xf32, #tpu.memory_space<hbm>>) target(%arg6 : memref<256x128xf32, #tpu.memory_space<vmem>>) target_semaphore(%run_scoped3A : memref<!tpu.dma_semaphore, #tpu.memory_space<semaphore_mem>>)
      %dma_wait3A_1708 = arith.constant 0 : i32
      %dma_wait3A_1709 = tpu.memref_slice %arg2[%add3A_146, %dma_wait3A_1708] : memref<163840x128xf32, #tpu.memory_space<hbm>> -> memref<256x128xf32, #tpu.memory_space<hbm>>
      %dma_wait3A_1710 = arith.constant 0 : i32
      %dma_wait3A_1711 = tpu.memref_slice %arg2[%add3A_146, %dma_wait3A_1710] : memref<163840x128xf32, #tpu.memory_space<hbm>> -> memref<256x128xf32, #tpu.memory_space<hbm>>
      tpu.wait_dma2 semaphore(%run_scoped3A : memref<!tpu.dma_semaphore, #tpu.memory_space<semaphore_mem>>) src(%dma_wait3A_1711 : memref<256x128xf32, #tpu.memory_space<hbm>>) dst(%arg6 : memref<256x128xf32, #tpu.memory_space<vmem>>)
      tpu.yield
    }) : () -> ()
    %dma_start3A_147 = arith.constant 6 : i32
    %dma_start3A_148 = arith.constant 0 : i32
    %dma_start3A_149 = arith.constant 0 : i32
    %dma_start3A_150 = tpu.memref_slice %arg6[%dma_start3A_148, %dma_start3A_149] : memref<256x128xf32, #tpu.memory_space<vmem>> -> memref<128x128xf32, #tpu.memory_space<vmem>>
    %dma_start3A_151 = arith.constant 0 : i32
    %dma_start3A_152 = tpu.memref_slice %arg5[%dma_start3A_147, %dma_start3A_151] : memref<80x128xi32, #tpu.memory_space<vmem>> -> memref<1x128xi32, #tpu.memory_space<vmem>>
    %dma_start3A_153 = tpu.memref_squeeze %dma_start3A_152 : memref<1x128xi32, #tpu.memory_space<vmem>> -> memref<128xi32, #tpu.memory_space<vmem>>
    %dma_start3A_154 = arith.constant 0 : i32
    %dma_start3A_155 = arith.constant 0 : i32
    %dma_start3A_156 = tpu.memref_slice %arg7[%dma_start3A_154, %dma_start3A_155] : memref<5120x128xf32, #tpu.memory_space<vmem_shared>> -> memref<5120x128xf32, #tpu.memory_space<vmem_shared>>
    tpu.enqueue_indirect_dma source(%dma_start3A_150 : memref<128x128xf32, #tpu.memory_space<vmem>>) target(%dma_start3A_156 : memref<5120x128xf32, #tpu.memory_space<vmem_shared>>) offsets(%dma_start3A_153 : memref<128xi32, #tpu.memory_space<vmem>>) semaphore(%arg8 : memref<!tpu.dma_semaphore, #tpu.memory_space<semaphore_mem>>) {add = true}
    %dma_start3A_157 = arith.constant 7 : i32
    %dma_start3A_158 = arith.constant 128 : i32
    %dma_start3A_159 = arith.constant 0 : i32
    %dma_start3A_160 = tpu.memref_slice %arg6[%dma_start3A_158, %dma_start3A_159] : memref<256x128xf32, #tpu.memory_space<vmem>> -> memref<128x128xf32, #tpu.memory_space<vmem>>
    %dma_start3A_161 = arith.constant 0 : i32
    %dma_start3A_162 = tpu.memref_slice %arg5[%dma_start3A_157, %dma_start3A_161] : memref<80x128xi32, #tpu.memory_space<vmem>> -> memref<1x128xi32, #tpu.memory_space<vmem>>
    %dma_start3A_163 = tpu.memref_squeeze %dma_start3A_162 : memref<1x128xi32, #tpu.memory_space<vmem>> -> memref<128xi32, #tpu.memory_space<vmem>>
    %dma_start3A_164 = arith.constant 0 : i32
    %dma_start3A_165 = arith.constant 0 : i32
    %dma_start3A_166 = tpu.memref_slice %arg7[%dma_start3A_164, %dma_start3A_165] : memref<5120x128xf32, #tpu.memory_space<vmem_shared>> -> memref<5120x128xf32, #tpu.memory_space<vmem_shared>>
    tpu.enqueue_indirect_dma source(%dma_start3A_160 : memref<128x128xf32, #tpu.memory_space<vmem>>) target(%dma_start3A_166 : memref<5120x128xf32, #tpu.memory_space<vmem_shared>>) offsets(%dma_start3A_163 : memref<128xi32, #tpu.memory_space<vmem>>) semaphore(%arg8 : memref<!tpu.dma_semaphore, #tpu.memory_space<semaphore_mem>>) {add = true}
    %dma_wait3A_167 = arith.constant 6 : i32
    %dma_wait3A_168 = arith.constant 0 : i32
    %dma_wait3A_169 = arith.constant 0 : i32
    %dma_wait3A_170 = tpu.memref_slice %arg6[%dma_wait3A_168, %dma_wait3A_169] : memref<256x128xf32, #tpu.memory_space<vmem>> -> memref<128x128xf32, #tpu.memory_space<vmem>>
    %dma_wait3A_171 = arith.constant 0 : i32
    %dma_wait3A_172 = tpu.memref_slice %arg5[%dma_wait3A_167, %dma_wait3A_171] : memref<80x128xi32, #tpu.memory_space<vmem>> -> memref<1x128xi32, #tpu.memory_space<vmem>>
    %dma_wait3A_173 = tpu.memref_squeeze %dma_wait3A_172 : memref<1x128xi32, #tpu.memory_space<vmem>> -> memref<128xi32, #tpu.memory_space<vmem>>
    %dma_wait3A_174 = arith.constant 0 : i32
    %dma_wait3A_175 = arith.constant 0 : i32
    %dma_wait3A_176 = tpu.memref_slice %arg7[%dma_wait3A_174, %dma_wait3A_175] : memref<5120x128xf32, #tpu.memory_space<vmem_shared>> -> memref<5120x128xf32, #tpu.memory_space<vmem_shared>>
    tpu.wait_indirect_dma semaphore(%arg8 : memref<!tpu.dma_semaphore, #tpu.memory_space<semaphore_mem>>) src(%dma_wait3A_170 : memref<128x128xf32, #tpu.memory_space<vmem>>) dst(%dma_wait3A_176 : memref<5120x128xf32, #tpu.memory_space<vmem_shared>>)
    %dma_wait3A_177 = arith.constant 7 : i32
    %dma_wait3A_178 = arith.constant 128 : i32
    %dma_wait3A_179 = arith.constant 0 : i32
    %dma_wait3A_180 = tpu.memref_slice %arg6[%dma_wait3A_178, %dma_wait3A_179] : memref<256x128xf32, #tpu.memory_space<vmem>> -> memref<128x128xf32, #tpu.memory_space<vmem>>
    %dma_wait3A_181 = arith.constant 0 : i32
    %dma_wait3A_182 = tpu.memref_slice %arg5[%dma_wait3A_177, %dma_wait3A_181] : memref<80x128xi32, #tpu.memory_space<vmem>> -> memref<1x128xi32, #tpu.memory_space<vmem>>
    %dma_wait3A_183 = tpu.memref_squeeze %dma_wait3A_182 : memref<1x128xi32, #tpu.memory_space<vmem>> -> memref<128xi32, #tpu.memory_space<vmem>>
    %dma_wait3A_184 = arith.constant 0 : i32
    %dma_wait3A_185 = arith.constant 0 : i32
    %dma_wait3A_186 = tpu.memref_slice %arg7[%dma_wait3A_184, %dma_wait3A_185] : memref<5120x128xf32, #tpu.memory_space<vmem_shared>> -> memref<5120x128xf32, #tpu.memory_space<vmem_shared>>
    tpu.wait_indirect_dma semaphore(%arg8 : memref<!tpu.dma_semaphore, #tpu.memory_space<semaphore_mem>>) src(%dma_wait3A_180 : memref<128x128xf32, #tpu.memory_space<vmem>>) dst(%dma_wait3A_186 : memref<5120x128xf32, #tpu.memory_space<vmem_shared>>)
    %add3A_187 = arith.constant 1024 : i32
    %add3A_188 = arith.addi %mul3A_2, %add3A_187 : i32
    "tpu.region"() ({
      %run_scoped3A = tpu.sem_alloc : memref<!tpu.dma_semaphore, #tpu.memory_space<semaphore_mem>>
      %dma_start3A_1704 = arith.constant 0 : i32
      %dma_start3A_1705 = tpu.memref_slice %arg2[%add3A_188, %dma_start3A_1704] : memref<163840x128xf32, #tpu.memory_space<hbm>> -> memref<256x128xf32, #tpu.memory_space<hbm>>
      %dma_start3A_1706 = arith.constant 0 : i32
      %dma_start3A_1707 = tpu.memref_slice %arg2[%add3A_188, %dma_start3A_1706] : memref<163840x128xf32, #tpu.memory_space<hbm>> -> memref<256x128xf32, #tpu.memory_space<hbm>>
      tpu.enqueue_dma source(%dma_start3A_1707 : memref<256x128xf32, #tpu.memory_space<hbm>>) target(%arg6 : memref<256x128xf32, #tpu.memory_space<vmem>>) target_semaphore(%run_scoped3A : memref<!tpu.dma_semaphore, #tpu.memory_space<semaphore_mem>>)
      %dma_wait3A_1708 = arith.constant 0 : i32
      %dma_wait3A_1709 = tpu.memref_slice %arg2[%add3A_188, %dma_wait3A_1708] : memref<163840x128xf32, #tpu.memory_space<hbm>> -> memref<256x128xf32, #tpu.memory_space<hbm>>
      %dma_wait3A_1710 = arith.constant 0 : i32
      %dma_wait3A_1711 = tpu.memref_slice %arg2[%add3A_188, %dma_wait3A_1710] : memref<163840x128xf32, #tpu.memory_space<hbm>> -> memref<256x128xf32, #tpu.memory_space<hbm>>
      tpu.wait_dma2 semaphore(%run_scoped3A : memref<!tpu.dma_semaphore, #tpu.memory_space<semaphore_mem>>) src(%dma_wait3A_1711 : memref<256x128xf32, #tpu.memory_space<hbm>>) dst(%arg6 : memref<256x128xf32, #tpu.memory_space<vmem>>)
      tpu.yield
    }) : () -> ()
    %dma_start3A_189 = arith.constant 8 : i32
    %dma_start3A_190 = arith.constant 0 : i32
    %dma_start3A_191 = arith.constant 0 : i32
    %dma_start3A_192 = tpu.memref_slice %arg6[%dma_start3A_190, %dma_start3A_191] : memref<256x128xf32, #tpu.memory_space<vmem>> -> memref<128x128xf32, #tpu.memory_space<vmem>>
    %dma_start3A_193 = arith.constant 0 : i32
    %dma_start3A_194 = tpu.memref_slice %arg5[%dma_start3A_189, %dma_start3A_193] : memref<80x128xi32, #tpu.memory_space<vmem>> -> memref<1x128xi32, #tpu.memory_space<vmem>>
    %dma_start3A_195 = tpu.memref_squeeze %dma_start3A_194 : memref<1x128xi32, #tpu.memory_space<vmem>> -> memref<128xi32, #tpu.memory_space<vmem>>
    %dma_start3A_196 = arith.constant 0 : i32
    %dma_start3A_197 = arith.constant 0 : i32
    %dma_start3A_198 = tpu.memref_slice %arg7[%dma_start3A_196, %dma_start3A_197] : memref<5120x128xf32, #tpu.memory_space<vmem_shared>> -> memref<5120x128xf32, #tpu.memory_space<vmem_shared>>
    tpu.enqueue_indirect_dma source(%dma_start3A_192 : memref<128x128xf32, #tpu.memory_space<vmem>>) target(%dma_start3A_198 : memref<5120x128xf32, #tpu.memory_space<vmem_shared>>) offsets(%dma_start3A_195 : memref<128xi32, #tpu.memory_space<vmem>>) semaphore(%arg8 : memref<!tpu.dma_semaphore, #tpu.memory_space<semaphore_mem>>) {add = true}
    %dma_start3A_199 = arith.constant 9 : i32
    %dma_start3A_200 = arith.constant 128 : i32
    %dma_start3A_201 = arith.constant 0 : i32
    %dma_start3A_202 = tpu.memref_slice %arg6[%dma_start3A_200, %dma_start3A_201] : memref<256x128xf32, #tpu.memory_space<vmem>> -> memref<128x128xf32, #tpu.memory_space<vmem>>
    %dma_start3A_203 = arith.constant 0 : i32
    %dma_start3A_204 = tpu.memref_slice %arg5[%dma_start3A_199, %dma_start3A_203] : memref<80x128xi32, #tpu.memory_space<vmem>> -> memref<1x128xi32, #tpu.memory_space<vmem>>
    %dma_start3A_205 = tpu.memref_squeeze %dma_start3A_204 : memref<1x128xi32, #tpu.memory_space<vmem>> -> memref<128xi32, #tpu.memory_space<vmem>>
    %dma_start3A_206 = arith.constant 0 : i32
    %dma_start3A_207 = arith.constant 0 : i32
    %dma_start3A_208 = tpu.memref_slice %arg7[%dma_start3A_206, %dma_start3A_207] : memref<5120x128xf32, #tpu.memory_space<vmem_shared>> -> memref<5120x128xf32, #tpu.memory_space<vmem_shared>>
    tpu.enqueue_indirect_dma source(%dma_start3A_202 : memref<128x128xf32, #tpu.memory_space<vmem>>) target(%dma_start3A_208 : memref<5120x128xf32, #tpu.memory_space<vmem_shared>>) offsets(%dma_start3A_205 : memref<128xi32, #tpu.memory_space<vmem>>) semaphore(%arg8 : memref<!tpu.dma_semaphore, #tpu.memory_space<semaphore_mem>>) {add = true}
    %dma_wait3A_209 = arith.constant 8 : i32
    %dma_wait3A_210 = arith.constant 0 : i32
    %dma_wait3A_211 = arith.constant 0 : i32
    %dma_wait3A_212 = tpu.memref_slice %arg6[%dma_wait3A_210, %dma_wait3A_211] : memref<256x128xf32, #tpu.memory_space<vmem>> -> memref<128x128xf32, #tpu.memory_space<vmem>>
    %dma_wait3A_213 = arith.constant 0 : i32
    %dma_wait3A_214 = tpu.memref_slice %arg5[%dma_wait3A_209, %dma_wait3A_213] : memref<80x128xi32, #tpu.memory_space<vmem>> -> memref<1x128xi32, #tpu.memory_space<vmem>>
    %dma_wait3A_215 = tpu.memref_squeeze %dma_wait3A_214 : memref<1x128xi32, #tpu.memory_space<vmem>> -> memref<128xi32, #tpu.memory_space<vmem>>
    %dma_wait3A_216 = arith.constant 0 : i32
    %dma_wait3A_217 = arith.constant 0 : i32
    %dma_wait3A_218 = tpu.memref_slice %arg7[%dma_wait3A_216, %dma_wait3A_217] : memref<5120x128xf32, #tpu.memory_space<vmem_shared>> -> memref<5120x128xf32, #tpu.memory_space<vmem_shared>>
    tpu.wait_indirect_dma semaphore(%arg8 : memref<!tpu.dma_semaphore, #tpu.memory_space<semaphore_mem>>) src(%dma_wait3A_212 : memref<128x128xf32, #tpu.memory_space<vmem>>) dst(%dma_wait3A_218 : memref<5120x128xf32, #tpu.memory_space<vmem_shared>>)
    %dma_wait3A_219 = arith.constant 9 : i32
    %dma_wait3A_220 = arith.constant 128 : i32
    %dma_wait3A_221 = arith.constant 0 : i32
    %dma_wait3A_222 = tpu.memref_slice %arg6[%dma_wait3A_220, %dma_wait3A_221] : memref<256x128xf32, #tpu.memory_space<vmem>> -> memref<128x128xf32, #tpu.memory_space<vmem>>
    %dma_wait3A_223 = arith.constant 0 : i32
    %dma_wait3A_224 = tpu.memref_slice %arg5[%dma_wait3A_219, %dma_wait3A_223] : memref<80x128xi32, #tpu.memory_space<vmem>> -> memref<1x128xi32, #tpu.memory_space<vmem>>
    %dma_wait3A_225 = tpu.memref_squeeze %dma_wait3A_224 : memref<1x128xi32, #tpu.memory_space<vmem>> -> memref<128xi32, #tpu.memory_space<vmem>>
    %dma_wait3A_226 = arith.constant 0 : i32
    %dma_wait3A_227 = arith.constant 0 : i32
    %dma_wait3A_228 = tpu.memref_slice %arg7[%dma_wait3A_226, %dma_wait3A_227] : memref<5120x128xf32, #tpu.memory_space<vmem_shared>> -> memref<5120x128xf32, #tpu.memory_space<vmem_shared>>
    tpu.wait_indirect_dma semaphore(%arg8 : memref<!tpu.dma_semaphore, #tpu.memory_space<semaphore_mem>>) src(%dma_wait3A_222 : memref<128x128xf32, #tpu.memory_space<vmem>>) dst(%dma_wait3A_228 : memref<5120x128xf32, #tpu.memory_space<vmem_shared>>)
    %add3A_229 = arith.constant 1280 : i32
    %add3A_230 = arith.addi %mul3A_2, %add3A_229 : i32
    "tpu.region"() ({
      %run_scoped3A = tpu.sem_alloc : memref<!tpu.dma_semaphore, #tpu.memory_space<semaphore_mem>>
      %dma_start3A_1704 = arith.constant 0 : i32
      %dma_start3A_1705 = tpu.memref_slice %arg2[%add3A_230, %dma_start3A_1704] : memref<163840x128xf32, #tpu.memory_space<hbm>> -> memref<256x128xf32, #tpu.memory_space<hbm>>
      %dma_start3A_1706 = arith.constant 0 : i32
      %dma_start3A_1707 = tpu.memref_slice %arg2[%add3A_230, %dma_start3A_1706] : memref<163840x128xf32, #tpu.memory_space<hbm>> -> memref<256x128xf32, #tpu.memory_space<hbm>>
      tpu.enqueue_dma source(%dma_start3A_1707 : memref<256x128xf32, #tpu.memory_space<hbm>>) target(%arg6 : memref<256x128xf32, #tpu.memory_space<vmem>>) target_semaphore(%run_scoped3A : memref<!tpu.dma_semaphore, #tpu.memory_space<semaphore_mem>>)
      %dma_wait3A_1708 = arith.constant 0 : i32
      %dma_wait3A_1709 = tpu.memref_slice %arg2[%add3A_230, %dma_wait3A_1708] : memref<163840x128xf32, #tpu.memory_space<hbm>> -> memref<256x128xf32, #tpu.memory_space<hbm>>
      %dma_wait3A_1710 = arith.constant 0 : i32
      %dma_wait3A_1711 = tpu.memref_slice %arg2[%add3A_230, %dma_wait3A_1710] : memref<163840x128xf32, #tpu.memory_space<hbm>> -> memref<256x128xf32, #tpu.memory_space<hbm>>
      tpu.wait_dma2 semaphore(%run_scoped3A : memref<!tpu.dma_semaphore, #tpu.memory_space<semaphore_mem>>) src(%dma_wait3A_1711 : memref<256x128xf32, #tpu.memory_space<hbm>>) dst(%arg6 : memref<256x128xf32, #tpu.memory_space<vmem>>)
      tpu.yield
    }) : () -> ()
    %dma_start3A_231 = arith.constant 10 : i32
    %dma_start3A_232 = arith.constant 0 : i32
    %dma_start3A_233 = arith.constant 0 : i32
    %dma_start3A_234 = tpu.memref_slice %arg6[%dma_start3A_232, %dma_start3A_233] : memref<256x128xf32, #tpu.memory_space<vmem>> -> memref<128x128xf32, #tpu.memory_space<vmem>>
    %dma_start3A_235 = arith.constant 0 : i32
    %dma_start3A_236 = tpu.memref_slice %arg5[%dma_start3A_231, %dma_start3A_235] : memref<80x128xi32, #tpu.memory_space<vmem>> -> memref<1x128xi32, #tpu.memory_space<vmem>>
    %dma_start3A_237 = tpu.memref_squeeze %dma_start3A_236 : memref<1x128xi32, #tpu.memory_space<vmem>> -> memref<128xi32, #tpu.memory_space<vmem>>
    %dma_start3A_238 = arith.constant 0 : i32
    %dma_start3A_239 = arith.constant 0 : i32
    %dma_start3A_240 = tpu.memref_slice %arg7[%dma_start3A_238, %dma_start3A_239] : memref<5120x128xf32, #tpu.memory_space<vmem_shared>> -> memref<5120x128xf32, #tpu.memory_space<vmem_shared>>
    tpu.enqueue_indirect_dma source(%dma_start3A_234 : memref<128x128xf32, #tpu.memory_space<vmem>>) target(%dma_start3A_240 : memref<5120x128xf32, #tpu.memory_space<vmem_shared>>) offsets(%dma_start3A_237 : memref<128xi32, #tpu.memory_space<vmem>>) semaphore(%arg8 : memref<!tpu.dma_semaphore, #tpu.memory_space<semaphore_mem>>) {add = true}
    %dma_start3A_241 = arith.constant 11 : i32
    %dma_start3A_242 = arith.constant 128 : i32
    %dma_start3A_243 = arith.constant 0 : i32
    %dma_start3A_244 = tpu.memref_slice %arg6[%dma_start3A_242, %dma_start3A_243] : memref<256x128xf32, #tpu.memory_space<vmem>> -> memref<128x128xf32, #tpu.memory_space<vmem>>
    %dma_start3A_245 = arith.constant 0 : i32
    %dma_start3A_246 = tpu.memref_slice %arg5[%dma_start3A_241, %dma_start3A_245] : memref<80x128xi32, #tpu.memory_space<vmem>> -> memref<1x128xi32, #tpu.memory_space<vmem>>
    %dma_start3A_247 = tpu.memref_squeeze %dma_start3A_246 : memref<1x128xi32, #tpu.memory_space<vmem>> -> memref<128xi32, #tpu.memory_space<vmem>>
    %dma_start3A_248 = arith.constant 0 : i32
    %dma_start3A_249 = arith.constant 0 : i32
    %dma_start3A_250 = tpu.memref_slice %arg7[%dma_start3A_248, %dma_start3A_249] : memref<5120x128xf32, #tpu.memory_space<vmem_shared>> -> memref<5120x128xf32, #tpu.memory_space<vmem_shared>>
    tpu.enqueue_indirect_dma source(%dma_start3A_244 : memref<128x128xf32, #tpu.memory_space<vmem>>) target(%dma_start3A_250 : memref<5120x128xf32, #tpu.memory_space<vmem_shared>>) offsets(%dma_start3A_247 : memref<128xi32, #tpu.memory_space<vmem>>) semaphore(%arg8 : memref<!tpu.dma_semaphore, #tpu.memory_space<semaphore_mem>>) {add = true}
    %dma_wait3A_251 = arith.constant 10 : i32
    %dma_wait3A_252 = arith.constant 0 : i32
    %dma_wait3A_253 = arith.constant 0 : i32
    %dma_wait3A_254 = tpu.memref_slice %arg6[%dma_wait3A_252, %dma_wait3A_253] : memref<256x128xf32, #tpu.memory_space<vmem>> -> memref<128x128xf32, #tpu.memory_space<vmem>>
    %dma_wait3A_255 = arith.constant 0 : i32
    %dma_wait3A_256 = tpu.memref_slice %arg5[%dma_wait3A_251, %dma_wait3A_255] : memref<80x128xi32, #tpu.memory_space<vmem>> -> memref<1x128xi32, #tpu.memory_space<vmem>>
    %dma_wait3A_257 = tpu.memref_squeeze %dma_wait3A_256 : memref<1x128xi32, #tpu.memory_space<vmem>> -> memref<128xi32, #tpu.memory_space<vmem>>
    %dma_wait3A_258 = arith.constant 0 : i32
    %dma_wait3A_259 = arith.constant 0 : i32
    %dma_wait3A_260 = tpu.memref_slice %arg7[%dma_wait3A_258, %dma_wait3A_259] : memref<5120x128xf32, #tpu.memory_space<vmem_shared>> -> memref<5120x128xf32, #tpu.memory_space<vmem_shared>>
    tpu.wait_indirect_dma semaphore(%arg8 : memref<!tpu.dma_semaphore, #tpu.memory_space<semaphore_mem>>) src(%dma_wait3A_254 : memref<128x128xf32, #tpu.memory_space<vmem>>) dst(%dma_wait3A_260 : memref<5120x128xf32, #tpu.memory_space<vmem_shared>>)
    %dma_wait3A_261 = arith.constant 11 : i32
    %dma_wait3A_262 = arith.constant 128 : i32
    %dma_wait3A_263 = arith.constant 0 : i32
    %dma_wait3A_264 = tpu.memref_slice %arg6[%dma_wait3A_262, %dma_wait3A_263] : memref<256x128xf32, #tpu.memory_space<vmem>> -> memref<128x128xf32, #tpu.memory_space<vmem>>
    %dma_wait3A_265 = arith.constant 0 : i32
    %dma_wait3A_266 = tpu.memref_slice %arg5[%dma_wait3A_261, %dma_wait3A_265] : memref<80x128xi32, #tpu.memory_space<vmem>> -> memref<1x128xi32, #tpu.memory_space<vmem>>
    %dma_wait3A_267 = tpu.memref_squeeze %dma_wait3A_266 : memref<1x128xi32, #tpu.memory_space<vmem>> -> memref<128xi32, #tpu.memory_space<vmem>>
    %dma_wait3A_268 = arith.constant 0 : i32
    %dma_wait3A_269 = arith.constant 0 : i32
    %dma_wait3A_270 = tpu.memref_slice %arg7[%dma_wait3A_268, %dma_wait3A_269] : memref<5120x128xf32, #tpu.memory_space<vmem_shared>> -> memref<5120x128xf32, #tpu.memory_space<vmem_shared>>
    tpu.wait_indirect_dma semaphore(%arg8 : memref<!tpu.dma_semaphore, #tpu.memory_space<semaphore_mem>>) src(%dma_wait3A_264 : memref<128x128xf32, #tpu.memory_space<vmem>>) dst(%dma_wait3A_270 : memref<5120x128xf32, #tpu.memory_space<vmem_shared>>)
    %add3A_271 = arith.constant 1536 : i32
    %add3A_272 = arith.addi %mul3A_2, %add3A_271 : i32
    "tpu.region"() ({
      %run_scoped3A = tpu.sem_alloc : memref<!tpu.dma_semaphore, #tpu.memory_space<semaphore_mem>>
      %dma_start3A_1704 = arith.constant 0 : i32
      %dma_start3A_1705 = tpu.memref_slice %arg2[%add3A_272, %dma_start3A_1704] : memref<163840x128xf32, #tpu.memory_space<hbm>> -> memref<256x128xf32, #tpu.memory_space<hbm>>
      %dma_start3A_1706 = arith.constant 0 : i32
      %dma_start3A_1707 = tpu.memref_slice %arg2[%add3A_272, %dma_start3A_1706] : memref<163840x128xf32, #tpu.memory_space<hbm>> -> memref<256x128xf32, #tpu.memory_space<hbm>>
      tpu.enqueue_dma source(%dma_start3A_1707 : memref<256x128xf32, #tpu.memory_space<hbm>>) target(%arg6 : memref<256x128xf32, #tpu.memory_space<vmem>>) target_semaphore(%run_scoped3A : memref<!tpu.dma_semaphore, #tpu.memory_space<semaphore_mem>>)
      %dma_wait3A_1708 = arith.constant 0 : i32
      %dma_wait3A_1709 = tpu.memref_slice %arg2[%add3A_272, %dma_wait3A_1708] : memref<163840x128xf32, #tpu.memory_space<hbm>> -> memref<256x128xf32, #tpu.memory_space<hbm>>
      %dma_wait3A_1710 = arith.constant 0 : i32
      %dma_wait3A_1711 = tpu.memref_slice %arg2[%add3A_272, %dma_wait3A_1710] : memref<163840x128xf32, #tpu.memory_space<hbm>> -> memref<256x128xf32, #tpu.memory_space<hbm>>
      tpu.wait_dma2 semaphore(%run_scoped3A : memref<!tpu.dma_semaphore, #tpu.memory_space<semaphore_mem>>) src(%dma_wait3A_1711 : memref<256x128xf32, #tpu.memory_space<hbm>>) dst(%arg6 : memref<256x128xf32, #tpu.memory_space<vmem>>)
      tpu.yield
    }) : () -> ()
    %dma_start3A_273 = arith.constant 12 : i32
    %dma_start3A_274 = arith.constant 0 : i32
    %dma_start3A_275 = arith.constant 0 : i32
    %dma_start3A_276 = tpu.memref_slice %arg6[%dma_start3A_274, %dma_start3A_275] : memref<256x128xf32, #tpu.memory_space<vmem>> -> memref<128x128xf32, #tpu.memory_space<vmem>>
    %dma_start3A_277 = arith.constant 0 : i32
    %dma_start3A_278 = tpu.memref_slice %arg5[%dma_start3A_273, %dma_start3A_277] : memref<80x128xi32, #tpu.memory_space<vmem>> -> memref<1x128xi32, #tpu.memory_space<vmem>>
    %dma_start3A_279 = tpu.memref_squeeze %dma_start3A_278 : memref<1x128xi32, #tpu.memory_space<vmem>> -> memref<128xi32, #tpu.memory_space<vmem>>
    %dma_start3A_280 = arith.constant 0 : i32
    %dma_start3A_281 = arith.constant 0 : i32
    %dma_start3A_282 = tpu.memref_slice %arg7[%dma_start3A_280, %dma_start3A_281] : memref<5120x128xf32, #tpu.memory_space<vmem_shared>> -> memref<5120x128xf32, #tpu.memory_space<vmem_shared>>
    tpu.enqueue_indirect_dma source(%dma_start3A_276 : memref<128x128xf32, #tpu.memory_space<vmem>>) target(%dma_start3A_282 : memref<5120x128xf32, #tpu.memory_space<vmem_shared>>) offsets(%dma_start3A_279 : memref<128xi32, #tpu.memory_space<vmem>>) semaphore(%arg8 : memref<!tpu.dma_semaphore, #tpu.memory_space<semaphore_mem>>) {add = true}
    %dma_start3A_283 = arith.constant 13 : i32
    %dma_start3A_284 = arith.constant 128 : i32
    %dma_start3A_285 = arith.constant 0 : i32
    %dma_start3A_286 = tpu.memref_slice %arg6[%dma_start3A_284, %dma_start3A_285] : memref<256x128xf32, #tpu.memory_space<vmem>> -> memref<128x128xf32, #tpu.memory_space<vmem>>
    %dma_start3A_287 = arith.constant 0 : i32
    %dma_start3A_288 = tpu.memref_slice %arg5[%dma_start3A_283, %dma_start3A_287] : memref<80x128xi32, #tpu.memory_space<vmem>> -> memref<1x128xi32, #tpu.memory_space<vmem>>
    %dma_start3A_289 = tpu.memref_squeeze %dma_start3A_288 : memref<1x128xi32, #tpu.memory_space<vmem>> -> memref<128xi32, #tpu.memory_space<vmem>>
    %dma_start3A_290 = arith.constant 0 : i32
    %dma_start3A_291 = arith.constant 0 : i32
    %dma_start3A_292 = tpu.memref_slice %arg7[%dma_start3A_290, %dma_start3A_291] : memref<5120x128xf32, #tpu.memory_space<vmem_shared>> -> memref<5120x128xf32, #tpu.memory_space<vmem_shared>>
    tpu.enqueue_indirect_dma source(%dma_start3A_286 : memref<128x128xf32, #tpu.memory_space<vmem>>) target(%dma_start3A_292 : memref<5120x128xf32, #tpu.memory_space<vmem_shared>>) offsets(%dma_start3A_289 : memref<128xi32, #tpu.memory_space<vmem>>) semaphore(%arg8 : memref<!tpu.dma_semaphore, #tpu.memory_space<semaphore_mem>>) {add = true}
    %dma_wait3A_293 = arith.constant 12 : i32
    %dma_wait3A_294 = arith.constant 0 : i32
    %dma_wait3A_295 = arith.constant 0 : i32
    %dma_wait3A_296 = tpu.memref_slice %arg6[%dma_wait3A_294, %dma_wait3A_295] : memref<256x128xf32, #tpu.memory_space<vmem>> -> memref<128x128xf32, #tpu.memory_space<vmem>>
    %dma_wait3A_297 = arith.constant 0 : i32
    %dma_wait3A_298 = tpu.memref_slice %arg5[%dma_wait3A_293, %dma_wait3A_297] : memref<80x128xi32, #tpu.memory_space<vmem>> -> memref<1x128xi32, #tpu.memory_space<vmem>>
    %dma_wait3A_299 = tpu.memref_squeeze %dma_wait3A_298 : memref<1x128xi32, #tpu.memory_space<vmem>> -> memref<128xi32, #tpu.memory_space<vmem>>
    %dma_wait3A_300 = arith.constant 0 : i32
    %dma_wait3A_301 = arith.constant 0 : i32
    %dma_wait3A_302 = tpu.memref_slice %arg7[%dma_wait3A_300, %dma_wait3A_301] : memref<5120x128xf32, #tpu.memory_space<vmem_shared>> -> memref<5120x128xf32, #tpu.memory_space<vmem_shared>>
    tpu.wait_indirect_dma semaphore(%arg8 : memref<!tpu.dma_semaphore, #tpu.memory_space<semaphore_mem>>) src(%dma_wait3A_296 : memref<128x128xf32, #tpu.memory_space<vmem>>) dst(%dma_wait3A_302 : memref<5120x128xf32, #tpu.memory_space<vmem_shared>>)
    %dma_wait3A_303 = arith.constant 13 : i32
    %dma_wait3A_304 = arith.constant 128 : i32
    %dma_wait3A_305 = arith.constant 0 : i32
    %dma_wait3A_306 = tpu.memref_slice %arg6[%dma_wait3A_304, %dma_wait3A_305] : memref<256x128xf32, #tpu.memory_space<vmem>> -> memref<128x128xf32, #tpu.memory_space<vmem>>
    %dma_wait3A_307 = arith.constant 0 : i32
    %dma_wait3A_308 = tpu.memref_slice %arg5[%dma_wait3A_303, %dma_wait3A_307] : memref<80x128xi32, #tpu.memory_space<vmem>> -> memref<1x128xi32, #tpu.memory_space<vmem>>
    %dma_wait3A_309 = tpu.memref_squeeze %dma_wait3A_308 : memref<1x128xi32, #tpu.memory_space<vmem>> -> memref<128xi32, #tpu.memory_space<vmem>>
    %dma_wait3A_310 = arith.constant 0 : i32
    %dma_wait3A_311 = arith.constant 0 : i32
    %dma_wait3A_312 = tpu.memref_slice %arg7[%dma_wait3A_310, %dma_wait3A_311] : memref<5120x128xf32, #tpu.memory_space<vmem_shared>> -> memref<5120x128xf32, #tpu.memory_space<vmem_shared>>
    tpu.wait_indirect_dma semaphore(%arg8 : memref<!tpu.dma_semaphore, #tpu.memory_space<semaphore_mem>>) src(%dma_wait3A_306 : memref<128x128xf32, #tpu.memory_space<vmem>>) dst(%dma_wait3A_312 : memref<5120x128xf32, #tpu.memory_space<vmem_shared>>)
    %add3A_313 = arith.constant 1792 : i32
    %add3A_314 = arith.addi %mul3A_2, %add3A_313 : i32
    "tpu.region"() ({
      %run_scoped3A = tpu.sem_alloc : memref<!tpu.dma_semaphore, #tpu.memory_space<semaphore_mem>>
      %dma_start3A_1704 = arith.constant 0 : i32
      %dma_start3A_1705 = tpu.memref_slice %arg2[%add3A_314, %dma_start3A_1704] : memref<163840x128xf32, #tpu.memory_space<hbm>> -> memref<256x128xf32, #tpu.memory_space<hbm>>
      %dma_start3A_1706 = arith.constant 0 : i32
      %dma_start3A_1707 = tpu.memref_slice %arg2[%add3A_314, %dma_start3A_1706] : memref<163840x128xf32, #tpu.memory_space<hbm>> -> memref<256x128xf32, #tpu.memory_space<hbm>>
      tpu.enqueue_dma source(%dma_start3A_1707 : memref<256x128xf32, #tpu.memory_space<hbm>>) target(%arg6 : memref<256x128xf32, #tpu.memory_space<vmem>>) target_semaphore(%run_scoped3A : memref<!tpu.dma_semaphore, #tpu.memory_space<semaphore_mem>>)
      %dma_wait3A_1708 = arith.constant 0 : i32
      %dma_wait3A_1709 = tpu.memref_slice %arg2[%add3A_314, %dma_wait3A_1708] : memref<163840x128xf32, #tpu.memory_space<hbm>> -> memref<256x128xf32, #tpu.memory_space<hbm>>
      %dma_wait3A_1710 = arith.constant 0 : i32
      %dma_wait3A_1711 = tpu.memref_slice %arg2[%add3A_314, %dma_wait3A_1710] : memref<163840x128xf32, #tpu.memory_space<hbm>> -> memref<256x128xf32, #tpu.memory_space<hbm>>
      tpu.wait_dma2 semaphore(%run_scoped3A : memref<!tpu.dma_semaphore, #tpu.memory_space<semaphore_mem>>) src(%dma_wait3A_1711 : memref<256x128xf32, #tpu.memory_space<hbm>>) dst(%arg6 : memref<256x128xf32, #tpu.memory_space<vmem>>)
      tpu.yield
    }) : () -> ()
    %dma_start3A_315 = arith.constant 14 : i32
    %dma_start3A_316 = arith.constant 0 : i32
    %dma_start3A_317 = arith.constant 0 : i32
    %dma_start3A_318 = tpu.memref_slice %arg6[%dma_start3A_316, %dma_start3A_317] : memref<256x128xf32, #tpu.memory_space<vmem>> -> memref<128x128xf32, #tpu.memory_space<vmem>>
    %dma_start3A_319 = arith.constant 0 : i32
    %dma_start3A_320 = tpu.memref_slice %arg5[%dma_start3A_315, %dma_start3A_319] : memref<80x128xi32, #tpu.memory_space<vmem>> -> memref<1x128xi32, #tpu.memory_space<vmem>>
    %dma_start3A_321 = tpu.memref_squeeze %dma_start3A_320 : memref<1x128xi32, #tpu.memory_space<vmem>> -> memref<128xi32, #tpu.memory_space<vmem>>
    %dma_start3A_322 = arith.constant 0 : i32
    %dma_start3A_323 = arith.constant 0 : i32
    %dma_start3A_324 = tpu.memref_slice %arg7[%dma_start3A_322, %dma_start3A_323] : memref<5120x128xf32, #tpu.memory_space<vmem_shared>> -> memref<5120x128xf32, #tpu.memory_space<vmem_shared>>
    tpu.enqueue_indirect_dma source(%dma_start3A_318 : memref<128x128xf32, #tpu.memory_space<vmem>>) target(%dma_start3A_324 : memref<5120x128xf32, #tpu.memory_space<vmem_shared>>) offsets(%dma_start3A_321 : memref<128xi32, #tpu.memory_space<vmem>>) semaphore(%arg8 : memref<!tpu.dma_semaphore, #tpu.memory_space<semaphore_mem>>) {add = true}
    %dma_start3A_325 = arith.constant 15 : i32
    %dma_start3A_326 = arith.constant 128 : i32
    %dma_start3A_327 = arith.constant 0 : i32
    %dma_start3A_328 = tpu.memref_slice %arg6[%dma_start3A_326, %dma_start3A_327] : memref<256x128xf32, #tpu.memory_space<vmem>> -> memref<128x128xf32, #tpu.memory_space<vmem>>
    %dma_start3A_329 = arith.constant 0 : i32
    %dma_start3A_330 = tpu.memref_slice %arg5[%dma_start3A_325, %dma_start3A_329] : memref<80x128xi32, #tpu.memory_space<vmem>> -> memref<1x128xi32, #tpu.memory_space<vmem>>
    %dma_start3A_331 = tpu.memref_squeeze %dma_start3A_330 : memref<1x128xi32, #tpu.memory_space<vmem>> -> memref<128xi32, #tpu.memory_space<vmem>>
    %dma_start3A_332 = arith.constant 0 : i32
    %dma_start3A_333 = arith.constant 0 : i32
    %dma_start3A_334 = tpu.memref_slice %arg7[%dma_start3A_332, %dma_start3A_333] : memref<5120x128xf32, #tpu.memory_space<vmem_shared>> -> memref<5120x128xf32, #tpu.memory_space<vmem_shared>>
    tpu.enqueue_indirect_dma source(%dma_start3A_328 : memref<128x128xf32, #tpu.memory_space<vmem>>) target(%dma_start3A_334 : memref<5120x128xf32, #tpu.memory_space<vmem_shared>>) offsets(%dma_start3A_331 : memref<128xi32, #tpu.memory_space<vmem>>) semaphore(%arg8 : memref<!tpu.dma_semaphore, #tpu.memory_space<semaphore_mem>>) {add = true}
    %dma_wait3A_335 = arith.constant 14 : i32
    %dma_wait3A_336 = arith.constant 0 : i32
    %dma_wait3A_337 = arith.constant 0 : i32
    %dma_wait3A_338 = tpu.memref_slice %arg6[%dma_wait3A_336, %dma_wait3A_337] : memref<256x128xf32, #tpu.memory_space<vmem>> -> memref<128x128xf32, #tpu.memory_space<vmem>>
    %dma_wait3A_339 = arith.constant 0 : i32
    %dma_wait3A_340 = tpu.memref_slice %arg5[%dma_wait3A_335, %dma_wait3A_339] : memref<80x128xi32, #tpu.memory_space<vmem>> -> memref<1x128xi32, #tpu.memory_space<vmem>>
    %dma_wait3A_341 = tpu.memref_squeeze %dma_wait3A_340 : memref<1x128xi32, #tpu.memory_space<vmem>> -> memref<128xi32, #tpu.memory_space<vmem>>
    %dma_wait3A_342 = arith.constant 0 : i32
    %dma_wait3A_343 = arith.constant 0 : i32
    %dma_wait3A_344 = tpu.memref_slice %arg7[%dma_wait3A_342, %dma_wait3A_343] : memref<5120x128xf32, #tpu.memory_space<vmem_shared>> -> memref<5120x128xf32, #tpu.memory_space<vmem_shared>>
    tpu.wait_indirect_dma semaphore(%arg8 : memref<!tpu.dma_semaphore, #tpu.memory_space<semaphore_mem>>) src(%dma_wait3A_338 : memref<128x128xf32, #tpu.memory_space<vmem>>) dst(%dma_wait3A_344 : memref<5120x128xf32, #tpu.memory_space<vmem_shared>>)
    %dma_wait3A_345 = arith.constant 15 : i32
    %dma_wait3A_346 = arith.constant 128 : i32
    %dma_wait3A_347 = arith.constant 0 : i32
    %dma_wait3A_348 = tpu.memref_slice %arg6[%dma_wait3A_346, %dma_wait3A_347] : memref<256x128xf32, #tpu.memory_space<vmem>> -> memref<128x128xf32, #tpu.memory_space<vmem>>
    %dma_wait3A_349 = arith.constant 0 : i32
    %dma_wait3A_350 = tpu.memref_slice %arg5[%dma_wait3A_345, %dma_wait3A_349] : memref<80x128xi32, #tpu.memory_space<vmem>> -> memref<1x128xi32, #tpu.memory_space<vmem>>
    %dma_wait3A_351 = tpu.memref_squeeze %dma_wait3A_350 : memref<1x128xi32, #tpu.memory_space<vmem>> -> memref<128xi32, #tpu.memory_space<vmem>>
    %dma_wait3A_352 = arith.constant 0 : i32
    %dma_wait3A_353 = arith.constant 0 : i32
    %dma_wait3A_354 = tpu.memref_slice %arg7[%dma_wait3A_352, %dma_wait3A_353] : memref<5120x128xf32, #tpu.memory_space<vmem_shared>> -> memref<5120x128xf32, #tpu.memory_space<vmem_shared>>
    tpu.wait_indirect_dma semaphore(%arg8 : memref<!tpu.dma_semaphore, #tpu.memory_space<semaphore_mem>>) src(%dma_wait3A_348 : memref<128x128xf32, #tpu.memory_space<vmem>>) dst(%dma_wait3A_354 : memref<5120x128xf32, #tpu.memory_space<vmem_shared>>)
    %add3A_355 = arith.constant 2048 : i32
    %add3A_356 = arith.addi %mul3A_2, %add3A_355 : i32
    "tpu.region"() ({
      %run_scoped3A = tpu.sem_alloc : memref<!tpu.dma_semaphore, #tpu.memory_space<semaphore_mem>>
      %dma_start3A_1704 = arith.constant 0 : i32
      %dma_start3A_1705 = tpu.memref_slice %arg2[%add3A_356, %dma_start3A_1704] : memref<163840x128xf32, #tpu.memory_space<hbm>> -> memref<256x128xf32, #tpu.memory_space<hbm>>
      %dma_start3A_1706 = arith.constant 0 : i32
      %dma_start3A_1707 = tpu.memref_slice %arg2[%add3A_356, %dma_start3A_1706] : memref<163840x128xf32, #tpu.memory_space<hbm>> -> memref<256x128xf32, #tpu.memory_space<hbm>>
      tpu.enqueue_dma source(%dma_start3A_1707 : memref<256x128xf32, #tpu.memory_space<hbm>>) target(%arg6 : memref<256x128xf32, #tpu.memory_space<vmem>>) target_semaphore(%run_scoped3A : memref<!tpu.dma_semaphore, #tpu.memory_space<semaphore_mem>>)
      %dma_wait3A_1708 = arith.constant 0 : i32
      %dma_wait3A_1709 = tpu.memref_slice %arg2[%add3A_356, %dma_wait3A_1708] : memref<163840x128xf32, #tpu.memory_space<hbm>> -> memref<256x128xf32, #tpu.memory_space<hbm>>
      %dma_wait3A_1710 = arith.constant 0 : i32
      %dma_wait3A_1711 = tpu.memref_slice %arg2[%add3A_356, %dma_wait3A_1710] : memref<163840x128xf32, #tpu.memory_space<hbm>> -> memref<256x128xf32, #tpu.memory_space<hbm>>
      tpu.wait_dma2 semaphore(%run_scoped3A : memref<!tpu.dma_semaphore, #tpu.memory_space<semaphore_mem>>) src(%dma_wait3A_1711 : memref<256x128xf32, #tpu.memory_space<hbm>>) dst(%arg6 : memref<256x128xf32, #tpu.memory_space<vmem>>)
      tpu.yield
    }) : () -> ()
    %dma_start3A_357 = arith.constant 16 : i32
    %dma_start3A_358 = arith.constant 0 : i32
    %dma_start3A_359 = arith.constant 0 : i32
    %dma_start3A_360 = tpu.memref_slice %arg6[%dma_start3A_358, %dma_start3A_359] : memref<256x128xf32, #tpu.memory_space<vmem>> -> memref<128x128xf32, #tpu.memory_space<vmem>>
    %dma_start3A_361 = arith.constant 0 : i32
    %dma_start3A_362 = tpu.memref_slice %arg5[%dma_start3A_357, %dma_start3A_361] : memref<80x128xi32, #tpu.memory_space<vmem>> -> memref<1x128xi32, #tpu.memory_space<vmem>>
    %dma_start3A_363 = tpu.memref_squeeze %dma_start3A_362 : memref<1x128xi32, #tpu.memory_space<vmem>> -> memref<128xi32, #tpu.memory_space<vmem>>
    %dma_start3A_364 = arith.constant 0 : i32
    %dma_start3A_365 = arith.constant 0 : i32
    %dma_start3A_366 = tpu.memref_slice %arg7[%dma_start3A_364, %dma_start3A_365] : memref<5120x128xf32, #tpu.memory_space<vmem_shared>> -> memref<5120x128xf32, #tpu.memory_space<vmem_shared>>
    tpu.enqueue_indirect_dma source(%dma_start3A_360 : memref<128x128xf32, #tpu.memory_space<vmem>>) target(%dma_start3A_366 : memref<5120x128xf32, #tpu.memory_space<vmem_shared>>) offsets(%dma_start3A_363 : memref<128xi32, #tpu.memory_space<vmem>>) semaphore(%arg8 : memref<!tpu.dma_semaphore, #tpu.memory_space<semaphore_mem>>) {add = true}
    %dma_start3A_367 = arith.constant 17 : i32
    %dma_start3A_368 = arith.constant 128 : i32
    %dma_start3A_369 = arith.constant 0 : i32
    %dma_start3A_370 = tpu.memref_slice %arg6[%dma_start3A_368, %dma_start3A_369] : memref<256x128xf32, #tpu.memory_space<vmem>> -> memref<128x128xf32, #tpu.memory_space<vmem>>
    %dma_start3A_371 = arith.constant 0 : i32
    %dma_start3A_372 = tpu.memref_slice %arg5[%dma_start3A_367, %dma_start3A_371] : memref<80x128xi32, #tpu.memory_space<vmem>> -> memref<1x128xi32, #tpu.memory_space<vmem>>
    %dma_start3A_373 = tpu.memref_squeeze %dma_start3A_372 : memref<1x128xi32, #tpu.memory_space<vmem>> -> memref<128xi32, #tpu.memory_space<vmem>>
    %dma_start3A_374 = arith.constant 0 : i32
    %dma_start3A_375 = arith.constant 0 : i32
    %dma_start3A_376 = tpu.memref_slice %arg7[%dma_start3A_374, %dma_start3A_375] : memref<5120x128xf32, #tpu.memory_space<vmem_shared>> -> memref<5120x128xf32, #tpu.memory_space<vmem_shared>>
    tpu.enqueue_indirect_dma source(%dma_start3A_370 : memref<128x128xf32, #tpu.memory_space<vmem>>) target(%dma_start3A_376 : memref<5120x128xf32, #tpu.memory_space<vmem_shared>>) offsets(%dma_start3A_373 : memref<128xi32, #tpu.memory_space<vmem>>) semaphore(%arg8 : memref<!tpu.dma_semaphore, #tpu.memory_space<semaphore_mem>>) {add = true}
    %dma_wait3A_377 = arith.constant 16 : i32
    %dma_wait3A_378 = arith.constant 0 : i32
    %dma_wait3A_379 = arith.constant 0 : i32
    %dma_wait3A_380 = tpu.memref_slice %arg6[%dma_wait3A_378, %dma_wait3A_379] : memref<256x128xf32, #tpu.memory_space<vmem>> -> memref<128x128xf32, #tpu.memory_space<vmem>>
    %dma_wait3A_381 = arith.constant 0 : i32
    %dma_wait3A_382 = tpu.memref_slice %arg5[%dma_wait3A_377, %dma_wait3A_381] : memref<80x128xi32, #tpu.memory_space<vmem>> -> memref<1x128xi32, #tpu.memory_space<vmem>>
    %dma_wait3A_383 = tpu.memref_squeeze %dma_wait3A_382 : memref<1x128xi32, #tpu.memory_space<vmem>> -> memref<128xi32, #tpu.memory_space<vmem>>
    %dma_wait3A_384 = arith.constant 0 : i32
    %dma_wait3A_385 = arith.constant 0 : i32
    %dma_wait3A_386 = tpu.memref_slice %arg7[%dma_wait3A_384, %dma_wait3A_385] : memref<5120x128xf32, #tpu.memory_space<vmem_shared>> -> memref<5120x128xf32, #tpu.memory_space<vmem_shared>>
    tpu.wait_indirect_dma semaphore(%arg8 : memref<!tpu.dma_semaphore, #tpu.memory_space<semaphore_mem>>) src(%dma_wait3A_380 : memref<128x128xf32, #tpu.memory_space<vmem>>) dst(%dma_wait3A_386 : memref<5120x128xf32, #tpu.memory_space<vmem_shared>>)
    %dma_wait3A_387 = arith.constant 17 : i32
    %dma_wait3A_388 = arith.constant 128 : i32
    %dma_wait3A_389 = arith.constant 0 : i32
    %dma_wait3A_390 = tpu.memref_slice %arg6[%dma_wait3A_388, %dma_wait3A_389] : memref<256x128xf32, #tpu.memory_space<vmem>> -> memref<128x128xf32, #tpu.memory_space<vmem>>
    %dma_wait3A_391 = arith.constant 0 : i32
    %dma_wait3A_392 = tpu.memref_slice %arg5[%dma_wait3A_387, %dma_wait3A_391] : memref<80x128xi32, #tpu.memory_space<vmem>> -> memref<1x128xi32, #tpu.memory_space<vmem>>
    %dma_wait3A_393 = tpu.memref_squeeze %dma_wait3A_392 : memref<1x128xi32, #tpu.memory_space<vmem>> -> memref<128xi32, #tpu.memory_space<vmem>>
    %dma_wait3A_394 = arith.constant 0 : i32
    %dma_wait3A_395 = arith.constant 0 : i32
    %dma_wait3A_396 = tpu.memref_slice %arg7[%dma_wait3A_394, %dma_wait3A_395] : memref<5120x128xf32, #tpu.memory_space<vmem_shared>> -> memref<5120x128xf32, #tpu.memory_space<vmem_shared>>
    tpu.wait_indirect_dma semaphore(%arg8 : memref<!tpu.dma_semaphore, #tpu.memory_space<semaphore_mem>>) src(%dma_wait3A_390 : memref<128x128xf32, #tpu.memory_space<vmem>>) dst(%dma_wait3A_396 : memref<5120x128xf32, #tpu.memory_space<vmem_shared>>)
    %add3A_397 = arith.constant 2304 : i32
    %add3A_398 = arith.addi %mul3A_2, %add3A_397 : i32
    "tpu.region"() ({
      %run_scoped3A = tpu.sem_alloc : memref<!tpu.dma_semaphore, #tpu.memory_space<semaphore_mem>>
      %dma_start3A_1704 = arith.constant 0 : i32
      %dma_start3A_1705 = tpu.memref_slice %arg2[%add3A_398, %dma_start3A_1704] : memref<163840x128xf32, #tpu.memory_space<hbm>> -> memref<256x128xf32, #tpu.memory_space<hbm>>
      %dma_start3A_1706 = arith.constant 0 : i32
      %dma_start3A_1707 = tpu.memref_slice %arg2[%add3A_398, %dma_start3A_1706] : memref<163840x128xf32, #tpu.memory_space<hbm>> -> memref<256x128xf32, #tpu.memory_space<hbm>>
      tpu.enqueue_dma source(%dma_start3A_1707 : memref<256x128xf32, #tpu.memory_space<hbm>>) target(%arg6 : memref<256x128xf32, #tpu.memory_space<vmem>>) target_semaphore(%run_scoped3A : memref<!tpu.dma_semaphore, #tpu.memory_space<semaphore_mem>>)
      %dma_wait3A_1708 = arith.constant 0 : i32
      %dma_wait3A_1709 = tpu.memref_slice %arg2[%add3A_398, %dma_wait3A_1708] : memref<163840x128xf32, #tpu.memory_space<hbm>> -> memref<256x128xf32, #tpu.memory_space<hbm>>
      %dma_wait3A_1710 = arith.constant 0 : i32
      %dma_wait3A_1711 = tpu.memref_slice %arg2[%add3A_398, %dma_wait3A_1710] : memref<163840x128xf32, #tpu.memory_space<hbm>> -> memref<256x128xf32, #tpu.memory_space<hbm>>
      tpu.wait_dma2 semaphore(%run_scoped3A : memref<!tpu.dma_semaphore, #tpu.memory_space<semaphore_mem>>) src(%dma_wait3A_1711 : memref<256x128xf32, #tpu.memory_space<hbm>>) dst(%arg6 : memref<256x128xf32, #tpu.memory_space<vmem>>)
      tpu.yield
    }) : () -> ()
    %dma_start3A_399 = arith.constant 18 : i32
    %dma_start3A_400 = arith.constant 0 : i32
    %dma_start3A_401 = arith.constant 0 : i32
    %dma_start3A_402 = tpu.memref_slice %arg6[%dma_start3A_400, %dma_start3A_401] : memref<256x128xf32, #tpu.memory_space<vmem>> -> memref<128x128xf32, #tpu.memory_space<vmem>>
    %dma_start3A_403 = arith.constant 0 : i32
    %dma_start3A_404 = tpu.memref_slice %arg5[%dma_start3A_399, %dma_start3A_403] : memref<80x128xi32, #tpu.memory_space<vmem>> -> memref<1x128xi32, #tpu.memory_space<vmem>>
    %dma_start3A_405 = tpu.memref_squeeze %dma_start3A_404 : memref<1x128xi32, #tpu.memory_space<vmem>> -> memref<128xi32, #tpu.memory_space<vmem>>
    %dma_start3A_406 = arith.constant 0 : i32
    %dma_start3A_407 = arith.constant 0 : i32
    %dma_start3A_408 = tpu.memref_slice %arg7[%dma_start3A_406, %dma_start3A_407] : memref<5120x128xf32, #tpu.memory_space<vmem_shared>> -> memref<5120x128xf32, #tpu.memory_space<vmem_shared>>
    tpu.enqueue_indirect_dma source(%dma_start3A_402 : memref<128x128xf32, #tpu.memory_space<vmem>>) target(%dma_start3A_408 : memref<5120x128xf32, #tpu.memory_space<vmem_shared>>) offsets(%dma_start3A_405 : memref<128xi32, #tpu.memory_space<vmem>>) semaphore(%arg8 : memref<!tpu.dma_semaphore, #tpu.memory_space<semaphore_mem>>) {add = true}
    %dma_start3A_409 = arith.constant 19 : i32
    %dma_start3A_410 = arith.constant 128 : i32
    %dma_start3A_411 = arith.constant 0 : i32
    %dma_start3A_412 = tpu.memref_slice %arg6[%dma_start3A_410, %dma_start3A_411] : memref<256x128xf32, #tpu.memory_space<vmem>> -> memref<128x128xf32, #tpu.memory_space<vmem>>
    %dma_start3A_413 = arith.constant 0 : i32
    %dma_start3A_414 = tpu.memref_slice %arg5[%dma_start3A_409, %dma_start3A_413] : memref<80x128xi32, #tpu.memory_space<vmem>> -> memref<1x128xi32, #tpu.memory_space<vmem>>
    %dma_start3A_415 = tpu.memref_squeeze %dma_start3A_414 : memref<1x128xi32, #tpu.memory_space<vmem>> -> memref<128xi32, #tpu.memory_space<vmem>>
    %dma_start3A_416 = arith.constant 0 : i32
    %dma_start3A_417 = arith.constant 0 : i32
    %dma_start3A_418 = tpu.memref_slice %arg7[%dma_start3A_416, %dma_start3A_417] : memref<5120x128xf32, #tpu.memory_space<vmem_shared>> -> memref<5120x128xf32, #tpu.memory_space<vmem_shared>>
    tpu.enqueue_indirect_dma source(%dma_start3A_412 : memref<128x128xf32, #tpu.memory_space<vmem>>) target(%dma_start3A_418 : memref<5120x128xf32, #tpu.memory_space<vmem_shared>>) offsets(%dma_start3A_415 : memref<128xi32, #tpu.memory_space<vmem>>) semaphore(%arg8 : memref<!tpu.dma_semaphore, #tpu.memory_space<semaphore_mem>>) {add = true}
    %dma_wait3A_419 = arith.constant 18 : i32
    %dma_wait3A_420 = arith.constant 0 : i32
    %dma_wait3A_421 = arith.constant 0 : i32
    %dma_wait3A_422 = tpu.memref_slice %arg6[%dma_wait3A_420, %dma_wait3A_421] : memref<256x128xf32, #tpu.memory_space<vmem>> -> memref<128x128xf32, #tpu.memory_space<vmem>>
    %dma_wait3A_423 = arith.constant 0 : i32
    %dma_wait3A_424 = tpu.memref_slice %arg5[%dma_wait3A_419, %dma_wait3A_423] : memref<80x128xi32, #tpu.memory_space<vmem>> -> memref<1x128xi32, #tpu.memory_space<vmem>>
    %dma_wait3A_425 = tpu.memref_squeeze %dma_wait3A_424 : memref<1x128xi32, #tpu.memory_space<vmem>> -> memref<128xi32, #tpu.memory_space<vmem>>
    %dma_wait3A_426 = arith.constant 0 : i32
    %dma_wait3A_427 = arith.constant 0 : i32
    %dma_wait3A_428 = tpu.memref_slice %arg7[%dma_wait3A_426, %dma_wait3A_427] : memref<5120x128xf32, #tpu.memory_space<vmem_shared>> -> memref<5120x128xf32, #tpu.memory_space<vmem_shared>>
    tpu.wait_indirect_dma semaphore(%arg8 : memref<!tpu.dma_semaphore, #tpu.memory_space<semaphore_mem>>) src(%dma_wait3A_422 : memref<128x128xf32, #tpu.memory_space<vmem>>) dst(%dma_wait3A_428 : memref<5120x128xf32, #tpu.memory_space<vmem_shared>>)
    %dma_wait3A_429 = arith.constant 19 : i32
    %dma_wait3A_430 = arith.constant 128 : i32
    %dma_wait3A_431 = arith.constant 0 : i32
    %dma_wait3A_432 = tpu.memref_slice %arg6[%dma_wait3A_430, %dma_wait3A_431] : memref<256x128xf32, #tpu.memory_space<vmem>> -> memref<128x128xf32, #tpu.memory_space<vmem>>
    %dma_wait3A_433 = arith.constant 0 : i32
    %dma_wait3A_434 = tpu.memref_slice %arg5[%dma_wait3A_429, %dma_wait3A_433] : memref<80x128xi32, #tpu.memory_space<vmem>> -> memref<1x128xi32, #tpu.memory_space<vmem>>
    %dma_wait3A_435 = tpu.memref_squeeze %dma_wait3A_434 : memref<1x128xi32, #tpu.memory_space<vmem>> -> memref<128xi32, #tpu.memory_space<vmem>>
    %dma_wait3A_436 = arith.constant 0 : i32
    %dma_wait3A_437 = arith.constant 0 : i32
    %dma_wait3A_438 = tpu.memref_slice %arg7[%dma_wait3A_436, %dma_wait3A_437] : memref<5120x128xf32, #tpu.memory_space<vmem_shared>> -> memref<5120x128xf32, #tpu.memory_space<vmem_shared>>
    tpu.wait_indirect_dma semaphore(%arg8 : memref<!tpu.dma_semaphore, #tpu.memory_space<semaphore_mem>>) src(%dma_wait3A_432 : memref<128x128xf32, #tpu.memory_space<vmem>>) dst(%dma_wait3A_438 : memref<5120x128xf32, #tpu.memory_space<vmem_shared>>)
    %add3A_439 = arith.constant 2560 : i32
    %add3A_440 = arith.addi %mul3A_2, %add3A_439 : i32
    "tpu.region"() ({
      %run_scoped3A = tpu.sem_alloc : memref<!tpu.dma_semaphore, #tpu.memory_space<semaphore_mem>>
      %dma_start3A_1704 = arith.constant 0 : i32
      %dma_start3A_1705 = tpu.memref_slice %arg2[%add3A_440, %dma_start3A_1704] : memref<163840x128xf32, #tpu.memory_space<hbm>> -> memref<256x128xf32, #tpu.memory_space<hbm>>
      %dma_start3A_1706 = arith.constant 0 : i32
      %dma_start3A_1707 = tpu.memref_slice %arg2[%add3A_440, %dma_start3A_1706] : memref<163840x128xf32, #tpu.memory_space<hbm>> -> memref<256x128xf32, #tpu.memory_space<hbm>>
      tpu.enqueue_dma source(%dma_start3A_1707 : memref<256x128xf32, #tpu.memory_space<hbm>>) target(%arg6 : memref<256x128xf32, #tpu.memory_space<vmem>>) target_semaphore(%run_scoped3A : memref<!tpu.dma_semaphore, #tpu.memory_space<semaphore_mem>>)
      %dma_wait3A_1708 = arith.constant 0 : i32
      %dma_wait3A_1709 = tpu.memref_slice %arg2[%add3A_440, %dma_wait3A_1708] : memref<163840x128xf32, #tpu.memory_space<hbm>> -> memref<256x128xf32, #tpu.memory_space<hbm>>
      %dma_wait3A_1710 = arith.constant 0 : i32
      %dma_wait3A_1711 = tpu.memref_slice %arg2[%add3A_440, %dma_wait3A_1710] : memref<163840x128xf32, #tpu.memory_space<hbm>> -> memref<256x128xf32, #tpu.memory_space<hbm>>
      tpu.wait_dma2 semaphore(%run_scoped3A : memref<!tpu.dma_semaphore, #tpu.memory_space<semaphore_mem>>) src(%dma_wait3A_1711 : memref<256x128xf32, #tpu.memory_space<hbm>>) dst(%arg6 : memref<256x128xf32, #tpu.memory_space<vmem>>)
      tpu.yield
    }) : () -> ()
    %dma_start3A_441 = arith.constant 20 : i32
    %dma_start3A_442 = arith.constant 0 : i32
    %dma_start3A_443 = arith.constant 0 : i32
    %dma_start3A_444 = tpu.memref_slice %arg6[%dma_start3A_442, %dma_start3A_443] : memref<256x128xf32, #tpu.memory_space<vmem>> -> memref<128x128xf32, #tpu.memory_space<vmem>>
    %dma_start3A_445 = arith.constant 0 : i32
    %dma_start3A_446 = tpu.memref_slice %arg5[%dma_start3A_441, %dma_start3A_445] : memref<80x128xi32, #tpu.memory_space<vmem>> -> memref<1x128xi32, #tpu.memory_space<vmem>>
    %dma_start3A_447 = tpu.memref_squeeze %dma_start3A_446 : memref<1x128xi32, #tpu.memory_space<vmem>> -> memref<128xi32, #tpu.memory_space<vmem>>
    %dma_start3A_448 = arith.constant 0 : i32
    %dma_start3A_449 = arith.constant 0 : i32
    %dma_start3A_450 = tpu.memref_slice %arg7[%dma_start3A_448, %dma_start3A_449] : memref<5120x128xf32, #tpu.memory_space<vmem_shared>> -> memref<5120x128xf32, #tpu.memory_space<vmem_shared>>
    tpu.enqueue_indirect_dma source(%dma_start3A_444 : memref<128x128xf32, #tpu.memory_space<vmem>>) target(%dma_start3A_450 : memref<5120x128xf32, #tpu.memory_space<vmem_shared>>) offsets(%dma_start3A_447 : memref<128xi32, #tpu.memory_space<vmem>>) semaphore(%arg8 : memref<!tpu.dma_semaphore, #tpu.memory_space<semaphore_mem>>) {add = true}
    %dma_start3A_451 = arith.constant 21 : i32
    %dma_start3A_452 = arith.constant 128 : i32
    %dma_start3A_453 = arith.constant 0 : i32
    %dma_start3A_454 = tpu.memref_slice %arg6[%dma_start3A_452, %dma_start3A_453] : memref<256x128xf32, #tpu.memory_space<vmem>> -> memref<128x128xf32, #tpu.memory_space<vmem>>
    %dma_start3A_455 = arith.constant 0 : i32
    %dma_start3A_456 = tpu.memref_slice %arg5[%dma_start3A_451, %dma_start3A_455] : memref<80x128xi32, #tpu.memory_space<vmem>> -> memref<1x128xi32, #tpu.memory_space<vmem>>
    %dma_start3A_457 = tpu.memref_squeeze %dma_start3A_456 : memref<1x128xi32, #tpu.memory_space<vmem>> -> memref<128xi32, #tpu.memory_space<vmem>>
    %dma_start3A_458 = arith.constant 0 : i32
    %dma_start3A_459 = arith.constant 0 : i32
    %dma_start3A_460 = tpu.memref_slice %arg7[%dma_start3A_458, %dma_start3A_459] : memref<5120x128xf32, #tpu.memory_space<vmem_shared>> -> memref<5120x128xf32, #tpu.memory_space<vmem_shared>>
    tpu.enqueue_indirect_dma source(%dma_start3A_454 : memref<128x128xf32, #tpu.memory_space<vmem>>) target(%dma_start3A_460 : memref<5120x128xf32, #tpu.memory_space<vmem_shared>>) offsets(%dma_start3A_457 : memref<128xi32, #tpu.memory_space<vmem>>) semaphore(%arg8 : memref<!tpu.dma_semaphore, #tpu.memory_space<semaphore_mem>>) {add = true}
    %dma_wait3A_461 = arith.constant 20 : i32
    %dma_wait3A_462 = arith.constant 0 : i32
    %dma_wait3A_463 = arith.constant 0 : i32
    %dma_wait3A_464 = tpu.memref_slice %arg6[%dma_wait3A_462, %dma_wait3A_463] : memref<256x128xf32, #tpu.memory_space<vmem>> -> memref<128x128xf32, #tpu.memory_space<vmem>>
    %dma_wait3A_465 = arith.constant 0 : i32
    %dma_wait3A_466 = tpu.memref_slice %arg5[%dma_wait3A_461, %dma_wait3A_465] : memref<80x128xi32, #tpu.memory_space<vmem>> -> memref<1x128xi32, #tpu.memory_space<vmem>>
    %dma_wait3A_467 = tpu.memref_squeeze %dma_wait3A_466 : memref<1x128xi32, #tpu.memory_space<vmem>> -> memref<128xi32, #tpu.memory_space<vmem>>
    %dma_wait3A_468 = arith.constant 0 : i32
    %dma_wait3A_469 = arith.constant 0 : i32
    %dma_wait3A_470 = tpu.memref_slice %arg7[%dma_wait3A_468, %dma_wait3A_469] : memref<5120x128xf32, #tpu.memory_space<vmem_shared>> -> memref<5120x128xf32, #tpu.memory_space<vmem_shared>>
    tpu.wait_indirect_dma semaphore(%arg8 : memref<!tpu.dma_semaphore, #tpu.memory_space<semaphore_mem>>) src(%dma_wait3A_464 : memref<128x128xf32, #tpu.memory_space<vmem>>) dst(%dma_wait3A_470 : memref<5120x128xf32, #tpu.memory_space<vmem_shared>>)
    %dma_wait3A_471 = arith.constant 21 : i32
    %dma_wait3A_472 = arith.constant 128 : i32
    %dma_wait3A_473 = arith.constant 0 : i32
    %dma_wait3A_474 = tpu.memref_slice %arg6[%dma_wait3A_472, %dma_wait3A_473] : memref<256x128xf32, #tpu.memory_space<vmem>> -> memref<128x128xf32, #tpu.memory_space<vmem>>
    %dma_wait3A_475 = arith.constant 0 : i32
    %dma_wait3A_476 = tpu.memref_slice %arg5[%dma_wait3A_471, %dma_wait3A_475] : memref<80x128xi32, #tpu.memory_space<vmem>> -> memref<1x128xi32, #tpu.memory_space<vmem>>
    %dma_wait3A_477 = tpu.memref_squeeze %dma_wait3A_476 : memref<1x128xi32, #tpu.memory_space<vmem>> -> memref<128xi32, #tpu.memory_space<vmem>>
    %dma_wait3A_478 = arith.constant 0 : i32
    %dma_wait3A_479 = arith.constant 0 : i32
    %dma_wait3A_480 = tpu.memref_slice %arg7[%dma_wait3A_478, %dma_wait3A_479] : memref<5120x128xf32, #tpu.memory_space<vmem_shared>> -> memref<5120x128xf32, #tpu.memory_space<vmem_shared>>
    tpu.wait_indirect_dma semaphore(%arg8 : memref<!tpu.dma_semaphore, #tpu.memory_space<semaphore_mem>>) src(%dma_wait3A_474 : memref<128x128xf32, #tpu.memory_space<vmem>>) dst(%dma_wait3A_480 : memref<5120x128xf32, #tpu.memory_space<vmem_shared>>)
    %add3A_481 = arith.constant 2816 : i32
    %add3A_482 = arith.addi %mul3A_2, %add3A_481 : i32
    "tpu.region"() ({
      %run_scoped3A = tpu.sem_alloc : memref<!tpu.dma_semaphore, #tpu.memory_space<semaphore_mem>>
      %dma_start3A_1704 = arith.constant 0 : i32
      %dma_start3A_1705 = tpu.memref_slice %arg2[%add3A_482, %dma_start3A_1704] : memref<163840x128xf32, #tpu.memory_space<hbm>> -> memref<256x128xf32, #tpu.memory_space<hbm>>
      %dma_start3A_1706 = arith.constant 0 : i32
      %dma_start3A_1707 = tpu.memref_slice %arg2[%add3A_482, %dma_start3A_1706] : memref<163840x128xf32, #tpu.memory_space<hbm>> -> memref<256x128xf32, #tpu.memory_space<hbm>>
      tpu.enqueue_dma source(%dma_start3A_1707 : memref<256x128xf32, #tpu.memory_space<hbm>>) target(%arg6 : memref<256x128xf32, #tpu.memory_space<vmem>>) target_semaphore(%run_scoped3A : memref<!tpu.dma_semaphore, #tpu.memory_space<semaphore_mem>>)
      %dma_wait3A_1708 = arith.constant 0 : i32
      %dma_wait3A_1709 = tpu.memref_slice %arg2[%add3A_482, %dma_wait3A_1708] : memref<163840x128xf32, #tpu.memory_space<hbm>> -> memref<256x128xf32, #tpu.memory_space<hbm>>
      %dma_wait3A_1710 = arith.constant 0 : i32
      %dma_wait3A_1711 = tpu.memref_slice %arg2[%add3A_482, %dma_wait3A_1710] : memref<163840x128xf32, #tpu.memory_space<hbm>> -> memref<256x128xf32, #tpu.memory_space<hbm>>
      tpu.wait_dma2 semaphore(%run_scoped3A : memref<!tpu.dma_semaphore, #tpu.memory_space<semaphore_mem>>) src(%dma_wait3A_1711 : memref<256x128xf32, #tpu.memory_space<hbm>>) dst(%arg6 : memref<256x128xf32, #tpu.memory_space<vmem>>)
      tpu.yield
    }) : () -> ()
    %dma_start3A_483 = arith.constant 22 : i32
    %dma_start3A_484 = arith.constant 0 : i32
    %dma_start3A_485 = arith.constant 0 : i32
    %dma_start3A_486 = tpu.memref_slice %arg6[%dma_start3A_484, %dma_start3A_485] : memref<256x128xf32, #tpu.memory_space<vmem>> -> memref<128x128xf32, #tpu.memory_space<vmem>>
    %dma_start3A_487 = arith.constant 0 : i32
    %dma_start3A_488 = tpu.memref_slice %arg5[%dma_start3A_483, %dma_start3A_487] : memref<80x128xi32, #tpu.memory_space<vmem>> -> memref<1x128xi32, #tpu.memory_space<vmem>>
    %dma_start3A_489 = tpu.memref_squeeze %dma_start3A_488 : memref<1x128xi32, #tpu.memory_space<vmem>> -> memref<128xi32, #tpu.memory_space<vmem>>
    %dma_start3A_490 = arith.constant 0 : i32
    %dma_start3A_491 = arith.constant 0 : i32
    %dma_start3A_492 = tpu.memref_slice %arg7[%dma_start3A_490, %dma_start3A_491] : memref<5120x128xf32, #tpu.memory_space<vmem_shared>> -> memref<5120x128xf32, #tpu.memory_space<vmem_shared>>
    tpu.enqueue_indirect_dma source(%dma_start3A_486 : memref<128x128xf32, #tpu.memory_space<vmem>>) target(%dma_start3A_492 : memref<5120x128xf32, #tpu.memory_space<vmem_shared>>) offsets(%dma_start3A_489 : memref<128xi32, #tpu.memory_space<vmem>>) semaphore(%arg8 : memref<!tpu.dma_semaphore, #tpu.memory_space<semaphore_mem>>) {add = true}
    %dma_start3A_493 = arith.constant 23 : i32
    %dma_start3A_494 = arith.constant 128 : i32
    %dma_start3A_495 = arith.constant 0 : i32
    %dma_start3A_496 = tpu.memref_slice %arg6[%dma_start3A_494, %dma_start3A_495] : memref<256x128xf32, #tpu.memory_space<vmem>> -> memref<128x128xf32, #tpu.memory_space<vmem>>
    %dma_start3A_497 = arith.constant 0 : i32
    %dma_start3A_498 = tpu.memref_slice %arg5[%dma_start3A_493, %dma_start3A_497] : memref<80x128xi32, #tpu.memory_space<vmem>> -> memref<1x128xi32, #tpu.memory_space<vmem>>
    %dma_start3A_499 = tpu.memref_squeeze %dma_start3A_498 : memref<1x128xi32, #tpu.memory_space<vmem>> -> memref<128xi32, #tpu.memory_space<vmem>>
    %dma_start3A_500 = arith.constant 0 : i32
    %dma_start3A_501 = arith.constant 0 : i32
    %dma_start3A_502 = tpu.memref_slice %arg7[%dma_start3A_500, %dma_start3A_501] : memref<5120x128xf32, #tpu.memory_space<vmem_shared>> -> memref<5120x128xf32, #tpu.memory_space<vmem_shared>>
    tpu.enqueue_indirect_dma source(%dma_start3A_496 : memref<128x128xf32, #tpu.memory_space<vmem>>) target(%dma_start3A_502 : memref<5120x128xf32, #tpu.memory_space<vmem_shared>>) offsets(%dma_start3A_499 : memref<128xi32, #tpu.memory_space<vmem>>) semaphore(%arg8 : memref<!tpu.dma_semaphore, #tpu.memory_space<semaphore_mem>>) {add = true}
    %dma_wait3A_503 = arith.constant 22 : i32
    %dma_wait3A_504 = arith.constant 0 : i32
    %dma_wait3A_505 = arith.constant 0 : i32
    %dma_wait3A_506 = tpu.memref_slice %arg6[%dma_wait3A_504, %dma_wait3A_505] : memref<256x128xf32, #tpu.memory_space<vmem>> -> memref<128x128xf32, #tpu.memory_space<vmem>>
    %dma_wait3A_507 = arith.constant 0 : i32
    %dma_wait3A_508 = tpu.memref_slice %arg5[%dma_wait3A_503, %dma_wait3A_507] : memref<80x128xi32, #tpu.memory_space<vmem>> -> memref<1x128xi32, #tpu.memory_space<vmem>>
    %dma_wait3A_509 = tpu.memref_squeeze %dma_wait3A_508 : memref<1x128xi32, #tpu.memory_space<vmem>> -> memref<128xi32, #tpu.memory_space<vmem>>
    %dma_wait3A_510 = arith.constant 0 : i32
    %dma_wait3A_511 = arith.constant 0 : i32
    %dma_wait3A_512 = tpu.memref_slice %arg7[%dma_wait3A_510, %dma_wait3A_511] : memref<5120x128xf32, #tpu.memory_space<vmem_shared>> -> memref<5120x128xf32, #tpu.memory_space<vmem_shared>>
    tpu.wait_indirect_dma semaphore(%arg8 : memref<!tpu.dma_semaphore, #tpu.memory_space<semaphore_mem>>) src(%dma_wait3A_506 : memref<128x128xf32, #tpu.memory_space<vmem>>) dst(%dma_wait3A_512 : memref<5120x128xf32, #tpu.memory_space<vmem_shared>>)
    %dma_wait3A_513 = arith.constant 23 : i32
    %dma_wait3A_514 = arith.constant 128 : i32
    %dma_wait3A_515 = arith.constant 0 : i32
    %dma_wait3A_516 = tpu.memref_slice %arg6[%dma_wait3A_514, %dma_wait3A_515] : memref<256x128xf32, #tpu.memory_space<vmem>> -> memref<128x128xf32, #tpu.memory_space<vmem>>
    %dma_wait3A_517 = arith.constant 0 : i32
    %dma_wait3A_518 = tpu.memref_slice %arg5[%dma_wait3A_513, %dma_wait3A_517] : memref<80x128xi32, #tpu.memory_space<vmem>> -> memref<1x128xi32, #tpu.memory_space<vmem>>
    %dma_wait3A_519 = tpu.memref_squeeze %dma_wait3A_518 : memref<1x128xi32, #tpu.memory_space<vmem>> -> memref<128xi32, #tpu.memory_space<vmem>>
    %dma_wait3A_520 = arith.constant 0 : i32
    %dma_wait3A_521 = arith.constant 0 : i32
    %dma_wait3A_522 = tpu.memref_slice %arg7[%dma_wait3A_520, %dma_wait3A_521] : memref<5120x128xf32, #tpu.memory_space<vmem_shared>> -> memref<5120x128xf32, #tpu.memory_space<vmem_shared>>
    tpu.wait_indirect_dma semaphore(%arg8 : memref<!tpu.dma_semaphore, #tpu.memory_space<semaphore_mem>>) src(%dma_wait3A_516 : memref<128x128xf32, #tpu.memory_space<vmem>>) dst(%dma_wait3A_522 : memref<5120x128xf32, #tpu.memory_space<vmem_shared>>)
    %add3A_523 = arith.constant 3072 : i32
    %add3A_524 = arith.addi %mul3A_2, %add3A_523 : i32
    "tpu.region"() ({
      %run_scoped3A = tpu.sem_alloc : memref<!tpu.dma_semaphore, #tpu.memory_space<semaphore_mem>>
      %dma_start3A_1704 = arith.constant 0 : i32
      %dma_start3A_1705 = tpu.memref_slice %arg2[%add3A_524, %dma_start3A_1704] : memref<163840x128xf32, #tpu.memory_space<hbm>> -> memref<256x128xf32, #tpu.memory_space<hbm>>
      %dma_start3A_1706 = arith.constant 0 : i32
      %dma_start3A_1707 = tpu.memref_slice %arg2[%add3A_524, %dma_start3A_1706] : memref<163840x128xf32, #tpu.memory_space<hbm>> -> memref<256x128xf32, #tpu.memory_space<hbm>>
      tpu.enqueue_dma source(%dma_start3A_1707 : memref<256x128xf32, #tpu.memory_space<hbm>>) target(%arg6 : memref<256x128xf32, #tpu.memory_space<vmem>>) target_semaphore(%run_scoped3A : memref<!tpu.dma_semaphore, #tpu.memory_space<semaphore_mem>>)
      %dma_wait3A_1708 = arith.constant 0 : i32
      %dma_wait3A_1709 = tpu.memref_slice %arg2[%add3A_524, %dma_wait3A_1708] : memref<163840x128xf32, #tpu.memory_space<hbm>> -> memref<256x128xf32, #tpu.memory_space<hbm>>
      %dma_wait3A_1710 = arith.constant 0 : i32
      %dma_wait3A_1711 = tpu.memref_slice %arg2[%add3A_524, %dma_wait3A_1710] : memref<163840x128xf32, #tpu.memory_space<hbm>> -> memref<256x128xf32, #tpu.memory_space<hbm>>
      tpu.wait_dma2 semaphore(%run_scoped3A : memref<!tpu.dma_semaphore, #tpu.memory_space<semaphore_mem>>) src(%dma_wait3A_1711 : memref<256x128xf32, #tpu.memory_space<hbm>>) dst(%arg6 : memref<256x128xf32, #tpu.memory_space<vmem>>)
      tpu.yield
    }) : () -> ()
    %dma_start3A_525 = arith.constant 24 : i32
    %dma_start3A_526 = arith.constant 0 : i32
    %dma_start3A_527 = arith.constant 0 : i32
    %dma_start3A_528 = tpu.memref_slice %arg6[%dma_start3A_526, %dma_start3A_527] : memref<256x128xf32, #tpu.memory_space<vmem>> -> memref<128x128xf32, #tpu.memory_space<vmem>>
    %dma_start3A_529 = arith.constant 0 : i32
    %dma_start3A_530 = tpu.memref_slice %arg5[%dma_start3A_525, %dma_start3A_529] : memref<80x128xi32, #tpu.memory_space<vmem>> -> memref<1x128xi32, #tpu.memory_space<vmem>>
    %dma_start3A_531 = tpu.memref_squeeze %dma_start3A_530 : memref<1x128xi32, #tpu.memory_space<vmem>> -> memref<128xi32, #tpu.memory_space<vmem>>
    %dma_start3A_532 = arith.constant 0 : i32
    %dma_start3A_533 = arith.constant 0 : i32
    %dma_start3A_534 = tpu.memref_slice %arg7[%dma_start3A_532, %dma_start3A_533] : memref<5120x128xf32, #tpu.memory_space<vmem_shared>> -> memref<5120x128xf32, #tpu.memory_space<vmem_shared>>
    tpu.enqueue_indirect_dma source(%dma_start3A_528 : memref<128x128xf32, #tpu.memory_space<vmem>>) target(%dma_start3A_534 : memref<5120x128xf32, #tpu.memory_space<vmem_shared>>) offsets(%dma_start3A_531 : memref<128xi32, #tpu.memory_space<vmem>>) semaphore(%arg8 : memref<!tpu.dma_semaphore, #tpu.memory_space<semaphore_mem>>) {add = true}
    %dma_start3A_535 = arith.constant 25 : i32
    %dma_start3A_536 = arith.constant 128 : i32
    %dma_start3A_537 = arith.constant 0 : i32
    %dma_start3A_538 = tpu.memref_slice %arg6[%dma_start3A_536, %dma_start3A_537] : memref<256x128xf32, #tpu.memory_space<vmem>> -> memref<128x128xf32, #tpu.memory_space<vmem>>
    %dma_start3A_539 = arith.constant 0 : i32
    %dma_start3A_540 = tpu.memref_slice %arg5[%dma_start3A_535, %dma_start3A_539] : memref<80x128xi32, #tpu.memory_space<vmem>> -> memref<1x128xi32, #tpu.memory_space<vmem>>
    %dma_start3A_541 = tpu.memref_squeeze %dma_start3A_540 : memref<1x128xi32, #tpu.memory_space<vmem>> -> memref<128xi32, #tpu.memory_space<vmem>>
    %dma_start3A_542 = arith.constant 0 : i32
    %dma_start3A_543 = arith.constant 0 : i32
    %dma_start3A_544 = tpu.memref_slice %arg7[%dma_start3A_542, %dma_start3A_543] : memref<5120x128xf32, #tpu.memory_space<vmem_shared>> -> memref<5120x128xf32, #tpu.memory_space<vmem_shared>>
    tpu.enqueue_indirect_dma source(%dma_start3A_538 : memref<128x128xf32, #tpu.memory_space<vmem>>) target(%dma_start3A_544 : memref<5120x128xf32, #tpu.memory_space<vmem_shared>>) offsets(%dma_start3A_541 : memref<128xi32, #tpu.memory_space<vmem>>) semaphore(%arg8 : memref<!tpu.dma_semaphore, #tpu.memory_space<semaphore_mem>>) {add = true}
    %dma_wait3A_545 = arith.constant 24 : i32
    %dma_wait3A_546 = arith.constant 0 : i32
    %dma_wait3A_547 = arith.constant 0 : i32
    %dma_wait3A_548 = tpu.memref_slice %arg6[%dma_wait3A_546, %dma_wait3A_547] : memref<256x128xf32, #tpu.memory_space<vmem>> -> memref<128x128xf32, #tpu.memory_space<vmem>>
    %dma_wait3A_549 = arith.constant 0 : i32
    %dma_wait3A_550 = tpu.memref_slice %arg5[%dma_wait3A_545, %dma_wait3A_549] : memref<80x128xi32, #tpu.memory_space<vmem>> -> memref<1x128xi32, #tpu.memory_space<vmem>>
    %dma_wait3A_551 = tpu.memref_squeeze %dma_wait3A_550 : memref<1x128xi32, #tpu.memory_space<vmem>> -> memref<128xi32, #tpu.memory_space<vmem>>
    %dma_wait3A_552 = arith.constant 0 : i32
    %dma_wait3A_553 = arith.constant 0 : i32
    %dma_wait3A_554 = tpu.memref_slice %arg7[%dma_wait3A_552, %dma_wait3A_553] : memref<5120x128xf32, #tpu.memory_space<vmem_shared>> -> memref<5120x128xf32, #tpu.memory_space<vmem_shared>>
    tpu.wait_indirect_dma semaphore(%arg8 : memref<!tpu.dma_semaphore, #tpu.memory_space<semaphore_mem>>) src(%dma_wait3A_548 : memref<128x128xf32, #tpu.memory_space<vmem>>) dst(%dma_wait3A_554 : memref<5120x128xf32, #tpu.memory_space<vmem_shared>>)
    %dma_wait3A_555 = arith.constant 25 : i32
    %dma_wait3A_556 = arith.constant 128 : i32
    %dma_wait3A_557 = arith.constant 0 : i32
    %dma_wait3A_558 = tpu.memref_slice %arg6[%dma_wait3A_556, %dma_wait3A_557] : memref<256x128xf32, #tpu.memory_space<vmem>> -> memref<128x128xf32, #tpu.memory_space<vmem>>
    %dma_wait3A_559 = arith.constant 0 : i32
    %dma_wait3A_560 = tpu.memref_slice %arg5[%dma_wait3A_555, %dma_wait3A_559] : memref<80x128xi32, #tpu.memory_space<vmem>> -> memref<1x128xi32, #tpu.memory_space<vmem>>
    %dma_wait3A_561 = tpu.memref_squeeze %dma_wait3A_560 : memref<1x128xi32, #tpu.memory_space<vmem>> -> memref<128xi32, #tpu.memory_space<vmem>>
    %dma_wait3A_562 = arith.constant 0 : i32
    %dma_wait3A_563 = arith.constant 0 : i32
    %dma_wait3A_564 = tpu.memref_slice %arg7[%dma_wait3A_562, %dma_wait3A_563] : memref<5120x128xf32, #tpu.memory_space<vmem_shared>> -> memref<5120x128xf32, #tpu.memory_space<vmem_shared>>
    tpu.wait_indirect_dma semaphore(%arg8 : memref<!tpu.dma_semaphore, #tpu.memory_space<semaphore_mem>>) src(%dma_wait3A_558 : memref<128x128xf32, #tpu.memory_space<vmem>>) dst(%dma_wait3A_564 : memref<5120x128xf32, #tpu.memory_space<vmem_shared>>)
    %add3A_565 = arith.constant 3328 : i32
    %add3A_566 = arith.addi %mul3A_2, %add3A_565 : i32
    "tpu.region"() ({
      %run_scoped3A = tpu.sem_alloc : memref<!tpu.dma_semaphore, #tpu.memory_space<semaphore_mem>>
      %dma_start3A_1704 = arith.constant 0 : i32
      %dma_start3A_1705 = tpu.memref_slice %arg2[%add3A_566, %dma_start3A_1704] : memref<163840x128xf32, #tpu.memory_space<hbm>> -> memref<256x128xf32, #tpu.memory_space<hbm>>
      %dma_start3A_1706 = arith.constant 0 : i32
      %dma_start3A_1707 = tpu.memref_slice %arg2[%add3A_566, %dma_start3A_1706] : memref<163840x128xf32, #tpu.memory_space<hbm>> -> memref<256x128xf32, #tpu.memory_space<hbm>>
      tpu.enqueue_dma source(%dma_start3A_1707 : memref<256x128xf32, #tpu.memory_space<hbm>>) target(%arg6 : memref<256x128xf32, #tpu.memory_space<vmem>>) target_semaphore(%run_scoped3A : memref<!tpu.dma_semaphore, #tpu.memory_space<semaphore_mem>>)
      %dma_wait3A_1708 = arith.constant 0 : i32
      %dma_wait3A_1709 = tpu.memref_slice %arg2[%add3A_566, %dma_wait3A_1708] : memref<163840x128xf32, #tpu.memory_space<hbm>> -> memref<256x128xf32, #tpu.memory_space<hbm>>
      %dma_wait3A_1710 = arith.constant 0 : i32
      %dma_wait3A_1711 = tpu.memref_slice %arg2[%add3A_566, %dma_wait3A_1710] : memref<163840x128xf32, #tpu.memory_space<hbm>> -> memref<256x128xf32, #tpu.memory_space<hbm>>
      tpu.wait_dma2 semaphore(%run_scoped3A : memref<!tpu.dma_semaphore, #tpu.memory_space<semaphore_mem>>) src(%dma_wait3A_1711 : memref<256x128xf32, #tpu.memory_space<hbm>>) dst(%arg6 : memref<256x128xf32, #tpu.memory_space<vmem>>)
      tpu.yield
    }) : () -> ()
    %dma_start3A_567 = arith.constant 26 : i32
    %dma_start3A_568 = arith.constant 0 : i32
    %dma_start3A_569 = arith.constant 0 : i32
    %dma_start3A_570 = tpu.memref_slice %arg6[%dma_start3A_568, %dma_start3A_569] : memref<256x128xf32, #tpu.memory_space<vmem>> -> memref<128x128xf32, #tpu.memory_space<vmem>>
    %dma_start3A_571 = arith.constant 0 : i32
    %dma_start3A_572 = tpu.memref_slice %arg5[%dma_start3A_567, %dma_start3A_571] : memref<80x128xi32, #tpu.memory_space<vmem>> -> memref<1x128xi32, #tpu.memory_space<vmem>>
    %dma_start3A_573 = tpu.memref_squeeze %dma_start3A_572 : memref<1x128xi32, #tpu.memory_space<vmem>> -> memref<128xi32, #tpu.memory_space<vmem>>
    %dma_start3A_574 = arith.constant 0 : i32
    %dma_start3A_575 = arith.constant 0 : i32
    %dma_start3A_576 = tpu.memref_slice %arg7[%dma_start3A_574, %dma_start3A_575] : memref<5120x128xf32, #tpu.memory_space<vmem_shared>> -> memref<5120x128xf32, #tpu.memory_space<vmem_shared>>
    tpu.enqueue_indirect_dma source(%dma_start3A_570 : memref<128x128xf32, #tpu.memory_space<vmem>>) target(%dma_start3A_576 : memref<5120x128xf32, #tpu.memory_space<vmem_shared>>) offsets(%dma_start3A_573 : memref<128xi32, #tpu.memory_space<vmem>>) semaphore(%arg8 : memref<!tpu.dma_semaphore, #tpu.memory_space<semaphore_mem>>) {add = true}
    %dma_start3A_577 = arith.constant 27 : i32
    %dma_start3A_578 = arith.constant 128 : i32
    %dma_start3A_579 = arith.constant 0 : i32
    %dma_start3A_580 = tpu.memref_slice %arg6[%dma_start3A_578, %dma_start3A_579] : memref<256x128xf32, #tpu.memory_space<vmem>> -> memref<128x128xf32, #tpu.memory_space<vmem>>
    %dma_start3A_581 = arith.constant 0 : i32
    %dma_start3A_582 = tpu.memref_slice %arg5[%dma_start3A_577, %dma_start3A_581] : memref<80x128xi32, #tpu.memory_space<vmem>> -> memref<1x128xi32, #tpu.memory_space<vmem>>
    %dma_start3A_583 = tpu.memref_squeeze %dma_start3A_582 : memref<1x128xi32, #tpu.memory_space<vmem>> -> memref<128xi32, #tpu.memory_space<vmem>>
    %dma_start3A_584 = arith.constant 0 : i32
    %dma_start3A_585 = arith.constant 0 : i32
    %dma_start3A_586 = tpu.memref_slice %arg7[%dma_start3A_584, %dma_start3A_585] : memref<5120x128xf32, #tpu.memory_space<vmem_shared>> -> memref<5120x128xf32, #tpu.memory_space<vmem_shared>>
    tpu.enqueue_indirect_dma source(%dma_start3A_580 : memref<128x128xf32, #tpu.memory_space<vmem>>) target(%dma_start3A_586 : memref<5120x128xf32, #tpu.memory_space<vmem_shared>>) offsets(%dma_start3A_583 : memref<128xi32, #tpu.memory_space<vmem>>) semaphore(%arg8 : memref<!tpu.dma_semaphore, #tpu.memory_space<semaphore_mem>>) {add = true}
    %dma_wait3A_587 = arith.constant 26 : i32
    %dma_wait3A_588 = arith.constant 0 : i32
    %dma_wait3A_589 = arith.constant 0 : i32
    %dma_wait3A_590 = tpu.memref_slice %arg6[%dma_wait3A_588, %dma_wait3A_589] : memref<256x128xf32, #tpu.memory_space<vmem>> -> memref<128x128xf32, #tpu.memory_space<vmem>>
    %dma_wait3A_591 = arith.constant 0 : i32
    %dma_wait3A_592 = tpu.memref_slice %arg5[%dma_wait3A_587, %dma_wait3A_591] : memref<80x128xi32, #tpu.memory_space<vmem>> -> memref<1x128xi32, #tpu.memory_space<vmem>>
    %dma_wait3A_593 = tpu.memref_squeeze %dma_wait3A_592 : memref<1x128xi32, #tpu.memory_space<vmem>> -> memref<128xi32, #tpu.memory_space<vmem>>
    %dma_wait3A_594 = arith.constant 0 : i32
    %dma_wait3A_595 = arith.constant 0 : i32
    %dma_wait3A_596 = tpu.memref_slice %arg7[%dma_wait3A_594, %dma_wait3A_595] : memref<5120x128xf32, #tpu.memory_space<vmem_shared>> -> memref<5120x128xf32, #tpu.memory_space<vmem_shared>>
    tpu.wait_indirect_dma semaphore(%arg8 : memref<!tpu.dma_semaphore, #tpu.memory_space<semaphore_mem>>) src(%dma_wait3A_590 : memref<128x128xf32, #tpu.memory_space<vmem>>) dst(%dma_wait3A_596 : memref<5120x128xf32, #tpu.memory_space<vmem_shared>>)
    %dma_wait3A_597 = arith.constant 27 : i32
    %dma_wait3A_598 = arith.constant 128 : i32
    %dma_wait3A_599 = arith.constant 0 : i32
    %dma_wait3A_600 = tpu.memref_slice %arg6[%dma_wait3A_598, %dma_wait3A_599] : memref<256x128xf32, #tpu.memory_space<vmem>> -> memref<128x128xf32, #tpu.memory_space<vmem>>
    %dma_wait3A_601 = arith.constant 0 : i32
    %dma_wait3A_602 = tpu.memref_slice %arg5[%dma_wait3A_597, %dma_wait3A_601] : memref<80x128xi32, #tpu.memory_space<vmem>> -> memref<1x128xi32, #tpu.memory_space<vmem>>
    %dma_wait3A_603 = tpu.memref_squeeze %dma_wait3A_602 : memref<1x128xi32, #tpu.memory_space<vmem>> -> memref<128xi32, #tpu.memory_space<vmem>>
    %dma_wait3A_604 = arith.constant 0 : i32
    %dma_wait3A_605 = arith.constant 0 : i32
    %dma_wait3A_606 = tpu.memref_slice %arg7[%dma_wait3A_604, %dma_wait3A_605] : memref<5120x128xf32, #tpu.memory_space<vmem_shared>> -> memref<5120x128xf32, #tpu.memory_space<vmem_shared>>
    tpu.wait_indirect_dma semaphore(%arg8 : memref<!tpu.dma_semaphore, #tpu.memory_space<semaphore_mem>>) src(%dma_wait3A_600 : memref<128x128xf32, #tpu.memory_space<vmem>>) dst(%dma_wait3A_606 : memref<5120x128xf32, #tpu.memory_space<vmem_shared>>)
    %add3A_607 = arith.constant 3584 : i32
    %add3A_608 = arith.addi %mul3A_2, %add3A_607 : i32
    "tpu.region"() ({
      %run_scoped3A = tpu.sem_alloc : memref<!tpu.dma_semaphore, #tpu.memory_space<semaphore_mem>>
      %dma_start3A_1704 = arith.constant 0 : i32
      %dma_start3A_1705 = tpu.memref_slice %arg2[%add3A_608, %dma_start3A_1704] : memref<163840x128xf32, #tpu.memory_space<hbm>> -> memref<256x128xf32, #tpu.memory_space<hbm>>
      %dma_start3A_1706 = arith.constant 0 : i32
      %dma_start3A_1707 = tpu.memref_slice %arg2[%add3A_608, %dma_start3A_1706] : memref<163840x128xf32, #tpu.memory_space<hbm>> -> memref<256x128xf32, #tpu.memory_space<hbm>>
      tpu.enqueue_dma source(%dma_start3A_1707 : memref<256x128xf32, #tpu.memory_space<hbm>>) target(%arg6 : memref<256x128xf32, #tpu.memory_space<vmem>>) target_semaphore(%run_scoped3A : memref<!tpu.dma_semaphore, #tpu.memory_space<semaphore_mem>>)
      %dma_wait3A_1708 = arith.constant 0 : i32
      %dma_wait3A_1709 = tpu.memref_slice %arg2[%add3A_608, %dma_wait3A_1708] : memref<163840x128xf32, #tpu.memory_space<hbm>> -> memref<256x128xf32, #tpu.memory_space<hbm>>
      %dma_wait3A_1710 = arith.constant 0 : i32
      %dma_wait3A_1711 = tpu.memref_slice %arg2[%add3A_608, %dma_wait3A_1710] : memref<163840x128xf32, #tpu.memory_space<hbm>> -> memref<256x128xf32, #tpu.memory_space<hbm>>
      tpu.wait_dma2 semaphore(%run_scoped3A : memref<!tpu.dma_semaphore, #tpu.memory_space<semaphore_mem>>) src(%dma_wait3A_1711 : memref<256x128xf32, #tpu.memory_space<hbm>>) dst(%arg6 : memref<256x128xf32, #tpu.memory_space<vmem>>)
      tpu.yield
    }) : () -> ()
    %dma_start3A_609 = arith.constant 28 : i32
    %dma_start3A_610 = arith.constant 0 : i32
    %dma_start3A_611 = arith.constant 0 : i32
    %dma_start3A_612 = tpu.memref_slice %arg6[%dma_start3A_610, %dma_start3A_611] : memref<256x128xf32, #tpu.memory_space<vmem>> -> memref<128x128xf32, #tpu.memory_space<vmem>>
    %dma_start3A_613 = arith.constant 0 : i32
    %dma_start3A_614 = tpu.memref_slice %arg5[%dma_start3A_609, %dma_start3A_613] : memref<80x128xi32, #tpu.memory_space<vmem>> -> memref<1x128xi32, #tpu.memory_space<vmem>>
    %dma_start3A_615 = tpu.memref_squeeze %dma_start3A_614 : memref<1x128xi32, #tpu.memory_space<vmem>> -> memref<128xi32, #tpu.memory_space<vmem>>
    %dma_start3A_616 = arith.constant 0 : i32
    %dma_start3A_617 = arith.constant 0 : i32
    %dma_start3A_618 = tpu.memref_slice %arg7[%dma_start3A_616, %dma_start3A_617] : memref<5120x128xf32, #tpu.memory_space<vmem_shared>> -> memref<5120x128xf32, #tpu.memory_space<vmem_shared>>
    tpu.enqueue_indirect_dma source(%dma_start3A_612 : memref<128x128xf32, #tpu.memory_space<vmem>>) target(%dma_start3A_618 : memref<5120x128xf32, #tpu.memory_space<vmem_shared>>) offsets(%dma_start3A_615 : memref<128xi32, #tpu.memory_space<vmem>>) semaphore(%arg8 : memref<!tpu.dma_semaphore, #tpu.memory_space<semaphore_mem>>) {add = true}
    %dma_start3A_619 = arith.constant 29 : i32
    %dma_start3A_620 = arith.constant 128 : i32
    %dma_start3A_621 = arith.constant 0 : i32
    %dma_start3A_622 = tpu.memref_slice %arg6[%dma_start3A_620, %dma_start3A_621] : memref<256x128xf32, #tpu.memory_space<vmem>> -> memref<128x128xf32, #tpu.memory_space<vmem>>
    %dma_start3A_623 = arith.constant 0 : i32
    %dma_start3A_624 = tpu.memref_slice %arg5[%dma_start3A_619, %dma_start3A_623] : memref<80x128xi32, #tpu.memory_space<vmem>> -> memref<1x128xi32, #tpu.memory_space<vmem>>
    %dma_start3A_625 = tpu.memref_squeeze %dma_start3A_624 : memref<1x128xi32, #tpu.memory_space<vmem>> -> memref<128xi32, #tpu.memory_space<vmem>>
    %dma_start3A_626 = arith.constant 0 : i32
    %dma_start3A_627 = arith.constant 0 : i32
    %dma_start3A_628 = tpu.memref_slice %arg7[%dma_start3A_626, %dma_start3A_627] : memref<5120x128xf32, #tpu.memory_space<vmem_shared>> -> memref<5120x128xf32, #tpu.memory_space<vmem_shared>>
    tpu.enqueue_indirect_dma source(%dma_start3A_622 : memref<128x128xf32, #tpu.memory_space<vmem>>) target(%dma_start3A_628 : memref<5120x128xf32, #tpu.memory_space<vmem_shared>>) offsets(%dma_start3A_625 : memref<128xi32, #tpu.memory_space<vmem>>) semaphore(%arg8 : memref<!tpu.dma_semaphore, #tpu.memory_space<semaphore_mem>>) {add = true}
    %dma_wait3A_629 = arith.constant 28 : i32
    %dma_wait3A_630 = arith.constant 0 : i32
    %dma_wait3A_631 = arith.constant 0 : i32
    %dma_wait3A_632 = tpu.memref_slice %arg6[%dma_wait3A_630, %dma_wait3A_631] : memref<256x128xf32, #tpu.memory_space<vmem>> -> memref<128x128xf32, #tpu.memory_space<vmem>>
    %dma_wait3A_633 = arith.constant 0 : i32
    %dma_wait3A_634 = tpu.memref_slice %arg5[%dma_wait3A_629, %dma_wait3A_633] : memref<80x128xi32, #tpu.memory_space<vmem>> -> memref<1x128xi32, #tpu.memory_space<vmem>>
    %dma_wait3A_635 = tpu.memref_squeeze %dma_wait3A_634 : memref<1x128xi32, #tpu.memory_space<vmem>> -> memref<128xi32, #tpu.memory_space<vmem>>
    %dma_wait3A_636 = arith.constant 0 : i32
    %dma_wait3A_637 = arith.constant 0 : i32
    %dma_wait3A_638 = tpu.memref_slice %arg7[%dma_wait3A_636, %dma_wait3A_637] : memref<5120x128xf32, #tpu.memory_space<vmem_shared>> -> memref<5120x128xf32, #tpu.memory_space<vmem_shared>>
    tpu.wait_indirect_dma semaphore(%arg8 : memref<!tpu.dma_semaphore, #tpu.memory_space<semaphore_mem>>) src(%dma_wait3A_632 : memref<128x128xf32, #tpu.memory_space<vmem>>) dst(%dma_wait3A_638 : memref<5120x128xf32, #tpu.memory_space<vmem_shared>>)
    %dma_wait3A_639 = arith.constant 29 : i32
    %dma_wait3A_640 = arith.constant 128 : i32
    %dma_wait3A_641 = arith.constant 0 : i32
    %dma_wait3A_642 = tpu.memref_slice %arg6[%dma_wait3A_640, %dma_wait3A_641] : memref<256x128xf32, #tpu.memory_space<vmem>> -> memref<128x128xf32, #tpu.memory_space<vmem>>
    %dma_wait3A_643 = arith.constant 0 : i32
    %dma_wait3A_644 = tpu.memref_slice %arg5[%dma_wait3A_639, %dma_wait3A_643] : memref<80x128xi32, #tpu.memory_space<vmem>> -> memref<1x128xi32, #tpu.memory_space<vmem>>
    %dma_wait3A_645 = tpu.memref_squeeze %dma_wait3A_644 : memref<1x128xi32, #tpu.memory_space<vmem>> -> memref<128xi32, #tpu.memory_space<vmem>>
    %dma_wait3A_646 = arith.constant 0 : i32
    %dma_wait3A_647 = arith.constant 0 : i32
    %dma_wait3A_648 = tpu.memref_slice %arg7[%dma_wait3A_646, %dma_wait3A_647] : memref<5120x128xf32, #tpu.memory_space<vmem_shared>> -> memref<5120x128xf32, #tpu.memory_space<vmem_shared>>
    tpu.wait_indirect_dma semaphore(%arg8 : memref<!tpu.dma_semaphore, #tpu.memory_space<semaphore_mem>>) src(%dma_wait3A_642 : memref<128x128xf32, #tpu.memory_space<vmem>>) dst(%dma_wait3A_648 : memref<5120x128xf32, #tpu.memory_space<vmem_shared>>)
    %add3A_649 = arith.constant 3840 : i32
    %add3A_650 = arith.addi %mul3A_2, %add3A_649 : i32
    "tpu.region"() ({
      %run_scoped3A = tpu.sem_alloc : memref<!tpu.dma_semaphore, #tpu.memory_space<semaphore_mem>>
      %dma_start3A_1704 = arith.constant 0 : i32
      %dma_start3A_1705 = tpu.memref_slice %arg2[%add3A_650, %dma_start3A_1704] : memref<163840x128xf32, #tpu.memory_space<hbm>> -> memref<256x128xf32, #tpu.memory_space<hbm>>
      %dma_start3A_1706 = arith.constant 0 : i32
      %dma_start3A_1707 = tpu.memref_slice %arg2[%add3A_650, %dma_start3A_1706] : memref<163840x128xf32, #tpu.memory_space<hbm>> -> memref<256x128xf32, #tpu.memory_space<hbm>>
      tpu.enqueue_dma source(%dma_start3A_1707 : memref<256x128xf32, #tpu.memory_space<hbm>>) target(%arg6 : memref<256x128xf32, #tpu.memory_space<vmem>>) target_semaphore(%run_scoped3A : memref<!tpu.dma_semaphore, #tpu.memory_space<semaphore_mem>>)
      %dma_wait3A_1708 = arith.constant 0 : i32
      %dma_wait3A_1709 = tpu.memref_slice %arg2[%add3A_650, %dma_wait3A_1708] : memref<163840x128xf32, #tpu.memory_space<hbm>> -> memref<256x128xf32, #tpu.memory_space<hbm>>
      %dma_wait3A_1710 = arith.constant 0 : i32
      %dma_wait3A_1711 = tpu.memref_slice %arg2[%add3A_650, %dma_wait3A_1710] : memref<163840x128xf32, #tpu.memory_space<hbm>> -> memref<256x128xf32, #tpu.memory_space<hbm>>
      tpu.wait_dma2 semaphore(%run_scoped3A : memref<!tpu.dma_semaphore, #tpu.memory_space<semaphore_mem>>) src(%dma_wait3A_1711 : memref<256x128xf32, #tpu.memory_space<hbm>>) dst(%arg6 : memref<256x128xf32, #tpu.memory_space<vmem>>)
      tpu.yield
    }) : () -> ()
    %dma_start3A_651 = arith.constant 30 : i32
    %dma_start3A_652 = arith.constant 0 : i32
    %dma_start3A_653 = arith.constant 0 : i32
    %dma_start3A_654 = tpu.memref_slice %arg6[%dma_start3A_652, %dma_start3A_653] : memref<256x128xf32, #tpu.memory_space<vmem>> -> memref<128x128xf32, #tpu.memory_space<vmem>>
    %dma_start3A_655 = arith.constant 0 : i32
    %dma_start3A_656 = tpu.memref_slice %arg5[%dma_start3A_651, %dma_start3A_655] : memref<80x128xi32, #tpu.memory_space<vmem>> -> memref<1x128xi32, #tpu.memory_space<vmem>>
    %dma_start3A_657 = tpu.memref_squeeze %dma_start3A_656 : memref<1x128xi32, #tpu.memory_space<vmem>> -> memref<128xi32, #tpu.memory_space<vmem>>
    %dma_start3A_658 = arith.constant 0 : i32
    %dma_start3A_659 = arith.constant 0 : i32
    %dma_start3A_660 = tpu.memref_slice %arg7[%dma_start3A_658, %dma_start3A_659] : memref<5120x128xf32, #tpu.memory_space<vmem_shared>> -> memref<5120x128xf32, #tpu.memory_space<vmem_shared>>
    tpu.enqueue_indirect_dma source(%dma_start3A_654 : memref<128x128xf32, #tpu.memory_space<vmem>>) target(%dma_start3A_660 : memref<5120x128xf32, #tpu.memory_space<vmem_shared>>) offsets(%dma_start3A_657 : memref<128xi32, #tpu.memory_space<vmem>>) semaphore(%arg8 : memref<!tpu.dma_semaphore, #tpu.memory_space<semaphore_mem>>) {add = true}
    %dma_start3A_661 = arith.constant 31 : i32
    %dma_start3A_662 = arith.constant 128 : i32
    %dma_start3A_663 = arith.constant 0 : i32
    %dma_start3A_664 = tpu.memref_slice %arg6[%dma_start3A_662, %dma_start3A_663] : memref<256x128xf32, #tpu.memory_space<vmem>> -> memref<128x128xf32, #tpu.memory_space<vmem>>
    %dma_start3A_665 = arith.constant 0 : i32
    %dma_start3A_666 = tpu.memref_slice %arg5[%dma_start3A_661, %dma_start3A_665] : memref<80x128xi32, #tpu.memory_space<vmem>> -> memref<1x128xi32, #tpu.memory_space<vmem>>
    %dma_start3A_667 = tpu.memref_squeeze %dma_start3A_666 : memref<1x128xi32, #tpu.memory_space<vmem>> -> memref<128xi32, #tpu.memory_space<vmem>>
    %dma_start3A_668 = arith.constant 0 : i32
    %dma_start3A_669 = arith.constant 0 : i32
    %dma_start3A_670 = tpu.memref_slice %arg7[%dma_start3A_668, %dma_start3A_669] : memref<5120x128xf32, #tpu.memory_space<vmem_shared>> -> memref<5120x128xf32, #tpu.memory_space<vmem_shared>>
    tpu.enqueue_indirect_dma source(%dma_start3A_664 : memref<128x128xf32, #tpu.memory_space<vmem>>) target(%dma_start3A_670 : memref<5120x128xf32, #tpu.memory_space<vmem_shared>>) offsets(%dma_start3A_667 : memref<128xi32, #tpu.memory_space<vmem>>) semaphore(%arg8 : memref<!tpu.dma_semaphore, #tpu.memory_space<semaphore_mem>>) {add = true}
    %dma_wait3A_671 = arith.constant 30 : i32
    %dma_wait3A_672 = arith.constant 0 : i32
    %dma_wait3A_673 = arith.constant 0 : i32
    %dma_wait3A_674 = tpu.memref_slice %arg6[%dma_wait3A_672, %dma_wait3A_673] : memref<256x128xf32, #tpu.memory_space<vmem>> -> memref<128x128xf32, #tpu.memory_space<vmem>>
    %dma_wait3A_675 = arith.constant 0 : i32
    %dma_wait3A_676 = tpu.memref_slice %arg5[%dma_wait3A_671, %dma_wait3A_675] : memref<80x128xi32, #tpu.memory_space<vmem>> -> memref<1x128xi32, #tpu.memory_space<vmem>>
    %dma_wait3A_677 = tpu.memref_squeeze %dma_wait3A_676 : memref<1x128xi32, #tpu.memory_space<vmem>> -> memref<128xi32, #tpu.memory_space<vmem>>
    %dma_wait3A_678 = arith.constant 0 : i32
    %dma_wait3A_679 = arith.constant 0 : i32
    %dma_wait3A_680 = tpu.memref_slice %arg7[%dma_wait3A_678, %dma_wait3A_679] : memref<5120x128xf32, #tpu.memory_space<vmem_shared>> -> memref<5120x128xf32, #tpu.memory_space<vmem_shared>>
    tpu.wait_indirect_dma semaphore(%arg8 : memref<!tpu.dma_semaphore, #tpu.memory_space<semaphore_mem>>) src(%dma_wait3A_674 : memref<128x128xf32, #tpu.memory_space<vmem>>) dst(%dma_wait3A_680 : memref<5120x128xf32, #tpu.memory_space<vmem_shared>>)
    %dma_wait3A_681 = arith.constant 31 : i32
    %dma_wait3A_682 = arith.constant 128 : i32
    %dma_wait3A_683 = arith.constant 0 : i32
    %dma_wait3A_684 = tpu.memref_slice %arg6[%dma_wait3A_682, %dma_wait3A_683] : memref<256x128xf32, #tpu.memory_space<vmem>> -> memref<128x128xf32, #tpu.memory_space<vmem>>
    %dma_wait3A_685 = arith.constant 0 : i32
    %dma_wait3A_686 = tpu.memref_slice %arg5[%dma_wait3A_681, %dma_wait3A_685] : memref<80x128xi32, #tpu.memory_space<vmem>> -> memref<1x128xi32, #tpu.memory_space<vmem>>
    %dma_wait3A_687 = tpu.memref_squeeze %dma_wait3A_686 : memref<1x128xi32, #tpu.memory_space<vmem>> -> memref<128xi32, #tpu.memory_space<vmem>>
    %dma_wait3A_688 = arith.constant 0 : i32
    %dma_wait3A_689 = arith.constant 0 : i32
    %dma_wait3A_690 = tpu.memref_slice %arg7[%dma_wait3A_688, %dma_wait3A_689] : memref<5120x128xf32, #tpu.memory_space<vmem_shared>> -> memref<5120x128xf32, #tpu.memory_space<vmem_shared>>
    tpu.wait_indirect_dma semaphore(%arg8 : memref<!tpu.dma_semaphore, #tpu.memory_space<semaphore_mem>>) src(%dma_wait3A_684 : memref<128x128xf32, #tpu.memory_space<vmem>>) dst(%dma_wait3A_690 : memref<5120x128xf32, #tpu.memory_space<vmem_shared>>)
    %add3A_691 = arith.constant 4096 : i32
    %add3A_692 = arith.addi %mul3A_2, %add3A_691 : i32
    "tpu.region"() ({
      %run_scoped3A = tpu.sem_alloc : memref<!tpu.dma_semaphore, #tpu.memory_space<semaphore_mem>>
      %dma_start3A_1704 = arith.constant 0 : i32
      %dma_start3A_1705 = tpu.memref_slice %arg2[%add3A_692, %dma_start3A_1704] : memref<163840x128xf32, #tpu.memory_space<hbm>> -> memref<256x128xf32, #tpu.memory_space<hbm>>
      %dma_start3A_1706 = arith.constant 0 : i32
      %dma_start3A_1707 = tpu.memref_slice %arg2[%add3A_692, %dma_start3A_1706] : memref<163840x128xf32, #tpu.memory_space<hbm>> -> memref<256x128xf32, #tpu.memory_space<hbm>>
      tpu.enqueue_dma source(%dma_start3A_1707 : memref<256x128xf32, #tpu.memory_space<hbm>>) target(%arg6 : memref<256x128xf32, #tpu.memory_space<vmem>>) target_semaphore(%run_scoped3A : memref<!tpu.dma_semaphore, #tpu.memory_space<semaphore_mem>>)
      %dma_wait3A_1708 = arith.constant 0 : i32
      %dma_wait3A_1709 = tpu.memref_slice %arg2[%add3A_692, %dma_wait3A_1708] : memref<163840x128xf32, #tpu.memory_space<hbm>> -> memref<256x128xf32, #tpu.memory_space<hbm>>
      %dma_wait3A_1710 = arith.constant 0 : i32
      %dma_wait3A_1711 = tpu.memref_slice %arg2[%add3A_692, %dma_wait3A_1710] : memref<163840x128xf32, #tpu.memory_space<hbm>> -> memref<256x128xf32, #tpu.memory_space<hbm>>
      tpu.wait_dma2 semaphore(%run_scoped3A : memref<!tpu.dma_semaphore, #tpu.memory_space<semaphore_mem>>) src(%dma_wait3A_1711 : memref<256x128xf32, #tpu.memory_space<hbm>>) dst(%arg6 : memref<256x128xf32, #tpu.memory_space<vmem>>)
      tpu.yield
    }) : () -> ()
    %dma_start3A_693 = arith.constant 32 : i32
    %dma_start3A_694 = arith.constant 0 : i32
    %dma_start3A_695 = arith.constant 0 : i32
    %dma_start3A_696 = tpu.memref_slice %arg6[%dma_start3A_694, %dma_start3A_695] : memref<256x128xf32, #tpu.memory_space<vmem>> -> memref<128x128xf32, #tpu.memory_space<vmem>>
    %dma_start3A_697 = arith.constant 0 : i32
    %dma_start3A_698 = tpu.memref_slice %arg5[%dma_start3A_693, %dma_start3A_697] : memref<80x128xi32, #tpu.memory_space<vmem>> -> memref<1x128xi32, #tpu.memory_space<vmem>>
    %dma_start3A_699 = tpu.memref_squeeze %dma_start3A_698 : memref<1x128xi32, #tpu.memory_space<vmem>> -> memref<128xi32, #tpu.memory_space<vmem>>
    %dma_start3A_700 = arith.constant 0 : i32
    %dma_start3A_701 = arith.constant 0 : i32
    %dma_start3A_702 = tpu.memref_slice %arg7[%dma_start3A_700, %dma_start3A_701] : memref<5120x128xf32, #tpu.memory_space<vmem_shared>> -> memref<5120x128xf32, #tpu.memory_space<vmem_shared>>
    tpu.enqueue_indirect_dma source(%dma_start3A_696 : memref<128x128xf32, #tpu.memory_space<vmem>>) target(%dma_start3A_702 : memref<5120x128xf32, #tpu.memory_space<vmem_shared>>) offsets(%dma_start3A_699 : memref<128xi32, #tpu.memory_space<vmem>>) semaphore(%arg8 : memref<!tpu.dma_semaphore, #tpu.memory_space<semaphore_mem>>) {add = true}
    %dma_start3A_703 = arith.constant 33 : i32
    %dma_start3A_704 = arith.constant 128 : i32
    %dma_start3A_705 = arith.constant 0 : i32
    %dma_start3A_706 = tpu.memref_slice %arg6[%dma_start3A_704, %dma_start3A_705] : memref<256x128xf32, #tpu.memory_space<vmem>> -> memref<128x128xf32, #tpu.memory_space<vmem>>
    %dma_start3A_707 = arith.constant 0 : i32
    %dma_start3A_708 = tpu.memref_slice %arg5[%dma_start3A_703, %dma_start3A_707] : memref<80x128xi32, #tpu.memory_space<vmem>> -> memref<1x128xi32, #tpu.memory_space<vmem>>
    %dma_start3A_709 = tpu.memref_squeeze %dma_start3A_708 : memref<1x128xi32, #tpu.memory_space<vmem>> -> memref<128xi32, #tpu.memory_space<vmem>>
    %dma_start3A_710 = arith.constant 0 : i32
    %dma_start3A_711 = arith.constant 0 : i32
    %dma_start3A_712 = tpu.memref_slice %arg7[%dma_start3A_710, %dma_start3A_711] : memref<5120x128xf32, #tpu.memory_space<vmem_shared>> -> memref<5120x128xf32, #tpu.memory_space<vmem_shared>>
    tpu.enqueue_indirect_dma source(%dma_start3A_706 : memref<128x128xf32, #tpu.memory_space<vmem>>) target(%dma_start3A_712 : memref<5120x128xf32, #tpu.memory_space<vmem_shared>>) offsets(%dma_start3A_709 : memref<128xi32, #tpu.memory_space<vmem>>) semaphore(%arg8 : memref<!tpu.dma_semaphore, #tpu.memory_space<semaphore_mem>>) {add = true}
    %dma_wait3A_713 = arith.constant 32 : i32
    %dma_wait3A_714 = arith.constant 0 : i32
    %dma_wait3A_715 = arith.constant 0 : i32
    %dma_wait3A_716 = tpu.memref_slice %arg6[%dma_wait3A_714, %dma_wait3A_715] : memref<256x128xf32, #tpu.memory_space<vmem>> -> memref<128x128xf32, #tpu.memory_space<vmem>>
    %dma_wait3A_717 = arith.constant 0 : i32
    %dma_wait3A_718 = tpu.memref_slice %arg5[%dma_wait3A_713, %dma_wait3A_717] : memref<80x128xi32, #tpu.memory_space<vmem>> -> memref<1x128xi32, #tpu.memory_space<vmem>>
    %dma_wait3A_719 = tpu.memref_squeeze %dma_wait3A_718 : memref<1x128xi32, #tpu.memory_space<vmem>> -> memref<128xi32, #tpu.memory_space<vmem>>
    %dma_wait3A_720 = arith.constant 0 : i32
    %dma_wait3A_721 = arith.constant 0 : i32
    %dma_wait3A_722 = tpu.memref_slice %arg7[%dma_wait3A_720, %dma_wait3A_721] : memref<5120x128xf32, #tpu.memory_space<vmem_shared>> -> memref<5120x128xf32, #tpu.memory_space<vmem_shared>>
    tpu.wait_indirect_dma semaphore(%arg8 : memref<!tpu.dma_semaphore, #tpu.memory_space<semaphore_mem>>) src(%dma_wait3A_716 : memref<128x128xf32, #tpu.memory_space<vmem>>) dst(%dma_wait3A_722 : memref<5120x128xf32, #tpu.memory_space<vmem_shared>>)
    %dma_wait3A_723 = arith.constant 33 : i32
    %dma_wait3A_724 = arith.constant 128 : i32
    %dma_wait3A_725 = arith.constant 0 : i32
    %dma_wait3A_726 = tpu.memref_slice %arg6[%dma_wait3A_724, %dma_wait3A_725] : memref<256x128xf32, #tpu.memory_space<vmem>> -> memref<128x128xf32, #tpu.memory_space<vmem>>
    %dma_wait3A_727 = arith.constant 0 : i32
    %dma_wait3A_728 = tpu.memref_slice %arg5[%dma_wait3A_723, %dma_wait3A_727] : memref<80x128xi32, #tpu.memory_space<vmem>> -> memref<1x128xi32, #tpu.memory_space<vmem>>
    %dma_wait3A_729 = tpu.memref_squeeze %dma_wait3A_728 : memref<1x128xi32, #tpu.memory_space<vmem>> -> memref<128xi32, #tpu.memory_space<vmem>>
    %dma_wait3A_730 = arith.constant 0 : i32
    %dma_wait3A_731 = arith.constant 0 : i32
    %dma_wait3A_732 = tpu.memref_slice %arg7[%dma_wait3A_730, %dma_wait3A_731] : memref<5120x128xf32, #tpu.memory_space<vmem_shared>> -> memref<5120x128xf32, #tpu.memory_space<vmem_shared>>
    tpu.wait_indirect_dma semaphore(%arg8 : memref<!tpu.dma_semaphore, #tpu.memory_space<semaphore_mem>>) src(%dma_wait3A_726 : memref<128x128xf32, #tpu.memory_space<vmem>>) dst(%dma_wait3A_732 : memref<5120x128xf32, #tpu.memory_space<vmem_shared>>)
    %add3A_733 = arith.constant 4352 : i32
    %add3A_734 = arith.addi %mul3A_2, %add3A_733 : i32
    "tpu.region"() ({
      %run_scoped3A = tpu.sem_alloc : memref<!tpu.dma_semaphore, #tpu.memory_space<semaphore_mem>>
      %dma_start3A_1704 = arith.constant 0 : i32
      %dma_start3A_1705 = tpu.memref_slice %arg2[%add3A_734, %dma_start3A_1704] : memref<163840x128xf32, #tpu.memory_space<hbm>> -> memref<256x128xf32, #tpu.memory_space<hbm>>
      %dma_start3A_1706 = arith.constant 0 : i32
      %dma_start3A_1707 = tpu.memref_slice %arg2[%add3A_734, %dma_start3A_1706] : memref<163840x128xf32, #tpu.memory_space<hbm>> -> memref<256x128xf32, #tpu.memory_space<hbm>>
      tpu.enqueue_dma source(%dma_start3A_1707 : memref<256x128xf32, #tpu.memory_space<hbm>>) target(%arg6 : memref<256x128xf32, #tpu.memory_space<vmem>>) target_semaphore(%run_scoped3A : memref<!tpu.dma_semaphore, #tpu.memory_space<semaphore_mem>>)
      %dma_wait3A_1708 = arith.constant 0 : i32
      %dma_wait3A_1709 = tpu.memref_slice %arg2[%add3A_734, %dma_wait3A_1708] : memref<163840x128xf32, #tpu.memory_space<hbm>> -> memref<256x128xf32, #tpu.memory_space<hbm>>
      %dma_wait3A_1710 = arith.constant 0 : i32
      %dma_wait3A_1711 = tpu.memref_slice %arg2[%add3A_734, %dma_wait3A_1710] : memref<163840x128xf32, #tpu.memory_space<hbm>> -> memref<256x128xf32, #tpu.memory_space<hbm>>
      tpu.wait_dma2 semaphore(%run_scoped3A : memref<!tpu.dma_semaphore, #tpu.memory_space<semaphore_mem>>) src(%dma_wait3A_1711 : memref<256x128xf32, #tpu.memory_space<hbm>>) dst(%arg6 : memref<256x128xf32, #tpu.memory_space<vmem>>)
      tpu.yield
    }) : () -> ()
    %dma_start3A_735 = arith.constant 34 : i32
    %dma_start3A_736 = arith.constant 0 : i32
    %dma_start3A_737 = arith.constant 0 : i32
    %dma_start3A_738 = tpu.memref_slice %arg6[%dma_start3A_736, %dma_start3A_737] : memref<256x128xf32, #tpu.memory_space<vmem>> -> memref<128x128xf32, #tpu.memory_space<vmem>>
    %dma_start3A_739 = arith.constant 0 : i32
    %dma_start3A_740 = tpu.memref_slice %arg5[%dma_start3A_735, %dma_start3A_739] : memref<80x128xi32, #tpu.memory_space<vmem>> -> memref<1x128xi32, #tpu.memory_space<vmem>>
    %dma_start3A_741 = tpu.memref_squeeze %dma_start3A_740 : memref<1x128xi32, #tpu.memory_space<vmem>> -> memref<128xi32, #tpu.memory_space<vmem>>
    %dma_start3A_742 = arith.constant 0 : i32
    %dma_start3A_743 = arith.constant 0 : i32
    %dma_start3A_744 = tpu.memref_slice %arg7[%dma_start3A_742, %dma_start3A_743] : memref<5120x128xf32, #tpu.memory_space<vmem_shared>> -> memref<5120x128xf32, #tpu.memory_space<vmem_shared>>
    tpu.enqueue_indirect_dma source(%dma_start3A_738 : memref<128x128xf32, #tpu.memory_space<vmem>>) target(%dma_start3A_744 : memref<5120x128xf32, #tpu.memory_space<vmem_shared>>) offsets(%dma_start3A_741 : memref<128xi32, #tpu.memory_space<vmem>>) semaphore(%arg8 : memref<!tpu.dma_semaphore, #tpu.memory_space<semaphore_mem>>) {add = true}
    %dma_start3A_745 = arith.constant 35 : i32
    %dma_start3A_746 = arith.constant 128 : i32
    %dma_start3A_747 = arith.constant 0 : i32
    %dma_start3A_748 = tpu.memref_slice %arg6[%dma_start3A_746, %dma_start3A_747] : memref<256x128xf32, #tpu.memory_space<vmem>> -> memref<128x128xf32, #tpu.memory_space<vmem>>
    %dma_start3A_749 = arith.constant 0 : i32
    %dma_start3A_750 = tpu.memref_slice %arg5[%dma_start3A_745, %dma_start3A_749] : memref<80x128xi32, #tpu.memory_space<vmem>> -> memref<1x128xi32, #tpu.memory_space<vmem>>
    %dma_start3A_751 = tpu.memref_squeeze %dma_start3A_750 : memref<1x128xi32, #tpu.memory_space<vmem>> -> memref<128xi32, #tpu.memory_space<vmem>>
    %dma_start3A_752 = arith.constant 0 : i32
    %dma_start3A_753 = arith.constant 0 : i32
    %dma_start3A_754 = tpu.memref_slice %arg7[%dma_start3A_752, %dma_start3A_753] : memref<5120x128xf32, #tpu.memory_space<vmem_shared>> -> memref<5120x128xf32, #tpu.memory_space<vmem_shared>>
    tpu.enqueue_indirect_dma source(%dma_start3A_748 : memref<128x128xf32, #tpu.memory_space<vmem>>) target(%dma_start3A_754 : memref<5120x128xf32, #tpu.memory_space<vmem_shared>>) offsets(%dma_start3A_751 : memref<128xi32, #tpu.memory_space<vmem>>) semaphore(%arg8 : memref<!tpu.dma_semaphore, #tpu.memory_space<semaphore_mem>>) {add = true}
    %dma_wait3A_755 = arith.constant 34 : i32
    %dma_wait3A_756 = arith.constant 0 : i32
    %dma_wait3A_757 = arith.constant 0 : i32
    %dma_wait3A_758 = tpu.memref_slice %arg6[%dma_wait3A_756, %dma_wait3A_757] : memref<256x128xf32, #tpu.memory_space<vmem>> -> memref<128x128xf32, #tpu.memory_space<vmem>>
    %dma_wait3A_759 = arith.constant 0 : i32
    %dma_wait3A_760 = tpu.memref_slice %arg5[%dma_wait3A_755, %dma_wait3A_759] : memref<80x128xi32, #tpu.memory_space<vmem>> -> memref<1x128xi32, #tpu.memory_space<vmem>>
    %dma_wait3A_761 = tpu.memref_squeeze %dma_wait3A_760 : memref<1x128xi32, #tpu.memory_space<vmem>> -> memref<128xi32, #tpu.memory_space<vmem>>
    %dma_wait3A_762 = arith.constant 0 : i32
    %dma_wait3A_763 = arith.constant 0 : i32
    %dma_wait3A_764 = tpu.memref_slice %arg7[%dma_wait3A_762, %dma_wait3A_763] : memref<5120x128xf32, #tpu.memory_space<vmem_shared>> -> memref<5120x128xf32, #tpu.memory_space<vmem_shared>>
    tpu.wait_indirect_dma semaphore(%arg8 : memref<!tpu.dma_semaphore, #tpu.memory_space<semaphore_mem>>) src(%dma_wait3A_758 : memref<128x128xf32, #tpu.memory_space<vmem>>) dst(%dma_wait3A_764 : memref<5120x128xf32, #tpu.memory_space<vmem_shared>>)
    %dma_wait3A_765 = arith.constant 35 : i32
    %dma_wait3A_766 = arith.constant 128 : i32
    %dma_wait3A_767 = arith.constant 0 : i32
    %dma_wait3A_768 = tpu.memref_slice %arg6[%dma_wait3A_766, %dma_wait3A_767] : memref<256x128xf32, #tpu.memory_space<vmem>> -> memref<128x128xf32, #tpu.memory_space<vmem>>
    %dma_wait3A_769 = arith.constant 0 : i32
    %dma_wait3A_770 = tpu.memref_slice %arg5[%dma_wait3A_765, %dma_wait3A_769] : memref<80x128xi32, #tpu.memory_space<vmem>> -> memref<1x128xi32, #tpu.memory_space<vmem>>
    %dma_wait3A_771 = tpu.memref_squeeze %dma_wait3A_770 : memref<1x128xi32, #tpu.memory_space<vmem>> -> memref<128xi32, #tpu.memory_space<vmem>>
    %dma_wait3A_772 = arith.constant 0 : i32
    %dma_wait3A_773 = arith.constant 0 : i32
    %dma_wait3A_774 = tpu.memref_slice %arg7[%dma_wait3A_772, %dma_wait3A_773] : memref<5120x128xf32, #tpu.memory_space<vmem_shared>> -> memref<5120x128xf32, #tpu.memory_space<vmem_shared>>
    tpu.wait_indirect_dma semaphore(%arg8 : memref<!tpu.dma_semaphore, #tpu.memory_space<semaphore_mem>>) src(%dma_wait3A_768 : memref<128x128xf32, #tpu.memory_space<vmem>>) dst(%dma_wait3A_774 : memref<5120x128xf32, #tpu.memory_space<vmem_shared>>)
    %add3A_775 = arith.constant 4608 : i32
    %add3A_776 = arith.addi %mul3A_2, %add3A_775 : i32
    "tpu.region"() ({
      %run_scoped3A = tpu.sem_alloc : memref<!tpu.dma_semaphore, #tpu.memory_space<semaphore_mem>>
      %dma_start3A_1704 = arith.constant 0 : i32
      %dma_start3A_1705 = tpu.memref_slice %arg2[%add3A_776, %dma_start3A_1704] : memref<163840x128xf32, #tpu.memory_space<hbm>> -> memref<256x128xf32, #tpu.memory_space<hbm>>
      %dma_start3A_1706 = arith.constant 0 : i32
      %dma_start3A_1707 = tpu.memref_slice %arg2[%add3A_776, %dma_start3A_1706] : memref<163840x128xf32, #tpu.memory_space<hbm>> -> memref<256x128xf32, #tpu.memory_space<hbm>>
      tpu.enqueue_dma source(%dma_start3A_1707 : memref<256x128xf32, #tpu.memory_space<hbm>>) target(%arg6 : memref<256x128xf32, #tpu.memory_space<vmem>>) target_semaphore(%run_scoped3A : memref<!tpu.dma_semaphore, #tpu.memory_space<semaphore_mem>>)
      %dma_wait3A_1708 = arith.constant 0 : i32
      %dma_wait3A_1709 = tpu.memref_slice %arg2[%add3A_776, %dma_wait3A_1708] : memref<163840x128xf32, #tpu.memory_space<hbm>> -> memref<256x128xf32, #tpu.memory_space<hbm>>
      %dma_wait3A_1710 = arith.constant 0 : i32
      %dma_wait3A_1711 = tpu.memref_slice %arg2[%add3A_776, %dma_wait3A_1710] : memref<163840x128xf32, #tpu.memory_space<hbm>> -> memref<256x128xf32, #tpu.memory_space<hbm>>
      tpu.wait_dma2 semaphore(%run_scoped3A : memref<!tpu.dma_semaphore, #tpu.memory_space<semaphore_mem>>) src(%dma_wait3A_1711 : memref<256x128xf32, #tpu.memory_space<hbm>>) dst(%arg6 : memref<256x128xf32, #tpu.memory_space<vmem>>)
      tpu.yield
    }) : () -> ()
    %dma_start3A_777 = arith.constant 36 : i32
    %dma_start3A_778 = arith.constant 0 : i32
    %dma_start3A_779 = arith.constant 0 : i32
    %dma_start3A_780 = tpu.memref_slice %arg6[%dma_start3A_778, %dma_start3A_779] : memref<256x128xf32, #tpu.memory_space<vmem>> -> memref<128x128xf32, #tpu.memory_space<vmem>>
    %dma_start3A_781 = arith.constant 0 : i32
    %dma_start3A_782 = tpu.memref_slice %arg5[%dma_start3A_777, %dma_start3A_781] : memref<80x128xi32, #tpu.memory_space<vmem>> -> memref<1x128xi32, #tpu.memory_space<vmem>>
    %dma_start3A_783 = tpu.memref_squeeze %dma_start3A_782 : memref<1x128xi32, #tpu.memory_space<vmem>> -> memref<128xi32, #tpu.memory_space<vmem>>
    %dma_start3A_784 = arith.constant 0 : i32
    %dma_start3A_785 = arith.constant 0 : i32
    %dma_start3A_786 = tpu.memref_slice %arg7[%dma_start3A_784, %dma_start3A_785] : memref<5120x128xf32, #tpu.memory_space<vmem_shared>> -> memref<5120x128xf32, #tpu.memory_space<vmem_shared>>
    tpu.enqueue_indirect_dma source(%dma_start3A_780 : memref<128x128xf32, #tpu.memory_space<vmem>>) target(%dma_start3A_786 : memref<5120x128xf32, #tpu.memory_space<vmem_shared>>) offsets(%dma_start3A_783 : memref<128xi32, #tpu.memory_space<vmem>>) semaphore(%arg8 : memref<!tpu.dma_semaphore, #tpu.memory_space<semaphore_mem>>) {add = true}
    %dma_start3A_787 = arith.constant 37 : i32
    %dma_start3A_788 = arith.constant 128 : i32
    %dma_start3A_789 = arith.constant 0 : i32
    %dma_start3A_790 = tpu.memref_slice %arg6[%dma_start3A_788, %dma_start3A_789] : memref<256x128xf32, #tpu.memory_space<vmem>> -> memref<128x128xf32, #tpu.memory_space<vmem>>
    %dma_start3A_791 = arith.constant 0 : i32
    %dma_start3A_792 = tpu.memref_slice %arg5[%dma_start3A_787, %dma_start3A_791] : memref<80x128xi32, #tpu.memory_space<vmem>> -> memref<1x128xi32, #tpu.memory_space<vmem>>
    %dma_start3A_793 = tpu.memref_squeeze %dma_start3A_792 : memref<1x128xi32, #tpu.memory_space<vmem>> -> memref<128xi32, #tpu.memory_space<vmem>>
    %dma_start3A_794 = arith.constant 0 : i32
    %dma_start3A_795 = arith.constant 0 : i32
    %dma_start3A_796 = tpu.memref_slice %arg7[%dma_start3A_794, %dma_start3A_795] : memref<5120x128xf32, #tpu.memory_space<vmem_shared>> -> memref<5120x128xf32, #tpu.memory_space<vmem_shared>>
    tpu.enqueue_indirect_dma source(%dma_start3A_790 : memref<128x128xf32, #tpu.memory_space<vmem>>) target(%dma_start3A_796 : memref<5120x128xf32, #tpu.memory_space<vmem_shared>>) offsets(%dma_start3A_793 : memref<128xi32, #tpu.memory_space<vmem>>) semaphore(%arg8 : memref<!tpu.dma_semaphore, #tpu.memory_space<semaphore_mem>>) {add = true}
    %dma_wait3A_797 = arith.constant 36 : i32
    %dma_wait3A_798 = arith.constant 0 : i32
    %dma_wait3A_799 = arith.constant 0 : i32
    %dma_wait3A_800 = tpu.memref_slice %arg6[%dma_wait3A_798, %dma_wait3A_799] : memref<256x128xf32, #tpu.memory_space<vmem>> -> memref<128x128xf32, #tpu.memory_space<vmem>>
    %dma_wait3A_801 = arith.constant 0 : i32
    %dma_wait3A_802 = tpu.memref_slice %arg5[%dma_wait3A_797, %dma_wait3A_801] : memref<80x128xi32, #tpu.memory_space<vmem>> -> memref<1x128xi32, #tpu.memory_space<vmem>>
    %dma_wait3A_803 = tpu.memref_squeeze %dma_wait3A_802 : memref<1x128xi32, #tpu.memory_space<vmem>> -> memref<128xi32, #tpu.memory_space<vmem>>
    %dma_wait3A_804 = arith.constant 0 : i32
    %dma_wait3A_805 = arith.constant 0 : i32
    %dma_wait3A_806 = tpu.memref_slice %arg7[%dma_wait3A_804, %dma_wait3A_805] : memref<5120x128xf32, #tpu.memory_space<vmem_shared>> -> memref<5120x128xf32, #tpu.memory_space<vmem_shared>>
    tpu.wait_indirect_dma semaphore(%arg8 : memref<!tpu.dma_semaphore, #tpu.memory_space<semaphore_mem>>) src(%dma_wait3A_800 : memref<128x128xf32, #tpu.memory_space<vmem>>) dst(%dma_wait3A_806 : memref<5120x128xf32, #tpu.memory_space<vmem_shared>>)
    %dma_wait3A_807 = arith.constant 37 : i32
    %dma_wait3A_808 = arith.constant 128 : i32
    %dma_wait3A_809 = arith.constant 0 : i32
    %dma_wait3A_810 = tpu.memref_slice %arg6[%dma_wait3A_808, %dma_wait3A_809] : memref<256x128xf32, #tpu.memory_space<vmem>> -> memref<128x128xf32, #tpu.memory_space<vmem>>
    %dma_wait3A_811 = arith.constant 0 : i32
    %dma_wait3A_812 = tpu.memref_slice %arg5[%dma_wait3A_807, %dma_wait3A_811] : memref<80x128xi32, #tpu.memory_space<vmem>> -> memref<1x128xi32, #tpu.memory_space<vmem>>
    %dma_wait3A_813 = tpu.memref_squeeze %dma_wait3A_812 : memref<1x128xi32, #tpu.memory_space<vmem>> -> memref<128xi32, #tpu.memory_space<vmem>>
    %dma_wait3A_814 = arith.constant 0 : i32
    %dma_wait3A_815 = arith.constant 0 : i32
    %dma_wait3A_816 = tpu.memref_slice %arg7[%dma_wait3A_814, %dma_wait3A_815] : memref<5120x128xf32, #tpu.memory_space<vmem_shared>> -> memref<5120x128xf32, #tpu.memory_space<vmem_shared>>
    tpu.wait_indirect_dma semaphore(%arg8 : memref<!tpu.dma_semaphore, #tpu.memory_space<semaphore_mem>>) src(%dma_wait3A_810 : memref<128x128xf32, #tpu.memory_space<vmem>>) dst(%dma_wait3A_816 : memref<5120x128xf32, #tpu.memory_space<vmem_shared>>)
    %add3A_817 = arith.constant 4864 : i32
    %add3A_818 = arith.addi %mul3A_2, %add3A_817 : i32
    "tpu.region"() ({
      %run_scoped3A = tpu.sem_alloc : memref<!tpu.dma_semaphore, #tpu.memory_space<semaphore_mem>>
      %dma_start3A_1704 = arith.constant 0 : i32
      %dma_start3A_1705 = tpu.memref_slice %arg2[%add3A_818, %dma_start3A_1704] : memref<163840x128xf32, #tpu.memory_space<hbm>> -> memref<256x128xf32, #tpu.memory_space<hbm>>
      %dma_start3A_1706 = arith.constant 0 : i32
      %dma_start3A_1707 = tpu.memref_slice %arg2[%add3A_818, %dma_start3A_1706] : memref<163840x128xf32, #tpu.memory_space<hbm>> -> memref<256x128xf32, #tpu.memory_space<hbm>>
      tpu.enqueue_dma source(%dma_start3A_1707 : memref<256x128xf32, #tpu.memory_space<hbm>>) target(%arg6 : memref<256x128xf32, #tpu.memory_space<vmem>>) target_semaphore(%run_scoped3A : memref<!tpu.dma_semaphore, #tpu.memory_space<semaphore_mem>>)
      %dma_wait3A_1708 = arith.constant 0 : i32
      %dma_wait3A_1709 = tpu.memref_slice %arg2[%add3A_818, %dma_wait3A_1708] : memref<163840x128xf32, #tpu.memory_space<hbm>> -> memref<256x128xf32, #tpu.memory_space<hbm>>
      %dma_wait3A_1710 = arith.constant 0 : i32
      %dma_wait3A_1711 = tpu.memref_slice %arg2[%add3A_818, %dma_wait3A_1710] : memref<163840x128xf32, #tpu.memory_space<hbm>> -> memref<256x128xf32, #tpu.memory_space<hbm>>
      tpu.wait_dma2 semaphore(%run_scoped3A : memref<!tpu.dma_semaphore, #tpu.memory_space<semaphore_mem>>) src(%dma_wait3A_1711 : memref<256x128xf32, #tpu.memory_space<hbm>>) dst(%arg6 : memref<256x128xf32, #tpu.memory_space<vmem>>)
      tpu.yield
    }) : () -> ()
    %dma_start3A_819 = arith.constant 38 : i32
    %dma_start3A_820 = arith.constant 0 : i32
    %dma_start3A_821 = arith.constant 0 : i32
    %dma_start3A_822 = tpu.memref_slice %arg6[%dma_start3A_820, %dma_start3A_821] : memref<256x128xf32, #tpu.memory_space<vmem>> -> memref<128x128xf32, #tpu.memory_space<vmem>>
    %dma_start3A_823 = arith.constant 0 : i32
    %dma_start3A_824 = tpu.memref_slice %arg5[%dma_start3A_819, %dma_start3A_823] : memref<80x128xi32, #tpu.memory_space<vmem>> -> memref<1x128xi32, #tpu.memory_space<vmem>>
    %dma_start3A_825 = tpu.memref_squeeze %dma_start3A_824 : memref<1x128xi32, #tpu.memory_space<vmem>> -> memref<128xi32, #tpu.memory_space<vmem>>
    %dma_start3A_826 = arith.constant 0 : i32
    %dma_start3A_827 = arith.constant 0 : i32
    %dma_start3A_828 = tpu.memref_slice %arg7[%dma_start3A_826, %dma_start3A_827] : memref<5120x128xf32, #tpu.memory_space<vmem_shared>> -> memref<5120x128xf32, #tpu.memory_space<vmem_shared>>
    tpu.enqueue_indirect_dma source(%dma_start3A_822 : memref<128x128xf32, #tpu.memory_space<vmem>>) target(%dma_start3A_828 : memref<5120x128xf32, #tpu.memory_space<vmem_shared>>) offsets(%dma_start3A_825 : memref<128xi32, #tpu.memory_space<vmem>>) semaphore(%arg8 : memref<!tpu.dma_semaphore, #tpu.memory_space<semaphore_mem>>) {add = true}
    %dma_start3A_829 = arith.constant 39 : i32
    %dma_start3A_830 = arith.constant 128 : i32
    %dma_start3A_831 = arith.constant 0 : i32
    %dma_start3A_832 = tpu.memref_slice %arg6[%dma_start3A_830, %dma_start3A_831] : memref<256x128xf32, #tpu.memory_space<vmem>> -> memref<128x128xf32, #tpu.memory_space<vmem>>
    %dma_start3A_833 = arith.constant 0 : i32
    %dma_start3A_834 = tpu.memref_slice %arg5[%dma_start3A_829, %dma_start3A_833] : memref<80x128xi32, #tpu.memory_space<vmem>> -> memref<1x128xi32, #tpu.memory_space<vmem>>
    %dma_start3A_835 = tpu.memref_squeeze %dma_start3A_834 : memref<1x128xi32, #tpu.memory_space<vmem>> -> memref<128xi32, #tpu.memory_space<vmem>>
    %dma_start3A_836 = arith.constant 0 : i32
    %dma_start3A_837 = arith.constant 0 : i32
    %dma_start3A_838 = tpu.memref_slice %arg7[%dma_start3A_836, %dma_start3A_837] : memref<5120x128xf32, #tpu.memory_space<vmem_shared>> -> memref<5120x128xf32, #tpu.memory_space<vmem_shared>>
    tpu.enqueue_indirect_dma source(%dma_start3A_832 : memref<128x128xf32, #tpu.memory_space<vmem>>) target(%dma_start3A_838 : memref<5120x128xf32, #tpu.memory_space<vmem_shared>>) offsets(%dma_start3A_835 : memref<128xi32, #tpu.memory_space<vmem>>) semaphore(%arg8 : memref<!tpu.dma_semaphore, #tpu.memory_space<semaphore_mem>>) {add = true}
    %dma_wait3A_839 = arith.constant 38 : i32
    %dma_wait3A_840 = arith.constant 0 : i32
    %dma_wait3A_841 = arith.constant 0 : i32
    %dma_wait3A_842 = tpu.memref_slice %arg6[%dma_wait3A_840, %dma_wait3A_841] : memref<256x128xf32, #tpu.memory_space<vmem>> -> memref<128x128xf32, #tpu.memory_space<vmem>>
    %dma_wait3A_843 = arith.constant 0 : i32
    %dma_wait3A_844 = tpu.memref_slice %arg5[%dma_wait3A_839, %dma_wait3A_843] : memref<80x128xi32, #tpu.memory_space<vmem>> -> memref<1x128xi32, #tpu.memory_space<vmem>>
    %dma_wait3A_845 = tpu.memref_squeeze %dma_wait3A_844 : memref<1x128xi32, #tpu.memory_space<vmem>> -> memref<128xi32, #tpu.memory_space<vmem>>
    %dma_wait3A_846 = arith.constant 0 : i32
    %dma_wait3A_847 = arith.constant 0 : i32
    %dma_wait3A_848 = tpu.memref_slice %arg7[%dma_wait3A_846, %dma_wait3A_847] : memref<5120x128xf32, #tpu.memory_space<vmem_shared>> -> memref<5120x128xf32, #tpu.memory_space<vmem_shared>>
    tpu.wait_indirect_dma semaphore(%arg8 : memref<!tpu.dma_semaphore, #tpu.memory_space<semaphore_mem>>) src(%dma_wait3A_842 : memref<128x128xf32, #tpu.memory_space<vmem>>) dst(%dma_wait3A_848 : memref<5120x128xf32, #tpu.memory_space<vmem_shared>>)
    %dma_wait3A_849 = arith.constant 39 : i32
    %dma_wait3A_850 = arith.constant 128 : i32
    %dma_wait3A_851 = arith.constant 0 : i32
    %dma_wait3A_852 = tpu.memref_slice %arg6[%dma_wait3A_850, %dma_wait3A_851] : memref<256x128xf32, #tpu.memory_space<vmem>> -> memref<128x128xf32, #tpu.memory_space<vmem>>
    %dma_wait3A_853 = arith.constant 0 : i32
    %dma_wait3A_854 = tpu.memref_slice %arg5[%dma_wait3A_849, %dma_wait3A_853] : memref<80x128xi32, #tpu.memory_space<vmem>> -> memref<1x128xi32, #tpu.memory_space<vmem>>
    %dma_wait3A_855 = tpu.memref_squeeze %dma_wait3A_854 : memref<1x128xi32, #tpu.memory_space<vmem>> -> memref<128xi32, #tpu.memory_space<vmem>>
    %dma_wait3A_856 = arith.constant 0 : i32
    %dma_wait3A_857 = arith.constant 0 : i32
    %dma_wait3A_858 = tpu.memref_slice %arg7[%dma_wait3A_856, %dma_wait3A_857] : memref<5120x128xf32, #tpu.memory_space<vmem_shared>> -> memref<5120x128xf32, #tpu.memory_space<vmem_shared>>
    tpu.wait_indirect_dma semaphore(%arg8 : memref<!tpu.dma_semaphore, #tpu.memory_space<semaphore_mem>>) src(%dma_wait3A_852 : memref<128x128xf32, #tpu.memory_space<vmem>>) dst(%dma_wait3A_858 : memref<5120x128xf32, #tpu.memory_space<vmem_shared>>)
    %add3A_859 = arith.constant 5120 : i32
    %add3A_860 = arith.addi %mul3A_2, %add3A_859 : i32
    "tpu.region"() ({
      %run_scoped3A = tpu.sem_alloc : memref<!tpu.dma_semaphore, #tpu.memory_space<semaphore_mem>>
      %dma_start3A_1704 = arith.constant 0 : i32
      %dma_start3A_1705 = tpu.memref_slice %arg2[%add3A_860, %dma_start3A_1704] : memref<163840x128xf32, #tpu.memory_space<hbm>> -> memref<256x128xf32, #tpu.memory_space<hbm>>
      %dma_start3A_1706 = arith.constant 0 : i32
      %dma_start3A_1707 = tpu.memref_slice %arg2[%add3A_860, %dma_start3A_1706] : memref<163840x128xf32, #tpu.memory_space<hbm>> -> memref<256x128xf32, #tpu.memory_space<hbm>>
      tpu.enqueue_dma source(%dma_start3A_1707 : memref<256x128xf32, #tpu.memory_space<hbm>>) target(%arg6 : memref<256x128xf32, #tpu.memory_space<vmem>>) target_semaphore(%run_scoped3A : memref<!tpu.dma_semaphore, #tpu.memory_space<semaphore_mem>>)
      %dma_wait3A_1708 = arith.constant 0 : i32
      %dma_wait3A_1709 = tpu.memref_slice %arg2[%add3A_860, %dma_wait3A_1708] : memref<163840x128xf32, #tpu.memory_space<hbm>> -> memref<256x128xf32, #tpu.memory_space<hbm>>
      %dma_wait3A_1710 = arith.constant 0 : i32
      %dma_wait3A_1711 = tpu.memref_slice %arg2[%add3A_860, %dma_wait3A_1710] : memref<163840x128xf32, #tpu.memory_space<hbm>> -> memref<256x128xf32, #tpu.memory_space<hbm>>
      tpu.wait_dma2 semaphore(%run_scoped3A : memref<!tpu.dma_semaphore, #tpu.memory_space<semaphore_mem>>) src(%dma_wait3A_1711 : memref<256x128xf32, #tpu.memory_space<hbm>>) dst(%arg6 : memref<256x128xf32, #tpu.memory_space<vmem>>)
      tpu.yield
    }) : () -> ()
    %dma_start3A_861 = arith.constant 40 : i32
    %dma_start3A_862 = arith.constant 0 : i32
    %dma_start3A_863 = arith.constant 0 : i32
    %dma_start3A_864 = tpu.memref_slice %arg6[%dma_start3A_862, %dma_start3A_863] : memref<256x128xf32, #tpu.memory_space<vmem>> -> memref<128x128xf32, #tpu.memory_space<vmem>>
    %dma_start3A_865 = arith.constant 0 : i32
    %dma_start3A_866 = tpu.memref_slice %arg5[%dma_start3A_861, %dma_start3A_865] : memref<80x128xi32, #tpu.memory_space<vmem>> -> memref<1x128xi32, #tpu.memory_space<vmem>>
    %dma_start3A_867 = tpu.memref_squeeze %dma_start3A_866 : memref<1x128xi32, #tpu.memory_space<vmem>> -> memref<128xi32, #tpu.memory_space<vmem>>
    %dma_start3A_868 = arith.constant 0 : i32
    %dma_start3A_869 = arith.constant 0 : i32
    %dma_start3A_870 = tpu.memref_slice %arg7[%dma_start3A_868, %dma_start3A_869] : memref<5120x128xf32, #tpu.memory_space<vmem_shared>> -> memref<5120x128xf32, #tpu.memory_space<vmem_shared>>
    tpu.enqueue_indirect_dma source(%dma_start3A_864 : memref<128x128xf32, #tpu.memory_space<vmem>>) target(%dma_start3A_870 : memref<5120x128xf32, #tpu.memory_space<vmem_shared>>) offsets(%dma_start3A_867 : memref<128xi32, #tpu.memory_space<vmem>>) semaphore(%arg8 : memref<!tpu.dma_semaphore, #tpu.memory_space<semaphore_mem>>) {add = true}
    %dma_start3A_871 = arith.constant 41 : i32
    %dma_start3A_872 = arith.constant 128 : i32
    %dma_start3A_873 = arith.constant 0 : i32
    %dma_start3A_874 = tpu.memref_slice %arg6[%dma_start3A_872, %dma_start3A_873] : memref<256x128xf32, #tpu.memory_space<vmem>> -> memref<128x128xf32, #tpu.memory_space<vmem>>
    %dma_start3A_875 = arith.constant 0 : i32
    %dma_start3A_876 = tpu.memref_slice %arg5[%dma_start3A_871, %dma_start3A_875] : memref<80x128xi32, #tpu.memory_space<vmem>> -> memref<1x128xi32, #tpu.memory_space<vmem>>
    %dma_start3A_877 = tpu.memref_squeeze %dma_start3A_876 : memref<1x128xi32, #tpu.memory_space<vmem>> -> memref<128xi32, #tpu.memory_space<vmem>>
    %dma_start3A_878 = arith.constant 0 : i32
    %dma_start3A_879 = arith.constant 0 : i32
    %dma_start3A_880 = tpu.memref_slice %arg7[%dma_start3A_878, %dma_start3A_879] : memref<5120x128xf32, #tpu.memory_space<vmem_shared>> -> memref<5120x128xf32, #tpu.memory_space<vmem_shared>>
    tpu.enqueue_indirect_dma source(%dma_start3A_874 : memref<128x128xf32, #tpu.memory_space<vmem>>) target(%dma_start3A_880 : memref<5120x128xf32, #tpu.memory_space<vmem_shared>>) offsets(%dma_start3A_877 : memref<128xi32, #tpu.memory_space<vmem>>) semaphore(%arg8 : memref<!tpu.dma_semaphore, #tpu.memory_space<semaphore_mem>>) {add = true}
    %dma_wait3A_881 = arith.constant 40 : i32
    %dma_wait3A_882 = arith.constant 0 : i32
    %dma_wait3A_883 = arith.constant 0 : i32
    %dma_wait3A_884 = tpu.memref_slice %arg6[%dma_wait3A_882, %dma_wait3A_883] : memref<256x128xf32, #tpu.memory_space<vmem>> -> memref<128x128xf32, #tpu.memory_space<vmem>>
    %dma_wait3A_885 = arith.constant 0 : i32
    %dma_wait3A_886 = tpu.memref_slice %arg5[%dma_wait3A_881, %dma_wait3A_885] : memref<80x128xi32, #tpu.memory_space<vmem>> -> memref<1x128xi32, #tpu.memory_space<vmem>>
    %dma_wait3A_887 = tpu.memref_squeeze %dma_wait3A_886 : memref<1x128xi32, #tpu.memory_space<vmem>> -> memref<128xi32, #tpu.memory_space<vmem>>
    %dma_wait3A_888 = arith.constant 0 : i32
    %dma_wait3A_889 = arith.constant 0 : i32
    %dma_wait3A_890 = tpu.memref_slice %arg7[%dma_wait3A_888, %dma_wait3A_889] : memref<5120x128xf32, #tpu.memory_space<vmem_shared>> -> memref<5120x128xf32, #tpu.memory_space<vmem_shared>>
    tpu.wait_indirect_dma semaphore(%arg8 : memref<!tpu.dma_semaphore, #tpu.memory_space<semaphore_mem>>) src(%dma_wait3A_884 : memref<128x128xf32, #tpu.memory_space<vmem>>) dst(%dma_wait3A_890 : memref<5120x128xf32, #tpu.memory_space<vmem_shared>>)
    %dma_wait3A_891 = arith.constant 41 : i32
    %dma_wait3A_892 = arith.constant 128 : i32
    %dma_wait3A_893 = arith.constant 0 : i32
    %dma_wait3A_894 = tpu.memref_slice %arg6[%dma_wait3A_892, %dma_wait3A_893] : memref<256x128xf32, #tpu.memory_space<vmem>> -> memref<128x128xf32, #tpu.memory_space<vmem>>
    %dma_wait3A_895 = arith.constant 0 : i32
    %dma_wait3A_896 = tpu.memref_slice %arg5[%dma_wait3A_891, %dma_wait3A_895] : memref<80x128xi32, #tpu.memory_space<vmem>> -> memref<1x128xi32, #tpu.memory_space<vmem>>
    %dma_wait3A_897 = tpu.memref_squeeze %dma_wait3A_896 : memref<1x128xi32, #tpu.memory_space<vmem>> -> memref<128xi32, #tpu.memory_space<vmem>>
    %dma_wait3A_898 = arith.constant 0 : i32
    %dma_wait3A_899 = arith.constant 0 : i32
    %dma_wait3A_900 = tpu.memref_slice %arg7[%dma_wait3A_898, %dma_wait3A_899] : memref<5120x128xf32, #tpu.memory_space<vmem_shared>> -> memref<5120x128xf32, #tpu.memory_space<vmem_shared>>
    tpu.wait_indirect_dma semaphore(%arg8 : memref<!tpu.dma_semaphore, #tpu.memory_space<semaphore_mem>>) src(%dma_wait3A_894 : memref<128x128xf32, #tpu.memory_space<vmem>>) dst(%dma_wait3A_900 : memref<5120x128xf32, #tpu.memory_space<vmem_shared>>)
    %add3A_901 = arith.constant 5376 : i32
    %add3A_902 = arith.addi %mul3A_2, %add3A_901 : i32
    "tpu.region"() ({
      %run_scoped3A = tpu.sem_alloc : memref<!tpu.dma_semaphore, #tpu.memory_space<semaphore_mem>>
      %dma_start3A_1704 = arith.constant 0 : i32
      %dma_start3A_1705 = tpu.memref_slice %arg2[%add3A_902, %dma_start3A_1704] : memref<163840x128xf32, #tpu.memory_space<hbm>> -> memref<256x128xf32, #tpu.memory_space<hbm>>
      %dma_start3A_1706 = arith.constant 0 : i32
      %dma_start3A_1707 = tpu.memref_slice %arg2[%add3A_902, %dma_start3A_1706] : memref<163840x128xf32, #tpu.memory_space<hbm>> -> memref<256x128xf32, #tpu.memory_space<hbm>>
      tpu.enqueue_dma source(%dma_start3A_1707 : memref<256x128xf32, #tpu.memory_space<hbm>>) target(%arg6 : memref<256x128xf32, #tpu.memory_space<vmem>>) target_semaphore(%run_scoped3A : memref<!tpu.dma_semaphore, #tpu.memory_space<semaphore_mem>>)
      %dma_wait3A_1708 = arith.constant 0 : i32
      %dma_wait3A_1709 = tpu.memref_slice %arg2[%add3A_902, %dma_wait3A_1708] : memref<163840x128xf32, #tpu.memory_space<hbm>> -> memref<256x128xf32, #tpu.memory_space<hbm>>
      %dma_wait3A_1710 = arith.constant 0 : i32
      %dma_wait3A_1711 = tpu.memref_slice %arg2[%add3A_902, %dma_wait3A_1710] : memref<163840x128xf32, #tpu.memory_space<hbm>> -> memref<256x128xf32, #tpu.memory_space<hbm>>
      tpu.wait_dma2 semaphore(%run_scoped3A : memref<!tpu.dma_semaphore, #tpu.memory_space<semaphore_mem>>) src(%dma_wait3A_1711 : memref<256x128xf32, #tpu.memory_space<hbm>>) dst(%arg6 : memref<256x128xf32, #tpu.memory_space<vmem>>)
      tpu.yield
    }) : () -> ()
    %dma_start3A_903 = arith.constant 42 : i32
    %dma_start3A_904 = arith.constant 0 : i32
    %dma_start3A_905 = arith.constant 0 : i32
    %dma_start3A_906 = tpu.memref_slice %arg6[%dma_start3A_904, %dma_start3A_905] : memref<256x128xf32, #tpu.memory_space<vmem>> -> memref<128x128xf32, #tpu.memory_space<vmem>>
    %dma_start3A_907 = arith.constant 0 : i32
    %dma_start3A_908 = tpu.memref_slice %arg5[%dma_start3A_903, %dma_start3A_907] : memref<80x128xi32, #tpu.memory_space<vmem>> -> memref<1x128xi32, #tpu.memory_space<vmem>>
    %dma_start3A_909 = tpu.memref_squeeze %dma_start3A_908 : memref<1x128xi32, #tpu.memory_space<vmem>> -> memref<128xi32, #tpu.memory_space<vmem>>
    %dma_start3A_910 = arith.constant 0 : i32
    %dma_start3A_911 = arith.constant 0 : i32
    %dma_start3A_912 = tpu.memref_slice %arg7[%dma_start3A_910, %dma_start3A_911] : memref<5120x128xf32, #tpu.memory_space<vmem_shared>> -> memref<5120x128xf32, #tpu.memory_space<vmem_shared>>
    tpu.enqueue_indirect_dma source(%dma_start3A_906 : memref<128x128xf32, #tpu.memory_space<vmem>>) target(%dma_start3A_912 : memref<5120x128xf32, #tpu.memory_space<vmem_shared>>) offsets(%dma_start3A_909 : memref<128xi32, #tpu.memory_space<vmem>>) semaphore(%arg8 : memref<!tpu.dma_semaphore, #tpu.memory_space<semaphore_mem>>) {add = true}
    %dma_start3A_913 = arith.constant 43 : i32
    %dma_start3A_914 = arith.constant 128 : i32
    %dma_start3A_915 = arith.constant 0 : i32
    %dma_start3A_916 = tpu.memref_slice %arg6[%dma_start3A_914, %dma_start3A_915] : memref<256x128xf32, #tpu.memory_space<vmem>> -> memref<128x128xf32, #tpu.memory_space<vmem>>
    %dma_start3A_917 = arith.constant 0 : i32
    %dma_start3A_918 = tpu.memref_slice %arg5[%dma_start3A_913, %dma_start3A_917] : memref<80x128xi32, #tpu.memory_space<vmem>> -> memref<1x128xi32, #tpu.memory_space<vmem>>
    %dma_start3A_919 = tpu.memref_squeeze %dma_start3A_918 : memref<1x128xi32, #tpu.memory_space<vmem>> -> memref<128xi32, #tpu.memory_space<vmem>>
    %dma_start3A_920 = arith.constant 0 : i32
    %dma_start3A_921 = arith.constant 0 : i32
    %dma_start3A_922 = tpu.memref_slice %arg7[%dma_start3A_920, %dma_start3A_921] : memref<5120x128xf32, #tpu.memory_space<vmem_shared>> -> memref<5120x128xf32, #tpu.memory_space<vmem_shared>>
    tpu.enqueue_indirect_dma source(%dma_start3A_916 : memref<128x128xf32, #tpu.memory_space<vmem>>) target(%dma_start3A_922 : memref<5120x128xf32, #tpu.memory_space<vmem_shared>>) offsets(%dma_start3A_919 : memref<128xi32, #tpu.memory_space<vmem>>) semaphore(%arg8 : memref<!tpu.dma_semaphore, #tpu.memory_space<semaphore_mem>>) {add = true}
    %dma_wait3A_923 = arith.constant 42 : i32
    %dma_wait3A_924 = arith.constant 0 : i32
    %dma_wait3A_925 = arith.constant 0 : i32
    %dma_wait3A_926 = tpu.memref_slice %arg6[%dma_wait3A_924, %dma_wait3A_925] : memref<256x128xf32, #tpu.memory_space<vmem>> -> memref<128x128xf32, #tpu.memory_space<vmem>>
    %dma_wait3A_927 = arith.constant 0 : i32
    %dma_wait3A_928 = tpu.memref_slice %arg5[%dma_wait3A_923, %dma_wait3A_927] : memref<80x128xi32, #tpu.memory_space<vmem>> -> memref<1x128xi32, #tpu.memory_space<vmem>>
    %dma_wait3A_929 = tpu.memref_squeeze %dma_wait3A_928 : memref<1x128xi32, #tpu.memory_space<vmem>> -> memref<128xi32, #tpu.memory_space<vmem>>
    %dma_wait3A_930 = arith.constant 0 : i32
    %dma_wait3A_931 = arith.constant 0 : i32
    %dma_wait3A_932 = tpu.memref_slice %arg7[%dma_wait3A_930, %dma_wait3A_931] : memref<5120x128xf32, #tpu.memory_space<vmem_shared>> -> memref<5120x128xf32, #tpu.memory_space<vmem_shared>>
    tpu.wait_indirect_dma semaphore(%arg8 : memref<!tpu.dma_semaphore, #tpu.memory_space<semaphore_mem>>) src(%dma_wait3A_926 : memref<128x128xf32, #tpu.memory_space<vmem>>) dst(%dma_wait3A_932 : memref<5120x128xf32, #tpu.memory_space<vmem_shared>>)
    %dma_wait3A_933 = arith.constant 43 : i32
    %dma_wait3A_934 = arith.constant 128 : i32
    %dma_wait3A_935 = arith.constant 0 : i32
    %dma_wait3A_936 = tpu.memref_slice %arg6[%dma_wait3A_934, %dma_wait3A_935] : memref<256x128xf32, #tpu.memory_space<vmem>> -> memref<128x128xf32, #tpu.memory_space<vmem>>
    %dma_wait3A_937 = arith.constant 0 : i32
    %dma_wait3A_938 = tpu.memref_slice %arg5[%dma_wait3A_933, %dma_wait3A_937] : memref<80x128xi32, #tpu.memory_space<vmem>> -> memref<1x128xi32, #tpu.memory_space<vmem>>
    %dma_wait3A_939 = tpu.memref_squeeze %dma_wait3A_938 : memref<1x128xi32, #tpu.memory_space<vmem>> -> memref<128xi32, #tpu.memory_space<vmem>>
    %dma_wait3A_940 = arith.constant 0 : i32
    %dma_wait3A_941 = arith.constant 0 : i32
    %dma_wait3A_942 = tpu.memref_slice %arg7[%dma_wait3A_940, %dma_wait3A_941] : memref<5120x128xf32, #tpu.memory_space<vmem_shared>> -> memref<5120x128xf32, #tpu.memory_space<vmem_shared>>
    tpu.wait_indirect_dma semaphore(%arg8 : memref<!tpu.dma_semaphore, #tpu.memory_space<semaphore_mem>>) src(%dma_wait3A_936 : memref<128x128xf32, #tpu.memory_space<vmem>>) dst(%dma_wait3A_942 : memref<5120x128xf32, #tpu.memory_space<vmem_shared>>)
    %add3A_943 = arith.constant 5632 : i32
    %add3A_944 = arith.addi %mul3A_2, %add3A_943 : i32
    "tpu.region"() ({
      %run_scoped3A = tpu.sem_alloc : memref<!tpu.dma_semaphore, #tpu.memory_space<semaphore_mem>>
      %dma_start3A_1704 = arith.constant 0 : i32
      %dma_start3A_1705 = tpu.memref_slice %arg2[%add3A_944, %dma_start3A_1704] : memref<163840x128xf32, #tpu.memory_space<hbm>> -> memref<256x128xf32, #tpu.memory_space<hbm>>
      %dma_start3A_1706 = arith.constant 0 : i32
      %dma_start3A_1707 = tpu.memref_slice %arg2[%add3A_944, %dma_start3A_1706] : memref<163840x128xf32, #tpu.memory_space<hbm>> -> memref<256x128xf32, #tpu.memory_space<hbm>>
      tpu.enqueue_dma source(%dma_start3A_1707 : memref<256x128xf32, #tpu.memory_space<hbm>>) target(%arg6 : memref<256x128xf32, #tpu.memory_space<vmem>>) target_semaphore(%run_scoped3A : memref<!tpu.dma_semaphore, #tpu.memory_space<semaphore_mem>>)
      %dma_wait3A_1708 = arith.constant 0 : i32
      %dma_wait3A_1709 = tpu.memref_slice %arg2[%add3A_944, %dma_wait3A_1708] : memref<163840x128xf32, #tpu.memory_space<hbm>> -> memref<256x128xf32, #tpu.memory_space<hbm>>
      %dma_wait3A_1710 = arith.constant 0 : i32
      %dma_wait3A_1711 = tpu.memref_slice %arg2[%add3A_944, %dma_wait3A_1710] : memref<163840x128xf32, #tpu.memory_space<hbm>> -> memref<256x128xf32, #tpu.memory_space<hbm>>
      tpu.wait_dma2 semaphore(%run_scoped3A : memref<!tpu.dma_semaphore, #tpu.memory_space<semaphore_mem>>) src(%dma_wait3A_1711 : memref<256x128xf32, #tpu.memory_space<hbm>>) dst(%arg6 : memref<256x128xf32, #tpu.memory_space<vmem>>)
      tpu.yield
    }) : () -> ()
    %dma_start3A_945 = arith.constant 44 : i32
    %dma_start3A_946 = arith.constant 0 : i32
    %dma_start3A_947 = arith.constant 0 : i32
    %dma_start3A_948 = tpu.memref_slice %arg6[%dma_start3A_946, %dma_start3A_947] : memref<256x128xf32, #tpu.memory_space<vmem>> -> memref<128x128xf32, #tpu.memory_space<vmem>>
    %dma_start3A_949 = arith.constant 0 : i32
    %dma_start3A_950 = tpu.memref_slice %arg5[%dma_start3A_945, %dma_start3A_949] : memref<80x128xi32, #tpu.memory_space<vmem>> -> memref<1x128xi32, #tpu.memory_space<vmem>>
    %dma_start3A_951 = tpu.memref_squeeze %dma_start3A_950 : memref<1x128xi32, #tpu.memory_space<vmem>> -> memref<128xi32, #tpu.memory_space<vmem>>
    %dma_start3A_952 = arith.constant 0 : i32
    %dma_start3A_953 = arith.constant 0 : i32
    %dma_start3A_954 = tpu.memref_slice %arg7[%dma_start3A_952, %dma_start3A_953] : memref<5120x128xf32, #tpu.memory_space<vmem_shared>> -> memref<5120x128xf32, #tpu.memory_space<vmem_shared>>
    tpu.enqueue_indirect_dma source(%dma_start3A_948 : memref<128x128xf32, #tpu.memory_space<vmem>>) target(%dma_start3A_954 : memref<5120x128xf32, #tpu.memory_space<vmem_shared>>) offsets(%dma_start3A_951 : memref<128xi32, #tpu.memory_space<vmem>>) semaphore(%arg8 : memref<!tpu.dma_semaphore, #tpu.memory_space<semaphore_mem>>) {add = true}
    %dma_start3A_955 = arith.constant 45 : i32
    %dma_start3A_956 = arith.constant 128 : i32
    %dma_start3A_957 = arith.constant 0 : i32
    %dma_start3A_958 = tpu.memref_slice %arg6[%dma_start3A_956, %dma_start3A_957] : memref<256x128xf32, #tpu.memory_space<vmem>> -> memref<128x128xf32, #tpu.memory_space<vmem>>
    %dma_start3A_959 = arith.constant 0 : i32
    %dma_start3A_960 = tpu.memref_slice %arg5[%dma_start3A_955, %dma_start3A_959] : memref<80x128xi32, #tpu.memory_space<vmem>> -> memref<1x128xi32, #tpu.memory_space<vmem>>
    %dma_start3A_961 = tpu.memref_squeeze %dma_start3A_960 : memref<1x128xi32, #tpu.memory_space<vmem>> -> memref<128xi32, #tpu.memory_space<vmem>>
    %dma_start3A_962 = arith.constant 0 : i32
    %dma_start3A_963 = arith.constant 0 : i32
    %dma_start3A_964 = tpu.memref_slice %arg7[%dma_start3A_962, %dma_start3A_963] : memref<5120x128xf32, #tpu.memory_space<vmem_shared>> -> memref<5120x128xf32, #tpu.memory_space<vmem_shared>>
    tpu.enqueue_indirect_dma source(%dma_start3A_958 : memref<128x128xf32, #tpu.memory_space<vmem>>) target(%dma_start3A_964 : memref<5120x128xf32, #tpu.memory_space<vmem_shared>>) offsets(%dma_start3A_961 : memref<128xi32, #tpu.memory_space<vmem>>) semaphore(%arg8 : memref<!tpu.dma_semaphore, #tpu.memory_space<semaphore_mem>>) {add = true}
    %dma_wait3A_965 = arith.constant 44 : i32
    %dma_wait3A_966 = arith.constant 0 : i32
    %dma_wait3A_967 = arith.constant 0 : i32
    %dma_wait3A_968 = tpu.memref_slice %arg6[%dma_wait3A_966, %dma_wait3A_967] : memref<256x128xf32, #tpu.memory_space<vmem>> -> memref<128x128xf32, #tpu.memory_space<vmem>>
    %dma_wait3A_969 = arith.constant 0 : i32
    %dma_wait3A_970 = tpu.memref_slice %arg5[%dma_wait3A_965, %dma_wait3A_969] : memref<80x128xi32, #tpu.memory_space<vmem>> -> memref<1x128xi32, #tpu.memory_space<vmem>>
    %dma_wait3A_971 = tpu.memref_squeeze %dma_wait3A_970 : memref<1x128xi32, #tpu.memory_space<vmem>> -> memref<128xi32, #tpu.memory_space<vmem>>
    %dma_wait3A_972 = arith.constant 0 : i32
    %dma_wait3A_973 = arith.constant 0 : i32
    %dma_wait3A_974 = tpu.memref_slice %arg7[%dma_wait3A_972, %dma_wait3A_973] : memref<5120x128xf32, #tpu.memory_space<vmem_shared>> -> memref<5120x128xf32, #tpu.memory_space<vmem_shared>>
    tpu.wait_indirect_dma semaphore(%arg8 : memref<!tpu.dma_semaphore, #tpu.memory_space<semaphore_mem>>) src(%dma_wait3A_968 : memref<128x128xf32, #tpu.memory_space<vmem>>) dst(%dma_wait3A_974 : memref<5120x128xf32, #tpu.memory_space<vmem_shared>>)
    %dma_wait3A_975 = arith.constant 45 : i32
    %dma_wait3A_976 = arith.constant 128 : i32
    %dma_wait3A_977 = arith.constant 0 : i32
    %dma_wait3A_978 = tpu.memref_slice %arg6[%dma_wait3A_976, %dma_wait3A_977] : memref<256x128xf32, #tpu.memory_space<vmem>> -> memref<128x128xf32, #tpu.memory_space<vmem>>
    %dma_wait3A_979 = arith.constant 0 : i32
    %dma_wait3A_980 = tpu.memref_slice %arg5[%dma_wait3A_975, %dma_wait3A_979] : memref<80x128xi32, #tpu.memory_space<vmem>> -> memref<1x128xi32, #tpu.memory_space<vmem>>
    %dma_wait3A_981 = tpu.memref_squeeze %dma_wait3A_980 : memref<1x128xi32, #tpu.memory_space<vmem>> -> memref<128xi32, #tpu.memory_space<vmem>>
    %dma_wait3A_982 = arith.constant 0 : i32
    %dma_wait3A_983 = arith.constant 0 : i32
    %dma_wait3A_984 = tpu.memref_slice %arg7[%dma_wait3A_982, %dma_wait3A_983] : memref<5120x128xf32, #tpu.memory_space<vmem_shared>> -> memref<5120x128xf32, #tpu.memory_space<vmem_shared>>
    tpu.wait_indirect_dma semaphore(%arg8 : memref<!tpu.dma_semaphore, #tpu.memory_space<semaphore_mem>>) src(%dma_wait3A_978 : memref<128x128xf32, #tpu.memory_space<vmem>>) dst(%dma_wait3A_984 : memref<5120x128xf32, #tpu.memory_space<vmem_shared>>)
    %add3A_985 = arith.constant 5888 : i32
    %add3A_986 = arith.addi %mul3A_2, %add3A_985 : i32
    "tpu.region"() ({
      %run_scoped3A = tpu.sem_alloc : memref<!tpu.dma_semaphore, #tpu.memory_space<semaphore_mem>>
      %dma_start3A_1704 = arith.constant 0 : i32
      %dma_start3A_1705 = tpu.memref_slice %arg2[%add3A_986, %dma_start3A_1704] : memref<163840x128xf32, #tpu.memory_space<hbm>> -> memref<256x128xf32, #tpu.memory_space<hbm>>
      %dma_start3A_1706 = arith.constant 0 : i32
      %dma_start3A_1707 = tpu.memref_slice %arg2[%add3A_986, %dma_start3A_1706] : memref<163840x128xf32, #tpu.memory_space<hbm>> -> memref<256x128xf32, #tpu.memory_space<hbm>>
      tpu.enqueue_dma source(%dma_start3A_1707 : memref<256x128xf32, #tpu.memory_space<hbm>>) target(%arg6 : memref<256x128xf32, #tpu.memory_space<vmem>>) target_semaphore(%run_scoped3A : memref<!tpu.dma_semaphore, #tpu.memory_space<semaphore_mem>>)
      %dma_wait3A_1708 = arith.constant 0 : i32
      %dma_wait3A_1709 = tpu.memref_slice %arg2[%add3A_986, %dma_wait3A_1708] : memref<163840x128xf32, #tpu.memory_space<hbm>> -> memref<256x128xf32, #tpu.memory_space<hbm>>
      %dma_wait3A_1710 = arith.constant 0 : i32
      %dma_wait3A_1711 = tpu.memref_slice %arg2[%add3A_986, %dma_wait3A_1710] : memref<163840x128xf32, #tpu.memory_space<hbm>> -> memref<256x128xf32, #tpu.memory_space<hbm>>
      tpu.wait_dma2 semaphore(%run_scoped3A : memref<!tpu.dma_semaphore, #tpu.memory_space<semaphore_mem>>) src(%dma_wait3A_1711 : memref<256x128xf32, #tpu.memory_space<hbm>>) dst(%arg6 : memref<256x128xf32, #tpu.memory_space<vmem>>)
      tpu.yield
    }) : () -> ()
    %dma_start3A_987 = arith.constant 46 : i32
    %dma_start3A_988 = arith.constant 0 : i32
    %dma_start3A_989 = arith.constant 0 : i32
    %dma_start3A_990 = tpu.memref_slice %arg6[%dma_start3A_988, %dma_start3A_989] : memref<256x128xf32, #tpu.memory_space<vmem>> -> memref<128x128xf32, #tpu.memory_space<vmem>>
    %dma_start3A_991 = arith.constant 0 : i32
    %dma_start3A_992 = tpu.memref_slice %arg5[%dma_start3A_987, %dma_start3A_991] : memref<80x128xi32, #tpu.memory_space<vmem>> -> memref<1x128xi32, #tpu.memory_space<vmem>>
    %dma_start3A_993 = tpu.memref_squeeze %dma_start3A_992 : memref<1x128xi32, #tpu.memory_space<vmem>> -> memref<128xi32, #tpu.memory_space<vmem>>
    %dma_start3A_994 = arith.constant 0 : i32
    %dma_start3A_995 = arith.constant 0 : i32
    %dma_start3A_996 = tpu.memref_slice %arg7[%dma_start3A_994, %dma_start3A_995] : memref<5120x128xf32, #tpu.memory_space<vmem_shared>> -> memref<5120x128xf32, #tpu.memory_space<vmem_shared>>
    tpu.enqueue_indirect_dma source(%dma_start3A_990 : memref<128x128xf32, #tpu.memory_space<vmem>>) target(%dma_start3A_996 : memref<5120x128xf32, #tpu.memory_space<vmem_shared>>) offsets(%dma_start3A_993 : memref<128xi32, #tpu.memory_space<vmem>>) semaphore(%arg8 : memref<!tpu.dma_semaphore, #tpu.memory_space<semaphore_mem>>) {add = true}
    %dma_start3A_997 = arith.constant 47 : i32
    %dma_start3A_998 = arith.constant 128 : i32
    %dma_start3A_999 = arith.constant 0 : i32
    %dma_start3A_1000 = tpu.memref_slice %arg6[%dma_start3A_998, %dma_start3A_999] : memref<256x128xf32, #tpu.memory_space<vmem>> -> memref<128x128xf32, #tpu.memory_space<vmem>>
    %dma_start3A_1001 = arith.constant 0 : i32
    %dma_start3A_1002 = tpu.memref_slice %arg5[%dma_start3A_997, %dma_start3A_1001] : memref<80x128xi32, #tpu.memory_space<vmem>> -> memref<1x128xi32, #tpu.memory_space<vmem>>
    %dma_start3A_1003 = tpu.memref_squeeze %dma_start3A_1002 : memref<1x128xi32, #tpu.memory_space<vmem>> -> memref<128xi32, #tpu.memory_space<vmem>>
    %dma_start3A_1004 = arith.constant 0 : i32
    %dma_start3A_1005 = arith.constant 0 : i32
    %dma_start3A_1006 = tpu.memref_slice %arg7[%dma_start3A_1004, %dma_start3A_1005] : memref<5120x128xf32, #tpu.memory_space<vmem_shared>> -> memref<5120x128xf32, #tpu.memory_space<vmem_shared>>
    tpu.enqueue_indirect_dma source(%dma_start3A_1000 : memref<128x128xf32, #tpu.memory_space<vmem>>) target(%dma_start3A_1006 : memref<5120x128xf32, #tpu.memory_space<vmem_shared>>) offsets(%dma_start3A_1003 : memref<128xi32, #tpu.memory_space<vmem>>) semaphore(%arg8 : memref<!tpu.dma_semaphore, #tpu.memory_space<semaphore_mem>>) {add = true}
    %dma_wait3A_1007 = arith.constant 46 : i32
    %dma_wait3A_1008 = arith.constant 0 : i32
    %dma_wait3A_1009 = arith.constant 0 : i32
    %dma_wait3A_1010 = tpu.memref_slice %arg6[%dma_wait3A_1008, %dma_wait3A_1009] : memref<256x128xf32, #tpu.memory_space<vmem>> -> memref<128x128xf32, #tpu.memory_space<vmem>>
    %dma_wait3A_1011 = arith.constant 0 : i32
    %dma_wait3A_1012 = tpu.memref_slice %arg5[%dma_wait3A_1007, %dma_wait3A_1011] : memref<80x128xi32, #tpu.memory_space<vmem>> -> memref<1x128xi32, #tpu.memory_space<vmem>>
    %dma_wait3A_1013 = tpu.memref_squeeze %dma_wait3A_1012 : memref<1x128xi32, #tpu.memory_space<vmem>> -> memref<128xi32, #tpu.memory_space<vmem>>
    %dma_wait3A_1014 = arith.constant 0 : i32
    %dma_wait3A_1015 = arith.constant 0 : i32
    %dma_wait3A_1016 = tpu.memref_slice %arg7[%dma_wait3A_1014, %dma_wait3A_1015] : memref<5120x128xf32, #tpu.memory_space<vmem_shared>> -> memref<5120x128xf32, #tpu.memory_space<vmem_shared>>
    tpu.wait_indirect_dma semaphore(%arg8 : memref<!tpu.dma_semaphore, #tpu.memory_space<semaphore_mem>>) src(%dma_wait3A_1010 : memref<128x128xf32, #tpu.memory_space<vmem>>) dst(%dma_wait3A_1016 : memref<5120x128xf32, #tpu.memory_space<vmem_shared>>)
    %dma_wait3A_1017 = arith.constant 47 : i32
    %dma_wait3A_1018 = arith.constant 128 : i32
    %dma_wait3A_1019 = arith.constant 0 : i32
    %dma_wait3A_1020 = tpu.memref_slice %arg6[%dma_wait3A_1018, %dma_wait3A_1019] : memref<256x128xf32, #tpu.memory_space<vmem>> -> memref<128x128xf32, #tpu.memory_space<vmem>>
    %dma_wait3A_1021 = arith.constant 0 : i32
    %dma_wait3A_1022 = tpu.memref_slice %arg5[%dma_wait3A_1017, %dma_wait3A_1021] : memref<80x128xi32, #tpu.memory_space<vmem>> -> memref<1x128xi32, #tpu.memory_space<vmem>>
    %dma_wait3A_1023 = tpu.memref_squeeze %dma_wait3A_1022 : memref<1x128xi32, #tpu.memory_space<vmem>> -> memref<128xi32, #tpu.memory_space<vmem>>
    %dma_wait3A_1024 = arith.constant 0 : i32
    %dma_wait3A_1025 = arith.constant 0 : i32
    %dma_wait3A_1026 = tpu.memref_slice %arg7[%dma_wait3A_1024, %dma_wait3A_1025] : memref<5120x128xf32, #tpu.memory_space<vmem_shared>> -> memref<5120x128xf32, #tpu.memory_space<vmem_shared>>
    tpu.wait_indirect_dma semaphore(%arg8 : memref<!tpu.dma_semaphore, #tpu.memory_space<semaphore_mem>>) src(%dma_wait3A_1020 : memref<128x128xf32, #tpu.memory_space<vmem>>) dst(%dma_wait3A_1026 : memref<5120x128xf32, #tpu.memory_space<vmem_shared>>)
    %add3A_1027 = arith.constant 6144 : i32
    %add3A_1028 = arith.addi %mul3A_2, %add3A_1027 : i32
    "tpu.region"() ({
      %run_scoped3A = tpu.sem_alloc : memref<!tpu.dma_semaphore, #tpu.memory_space<semaphore_mem>>
      %dma_start3A_1704 = arith.constant 0 : i32
      %dma_start3A_1705 = tpu.memref_slice %arg2[%add3A_1028, %dma_start3A_1704] : memref<163840x128xf32, #tpu.memory_space<hbm>> -> memref<256x128xf32, #tpu.memory_space<hbm>>
      %dma_start3A_1706 = arith.constant 0 : i32
      %dma_start3A_1707 = tpu.memref_slice %arg2[%add3A_1028, %dma_start3A_1706] : memref<163840x128xf32, #tpu.memory_space<hbm>> -> memref<256x128xf32, #tpu.memory_space<hbm>>
      tpu.enqueue_dma source(%dma_start3A_1707 : memref<256x128xf32, #tpu.memory_space<hbm>>) target(%arg6 : memref<256x128xf32, #tpu.memory_space<vmem>>) target_semaphore(%run_scoped3A : memref<!tpu.dma_semaphore, #tpu.memory_space<semaphore_mem>>)
      %dma_wait3A_1708 = arith.constant 0 : i32
      %dma_wait3A_1709 = tpu.memref_slice %arg2[%add3A_1028, %dma_wait3A_1708] : memref<163840x128xf32, #tpu.memory_space<hbm>> -> memref<256x128xf32, #tpu.memory_space<hbm>>
      %dma_wait3A_1710 = arith.constant 0 : i32
      %dma_wait3A_1711 = tpu.memref_slice %arg2[%add3A_1028, %dma_wait3A_1710] : memref<163840x128xf32, #tpu.memory_space<hbm>> -> memref<256x128xf32, #tpu.memory_space<hbm>>
      tpu.wait_dma2 semaphore(%run_scoped3A : memref<!tpu.dma_semaphore, #tpu.memory_space<semaphore_mem>>) src(%dma_wait3A_1711 : memref<256x128xf32, #tpu.memory_space<hbm>>) dst(%arg6 : memref<256x128xf32, #tpu.memory_space<vmem>>)
      tpu.yield
    }) : () -> ()
    %dma_start3A_1029 = arith.constant 48 : i32
    %dma_start3A_1030 = arith.constant 0 : i32
    %dma_start3A_1031 = arith.constant 0 : i32
    %dma_start3A_1032 = tpu.memref_slice %arg6[%dma_start3A_1030, %dma_start3A_1031] : memref<256x128xf32, #tpu.memory_space<vmem>> -> memref<128x128xf32, #tpu.memory_space<vmem>>
    %dma_start3A_1033 = arith.constant 0 : i32
    %dma_start3A_1034 = tpu.memref_slice %arg5[%dma_start3A_1029, %dma_start3A_1033] : memref<80x128xi32, #tpu.memory_space<vmem>> -> memref<1x128xi32, #tpu.memory_space<vmem>>
    %dma_start3A_1035 = tpu.memref_squeeze %dma_start3A_1034 : memref<1x128xi32, #tpu.memory_space<vmem>> -> memref<128xi32, #tpu.memory_space<vmem>>
    %dma_start3A_1036 = arith.constant 0 : i32
    %dma_start3A_1037 = arith.constant 0 : i32
    %dma_start3A_1038 = tpu.memref_slice %arg7[%dma_start3A_1036, %dma_start3A_1037] : memref<5120x128xf32, #tpu.memory_space<vmem_shared>> -> memref<5120x128xf32, #tpu.memory_space<vmem_shared>>
    tpu.enqueue_indirect_dma source(%dma_start3A_1032 : memref<128x128xf32, #tpu.memory_space<vmem>>) target(%dma_start3A_1038 : memref<5120x128xf32, #tpu.memory_space<vmem_shared>>) offsets(%dma_start3A_1035 : memref<128xi32, #tpu.memory_space<vmem>>) semaphore(%arg8 : memref<!tpu.dma_semaphore, #tpu.memory_space<semaphore_mem>>) {add = true}
    %dma_start3A_1039 = arith.constant 49 : i32
    %dma_start3A_1040 = arith.constant 128 : i32
    %dma_start3A_1041 = arith.constant 0 : i32
    %dma_start3A_1042 = tpu.memref_slice %arg6[%dma_start3A_1040, %dma_start3A_1041] : memref<256x128xf32, #tpu.memory_space<vmem>> -> memref<128x128xf32, #tpu.memory_space<vmem>>
    %dma_start3A_1043 = arith.constant 0 : i32
    %dma_start3A_1044 = tpu.memref_slice %arg5[%dma_start3A_1039, %dma_start3A_1043] : memref<80x128xi32, #tpu.memory_space<vmem>> -> memref<1x128xi32, #tpu.memory_space<vmem>>
    %dma_start3A_1045 = tpu.memref_squeeze %dma_start3A_1044 : memref<1x128xi32, #tpu.memory_space<vmem>> -> memref<128xi32, #tpu.memory_space<vmem>>
    %dma_start3A_1046 = arith.constant 0 : i32
    %dma_start3A_1047 = arith.constant 0 : i32
    %dma_start3A_1048 = tpu.memref_slice %arg7[%dma_start3A_1046, %dma_start3A_1047] : memref<5120x128xf32, #tpu.memory_space<vmem_shared>> -> memref<5120x128xf32, #tpu.memory_space<vmem_shared>>
    tpu.enqueue_indirect_dma source(%dma_start3A_1042 : memref<128x128xf32, #tpu.memory_space<vmem>>) target(%dma_start3A_1048 : memref<5120x128xf32, #tpu.memory_space<vmem_shared>>) offsets(%dma_start3A_1045 : memref<128xi32, #tpu.memory_space<vmem>>) semaphore(%arg8 : memref<!tpu.dma_semaphore, #tpu.memory_space<semaphore_mem>>) {add = true}
    %dma_wait3A_1049 = arith.constant 48 : i32
    %dma_wait3A_1050 = arith.constant 0 : i32
    %dma_wait3A_1051 = arith.constant 0 : i32
    %dma_wait3A_1052 = tpu.memref_slice %arg6[%dma_wait3A_1050, %dma_wait3A_1051] : memref<256x128xf32, #tpu.memory_space<vmem>> -> memref<128x128xf32, #tpu.memory_space<vmem>>
    %dma_wait3A_1053 = arith.constant 0 : i32
    %dma_wait3A_1054 = tpu.memref_slice %arg5[%dma_wait3A_1049, %dma_wait3A_1053] : memref<80x128xi32, #tpu.memory_space<vmem>> -> memref<1x128xi32, #tpu.memory_space<vmem>>
    %dma_wait3A_1055 = tpu.memref_squeeze %dma_wait3A_1054 : memref<1x128xi32, #tpu.memory_space<vmem>> -> memref<128xi32, #tpu.memory_space<vmem>>
    %dma_wait3A_1056 = arith.constant 0 : i32
    %dma_wait3A_1057 = arith.constant 0 : i32
    %dma_wait3A_1058 = tpu.memref_slice %arg7[%dma_wait3A_1056, %dma_wait3A_1057] : memref<5120x128xf32, #tpu.memory_space<vmem_shared>> -> memref<5120x128xf32, #tpu.memory_space<vmem_shared>>
    tpu.wait_indirect_dma semaphore(%arg8 : memref<!tpu.dma_semaphore, #tpu.memory_space<semaphore_mem>>) src(%dma_wait3A_1052 : memref<128x128xf32, #tpu.memory_space<vmem>>) dst(%dma_wait3A_1058 : memref<5120x128xf32, #tpu.memory_space<vmem_shared>>)
    %dma_wait3A_1059 = arith.constant 49 : i32
    %dma_wait3A_1060 = arith.constant 128 : i32
    %dma_wait3A_1061 = arith.constant 0 : i32
    %dma_wait3A_1062 = tpu.memref_slice %arg6[%dma_wait3A_1060, %dma_wait3A_1061] : memref<256x128xf32, #tpu.memory_space<vmem>> -> memref<128x128xf32, #tpu.memory_space<vmem>>
    %dma_wait3A_1063 = arith.constant 0 : i32
    %dma_wait3A_1064 = tpu.memref_slice %arg5[%dma_wait3A_1059, %dma_wait3A_1063] : memref<80x128xi32, #tpu.memory_space<vmem>> -> memref<1x128xi32, #tpu.memory_space<vmem>>
    %dma_wait3A_1065 = tpu.memref_squeeze %dma_wait3A_1064 : memref<1x128xi32, #tpu.memory_space<vmem>> -> memref<128xi32, #tpu.memory_space<vmem>>
    %dma_wait3A_1066 = arith.constant 0 : i32
    %dma_wait3A_1067 = arith.constant 0 : i32
    %dma_wait3A_1068 = tpu.memref_slice %arg7[%dma_wait3A_1066, %dma_wait3A_1067] : memref<5120x128xf32, #tpu.memory_space<vmem_shared>> -> memref<5120x128xf32, #tpu.memory_space<vmem_shared>>
    tpu.wait_indirect_dma semaphore(%arg8 : memref<!tpu.dma_semaphore, #tpu.memory_space<semaphore_mem>>) src(%dma_wait3A_1062 : memref<128x128xf32, #tpu.memory_space<vmem>>) dst(%dma_wait3A_1068 : memref<5120x128xf32, #tpu.memory_space<vmem_shared>>)
    %add3A_1069 = arith.constant 6400 : i32
    %add3A_1070 = arith.addi %mul3A_2, %add3A_1069 : i32
    "tpu.region"() ({
      %run_scoped3A = tpu.sem_alloc : memref<!tpu.dma_semaphore, #tpu.memory_space<semaphore_mem>>
      %dma_start3A_1704 = arith.constant 0 : i32
      %dma_start3A_1705 = tpu.memref_slice %arg2[%add3A_1070, %dma_start3A_1704] : memref<163840x128xf32, #tpu.memory_space<hbm>> -> memref<256x128xf32, #tpu.memory_space<hbm>>
      %dma_start3A_1706 = arith.constant 0 : i32
      %dma_start3A_1707 = tpu.memref_slice %arg2[%add3A_1070, %dma_start3A_1706] : memref<163840x128xf32, #tpu.memory_space<hbm>> -> memref<256x128xf32, #tpu.memory_space<hbm>>
      tpu.enqueue_dma source(%dma_start3A_1707 : memref<256x128xf32, #tpu.memory_space<hbm>>) target(%arg6 : memref<256x128xf32, #tpu.memory_space<vmem>>) target_semaphore(%run_scoped3A : memref<!tpu.dma_semaphore, #tpu.memory_space<semaphore_mem>>)
      %dma_wait3A_1708 = arith.constant 0 : i32
      %dma_wait3A_1709 = tpu.memref_slice %arg2[%add3A_1070, %dma_wait3A_1708] : memref<163840x128xf32, #tpu.memory_space<hbm>> -> memref<256x128xf32, #tpu.memory_space<hbm>>
      %dma_wait3A_1710 = arith.constant 0 : i32
      %dma_wait3A_1711 = tpu.memref_slice %arg2[%add3A_1070, %dma_wait3A_1710] : memref<163840x128xf32, #tpu.memory_space<hbm>> -> memref<256x128xf32, #tpu.memory_space<hbm>>
      tpu.wait_dma2 semaphore(%run_scoped3A : memref<!tpu.dma_semaphore, #tpu.memory_space<semaphore_mem>>) src(%dma_wait3A_1711 : memref<256x128xf32, #tpu.memory_space<hbm>>) dst(%arg6 : memref<256x128xf32, #tpu.memory_space<vmem>>)
      tpu.yield
    }) : () -> ()
    %dma_start3A_1071 = arith.constant 50 : i32
    %dma_start3A_1072 = arith.constant 0 : i32
    %dma_start3A_1073 = arith.constant 0 : i32
    %dma_start3A_1074 = tpu.memref_slice %arg6[%dma_start3A_1072, %dma_start3A_1073] : memref<256x128xf32, #tpu.memory_space<vmem>> -> memref<128x128xf32, #tpu.memory_space<vmem>>
    %dma_start3A_1075 = arith.constant 0 : i32
    %dma_start3A_1076 = tpu.memref_slice %arg5[%dma_start3A_1071, %dma_start3A_1075] : memref<80x128xi32, #tpu.memory_space<vmem>> -> memref<1x128xi32, #tpu.memory_space<vmem>>
    %dma_start3A_1077 = tpu.memref_squeeze %dma_start3A_1076 : memref<1x128xi32, #tpu.memory_space<vmem>> -> memref<128xi32, #tpu.memory_space<vmem>>
    %dma_start3A_1078 = arith.constant 0 : i32
    %dma_start3A_1079 = arith.constant 0 : i32
    %dma_start3A_1080 = tpu.memref_slice %arg7[%dma_start3A_1078, %dma_start3A_1079] : memref<5120x128xf32, #tpu.memory_space<vmem_shared>> -> memref<5120x128xf32, #tpu.memory_space<vmem_shared>>
    tpu.enqueue_indirect_dma source(%dma_start3A_1074 : memref<128x128xf32, #tpu.memory_space<vmem>>) target(%dma_start3A_1080 : memref<5120x128xf32, #tpu.memory_space<vmem_shared>>) offsets(%dma_start3A_1077 : memref<128xi32, #tpu.memory_space<vmem>>) semaphore(%arg8 : memref<!tpu.dma_semaphore, #tpu.memory_space<semaphore_mem>>) {add = true}
    %dma_start3A_1081 = arith.constant 51 : i32
    %dma_start3A_1082 = arith.constant 128 : i32
    %dma_start3A_1083 = arith.constant 0 : i32
    %dma_start3A_1084 = tpu.memref_slice %arg6[%dma_start3A_1082, %dma_start3A_1083] : memref<256x128xf32, #tpu.memory_space<vmem>> -> memref<128x128xf32, #tpu.memory_space<vmem>>
    %dma_start3A_1085 = arith.constant 0 : i32
    %dma_start3A_1086 = tpu.memref_slice %arg5[%dma_start3A_1081, %dma_start3A_1085] : memref<80x128xi32, #tpu.memory_space<vmem>> -> memref<1x128xi32, #tpu.memory_space<vmem>>
    %dma_start3A_1087 = tpu.memref_squeeze %dma_start3A_1086 : memref<1x128xi32, #tpu.memory_space<vmem>> -> memref<128xi32, #tpu.memory_space<vmem>>
    %dma_start3A_1088 = arith.constant 0 : i32
    %dma_start3A_1089 = arith.constant 0 : i32
    %dma_start3A_1090 = tpu.memref_slice %arg7[%dma_start3A_1088, %dma_start3A_1089] : memref<5120x128xf32, #tpu.memory_space<vmem_shared>> -> memref<5120x128xf32, #tpu.memory_space<vmem_shared>>
    tpu.enqueue_indirect_dma source(%dma_start3A_1084 : memref<128x128xf32, #tpu.memory_space<vmem>>) target(%dma_start3A_1090 : memref<5120x128xf32, #tpu.memory_space<vmem_shared>>) offsets(%dma_start3A_1087 : memref<128xi32, #tpu.memory_space<vmem>>) semaphore(%arg8 : memref<!tpu.dma_semaphore, #tpu.memory_space<semaphore_mem>>) {add = true}
    %dma_wait3A_1091 = arith.constant 50 : i32
    %dma_wait3A_1092 = arith.constant 0 : i32
    %dma_wait3A_1093 = arith.constant 0 : i32
    %dma_wait3A_1094 = tpu.memref_slice %arg6[%dma_wait3A_1092, %dma_wait3A_1093] : memref<256x128xf32, #tpu.memory_space<vmem>> -> memref<128x128xf32, #tpu.memory_space<vmem>>
    %dma_wait3A_1095 = arith.constant 0 : i32
    %dma_wait3A_1096 = tpu.memref_slice %arg5[%dma_wait3A_1091, %dma_wait3A_1095] : memref<80x128xi32, #tpu.memory_space<vmem>> -> memref<1x128xi32, #tpu.memory_space<vmem>>
    %dma_wait3A_1097 = tpu.memref_squeeze %dma_wait3A_1096 : memref<1x128xi32, #tpu.memory_space<vmem>> -> memref<128xi32, #tpu.memory_space<vmem>>
    %dma_wait3A_1098 = arith.constant 0 : i32
    %dma_wait3A_1099 = arith.constant 0 : i32
    %dma_wait3A_1100 = tpu.memref_slice %arg7[%dma_wait3A_1098, %dma_wait3A_1099] : memref<5120x128xf32, #tpu.memory_space<vmem_shared>> -> memref<5120x128xf32, #tpu.memory_space<vmem_shared>>
    tpu.wait_indirect_dma semaphore(%arg8 : memref<!tpu.dma_semaphore, #tpu.memory_space<semaphore_mem>>) src(%dma_wait3A_1094 : memref<128x128xf32, #tpu.memory_space<vmem>>) dst(%dma_wait3A_1100 : memref<5120x128xf32, #tpu.memory_space<vmem_shared>>)
    %dma_wait3A_1101 = arith.constant 51 : i32
    %dma_wait3A_1102 = arith.constant 128 : i32
    %dma_wait3A_1103 = arith.constant 0 : i32
    %dma_wait3A_1104 = tpu.memref_slice %arg6[%dma_wait3A_1102, %dma_wait3A_1103] : memref<256x128xf32, #tpu.memory_space<vmem>> -> memref<128x128xf32, #tpu.memory_space<vmem>>
    %dma_wait3A_1105 = arith.constant 0 : i32
    %dma_wait3A_1106 = tpu.memref_slice %arg5[%dma_wait3A_1101, %dma_wait3A_1105] : memref<80x128xi32, #tpu.memory_space<vmem>> -> memref<1x128xi32, #tpu.memory_space<vmem>>
    %dma_wait3A_1107 = tpu.memref_squeeze %dma_wait3A_1106 : memref<1x128xi32, #tpu.memory_space<vmem>> -> memref<128xi32, #tpu.memory_space<vmem>>
    %dma_wait3A_1108 = arith.constant 0 : i32
    %dma_wait3A_1109 = arith.constant 0 : i32
    %dma_wait3A_1110 = tpu.memref_slice %arg7[%dma_wait3A_1108, %dma_wait3A_1109] : memref<5120x128xf32, #tpu.memory_space<vmem_shared>> -> memref<5120x128xf32, #tpu.memory_space<vmem_shared>>
    tpu.wait_indirect_dma semaphore(%arg8 : memref<!tpu.dma_semaphore, #tpu.memory_space<semaphore_mem>>) src(%dma_wait3A_1104 : memref<128x128xf32, #tpu.memory_space<vmem>>) dst(%dma_wait3A_1110 : memref<5120x128xf32, #tpu.memory_space<vmem_shared>>)
    %add3A_1111 = arith.constant 6656 : i32
    %add3A_1112 = arith.addi %mul3A_2, %add3A_1111 : i32
    "tpu.region"() ({
      %run_scoped3A = tpu.sem_alloc : memref<!tpu.dma_semaphore, #tpu.memory_space<semaphore_mem>>
      %dma_start3A_1704 = arith.constant 0 : i32
      %dma_start3A_1705 = tpu.memref_slice %arg2[%add3A_1112, %dma_start3A_1704] : memref<163840x128xf32, #tpu.memory_space<hbm>> -> memref<256x128xf32, #tpu.memory_space<hbm>>
      %dma_start3A_1706 = arith.constant 0 : i32
      %dma_start3A_1707 = tpu.memref_slice %arg2[%add3A_1112, %dma_start3A_1706] : memref<163840x128xf32, #tpu.memory_space<hbm>> -> memref<256x128xf32, #tpu.memory_space<hbm>>
      tpu.enqueue_dma source(%dma_start3A_1707 : memref<256x128xf32, #tpu.memory_space<hbm>>) target(%arg6 : memref<256x128xf32, #tpu.memory_space<vmem>>) target_semaphore(%run_scoped3A : memref<!tpu.dma_semaphore, #tpu.memory_space<semaphore_mem>>)
      %dma_wait3A_1708 = arith.constant 0 : i32
      %dma_wait3A_1709 = tpu.memref_slice %arg2[%add3A_1112, %dma_wait3A_1708] : memref<163840x128xf32, #tpu.memory_space<hbm>> -> memref<256x128xf32, #tpu.memory_space<hbm>>
      %dma_wait3A_1710 = arith.constant 0 : i32
      %dma_wait3A_1711 = tpu.memref_slice %arg2[%add3A_1112, %dma_wait3A_1710] : memref<163840x128xf32, #tpu.memory_space<hbm>> -> memref<256x128xf32, #tpu.memory_space<hbm>>
      tpu.wait_dma2 semaphore(%run_scoped3A : memref<!tpu.dma_semaphore, #tpu.memory_space<semaphore_mem>>) src(%dma_wait3A_1711 : memref<256x128xf32, #tpu.memory_space<hbm>>) dst(%arg6 : memref<256x128xf32, #tpu.memory_space<vmem>>)
      tpu.yield
    }) : () -> ()
    %dma_start3A_1113 = arith.constant 52 : i32
    %dma_start3A_1114 = arith.constant 0 : i32
    %dma_start3A_1115 = arith.constant 0 : i32
    %dma_start3A_1116 = tpu.memref_slice %arg6[%dma_start3A_1114, %dma_start3A_1115] : memref<256x128xf32, #tpu.memory_space<vmem>> -> memref<128x128xf32, #tpu.memory_space<vmem>>
    %dma_start3A_1117 = arith.constant 0 : i32
    %dma_start3A_1118 = tpu.memref_slice %arg5[%dma_start3A_1113, %dma_start3A_1117] : memref<80x128xi32, #tpu.memory_space<vmem>> -> memref<1x128xi32, #tpu.memory_space<vmem>>
    %dma_start3A_1119 = tpu.memref_squeeze %dma_start3A_1118 : memref<1x128xi32, #tpu.memory_space<vmem>> -> memref<128xi32, #tpu.memory_space<vmem>>
    %dma_start3A_1120 = arith.constant 0 : i32
    %dma_start3A_1121 = arith.constant 0 : i32
    %dma_start3A_1122 = tpu.memref_slice %arg7[%dma_start3A_1120, %dma_start3A_1121] : memref<5120x128xf32, #tpu.memory_space<vmem_shared>> -> memref<5120x128xf32, #tpu.memory_space<vmem_shared>>
    tpu.enqueue_indirect_dma source(%dma_start3A_1116 : memref<128x128xf32, #tpu.memory_space<vmem>>) target(%dma_start3A_1122 : memref<5120x128xf32, #tpu.memory_space<vmem_shared>>) offsets(%dma_start3A_1119 : memref<128xi32, #tpu.memory_space<vmem>>) semaphore(%arg8 : memref<!tpu.dma_semaphore, #tpu.memory_space<semaphore_mem>>) {add = true}
    %dma_start3A_1123 = arith.constant 53 : i32
    %dma_start3A_1124 = arith.constant 128 : i32
    %dma_start3A_1125 = arith.constant 0 : i32
    %dma_start3A_1126 = tpu.memref_slice %arg6[%dma_start3A_1124, %dma_start3A_1125] : memref<256x128xf32, #tpu.memory_space<vmem>> -> memref<128x128xf32, #tpu.memory_space<vmem>>
    %dma_start3A_1127 = arith.constant 0 : i32
    %dma_start3A_1128 = tpu.memref_slice %arg5[%dma_start3A_1123, %dma_start3A_1127] : memref<80x128xi32, #tpu.memory_space<vmem>> -> memref<1x128xi32, #tpu.memory_space<vmem>>
    %dma_start3A_1129 = tpu.memref_squeeze %dma_start3A_1128 : memref<1x128xi32, #tpu.memory_space<vmem>> -> memref<128xi32, #tpu.memory_space<vmem>>
    %dma_start3A_1130 = arith.constant 0 : i32
    %dma_start3A_1131 = arith.constant 0 : i32
    %dma_start3A_1132 = tpu.memref_slice %arg7[%dma_start3A_1130, %dma_start3A_1131] : memref<5120x128xf32, #tpu.memory_space<vmem_shared>> -> memref<5120x128xf32, #tpu.memory_space<vmem_shared>>
    tpu.enqueue_indirect_dma source(%dma_start3A_1126 : memref<128x128xf32, #tpu.memory_space<vmem>>) target(%dma_start3A_1132 : memref<5120x128xf32, #tpu.memory_space<vmem_shared>>) offsets(%dma_start3A_1129 : memref<128xi32, #tpu.memory_space<vmem>>) semaphore(%arg8 : memref<!tpu.dma_semaphore, #tpu.memory_space<semaphore_mem>>) {add = true}
    %dma_wait3A_1133 = arith.constant 52 : i32
    %dma_wait3A_1134 = arith.constant 0 : i32
    %dma_wait3A_1135 = arith.constant 0 : i32
    %dma_wait3A_1136 = tpu.memref_slice %arg6[%dma_wait3A_1134, %dma_wait3A_1135] : memref<256x128xf32, #tpu.memory_space<vmem>> -> memref<128x128xf32, #tpu.memory_space<vmem>>
    %dma_wait3A_1137 = arith.constant 0 : i32
    %dma_wait3A_1138 = tpu.memref_slice %arg5[%dma_wait3A_1133, %dma_wait3A_1137] : memref<80x128xi32, #tpu.memory_space<vmem>> -> memref<1x128xi32, #tpu.memory_space<vmem>>
    %dma_wait3A_1139 = tpu.memref_squeeze %dma_wait3A_1138 : memref<1x128xi32, #tpu.memory_space<vmem>> -> memref<128xi32, #tpu.memory_space<vmem>>
    %dma_wait3A_1140 = arith.constant 0 : i32
    %dma_wait3A_1141 = arith.constant 0 : i32
    %dma_wait3A_1142 = tpu.memref_slice %arg7[%dma_wait3A_1140, %dma_wait3A_1141] : memref<5120x128xf32, #tpu.memory_space<vmem_shared>> -> memref<5120x128xf32, #tpu.memory_space<vmem_shared>>
    tpu.wait_indirect_dma semaphore(%arg8 : memref<!tpu.dma_semaphore, #tpu.memory_space<semaphore_mem>>) src(%dma_wait3A_1136 : memref<128x128xf32, #tpu.memory_space<vmem>>) dst(%dma_wait3A_1142 : memref<5120x128xf32, #tpu.memory_space<vmem_shared>>)
    %dma_wait3A_1143 = arith.constant 53 : i32
    %dma_wait3A_1144 = arith.constant 128 : i32
    %dma_wait3A_1145 = arith.constant 0 : i32
    %dma_wait3A_1146 = tpu.memref_slice %arg6[%dma_wait3A_1144, %dma_wait3A_1145] : memref<256x128xf32, #tpu.memory_space<vmem>> -> memref<128x128xf32, #tpu.memory_space<vmem>>
    %dma_wait3A_1147 = arith.constant 0 : i32
    %dma_wait3A_1148 = tpu.memref_slice %arg5[%dma_wait3A_1143, %dma_wait3A_1147] : memref<80x128xi32, #tpu.memory_space<vmem>> -> memref<1x128xi32, #tpu.memory_space<vmem>>
    %dma_wait3A_1149 = tpu.memref_squeeze %dma_wait3A_1148 : memref<1x128xi32, #tpu.memory_space<vmem>> -> memref<128xi32, #tpu.memory_space<vmem>>
    %dma_wait3A_1150 = arith.constant 0 : i32
    %dma_wait3A_1151 = arith.constant 0 : i32
    %dma_wait3A_1152 = tpu.memref_slice %arg7[%dma_wait3A_1150, %dma_wait3A_1151] : memref<5120x128xf32, #tpu.memory_space<vmem_shared>> -> memref<5120x128xf32, #tpu.memory_space<vmem_shared>>
    tpu.wait_indirect_dma semaphore(%arg8 : memref<!tpu.dma_semaphore, #tpu.memory_space<semaphore_mem>>) src(%dma_wait3A_1146 : memref<128x128xf32, #tpu.memory_space<vmem>>) dst(%dma_wait3A_1152 : memref<5120x128xf32, #tpu.memory_space<vmem_shared>>)
    %add3A_1153 = arith.constant 6912 : i32
    %add3A_1154 = arith.addi %mul3A_2, %add3A_1153 : i32
    "tpu.region"() ({
      %run_scoped3A = tpu.sem_alloc : memref<!tpu.dma_semaphore, #tpu.memory_space<semaphore_mem>>
      %dma_start3A_1704 = arith.constant 0 : i32
      %dma_start3A_1705 = tpu.memref_slice %arg2[%add3A_1154, %dma_start3A_1704] : memref<163840x128xf32, #tpu.memory_space<hbm>> -> memref<256x128xf32, #tpu.memory_space<hbm>>
      %dma_start3A_1706 = arith.constant 0 : i32
      %dma_start3A_1707 = tpu.memref_slice %arg2[%add3A_1154, %dma_start3A_1706] : memref<163840x128xf32, #tpu.memory_space<hbm>> -> memref<256x128xf32, #tpu.memory_space<hbm>>
      tpu.enqueue_dma source(%dma_start3A_1707 : memref<256x128xf32, #tpu.memory_space<hbm>>) target(%arg6 : memref<256x128xf32, #tpu.memory_space<vmem>>) target_semaphore(%run_scoped3A : memref<!tpu.dma_semaphore, #tpu.memory_space<semaphore_mem>>)
      %dma_wait3A_1708 = arith.constant 0 : i32
      %dma_wait3A_1709 = tpu.memref_slice %arg2[%add3A_1154, %dma_wait3A_1708] : memref<163840x128xf32, #tpu.memory_space<hbm>> -> memref<256x128xf32, #tpu.memory_space<hbm>>
      %dma_wait3A_1710 = arith.constant 0 : i32
      %dma_wait3A_1711 = tpu.memref_slice %arg2[%add3A_1154, %dma_wait3A_1710] : memref<163840x128xf32, #tpu.memory_space<hbm>> -> memref<256x128xf32, #tpu.memory_space<hbm>>
      tpu.wait_dma2 semaphore(%run_scoped3A : memref<!tpu.dma_semaphore, #tpu.memory_space<semaphore_mem>>) src(%dma_wait3A_1711 : memref<256x128xf32, #tpu.memory_space<hbm>>) dst(%arg6 : memref<256x128xf32, #tpu.memory_space<vmem>>)
      tpu.yield
    }) : () -> ()
    %dma_start3A_1155 = arith.constant 54 : i32
    %dma_start3A_1156 = arith.constant 0 : i32
    %dma_start3A_1157 = arith.constant 0 : i32
    %dma_start3A_1158 = tpu.memref_slice %arg6[%dma_start3A_1156, %dma_start3A_1157] : memref<256x128xf32, #tpu.memory_space<vmem>> -> memref<128x128xf32, #tpu.memory_space<vmem>>
    %dma_start3A_1159 = arith.constant 0 : i32
    %dma_start3A_1160 = tpu.memref_slice %arg5[%dma_start3A_1155, %dma_start3A_1159] : memref<80x128xi32, #tpu.memory_space<vmem>> -> memref<1x128xi32, #tpu.memory_space<vmem>>
    %dma_start3A_1161 = tpu.memref_squeeze %dma_start3A_1160 : memref<1x128xi32, #tpu.memory_space<vmem>> -> memref<128xi32, #tpu.memory_space<vmem>>
    %dma_start3A_1162 = arith.constant 0 : i32
    %dma_start3A_1163 = arith.constant 0 : i32
    %dma_start3A_1164 = tpu.memref_slice %arg7[%dma_start3A_1162, %dma_start3A_1163] : memref<5120x128xf32, #tpu.memory_space<vmem_shared>> -> memref<5120x128xf32, #tpu.memory_space<vmem_shared>>
    tpu.enqueue_indirect_dma source(%dma_start3A_1158 : memref<128x128xf32, #tpu.memory_space<vmem>>) target(%dma_start3A_1164 : memref<5120x128xf32, #tpu.memory_space<vmem_shared>>) offsets(%dma_start3A_1161 : memref<128xi32, #tpu.memory_space<vmem>>) semaphore(%arg8 : memref<!tpu.dma_semaphore, #tpu.memory_space<semaphore_mem>>) {add = true}
    %dma_start3A_1165 = arith.constant 55 : i32
    %dma_start3A_1166 = arith.constant 128 : i32
    %dma_start3A_1167 = arith.constant 0 : i32
    %dma_start3A_1168 = tpu.memref_slice %arg6[%dma_start3A_1166, %dma_start3A_1167] : memref<256x128xf32, #tpu.memory_space<vmem>> -> memref<128x128xf32, #tpu.memory_space<vmem>>
    %dma_start3A_1169 = arith.constant 0 : i32
    %dma_start3A_1170 = tpu.memref_slice %arg5[%dma_start3A_1165, %dma_start3A_1169] : memref<80x128xi32, #tpu.memory_space<vmem>> -> memref<1x128xi32, #tpu.memory_space<vmem>>
    %dma_start3A_1171 = tpu.memref_squeeze %dma_start3A_1170 : memref<1x128xi32, #tpu.memory_space<vmem>> -> memref<128xi32, #tpu.memory_space<vmem>>
    %dma_start3A_1172 = arith.constant 0 : i32
    %dma_start3A_1173 = arith.constant 0 : i32
    %dma_start3A_1174 = tpu.memref_slice %arg7[%dma_start3A_1172, %dma_start3A_1173] : memref<5120x128xf32, #tpu.memory_space<vmem_shared>> -> memref<5120x128xf32, #tpu.memory_space<vmem_shared>>
    tpu.enqueue_indirect_dma source(%dma_start3A_1168 : memref<128x128xf32, #tpu.memory_space<vmem>>) target(%dma_start3A_1174 : memref<5120x128xf32, #tpu.memory_space<vmem_shared>>) offsets(%dma_start3A_1171 : memref<128xi32, #tpu.memory_space<vmem>>) semaphore(%arg8 : memref<!tpu.dma_semaphore, #tpu.memory_space<semaphore_mem>>) {add = true}
    %dma_wait3A_1175 = arith.constant 54 : i32
    %dma_wait3A_1176 = arith.constant 0 : i32
    %dma_wait3A_1177 = arith.constant 0 : i32
    %dma_wait3A_1178 = tpu.memref_slice %arg6[%dma_wait3A_1176, %dma_wait3A_1177] : memref<256x128xf32, #tpu.memory_space<vmem>> -> memref<128x128xf32, #tpu.memory_space<vmem>>
    %dma_wait3A_1179 = arith.constant 0 : i32
    %dma_wait3A_1180 = tpu.memref_slice %arg5[%dma_wait3A_1175, %dma_wait3A_1179] : memref<80x128xi32, #tpu.memory_space<vmem>> -> memref<1x128xi32, #tpu.memory_space<vmem>>
    %dma_wait3A_1181 = tpu.memref_squeeze %dma_wait3A_1180 : memref<1x128xi32, #tpu.memory_space<vmem>> -> memref<128xi32, #tpu.memory_space<vmem>>
    %dma_wait3A_1182 = arith.constant 0 : i32
    %dma_wait3A_1183 = arith.constant 0 : i32
    %dma_wait3A_1184 = tpu.memref_slice %arg7[%dma_wait3A_1182, %dma_wait3A_1183] : memref<5120x128xf32, #tpu.memory_space<vmem_shared>> -> memref<5120x128xf32, #tpu.memory_space<vmem_shared>>
    tpu.wait_indirect_dma semaphore(%arg8 : memref<!tpu.dma_semaphore, #tpu.memory_space<semaphore_mem>>) src(%dma_wait3A_1178 : memref<128x128xf32, #tpu.memory_space<vmem>>) dst(%dma_wait3A_1184 : memref<5120x128xf32, #tpu.memory_space<vmem_shared>>)
    %dma_wait3A_1185 = arith.constant 55 : i32
    %dma_wait3A_1186 = arith.constant 128 : i32
    %dma_wait3A_1187 = arith.constant 0 : i32
    %dma_wait3A_1188 = tpu.memref_slice %arg6[%dma_wait3A_1186, %dma_wait3A_1187] : memref<256x128xf32, #tpu.memory_space<vmem>> -> memref<128x128xf32, #tpu.memory_space<vmem>>
    %dma_wait3A_1189 = arith.constant 0 : i32
    %dma_wait3A_1190 = tpu.memref_slice %arg5[%dma_wait3A_1185, %dma_wait3A_1189] : memref<80x128xi32, #tpu.memory_space<vmem>> -> memref<1x128xi32, #tpu.memory_space<vmem>>
    %dma_wait3A_1191 = tpu.memref_squeeze %dma_wait3A_1190 : memref<1x128xi32, #tpu.memory_space<vmem>> -> memref<128xi32, #tpu.memory_space<vmem>>
    %dma_wait3A_1192 = arith.constant 0 : i32
    %dma_wait3A_1193 = arith.constant 0 : i32
    %dma_wait3A_1194 = tpu.memref_slice %arg7[%dma_wait3A_1192, %dma_wait3A_1193] : memref<5120x128xf32, #tpu.memory_space<vmem_shared>> -> memref<5120x128xf32, #tpu.memory_space<vmem_shared>>
    tpu.wait_indirect_dma semaphore(%arg8 : memref<!tpu.dma_semaphore, #tpu.memory_space<semaphore_mem>>) src(%dma_wait3A_1188 : memref<128x128xf32, #tpu.memory_space<vmem>>) dst(%dma_wait3A_1194 : memref<5120x128xf32, #tpu.memory_space<vmem_shared>>)
    %add3A_1195 = arith.constant 7168 : i32
    %add3A_1196 = arith.addi %mul3A_2, %add3A_1195 : i32
    "tpu.region"() ({
      %run_scoped3A = tpu.sem_alloc : memref<!tpu.dma_semaphore, #tpu.memory_space<semaphore_mem>>
      %dma_start3A_1704 = arith.constant 0 : i32
      %dma_start3A_1705 = tpu.memref_slice %arg2[%add3A_1196, %dma_start3A_1704] : memref<163840x128xf32, #tpu.memory_space<hbm>> -> memref<256x128xf32, #tpu.memory_space<hbm>>
      %dma_start3A_1706 = arith.constant 0 : i32
      %dma_start3A_1707 = tpu.memref_slice %arg2[%add3A_1196, %dma_start3A_1706] : memref<163840x128xf32, #tpu.memory_space<hbm>> -> memref<256x128xf32, #tpu.memory_space<hbm>>
      tpu.enqueue_dma source(%dma_start3A_1707 : memref<256x128xf32, #tpu.memory_space<hbm>>) target(%arg6 : memref<256x128xf32, #tpu.memory_space<vmem>>) target_semaphore(%run_scoped3A : memref<!tpu.dma_semaphore, #tpu.memory_space<semaphore_mem>>)
      %dma_wait3A_1708 = arith.constant 0 : i32
      %dma_wait3A_1709 = tpu.memref_slice %arg2[%add3A_1196, %dma_wait3A_1708] : memref<163840x128xf32, #tpu.memory_space<hbm>> -> memref<256x128xf32, #tpu.memory_space<hbm>>
      %dma_wait3A_1710 = arith.constant 0 : i32
      %dma_wait3A_1711 = tpu.memref_slice %arg2[%add3A_1196, %dma_wait3A_1710] : memref<163840x128xf32, #tpu.memory_space<hbm>> -> memref<256x128xf32, #tpu.memory_space<hbm>>
      tpu.wait_dma2 semaphore(%run_scoped3A : memref<!tpu.dma_semaphore, #tpu.memory_space<semaphore_mem>>) src(%dma_wait3A_1711 : memref<256x128xf32, #tpu.memory_space<hbm>>) dst(%arg6 : memref<256x128xf32, #tpu.memory_space<vmem>>)
      tpu.yield
    }) : () -> ()
    %dma_start3A_1197 = arith.constant 56 : i32
    %dma_start3A_1198 = arith.constant 0 : i32
    %dma_start3A_1199 = arith.constant 0 : i32
    %dma_start3A_1200 = tpu.memref_slice %arg6[%dma_start3A_1198, %dma_start3A_1199] : memref<256x128xf32, #tpu.memory_space<vmem>> -> memref<128x128xf32, #tpu.memory_space<vmem>>
    %dma_start3A_1201 = arith.constant 0 : i32
    %dma_start3A_1202 = tpu.memref_slice %arg5[%dma_start3A_1197, %dma_start3A_1201] : memref<80x128xi32, #tpu.memory_space<vmem>> -> memref<1x128xi32, #tpu.memory_space<vmem>>
    %dma_start3A_1203 = tpu.memref_squeeze %dma_start3A_1202 : memref<1x128xi32, #tpu.memory_space<vmem>> -> memref<128xi32, #tpu.memory_space<vmem>>
    %dma_start3A_1204 = arith.constant 0 : i32
    %dma_start3A_1205 = arith.constant 0 : i32
    %dma_start3A_1206 = tpu.memref_slice %arg7[%dma_start3A_1204, %dma_start3A_1205] : memref<5120x128xf32, #tpu.memory_space<vmem_shared>> -> memref<5120x128xf32, #tpu.memory_space<vmem_shared>>
    tpu.enqueue_indirect_dma source(%dma_start3A_1200 : memref<128x128xf32, #tpu.memory_space<vmem>>) target(%dma_start3A_1206 : memref<5120x128xf32, #tpu.memory_space<vmem_shared>>) offsets(%dma_start3A_1203 : memref<128xi32, #tpu.memory_space<vmem>>) semaphore(%arg8 : memref<!tpu.dma_semaphore, #tpu.memory_space<semaphore_mem>>) {add = true}
    %dma_start3A_1207 = arith.constant 57 : i32
    %dma_start3A_1208 = arith.constant 128 : i32
    %dma_start3A_1209 = arith.constant 0 : i32
    %dma_start3A_1210 = tpu.memref_slice %arg6[%dma_start3A_1208, %dma_start3A_1209] : memref<256x128xf32, #tpu.memory_space<vmem>> -> memref<128x128xf32, #tpu.memory_space<vmem>>
    %dma_start3A_1211 = arith.constant 0 : i32
    %dma_start3A_1212 = tpu.memref_slice %arg5[%dma_start3A_1207, %dma_start3A_1211] : memref<80x128xi32, #tpu.memory_space<vmem>> -> memref<1x128xi32, #tpu.memory_space<vmem>>
    %dma_start3A_1213 = tpu.memref_squeeze %dma_start3A_1212 : memref<1x128xi32, #tpu.memory_space<vmem>> -> memref<128xi32, #tpu.memory_space<vmem>>
    %dma_start3A_1214 = arith.constant 0 : i32
    %dma_start3A_1215 = arith.constant 0 : i32
    %dma_start3A_1216 = tpu.memref_slice %arg7[%dma_start3A_1214, %dma_start3A_1215] : memref<5120x128xf32, #tpu.memory_space<vmem_shared>> -> memref<5120x128xf32, #tpu.memory_space<vmem_shared>>
    tpu.enqueue_indirect_dma source(%dma_start3A_1210 : memref<128x128xf32, #tpu.memory_space<vmem>>) target(%dma_start3A_1216 : memref<5120x128xf32, #tpu.memory_space<vmem_shared>>) offsets(%dma_start3A_1213 : memref<128xi32, #tpu.memory_space<vmem>>) semaphore(%arg8 : memref<!tpu.dma_semaphore, #tpu.memory_space<semaphore_mem>>) {add = true}
    %dma_wait3A_1217 = arith.constant 56 : i32
    %dma_wait3A_1218 = arith.constant 0 : i32
    %dma_wait3A_1219 = arith.constant 0 : i32
    %dma_wait3A_1220 = tpu.memref_slice %arg6[%dma_wait3A_1218, %dma_wait3A_1219] : memref<256x128xf32, #tpu.memory_space<vmem>> -> memref<128x128xf32, #tpu.memory_space<vmem>>
    %dma_wait3A_1221 = arith.constant 0 : i32
    %dma_wait3A_1222 = tpu.memref_slice %arg5[%dma_wait3A_1217, %dma_wait3A_1221] : memref<80x128xi32, #tpu.memory_space<vmem>> -> memref<1x128xi32, #tpu.memory_space<vmem>>
    %dma_wait3A_1223 = tpu.memref_squeeze %dma_wait3A_1222 : memref<1x128xi32, #tpu.memory_space<vmem>> -> memref<128xi32, #tpu.memory_space<vmem>>
    %dma_wait3A_1224 = arith.constant 0 : i32
    %dma_wait3A_1225 = arith.constant 0 : i32
    %dma_wait3A_1226 = tpu.memref_slice %arg7[%dma_wait3A_1224, %dma_wait3A_1225] : memref<5120x128xf32, #tpu.memory_space<vmem_shared>> -> memref<5120x128xf32, #tpu.memory_space<vmem_shared>>
    tpu.wait_indirect_dma semaphore(%arg8 : memref<!tpu.dma_semaphore, #tpu.memory_space<semaphore_mem>>) src(%dma_wait3A_1220 : memref<128x128xf32, #tpu.memory_space<vmem>>) dst(%dma_wait3A_1226 : memref<5120x128xf32, #tpu.memory_space<vmem_shared>>)
    %dma_wait3A_1227 = arith.constant 57 : i32
    %dma_wait3A_1228 = arith.constant 128 : i32
    %dma_wait3A_1229 = arith.constant 0 : i32
    %dma_wait3A_1230 = tpu.memref_slice %arg6[%dma_wait3A_1228, %dma_wait3A_1229] : memref<256x128xf32, #tpu.memory_space<vmem>> -> memref<128x128xf32, #tpu.memory_space<vmem>>
    %dma_wait3A_1231 = arith.constant 0 : i32
    %dma_wait3A_1232 = tpu.memref_slice %arg5[%dma_wait3A_1227, %dma_wait3A_1231] : memref<80x128xi32, #tpu.memory_space<vmem>> -> memref<1x128xi32, #tpu.memory_space<vmem>>
    %dma_wait3A_1233 = tpu.memref_squeeze %dma_wait3A_1232 : memref<1x128xi32, #tpu.memory_space<vmem>> -> memref<128xi32, #tpu.memory_space<vmem>>
    %dma_wait3A_1234 = arith.constant 0 : i32
    %dma_wait3A_1235 = arith.constant 0 : i32
    %dma_wait3A_1236 = tpu.memref_slice %arg7[%dma_wait3A_1234, %dma_wait3A_1235] : memref<5120x128xf32, #tpu.memory_space<vmem_shared>> -> memref<5120x128xf32, #tpu.memory_space<vmem_shared>>
    tpu.wait_indirect_dma semaphore(%arg8 : memref<!tpu.dma_semaphore, #tpu.memory_space<semaphore_mem>>) src(%dma_wait3A_1230 : memref<128x128xf32, #tpu.memory_space<vmem>>) dst(%dma_wait3A_1236 : memref<5120x128xf32, #tpu.memory_space<vmem_shared>>)
    %add3A_1237 = arith.constant 7424 : i32
    %add3A_1238 = arith.addi %mul3A_2, %add3A_1237 : i32
    "tpu.region"() ({
      %run_scoped3A = tpu.sem_alloc : memref<!tpu.dma_semaphore, #tpu.memory_space<semaphore_mem>>
      %dma_start3A_1704 = arith.constant 0 : i32
      %dma_start3A_1705 = tpu.memref_slice %arg2[%add3A_1238, %dma_start3A_1704] : memref<163840x128xf32, #tpu.memory_space<hbm>> -> memref<256x128xf32, #tpu.memory_space<hbm>>
      %dma_start3A_1706 = arith.constant 0 : i32
      %dma_start3A_1707 = tpu.memref_slice %arg2[%add3A_1238, %dma_start3A_1706] : memref<163840x128xf32, #tpu.memory_space<hbm>> -> memref<256x128xf32, #tpu.memory_space<hbm>>
      tpu.enqueue_dma source(%dma_start3A_1707 : memref<256x128xf32, #tpu.memory_space<hbm>>) target(%arg6 : memref<256x128xf32, #tpu.memory_space<vmem>>) target_semaphore(%run_scoped3A : memref<!tpu.dma_semaphore, #tpu.memory_space<semaphore_mem>>)
      %dma_wait3A_1708 = arith.constant 0 : i32
      %dma_wait3A_1709 = tpu.memref_slice %arg2[%add3A_1238, %dma_wait3A_1708] : memref<163840x128xf32, #tpu.memory_space<hbm>> -> memref<256x128xf32, #tpu.memory_space<hbm>>
      %dma_wait3A_1710 = arith.constant 0 : i32
      %dma_wait3A_1711 = tpu.memref_slice %arg2[%add3A_1238, %dma_wait3A_1710] : memref<163840x128xf32, #tpu.memory_space<hbm>> -> memref<256x128xf32, #tpu.memory_space<hbm>>
      tpu.wait_dma2 semaphore(%run_scoped3A : memref<!tpu.dma_semaphore, #tpu.memory_space<semaphore_mem>>) src(%dma_wait3A_1711 : memref<256x128xf32, #tpu.memory_space<hbm>>) dst(%arg6 : memref<256x128xf32, #tpu.memory_space<vmem>>)
      tpu.yield
    }) : () -> ()
    %dma_start3A_1239 = arith.constant 58 : i32
    %dma_start3A_1240 = arith.constant 0 : i32
    %dma_start3A_1241 = arith.constant 0 : i32
    %dma_start3A_1242 = tpu.memref_slice %arg6[%dma_start3A_1240, %dma_start3A_1241] : memref<256x128xf32, #tpu.memory_space<vmem>> -> memref<128x128xf32, #tpu.memory_space<vmem>>
    %dma_start3A_1243 = arith.constant 0 : i32
    %dma_start3A_1244 = tpu.memref_slice %arg5[%dma_start3A_1239, %dma_start3A_1243] : memref<80x128xi32, #tpu.memory_space<vmem>> -> memref<1x128xi32, #tpu.memory_space<vmem>>
    %dma_start3A_1245 = tpu.memref_squeeze %dma_start3A_1244 : memref<1x128xi32, #tpu.memory_space<vmem>> -> memref<128xi32, #tpu.memory_space<vmem>>
    %dma_start3A_1246 = arith.constant 0 : i32
    %dma_start3A_1247 = arith.constant 0 : i32
    %dma_start3A_1248 = tpu.memref_slice %arg7[%dma_start3A_1246, %dma_start3A_1247] : memref<5120x128xf32, #tpu.memory_space<vmem_shared>> -> memref<5120x128xf32, #tpu.memory_space<vmem_shared>>
    tpu.enqueue_indirect_dma source(%dma_start3A_1242 : memref<128x128xf32, #tpu.memory_space<vmem>>) target(%dma_start3A_1248 : memref<5120x128xf32, #tpu.memory_space<vmem_shared>>) offsets(%dma_start3A_1245 : memref<128xi32, #tpu.memory_space<vmem>>) semaphore(%arg8 : memref<!tpu.dma_semaphore, #tpu.memory_space<semaphore_mem>>) {add = true}
    %dma_start3A_1249 = arith.constant 59 : i32
    %dma_start3A_1250 = arith.constant 128 : i32
    %dma_start3A_1251 = arith.constant 0 : i32
    %dma_start3A_1252 = tpu.memref_slice %arg6[%dma_start3A_1250, %dma_start3A_1251] : memref<256x128xf32, #tpu.memory_space<vmem>> -> memref<128x128xf32, #tpu.memory_space<vmem>>
    %dma_start3A_1253 = arith.constant 0 : i32
    %dma_start3A_1254 = tpu.memref_slice %arg5[%dma_start3A_1249, %dma_start3A_1253] : memref<80x128xi32, #tpu.memory_space<vmem>> -> memref<1x128xi32, #tpu.memory_space<vmem>>
    %dma_start3A_1255 = tpu.memref_squeeze %dma_start3A_1254 : memref<1x128xi32, #tpu.memory_space<vmem>> -> memref<128xi32, #tpu.memory_space<vmem>>
    %dma_start3A_1256 = arith.constant 0 : i32
    %dma_start3A_1257 = arith.constant 0 : i32
    %dma_start3A_1258 = tpu.memref_slice %arg7[%dma_start3A_1256, %dma_start3A_1257] : memref<5120x128xf32, #tpu.memory_space<vmem_shared>> -> memref<5120x128xf32, #tpu.memory_space<vmem_shared>>
    tpu.enqueue_indirect_dma source(%dma_start3A_1252 : memref<128x128xf32, #tpu.memory_space<vmem>>) target(%dma_start3A_1258 : memref<5120x128xf32, #tpu.memory_space<vmem_shared>>) offsets(%dma_start3A_1255 : memref<128xi32, #tpu.memory_space<vmem>>) semaphore(%arg8 : memref<!tpu.dma_semaphore, #tpu.memory_space<semaphore_mem>>) {add = true}
    %dma_wait3A_1259 = arith.constant 58 : i32
    %dma_wait3A_1260 = arith.constant 0 : i32
    %dma_wait3A_1261 = arith.constant 0 : i32
    %dma_wait3A_1262 = tpu.memref_slice %arg6[%dma_wait3A_1260, %dma_wait3A_1261] : memref<256x128xf32, #tpu.memory_space<vmem>> -> memref<128x128xf32, #tpu.memory_space<vmem>>
    %dma_wait3A_1263 = arith.constant 0 : i32
    %dma_wait3A_1264 = tpu.memref_slice %arg5[%dma_wait3A_1259, %dma_wait3A_1263] : memref<80x128xi32, #tpu.memory_space<vmem>> -> memref<1x128xi32, #tpu.memory_space<vmem>>
    %dma_wait3A_1265 = tpu.memref_squeeze %dma_wait3A_1264 : memref<1x128xi32, #tpu.memory_space<vmem>> -> memref<128xi32, #tpu.memory_space<vmem>>
    %dma_wait3A_1266 = arith.constant 0 : i32
    %dma_wait3A_1267 = arith.constant 0 : i32
    %dma_wait3A_1268 = tpu.memref_slice %arg7[%dma_wait3A_1266, %dma_wait3A_1267] : memref<5120x128xf32, #tpu.memory_space<vmem_shared>> -> memref<5120x128xf32, #tpu.memory_space<vmem_shared>>
    tpu.wait_indirect_dma semaphore(%arg8 : memref<!tpu.dma_semaphore, #tpu.memory_space<semaphore_mem>>) src(%dma_wait3A_1262 : memref<128x128xf32, #tpu.memory_space<vmem>>) dst(%dma_wait3A_1268 : memref<5120x128xf32, #tpu.memory_space<vmem_shared>>)
    %dma_wait3A_1269 = arith.constant 59 : i32
    %dma_wait3A_1270 = arith.constant 128 : i32
    %dma_wait3A_1271 = arith.constant 0 : i32
    %dma_wait3A_1272 = tpu.memref_slice %arg6[%dma_wait3A_1270, %dma_wait3A_1271] : memref<256x128xf32, #tpu.memory_space<vmem>> -> memref<128x128xf32, #tpu.memory_space<vmem>>
    %dma_wait3A_1273 = arith.constant 0 : i32
    %dma_wait3A_1274 = tpu.memref_slice %arg5[%dma_wait3A_1269, %dma_wait3A_1273] : memref<80x128xi32, #tpu.memory_space<vmem>> -> memref<1x128xi32, #tpu.memory_space<vmem>>
    %dma_wait3A_1275 = tpu.memref_squeeze %dma_wait3A_1274 : memref<1x128xi32, #tpu.memory_space<vmem>> -> memref<128xi32, #tpu.memory_space<vmem>>
    %dma_wait3A_1276 = arith.constant 0 : i32
    %dma_wait3A_1277 = arith.constant 0 : i32
    %dma_wait3A_1278 = tpu.memref_slice %arg7[%dma_wait3A_1276, %dma_wait3A_1277] : memref<5120x128xf32, #tpu.memory_space<vmem_shared>> -> memref<5120x128xf32, #tpu.memory_space<vmem_shared>>
    tpu.wait_indirect_dma semaphore(%arg8 : memref<!tpu.dma_semaphore, #tpu.memory_space<semaphore_mem>>) src(%dma_wait3A_1272 : memref<128x128xf32, #tpu.memory_space<vmem>>) dst(%dma_wait3A_1278 : memref<5120x128xf32, #tpu.memory_space<vmem_shared>>)
    %add3A_1279 = arith.constant 7680 : i32
    %add3A_1280 = arith.addi %mul3A_2, %add3A_1279 : i32
    "tpu.region"() ({
      %run_scoped3A = tpu.sem_alloc : memref<!tpu.dma_semaphore, #tpu.memory_space<semaphore_mem>>
      %dma_start3A_1704 = arith.constant 0 : i32
      %dma_start3A_1705 = tpu.memref_slice %arg2[%add3A_1280, %dma_start3A_1704] : memref<163840x128xf32, #tpu.memory_space<hbm>> -> memref<256x128xf32, #tpu.memory_space<hbm>>
      %dma_start3A_1706 = arith.constant 0 : i32
      %dma_start3A_1707 = tpu.memref_slice %arg2[%add3A_1280, %dma_start3A_1706] : memref<163840x128xf32, #tpu.memory_space<hbm>> -> memref<256x128xf32, #tpu.memory_space<hbm>>
      tpu.enqueue_dma source(%dma_start3A_1707 : memref<256x128xf32, #tpu.memory_space<hbm>>) target(%arg6 : memref<256x128xf32, #tpu.memory_space<vmem>>) target_semaphore(%run_scoped3A : memref<!tpu.dma_semaphore, #tpu.memory_space<semaphore_mem>>)
      %dma_wait3A_1708 = arith.constant 0 : i32
      %dma_wait3A_1709 = tpu.memref_slice %arg2[%add3A_1280, %dma_wait3A_1708] : memref<163840x128xf32, #tpu.memory_space<hbm>> -> memref<256x128xf32, #tpu.memory_space<hbm>>
      %dma_wait3A_1710 = arith.constant 0 : i32
      %dma_wait3A_1711 = tpu.memref_slice %arg2[%add3A_1280, %dma_wait3A_1710] : memref<163840x128xf32, #tpu.memory_space<hbm>> -> memref<256x128xf32, #tpu.memory_space<hbm>>
      tpu.wait_dma2 semaphore(%run_scoped3A : memref<!tpu.dma_semaphore, #tpu.memory_space<semaphore_mem>>) src(%dma_wait3A_1711 : memref<256x128xf32, #tpu.memory_space<hbm>>) dst(%arg6 : memref<256x128xf32, #tpu.memory_space<vmem>>)
      tpu.yield
    }) : () -> ()
    %dma_start3A_1281 = arith.constant 60 : i32
    %dma_start3A_1282 = arith.constant 0 : i32
    %dma_start3A_1283 = arith.constant 0 : i32
    %dma_start3A_1284 = tpu.memref_slice %arg6[%dma_start3A_1282, %dma_start3A_1283] : memref<256x128xf32, #tpu.memory_space<vmem>> -> memref<128x128xf32, #tpu.memory_space<vmem>>
    %dma_start3A_1285 = arith.constant 0 : i32
    %dma_start3A_1286 = tpu.memref_slice %arg5[%dma_start3A_1281, %dma_start3A_1285] : memref<80x128xi32, #tpu.memory_space<vmem>> -> memref<1x128xi32, #tpu.memory_space<vmem>>
    %dma_start3A_1287 = tpu.memref_squeeze %dma_start3A_1286 : memref<1x128xi32, #tpu.memory_space<vmem>> -> memref<128xi32, #tpu.memory_space<vmem>>
    %dma_start3A_1288 = arith.constant 0 : i32
    %dma_start3A_1289 = arith.constant 0 : i32
    %dma_start3A_1290 = tpu.memref_slice %arg7[%dma_start3A_1288, %dma_start3A_1289] : memref<5120x128xf32, #tpu.memory_space<vmem_shared>> -> memref<5120x128xf32, #tpu.memory_space<vmem_shared>>
    tpu.enqueue_indirect_dma source(%dma_start3A_1284 : memref<128x128xf32, #tpu.memory_space<vmem>>) target(%dma_start3A_1290 : memref<5120x128xf32, #tpu.memory_space<vmem_shared>>) offsets(%dma_start3A_1287 : memref<128xi32, #tpu.memory_space<vmem>>) semaphore(%arg8 : memref<!tpu.dma_semaphore, #tpu.memory_space<semaphore_mem>>) {add = true}
    %dma_start3A_1291 = arith.constant 61 : i32
    %dma_start3A_1292 = arith.constant 128 : i32
    %dma_start3A_1293 = arith.constant 0 : i32
    %dma_start3A_1294 = tpu.memref_slice %arg6[%dma_start3A_1292, %dma_start3A_1293] : memref<256x128xf32, #tpu.memory_space<vmem>> -> memref<128x128xf32, #tpu.memory_space<vmem>>
    %dma_start3A_1295 = arith.constant 0 : i32
    %dma_start3A_1296 = tpu.memref_slice %arg5[%dma_start3A_1291, %dma_start3A_1295] : memref<80x128xi32, #tpu.memory_space<vmem>> -> memref<1x128xi32, #tpu.memory_space<vmem>>
    %dma_start3A_1297 = tpu.memref_squeeze %dma_start3A_1296 : memref<1x128xi32, #tpu.memory_space<vmem>> -> memref<128xi32, #tpu.memory_space<vmem>>
    %dma_start3A_1298 = arith.constant 0 : i32
    %dma_start3A_1299 = arith.constant 0 : i32
    %dma_start3A_1300 = tpu.memref_slice %arg7[%dma_start3A_1298, %dma_start3A_1299] : memref<5120x128xf32, #tpu.memory_space<vmem_shared>> -> memref<5120x128xf32, #tpu.memory_space<vmem_shared>>
    tpu.enqueue_indirect_dma source(%dma_start3A_1294 : memref<128x128xf32, #tpu.memory_space<vmem>>) target(%dma_start3A_1300 : memref<5120x128xf32, #tpu.memory_space<vmem_shared>>) offsets(%dma_start3A_1297 : memref<128xi32, #tpu.memory_space<vmem>>) semaphore(%arg8 : memref<!tpu.dma_semaphore, #tpu.memory_space<semaphore_mem>>) {add = true}
    %dma_wait3A_1301 = arith.constant 60 : i32
    %dma_wait3A_1302 = arith.constant 0 : i32
    %dma_wait3A_1303 = arith.constant 0 : i32
    %dma_wait3A_1304 = tpu.memref_slice %arg6[%dma_wait3A_1302, %dma_wait3A_1303] : memref<256x128xf32, #tpu.memory_space<vmem>> -> memref<128x128xf32, #tpu.memory_space<vmem>>
    %dma_wait3A_1305 = arith.constant 0 : i32
    %dma_wait3A_1306 = tpu.memref_slice %arg5[%dma_wait3A_1301, %dma_wait3A_1305] : memref<80x128xi32, #tpu.memory_space<vmem>> -> memref<1x128xi32, #tpu.memory_space<vmem>>
    %dma_wait3A_1307 = tpu.memref_squeeze %dma_wait3A_1306 : memref<1x128xi32, #tpu.memory_space<vmem>> -> memref<128xi32, #tpu.memory_space<vmem>>
    %dma_wait3A_1308 = arith.constant 0 : i32
    %dma_wait3A_1309 = arith.constant 0 : i32
    %dma_wait3A_1310 = tpu.memref_slice %arg7[%dma_wait3A_1308, %dma_wait3A_1309] : memref<5120x128xf32, #tpu.memory_space<vmem_shared>> -> memref<5120x128xf32, #tpu.memory_space<vmem_shared>>
    tpu.wait_indirect_dma semaphore(%arg8 : memref<!tpu.dma_semaphore, #tpu.memory_space<semaphore_mem>>) src(%dma_wait3A_1304 : memref<128x128xf32, #tpu.memory_space<vmem>>) dst(%dma_wait3A_1310 : memref<5120x128xf32, #tpu.memory_space<vmem_shared>>)
    %dma_wait3A_1311 = arith.constant 61 : i32
    %dma_wait3A_1312 = arith.constant 128 : i32
    %dma_wait3A_1313 = arith.constant 0 : i32
    %dma_wait3A_1314 = tpu.memref_slice %arg6[%dma_wait3A_1312, %dma_wait3A_1313] : memref<256x128xf32, #tpu.memory_space<vmem>> -> memref<128x128xf32, #tpu.memory_space<vmem>>
    %dma_wait3A_1315 = arith.constant 0 : i32
    %dma_wait3A_1316 = tpu.memref_slice %arg5[%dma_wait3A_1311, %dma_wait3A_1315] : memref<80x128xi32, #tpu.memory_space<vmem>> -> memref<1x128xi32, #tpu.memory_space<vmem>>
    %dma_wait3A_1317 = tpu.memref_squeeze %dma_wait3A_1316 : memref<1x128xi32, #tpu.memory_space<vmem>> -> memref<128xi32, #tpu.memory_space<vmem>>
    %dma_wait3A_1318 = arith.constant 0 : i32
    %dma_wait3A_1319 = arith.constant 0 : i32
    %dma_wait3A_1320 = tpu.memref_slice %arg7[%dma_wait3A_1318, %dma_wait3A_1319] : memref<5120x128xf32, #tpu.memory_space<vmem_shared>> -> memref<5120x128xf32, #tpu.memory_space<vmem_shared>>
    tpu.wait_indirect_dma semaphore(%arg8 : memref<!tpu.dma_semaphore, #tpu.memory_space<semaphore_mem>>) src(%dma_wait3A_1314 : memref<128x128xf32, #tpu.memory_space<vmem>>) dst(%dma_wait3A_1320 : memref<5120x128xf32, #tpu.memory_space<vmem_shared>>)
    %add3A_1321 = arith.constant 7936 : i32
    %add3A_1322 = arith.addi %mul3A_2, %add3A_1321 : i32
    "tpu.region"() ({
      %run_scoped3A = tpu.sem_alloc : memref<!tpu.dma_semaphore, #tpu.memory_space<semaphore_mem>>
      %dma_start3A_1704 = arith.constant 0 : i32
      %dma_start3A_1705 = tpu.memref_slice %arg2[%add3A_1322, %dma_start3A_1704] : memref<163840x128xf32, #tpu.memory_space<hbm>> -> memref<256x128xf32, #tpu.memory_space<hbm>>
      %dma_start3A_1706 = arith.constant 0 : i32
      %dma_start3A_1707 = tpu.memref_slice %arg2[%add3A_1322, %dma_start3A_1706] : memref<163840x128xf32, #tpu.memory_space<hbm>> -> memref<256x128xf32, #tpu.memory_space<hbm>>
      tpu.enqueue_dma source(%dma_start3A_1707 : memref<256x128xf32, #tpu.memory_space<hbm>>) target(%arg6 : memref<256x128xf32, #tpu.memory_space<vmem>>) target_semaphore(%run_scoped3A : memref<!tpu.dma_semaphore, #tpu.memory_space<semaphore_mem>>)
      %dma_wait3A_1708 = arith.constant 0 : i32
      %dma_wait3A_1709 = tpu.memref_slice %arg2[%add3A_1322, %dma_wait3A_1708] : memref<163840x128xf32, #tpu.memory_space<hbm>> -> memref<256x128xf32, #tpu.memory_space<hbm>>
      %dma_wait3A_1710 = arith.constant 0 : i32
      %dma_wait3A_1711 = tpu.memref_slice %arg2[%add3A_1322, %dma_wait3A_1710] : memref<163840x128xf32, #tpu.memory_space<hbm>> -> memref<256x128xf32, #tpu.memory_space<hbm>>
      tpu.wait_dma2 semaphore(%run_scoped3A : memref<!tpu.dma_semaphore, #tpu.memory_space<semaphore_mem>>) src(%dma_wait3A_1711 : memref<256x128xf32, #tpu.memory_space<hbm>>) dst(%arg6 : memref<256x128xf32, #tpu.memory_space<vmem>>)
      tpu.yield
    }) : () -> ()
    %dma_start3A_1323 = arith.constant 62 : i32
    %dma_start3A_1324 = arith.constant 0 : i32
    %dma_start3A_1325 = arith.constant 0 : i32
    %dma_start3A_1326 = tpu.memref_slice %arg6[%dma_start3A_1324, %dma_start3A_1325] : memref<256x128xf32, #tpu.memory_space<vmem>> -> memref<128x128xf32, #tpu.memory_space<vmem>>
    %dma_start3A_1327 = arith.constant 0 : i32
    %dma_start3A_1328 = tpu.memref_slice %arg5[%dma_start3A_1323, %dma_start3A_1327] : memref<80x128xi32, #tpu.memory_space<vmem>> -> memref<1x128xi32, #tpu.memory_space<vmem>>
    %dma_start3A_1329 = tpu.memref_squeeze %dma_start3A_1328 : memref<1x128xi32, #tpu.memory_space<vmem>> -> memref<128xi32, #tpu.memory_space<vmem>>
    %dma_start3A_1330 = arith.constant 0 : i32
    %dma_start3A_1331 = arith.constant 0 : i32
    %dma_start3A_1332 = tpu.memref_slice %arg7[%dma_start3A_1330, %dma_start3A_1331] : memref<5120x128xf32, #tpu.memory_space<vmem_shared>> -> memref<5120x128xf32, #tpu.memory_space<vmem_shared>>
    tpu.enqueue_indirect_dma source(%dma_start3A_1326 : memref<128x128xf32, #tpu.memory_space<vmem>>) target(%dma_start3A_1332 : memref<5120x128xf32, #tpu.memory_space<vmem_shared>>) offsets(%dma_start3A_1329 : memref<128xi32, #tpu.memory_space<vmem>>) semaphore(%arg8 : memref<!tpu.dma_semaphore, #tpu.memory_space<semaphore_mem>>) {add = true}
    %dma_start3A_1333 = arith.constant 63 : i32
    %dma_start3A_1334 = arith.constant 128 : i32
    %dma_start3A_1335 = arith.constant 0 : i32
    %dma_start3A_1336 = tpu.memref_slice %arg6[%dma_start3A_1334, %dma_start3A_1335] : memref<256x128xf32, #tpu.memory_space<vmem>> -> memref<128x128xf32, #tpu.memory_space<vmem>>
    %dma_start3A_1337 = arith.constant 0 : i32
    %dma_start3A_1338 = tpu.memref_slice %arg5[%dma_start3A_1333, %dma_start3A_1337] : memref<80x128xi32, #tpu.memory_space<vmem>> -> memref<1x128xi32, #tpu.memory_space<vmem>>
    %dma_start3A_1339 = tpu.memref_squeeze %dma_start3A_1338 : memref<1x128xi32, #tpu.memory_space<vmem>> -> memref<128xi32, #tpu.memory_space<vmem>>
    %dma_start3A_1340 = arith.constant 0 : i32
    %dma_start3A_1341 = arith.constant 0 : i32
    %dma_start3A_1342 = tpu.memref_slice %arg7[%dma_start3A_1340, %dma_start3A_1341] : memref<5120x128xf32, #tpu.memory_space<vmem_shared>> -> memref<5120x128xf32, #tpu.memory_space<vmem_shared>>
    tpu.enqueue_indirect_dma source(%dma_start3A_1336 : memref<128x128xf32, #tpu.memory_space<vmem>>) target(%dma_start3A_1342 : memref<5120x128xf32, #tpu.memory_space<vmem_shared>>) offsets(%dma_start3A_1339 : memref<128xi32, #tpu.memory_space<vmem>>) semaphore(%arg8 : memref<!tpu.dma_semaphore, #tpu.memory_space<semaphore_mem>>) {add = true}
    %dma_wait3A_1343 = arith.constant 62 : i32
    %dma_wait3A_1344 = arith.constant 0 : i32
    %dma_wait3A_1345 = arith.constant 0 : i32
    %dma_wait3A_1346 = tpu.memref_slice %arg6[%dma_wait3A_1344, %dma_wait3A_1345] : memref<256x128xf32, #tpu.memory_space<vmem>> -> memref<128x128xf32, #tpu.memory_space<vmem>>
    %dma_wait3A_1347 = arith.constant 0 : i32
    %dma_wait3A_1348 = tpu.memref_slice %arg5[%dma_wait3A_1343, %dma_wait3A_1347] : memref<80x128xi32, #tpu.memory_space<vmem>> -> memref<1x128xi32, #tpu.memory_space<vmem>>
    %dma_wait3A_1349 = tpu.memref_squeeze %dma_wait3A_1348 : memref<1x128xi32, #tpu.memory_space<vmem>> -> memref<128xi32, #tpu.memory_space<vmem>>
    %dma_wait3A_1350 = arith.constant 0 : i32
    %dma_wait3A_1351 = arith.constant 0 : i32
    %dma_wait3A_1352 = tpu.memref_slice %arg7[%dma_wait3A_1350, %dma_wait3A_1351] : memref<5120x128xf32, #tpu.memory_space<vmem_shared>> -> memref<5120x128xf32, #tpu.memory_space<vmem_shared>>
    tpu.wait_indirect_dma semaphore(%arg8 : memref<!tpu.dma_semaphore, #tpu.memory_space<semaphore_mem>>) src(%dma_wait3A_1346 : memref<128x128xf32, #tpu.memory_space<vmem>>) dst(%dma_wait3A_1352 : memref<5120x128xf32, #tpu.memory_space<vmem_shared>>)
    %dma_wait3A_1353 = arith.constant 63 : i32
    %dma_wait3A_1354 = arith.constant 128 : i32
    %dma_wait3A_1355 = arith.constant 0 : i32
    %dma_wait3A_1356 = tpu.memref_slice %arg6[%dma_wait3A_1354, %dma_wait3A_1355] : memref<256x128xf32, #tpu.memory_space<vmem>> -> memref<128x128xf32, #tpu.memory_space<vmem>>
    %dma_wait3A_1357 = arith.constant 0 : i32
    %dma_wait3A_1358 = tpu.memref_slice %arg5[%dma_wait3A_1353, %dma_wait3A_1357] : memref<80x128xi32, #tpu.memory_space<vmem>> -> memref<1x128xi32, #tpu.memory_space<vmem>>
    %dma_wait3A_1359 = tpu.memref_squeeze %dma_wait3A_1358 : memref<1x128xi32, #tpu.memory_space<vmem>> -> memref<128xi32, #tpu.memory_space<vmem>>
    %dma_wait3A_1360 = arith.constant 0 : i32
    %dma_wait3A_1361 = arith.constant 0 : i32
    %dma_wait3A_1362 = tpu.memref_slice %arg7[%dma_wait3A_1360, %dma_wait3A_1361] : memref<5120x128xf32, #tpu.memory_space<vmem_shared>> -> memref<5120x128xf32, #tpu.memory_space<vmem_shared>>
    tpu.wait_indirect_dma semaphore(%arg8 : memref<!tpu.dma_semaphore, #tpu.memory_space<semaphore_mem>>) src(%dma_wait3A_1356 : memref<128x128xf32, #tpu.memory_space<vmem>>) dst(%dma_wait3A_1362 : memref<5120x128xf32, #tpu.memory_space<vmem_shared>>)
    %add3A_1363 = arith.constant 8192 : i32
    %add3A_1364 = arith.addi %mul3A_2, %add3A_1363 : i32
    "tpu.region"() ({
      %run_scoped3A = tpu.sem_alloc : memref<!tpu.dma_semaphore, #tpu.memory_space<semaphore_mem>>
      %dma_start3A_1704 = arith.constant 0 : i32
      %dma_start3A_1705 = tpu.memref_slice %arg2[%add3A_1364, %dma_start3A_1704] : memref<163840x128xf32, #tpu.memory_space<hbm>> -> memref<256x128xf32, #tpu.memory_space<hbm>>
      %dma_start3A_1706 = arith.constant 0 : i32
      %dma_start3A_1707 = tpu.memref_slice %arg2[%add3A_1364, %dma_start3A_1706] : memref<163840x128xf32, #tpu.memory_space<hbm>> -> memref<256x128xf32, #tpu.memory_space<hbm>>
      tpu.enqueue_dma source(%dma_start3A_1707 : memref<256x128xf32, #tpu.memory_space<hbm>>) target(%arg6 : memref<256x128xf32, #tpu.memory_space<vmem>>) target_semaphore(%run_scoped3A : memref<!tpu.dma_semaphore, #tpu.memory_space<semaphore_mem>>)
      %dma_wait3A_1708 = arith.constant 0 : i32
      %dma_wait3A_1709 = tpu.memref_slice %arg2[%add3A_1364, %dma_wait3A_1708] : memref<163840x128xf32, #tpu.memory_space<hbm>> -> memref<256x128xf32, #tpu.memory_space<hbm>>
      %dma_wait3A_1710 = arith.constant 0 : i32
      %dma_wait3A_1711 = tpu.memref_slice %arg2[%add3A_1364, %dma_wait3A_1710] : memref<163840x128xf32, #tpu.memory_space<hbm>> -> memref<256x128xf32, #tpu.memory_space<hbm>>
      tpu.wait_dma2 semaphore(%run_scoped3A : memref<!tpu.dma_semaphore, #tpu.memory_space<semaphore_mem>>) src(%dma_wait3A_1711 : memref<256x128xf32, #tpu.memory_space<hbm>>) dst(%arg6 : memref<256x128xf32, #tpu.memory_space<vmem>>)
      tpu.yield
    }) : () -> ()
    %dma_start3A_1365 = arith.constant 64 : i32
    %dma_start3A_1366 = arith.constant 0 : i32
    %dma_start3A_1367 = arith.constant 0 : i32
    %dma_start3A_1368 = tpu.memref_slice %arg6[%dma_start3A_1366, %dma_start3A_1367] : memref<256x128xf32, #tpu.memory_space<vmem>> -> memref<128x128xf32, #tpu.memory_space<vmem>>
    %dma_start3A_1369 = arith.constant 0 : i32
    %dma_start3A_1370 = tpu.memref_slice %arg5[%dma_start3A_1365, %dma_start3A_1369] : memref<80x128xi32, #tpu.memory_space<vmem>> -> memref<1x128xi32, #tpu.memory_space<vmem>>
    %dma_start3A_1371 = tpu.memref_squeeze %dma_start3A_1370 : memref<1x128xi32, #tpu.memory_space<vmem>> -> memref<128xi32, #tpu.memory_space<vmem>>
    %dma_start3A_1372 = arith.constant 0 : i32
    %dma_start3A_1373 = arith.constant 0 : i32
    %dma_start3A_1374 = tpu.memref_slice %arg7[%dma_start3A_1372, %dma_start3A_1373] : memref<5120x128xf32, #tpu.memory_space<vmem_shared>> -> memref<5120x128xf32, #tpu.memory_space<vmem_shared>>
    tpu.enqueue_indirect_dma source(%dma_start3A_1368 : memref<128x128xf32, #tpu.memory_space<vmem>>) target(%dma_start3A_1374 : memref<5120x128xf32, #tpu.memory_space<vmem_shared>>) offsets(%dma_start3A_1371 : memref<128xi32, #tpu.memory_space<vmem>>) semaphore(%arg8 : memref<!tpu.dma_semaphore, #tpu.memory_space<semaphore_mem>>) {add = true}
    %dma_start3A_1375 = arith.constant 65 : i32
    %dma_start3A_1376 = arith.constant 128 : i32
    %dma_start3A_1377 = arith.constant 0 : i32
    %dma_start3A_1378 = tpu.memref_slice %arg6[%dma_start3A_1376, %dma_start3A_1377] : memref<256x128xf32, #tpu.memory_space<vmem>> -> memref<128x128xf32, #tpu.memory_space<vmem>>
    %dma_start3A_1379 = arith.constant 0 : i32
    %dma_start3A_1380 = tpu.memref_slice %arg5[%dma_start3A_1375, %dma_start3A_1379] : memref<80x128xi32, #tpu.memory_space<vmem>> -> memref<1x128xi32, #tpu.memory_space<vmem>>
    %dma_start3A_1381 = tpu.memref_squeeze %dma_start3A_1380 : memref<1x128xi32, #tpu.memory_space<vmem>> -> memref<128xi32, #tpu.memory_space<vmem>>
    %dma_start3A_1382 = arith.constant 0 : i32
    %dma_start3A_1383 = arith.constant 0 : i32
    %dma_start3A_1384 = tpu.memref_slice %arg7[%dma_start3A_1382, %dma_start3A_1383] : memref<5120x128xf32, #tpu.memory_space<vmem_shared>> -> memref<5120x128xf32, #tpu.memory_space<vmem_shared>>
    tpu.enqueue_indirect_dma source(%dma_start3A_1378 : memref<128x128xf32, #tpu.memory_space<vmem>>) target(%dma_start3A_1384 : memref<5120x128xf32, #tpu.memory_space<vmem_shared>>) offsets(%dma_start3A_1381 : memref<128xi32, #tpu.memory_space<vmem>>) semaphore(%arg8 : memref<!tpu.dma_semaphore, #tpu.memory_space<semaphore_mem>>) {add = true}
    %dma_wait3A_1385 = arith.constant 64 : i32
    %dma_wait3A_1386 = arith.constant 0 : i32
    %dma_wait3A_1387 = arith.constant 0 : i32
    %dma_wait3A_1388 = tpu.memref_slice %arg6[%dma_wait3A_1386, %dma_wait3A_1387] : memref<256x128xf32, #tpu.memory_space<vmem>> -> memref<128x128xf32, #tpu.memory_space<vmem>>
    %dma_wait3A_1389 = arith.constant 0 : i32
    %dma_wait3A_1390 = tpu.memref_slice %arg5[%dma_wait3A_1385, %dma_wait3A_1389] : memref<80x128xi32, #tpu.memory_space<vmem>> -> memref<1x128xi32, #tpu.memory_space<vmem>>
    %dma_wait3A_1391 = tpu.memref_squeeze %dma_wait3A_1390 : memref<1x128xi32, #tpu.memory_space<vmem>> -> memref<128xi32, #tpu.memory_space<vmem>>
    %dma_wait3A_1392 = arith.constant 0 : i32
    %dma_wait3A_1393 = arith.constant 0 : i32
    %dma_wait3A_1394 = tpu.memref_slice %arg7[%dma_wait3A_1392, %dma_wait3A_1393] : memref<5120x128xf32, #tpu.memory_space<vmem_shared>> -> memref<5120x128xf32, #tpu.memory_space<vmem_shared>>
    tpu.wait_indirect_dma semaphore(%arg8 : memref<!tpu.dma_semaphore, #tpu.memory_space<semaphore_mem>>) src(%dma_wait3A_1388 : memref<128x128xf32, #tpu.memory_space<vmem>>) dst(%dma_wait3A_1394 : memref<5120x128xf32, #tpu.memory_space<vmem_shared>>)
    %dma_wait3A_1395 = arith.constant 65 : i32
    %dma_wait3A_1396 = arith.constant 128 : i32
    %dma_wait3A_1397 = arith.constant 0 : i32
    %dma_wait3A_1398 = tpu.memref_slice %arg6[%dma_wait3A_1396, %dma_wait3A_1397] : memref<256x128xf32, #tpu.memory_space<vmem>> -> memref<128x128xf32, #tpu.memory_space<vmem>>
    %dma_wait3A_1399 = arith.constant 0 : i32
    %dma_wait3A_1400 = tpu.memref_slice %arg5[%dma_wait3A_1395, %dma_wait3A_1399] : memref<80x128xi32, #tpu.memory_space<vmem>> -> memref<1x128xi32, #tpu.memory_space<vmem>>
    %dma_wait3A_1401 = tpu.memref_squeeze %dma_wait3A_1400 : memref<1x128xi32, #tpu.memory_space<vmem>> -> memref<128xi32, #tpu.memory_space<vmem>>
    %dma_wait3A_1402 = arith.constant 0 : i32
    %dma_wait3A_1403 = arith.constant 0 : i32
    %dma_wait3A_1404 = tpu.memref_slice %arg7[%dma_wait3A_1402, %dma_wait3A_1403] : memref<5120x128xf32, #tpu.memory_space<vmem_shared>> -> memref<5120x128xf32, #tpu.memory_space<vmem_shared>>
    tpu.wait_indirect_dma semaphore(%arg8 : memref<!tpu.dma_semaphore, #tpu.memory_space<semaphore_mem>>) src(%dma_wait3A_1398 : memref<128x128xf32, #tpu.memory_space<vmem>>) dst(%dma_wait3A_1404 : memref<5120x128xf32, #tpu.memory_space<vmem_shared>>)
    %add3A_1405 = arith.constant 8448 : i32
    %add3A_1406 = arith.addi %mul3A_2, %add3A_1405 : i32
    "tpu.region"() ({
      %run_scoped3A = tpu.sem_alloc : memref<!tpu.dma_semaphore, #tpu.memory_space<semaphore_mem>>
      %dma_start3A_1704 = arith.constant 0 : i32
      %dma_start3A_1705 = tpu.memref_slice %arg2[%add3A_1406, %dma_start3A_1704] : memref<163840x128xf32, #tpu.memory_space<hbm>> -> memref<256x128xf32, #tpu.memory_space<hbm>>
      %dma_start3A_1706 = arith.constant 0 : i32
      %dma_start3A_1707 = tpu.memref_slice %arg2[%add3A_1406, %dma_start3A_1706] : memref<163840x128xf32, #tpu.memory_space<hbm>> -> memref<256x128xf32, #tpu.memory_space<hbm>>
      tpu.enqueue_dma source(%dma_start3A_1707 : memref<256x128xf32, #tpu.memory_space<hbm>>) target(%arg6 : memref<256x128xf32, #tpu.memory_space<vmem>>) target_semaphore(%run_scoped3A : memref<!tpu.dma_semaphore, #tpu.memory_space<semaphore_mem>>)
      %dma_wait3A_1708 = arith.constant 0 : i32
      %dma_wait3A_1709 = tpu.memref_slice %arg2[%add3A_1406, %dma_wait3A_1708] : memref<163840x128xf32, #tpu.memory_space<hbm>> -> memref<256x128xf32, #tpu.memory_space<hbm>>
      %dma_wait3A_1710 = arith.constant 0 : i32
      %dma_wait3A_1711 = tpu.memref_slice %arg2[%add3A_1406, %dma_wait3A_1710] : memref<163840x128xf32, #tpu.memory_space<hbm>> -> memref<256x128xf32, #tpu.memory_space<hbm>>
      tpu.wait_dma2 semaphore(%run_scoped3A : memref<!tpu.dma_semaphore, #tpu.memory_space<semaphore_mem>>) src(%dma_wait3A_1711 : memref<256x128xf32, #tpu.memory_space<hbm>>) dst(%arg6 : memref<256x128xf32, #tpu.memory_space<vmem>>)
      tpu.yield
    }) : () -> ()
    %dma_start3A_1407 = arith.constant 66 : i32
    %dma_start3A_1408 = arith.constant 0 : i32
    %dma_start3A_1409 = arith.constant 0 : i32
    %dma_start3A_1410 = tpu.memref_slice %arg6[%dma_start3A_1408, %dma_start3A_1409] : memref<256x128xf32, #tpu.memory_space<vmem>> -> memref<128x128xf32, #tpu.memory_space<vmem>>
    %dma_start3A_1411 = arith.constant 0 : i32
    %dma_start3A_1412 = tpu.memref_slice %arg5[%dma_start3A_1407, %dma_start3A_1411] : memref<80x128xi32, #tpu.memory_space<vmem>> -> memref<1x128xi32, #tpu.memory_space<vmem>>
    %dma_start3A_1413 = tpu.memref_squeeze %dma_start3A_1412 : memref<1x128xi32, #tpu.memory_space<vmem>> -> memref<128xi32, #tpu.memory_space<vmem>>
    %dma_start3A_1414 = arith.constant 0 : i32
    %dma_start3A_1415 = arith.constant 0 : i32
    %dma_start3A_1416 = tpu.memref_slice %arg7[%dma_start3A_1414, %dma_start3A_1415] : memref<5120x128xf32, #tpu.memory_space<vmem_shared>> -> memref<5120x128xf32, #tpu.memory_space<vmem_shared>>
    tpu.enqueue_indirect_dma source(%dma_start3A_1410 : memref<128x128xf32, #tpu.memory_space<vmem>>) target(%dma_start3A_1416 : memref<5120x128xf32, #tpu.memory_space<vmem_shared>>) offsets(%dma_start3A_1413 : memref<128xi32, #tpu.memory_space<vmem>>) semaphore(%arg8 : memref<!tpu.dma_semaphore, #tpu.memory_space<semaphore_mem>>) {add = true}
    %dma_start3A_1417 = arith.constant 67 : i32
    %dma_start3A_1418 = arith.constant 128 : i32
    %dma_start3A_1419 = arith.constant 0 : i32
    %dma_start3A_1420 = tpu.memref_slice %arg6[%dma_start3A_1418, %dma_start3A_1419] : memref<256x128xf32, #tpu.memory_space<vmem>> -> memref<128x128xf32, #tpu.memory_space<vmem>>
    %dma_start3A_1421 = arith.constant 0 : i32
    %dma_start3A_1422 = tpu.memref_slice %arg5[%dma_start3A_1417, %dma_start3A_1421] : memref<80x128xi32, #tpu.memory_space<vmem>> -> memref<1x128xi32, #tpu.memory_space<vmem>>
    %dma_start3A_1423 = tpu.memref_squeeze %dma_start3A_1422 : memref<1x128xi32, #tpu.memory_space<vmem>> -> memref<128xi32, #tpu.memory_space<vmem>>
    %dma_start3A_1424 = arith.constant 0 : i32
    %dma_start3A_1425 = arith.constant 0 : i32
    %dma_start3A_1426 = tpu.memref_slice %arg7[%dma_start3A_1424, %dma_start3A_1425] : memref<5120x128xf32, #tpu.memory_space<vmem_shared>> -> memref<5120x128xf32, #tpu.memory_space<vmem_shared>>
    tpu.enqueue_indirect_dma source(%dma_start3A_1420 : memref<128x128xf32, #tpu.memory_space<vmem>>) target(%dma_start3A_1426 : memref<5120x128xf32, #tpu.memory_space<vmem_shared>>) offsets(%dma_start3A_1423 : memref<128xi32, #tpu.memory_space<vmem>>) semaphore(%arg8 : memref<!tpu.dma_semaphore, #tpu.memory_space<semaphore_mem>>) {add = true}
    %dma_wait3A_1427 = arith.constant 66 : i32
    %dma_wait3A_1428 = arith.constant 0 : i32
    %dma_wait3A_1429 = arith.constant 0 : i32
    %dma_wait3A_1430 = tpu.memref_slice %arg6[%dma_wait3A_1428, %dma_wait3A_1429] : memref<256x128xf32, #tpu.memory_space<vmem>> -> memref<128x128xf32, #tpu.memory_space<vmem>>
    %dma_wait3A_1431 = arith.constant 0 : i32
    %dma_wait3A_1432 = tpu.memref_slice %arg5[%dma_wait3A_1427, %dma_wait3A_1431] : memref<80x128xi32, #tpu.memory_space<vmem>> -> memref<1x128xi32, #tpu.memory_space<vmem>>
    %dma_wait3A_1433 = tpu.memref_squeeze %dma_wait3A_1432 : memref<1x128xi32, #tpu.memory_space<vmem>> -> memref<128xi32, #tpu.memory_space<vmem>>
    %dma_wait3A_1434 = arith.constant 0 : i32
    %dma_wait3A_1435 = arith.constant 0 : i32
    %dma_wait3A_1436 = tpu.memref_slice %arg7[%dma_wait3A_1434, %dma_wait3A_1435] : memref<5120x128xf32, #tpu.memory_space<vmem_shared>> -> memref<5120x128xf32, #tpu.memory_space<vmem_shared>>
    tpu.wait_indirect_dma semaphore(%arg8 : memref<!tpu.dma_semaphore, #tpu.memory_space<semaphore_mem>>) src(%dma_wait3A_1430 : memref<128x128xf32, #tpu.memory_space<vmem>>) dst(%dma_wait3A_1436 : memref<5120x128xf32, #tpu.memory_space<vmem_shared>>)
    %dma_wait3A_1437 = arith.constant 67 : i32
    %dma_wait3A_1438 = arith.constant 128 : i32
    %dma_wait3A_1439 = arith.constant 0 : i32
    %dma_wait3A_1440 = tpu.memref_slice %arg6[%dma_wait3A_1438, %dma_wait3A_1439] : memref<256x128xf32, #tpu.memory_space<vmem>> -> memref<128x128xf32, #tpu.memory_space<vmem>>
    %dma_wait3A_1441 = arith.constant 0 : i32
    %dma_wait3A_1442 = tpu.memref_slice %arg5[%dma_wait3A_1437, %dma_wait3A_1441] : memref<80x128xi32, #tpu.memory_space<vmem>> -> memref<1x128xi32, #tpu.memory_space<vmem>>
    %dma_wait3A_1443 = tpu.memref_squeeze %dma_wait3A_1442 : memref<1x128xi32, #tpu.memory_space<vmem>> -> memref<128xi32, #tpu.memory_space<vmem>>
    %dma_wait3A_1444 = arith.constant 0 : i32
    %dma_wait3A_1445 = arith.constant 0 : i32
    %dma_wait3A_1446 = tpu.memref_slice %arg7[%dma_wait3A_1444, %dma_wait3A_1445] : memref<5120x128xf32, #tpu.memory_space<vmem_shared>> -> memref<5120x128xf32, #tpu.memory_space<vmem_shared>>
    tpu.wait_indirect_dma semaphore(%arg8 : memref<!tpu.dma_semaphore, #tpu.memory_space<semaphore_mem>>) src(%dma_wait3A_1440 : memref<128x128xf32, #tpu.memory_space<vmem>>) dst(%dma_wait3A_1446 : memref<5120x128xf32, #tpu.memory_space<vmem_shared>>)
    %add3A_1447 = arith.constant 8704 : i32
    %add3A_1448 = arith.addi %mul3A_2, %add3A_1447 : i32
    "tpu.region"() ({
      %run_scoped3A = tpu.sem_alloc : memref<!tpu.dma_semaphore, #tpu.memory_space<semaphore_mem>>
      %dma_start3A_1704 = arith.constant 0 : i32
      %dma_start3A_1705 = tpu.memref_slice %arg2[%add3A_1448, %dma_start3A_1704] : memref<163840x128xf32, #tpu.memory_space<hbm>> -> memref<256x128xf32, #tpu.memory_space<hbm>>
      %dma_start3A_1706 = arith.constant 0 : i32
      %dma_start3A_1707 = tpu.memref_slice %arg2[%add3A_1448, %dma_start3A_1706] : memref<163840x128xf32, #tpu.memory_space<hbm>> -> memref<256x128xf32, #tpu.memory_space<hbm>>
      tpu.enqueue_dma source(%dma_start3A_1707 : memref<256x128xf32, #tpu.memory_space<hbm>>) target(%arg6 : memref<256x128xf32, #tpu.memory_space<vmem>>) target_semaphore(%run_scoped3A : memref<!tpu.dma_semaphore, #tpu.memory_space<semaphore_mem>>)
      %dma_wait3A_1708 = arith.constant 0 : i32
      %dma_wait3A_1709 = tpu.memref_slice %arg2[%add3A_1448, %dma_wait3A_1708] : memref<163840x128xf32, #tpu.memory_space<hbm>> -> memref<256x128xf32, #tpu.memory_space<hbm>>
      %dma_wait3A_1710 = arith.constant 0 : i32
      %dma_wait3A_1711 = tpu.memref_slice %arg2[%add3A_1448, %dma_wait3A_1710] : memref<163840x128xf32, #tpu.memory_space<hbm>> -> memref<256x128xf32, #tpu.memory_space<hbm>>
      tpu.wait_dma2 semaphore(%run_scoped3A : memref<!tpu.dma_semaphore, #tpu.memory_space<semaphore_mem>>) src(%dma_wait3A_1711 : memref<256x128xf32, #tpu.memory_space<hbm>>) dst(%arg6 : memref<256x128xf32, #tpu.memory_space<vmem>>)
      tpu.yield
    }) : () -> ()
    %dma_start3A_1449 = arith.constant 68 : i32
    %dma_start3A_1450 = arith.constant 0 : i32
    %dma_start3A_1451 = arith.constant 0 : i32
    %dma_start3A_1452 = tpu.memref_slice %arg6[%dma_start3A_1450, %dma_start3A_1451] : memref<256x128xf32, #tpu.memory_space<vmem>> -> memref<128x128xf32, #tpu.memory_space<vmem>>
    %dma_start3A_1453 = arith.constant 0 : i32
    %dma_start3A_1454 = tpu.memref_slice %arg5[%dma_start3A_1449, %dma_start3A_1453] : memref<80x128xi32, #tpu.memory_space<vmem>> -> memref<1x128xi32, #tpu.memory_space<vmem>>
    %dma_start3A_1455 = tpu.memref_squeeze %dma_start3A_1454 : memref<1x128xi32, #tpu.memory_space<vmem>> -> memref<128xi32, #tpu.memory_space<vmem>>
    %dma_start3A_1456 = arith.constant 0 : i32
    %dma_start3A_1457 = arith.constant 0 : i32
    %dma_start3A_1458 = tpu.memref_slice %arg7[%dma_start3A_1456, %dma_start3A_1457] : memref<5120x128xf32, #tpu.memory_space<vmem_shared>> -> memref<5120x128xf32, #tpu.memory_space<vmem_shared>>
    tpu.enqueue_indirect_dma source(%dma_start3A_1452 : memref<128x128xf32, #tpu.memory_space<vmem>>) target(%dma_start3A_1458 : memref<5120x128xf32, #tpu.memory_space<vmem_shared>>) offsets(%dma_start3A_1455 : memref<128xi32, #tpu.memory_space<vmem>>) semaphore(%arg8 : memref<!tpu.dma_semaphore, #tpu.memory_space<semaphore_mem>>) {add = true}
    %dma_start3A_1459 = arith.constant 69 : i32
    %dma_start3A_1460 = arith.constant 128 : i32
    %dma_start3A_1461 = arith.constant 0 : i32
    %dma_start3A_1462 = tpu.memref_slice %arg6[%dma_start3A_1460, %dma_start3A_1461] : memref<256x128xf32, #tpu.memory_space<vmem>> -> memref<128x128xf32, #tpu.memory_space<vmem>>
    %dma_start3A_1463 = arith.constant 0 : i32
    %dma_start3A_1464 = tpu.memref_slice %arg5[%dma_start3A_1459, %dma_start3A_1463] : memref<80x128xi32, #tpu.memory_space<vmem>> -> memref<1x128xi32, #tpu.memory_space<vmem>>
    %dma_start3A_1465 = tpu.memref_squeeze %dma_start3A_1464 : memref<1x128xi32, #tpu.memory_space<vmem>> -> memref<128xi32, #tpu.memory_space<vmem>>
    %dma_start3A_1466 = arith.constant 0 : i32
    %dma_start3A_1467 = arith.constant 0 : i32
    %dma_start3A_1468 = tpu.memref_slice %arg7[%dma_start3A_1466, %dma_start3A_1467] : memref<5120x128xf32, #tpu.memory_space<vmem_shared>> -> memref<5120x128xf32, #tpu.memory_space<vmem_shared>>
    tpu.enqueue_indirect_dma source(%dma_start3A_1462 : memref<128x128xf32, #tpu.memory_space<vmem>>) target(%dma_start3A_1468 : memref<5120x128xf32, #tpu.memory_space<vmem_shared>>) offsets(%dma_start3A_1465 : memref<128xi32, #tpu.memory_space<vmem>>) semaphore(%arg8 : memref<!tpu.dma_semaphore, #tpu.memory_space<semaphore_mem>>) {add = true}
    %dma_wait3A_1469 = arith.constant 68 : i32
    %dma_wait3A_1470 = arith.constant 0 : i32
    %dma_wait3A_1471 = arith.constant 0 : i32
    %dma_wait3A_1472 = tpu.memref_slice %arg6[%dma_wait3A_1470, %dma_wait3A_1471] : memref<256x128xf32, #tpu.memory_space<vmem>> -> memref<128x128xf32, #tpu.memory_space<vmem>>
    %dma_wait3A_1473 = arith.constant 0 : i32
    %dma_wait3A_1474 = tpu.memref_slice %arg5[%dma_wait3A_1469, %dma_wait3A_1473] : memref<80x128xi32, #tpu.memory_space<vmem>> -> memref<1x128xi32, #tpu.memory_space<vmem>>
    %dma_wait3A_1475 = tpu.memref_squeeze %dma_wait3A_1474 : memref<1x128xi32, #tpu.memory_space<vmem>> -> memref<128xi32, #tpu.memory_space<vmem>>
    %dma_wait3A_1476 = arith.constant 0 : i32
    %dma_wait3A_1477 = arith.constant 0 : i32
    %dma_wait3A_1478 = tpu.memref_slice %arg7[%dma_wait3A_1476, %dma_wait3A_1477] : memref<5120x128xf32, #tpu.memory_space<vmem_shared>> -> memref<5120x128xf32, #tpu.memory_space<vmem_shared>>
    tpu.wait_indirect_dma semaphore(%arg8 : memref<!tpu.dma_semaphore, #tpu.memory_space<semaphore_mem>>) src(%dma_wait3A_1472 : memref<128x128xf32, #tpu.memory_space<vmem>>) dst(%dma_wait3A_1478 : memref<5120x128xf32, #tpu.memory_space<vmem_shared>>)
    %dma_wait3A_1479 = arith.constant 69 : i32
    %dma_wait3A_1480 = arith.constant 128 : i32
    %dma_wait3A_1481 = arith.constant 0 : i32
    %dma_wait3A_1482 = tpu.memref_slice %arg6[%dma_wait3A_1480, %dma_wait3A_1481] : memref<256x128xf32, #tpu.memory_space<vmem>> -> memref<128x128xf32, #tpu.memory_space<vmem>>
    %dma_wait3A_1483 = arith.constant 0 : i32
    %dma_wait3A_1484 = tpu.memref_slice %arg5[%dma_wait3A_1479, %dma_wait3A_1483] : memref<80x128xi32, #tpu.memory_space<vmem>> -> memref<1x128xi32, #tpu.memory_space<vmem>>
    %dma_wait3A_1485 = tpu.memref_squeeze %dma_wait3A_1484 : memref<1x128xi32, #tpu.memory_space<vmem>> -> memref<128xi32, #tpu.memory_space<vmem>>
    %dma_wait3A_1486 = arith.constant 0 : i32
    %dma_wait3A_1487 = arith.constant 0 : i32
    %dma_wait3A_1488 = tpu.memref_slice %arg7[%dma_wait3A_1486, %dma_wait3A_1487] : memref<5120x128xf32, #tpu.memory_space<vmem_shared>> -> memref<5120x128xf32, #tpu.memory_space<vmem_shared>>
    tpu.wait_indirect_dma semaphore(%arg8 : memref<!tpu.dma_semaphore, #tpu.memory_space<semaphore_mem>>) src(%dma_wait3A_1482 : memref<128x128xf32, #tpu.memory_space<vmem>>) dst(%dma_wait3A_1488 : memref<5120x128xf32, #tpu.memory_space<vmem_shared>>)
    %add3A_1489 = arith.constant 8960 : i32
    %add3A_1490 = arith.addi %mul3A_2, %add3A_1489 : i32
    "tpu.region"() ({
      %run_scoped3A = tpu.sem_alloc : memref<!tpu.dma_semaphore, #tpu.memory_space<semaphore_mem>>
      %dma_start3A_1704 = arith.constant 0 : i32
      %dma_start3A_1705 = tpu.memref_slice %arg2[%add3A_1490, %dma_start3A_1704] : memref<163840x128xf32, #tpu.memory_space<hbm>> -> memref<256x128xf32, #tpu.memory_space<hbm>>
      %dma_start3A_1706 = arith.constant 0 : i32
      %dma_start3A_1707 = tpu.memref_slice %arg2[%add3A_1490, %dma_start3A_1706] : memref<163840x128xf32, #tpu.memory_space<hbm>> -> memref<256x128xf32, #tpu.memory_space<hbm>>
      tpu.enqueue_dma source(%dma_start3A_1707 : memref<256x128xf32, #tpu.memory_space<hbm>>) target(%arg6 : memref<256x128xf32, #tpu.memory_space<vmem>>) target_semaphore(%run_scoped3A : memref<!tpu.dma_semaphore, #tpu.memory_space<semaphore_mem>>)
      %dma_wait3A_1708 = arith.constant 0 : i32
      %dma_wait3A_1709 = tpu.memref_slice %arg2[%add3A_1490, %dma_wait3A_1708] : memref<163840x128xf32, #tpu.memory_space<hbm>> -> memref<256x128xf32, #tpu.memory_space<hbm>>
      %dma_wait3A_1710 = arith.constant 0 : i32
      %dma_wait3A_1711 = tpu.memref_slice %arg2[%add3A_1490, %dma_wait3A_1710] : memref<163840x128xf32, #tpu.memory_space<hbm>> -> memref<256x128xf32, #tpu.memory_space<hbm>>
      tpu.wait_dma2 semaphore(%run_scoped3A : memref<!tpu.dma_semaphore, #tpu.memory_space<semaphore_mem>>) src(%dma_wait3A_1711 : memref<256x128xf32, #tpu.memory_space<hbm>>) dst(%arg6 : memref<256x128xf32, #tpu.memory_space<vmem>>)
      tpu.yield
    }) : () -> ()
    %dma_start3A_1491 = arith.constant 70 : i32
    %dma_start3A_1492 = arith.constant 0 : i32
    %dma_start3A_1493 = arith.constant 0 : i32
    %dma_start3A_1494 = tpu.memref_slice %arg6[%dma_start3A_1492, %dma_start3A_1493] : memref<256x128xf32, #tpu.memory_space<vmem>> -> memref<128x128xf32, #tpu.memory_space<vmem>>
    %dma_start3A_1495 = arith.constant 0 : i32
    %dma_start3A_1496 = tpu.memref_slice %arg5[%dma_start3A_1491, %dma_start3A_1495] : memref<80x128xi32, #tpu.memory_space<vmem>> -> memref<1x128xi32, #tpu.memory_space<vmem>>
    %dma_start3A_1497 = tpu.memref_squeeze %dma_start3A_1496 : memref<1x128xi32, #tpu.memory_space<vmem>> -> memref<128xi32, #tpu.memory_space<vmem>>
    %dma_start3A_1498 = arith.constant 0 : i32
    %dma_start3A_1499 = arith.constant 0 : i32
    %dma_start3A_1500 = tpu.memref_slice %arg7[%dma_start3A_1498, %dma_start3A_1499] : memref<5120x128xf32, #tpu.memory_space<vmem_shared>> -> memref<5120x128xf32, #tpu.memory_space<vmem_shared>>
    tpu.enqueue_indirect_dma source(%dma_start3A_1494 : memref<128x128xf32, #tpu.memory_space<vmem>>) target(%dma_start3A_1500 : memref<5120x128xf32, #tpu.memory_space<vmem_shared>>) offsets(%dma_start3A_1497 : memref<128xi32, #tpu.memory_space<vmem>>) semaphore(%arg8 : memref<!tpu.dma_semaphore, #tpu.memory_space<semaphore_mem>>) {add = true}
    %dma_start3A_1501 = arith.constant 71 : i32
    %dma_start3A_1502 = arith.constant 128 : i32
    %dma_start3A_1503 = arith.constant 0 : i32
    %dma_start3A_1504 = tpu.memref_slice %arg6[%dma_start3A_1502, %dma_start3A_1503] : memref<256x128xf32, #tpu.memory_space<vmem>> -> memref<128x128xf32, #tpu.memory_space<vmem>>
    %dma_start3A_1505 = arith.constant 0 : i32
    %dma_start3A_1506 = tpu.memref_slice %arg5[%dma_start3A_1501, %dma_start3A_1505] : memref<80x128xi32, #tpu.memory_space<vmem>> -> memref<1x128xi32, #tpu.memory_space<vmem>>
    %dma_start3A_1507 = tpu.memref_squeeze %dma_start3A_1506 : memref<1x128xi32, #tpu.memory_space<vmem>> -> memref<128xi32, #tpu.memory_space<vmem>>
    %dma_start3A_1508 = arith.constant 0 : i32
    %dma_start3A_1509 = arith.constant 0 : i32
    %dma_start3A_1510 = tpu.memref_slice %arg7[%dma_start3A_1508, %dma_start3A_1509] : memref<5120x128xf32, #tpu.memory_space<vmem_shared>> -> memref<5120x128xf32, #tpu.memory_space<vmem_shared>>
    tpu.enqueue_indirect_dma source(%dma_start3A_1504 : memref<128x128xf32, #tpu.memory_space<vmem>>) target(%dma_start3A_1510 : memref<5120x128xf32, #tpu.memory_space<vmem_shared>>) offsets(%dma_start3A_1507 : memref<128xi32, #tpu.memory_space<vmem>>) semaphore(%arg8 : memref<!tpu.dma_semaphore, #tpu.memory_space<semaphore_mem>>) {add = true}
    %dma_wait3A_1511 = arith.constant 70 : i32
    %dma_wait3A_1512 = arith.constant 0 : i32
    %dma_wait3A_1513 = arith.constant 0 : i32
    %dma_wait3A_1514 = tpu.memref_slice %arg6[%dma_wait3A_1512, %dma_wait3A_1513] : memref<256x128xf32, #tpu.memory_space<vmem>> -> memref<128x128xf32, #tpu.memory_space<vmem>>
    %dma_wait3A_1515 = arith.constant 0 : i32
    %dma_wait3A_1516 = tpu.memref_slice %arg5[%dma_wait3A_1511, %dma_wait3A_1515] : memref<80x128xi32, #tpu.memory_space<vmem>> -> memref<1x128xi32, #tpu.memory_space<vmem>>
    %dma_wait3A_1517 = tpu.memref_squeeze %dma_wait3A_1516 : memref<1x128xi32, #tpu.memory_space<vmem>> -> memref<128xi32, #tpu.memory_space<vmem>>
    %dma_wait3A_1518 = arith.constant 0 : i32
    %dma_wait3A_1519 = arith.constant 0 : i32
    %dma_wait3A_1520 = tpu.memref_slice %arg7[%dma_wait3A_1518, %dma_wait3A_1519] : memref<5120x128xf32, #tpu.memory_space<vmem_shared>> -> memref<5120x128xf32, #tpu.memory_space<vmem_shared>>
    tpu.wait_indirect_dma semaphore(%arg8 : memref<!tpu.dma_semaphore, #tpu.memory_space<semaphore_mem>>) src(%dma_wait3A_1514 : memref<128x128xf32, #tpu.memory_space<vmem>>) dst(%dma_wait3A_1520 : memref<5120x128xf32, #tpu.memory_space<vmem_shared>>)
    %dma_wait3A_1521 = arith.constant 71 : i32
    %dma_wait3A_1522 = arith.constant 128 : i32
    %dma_wait3A_1523 = arith.constant 0 : i32
    %dma_wait3A_1524 = tpu.memref_slice %arg6[%dma_wait3A_1522, %dma_wait3A_1523] : memref<256x128xf32, #tpu.memory_space<vmem>> -> memref<128x128xf32, #tpu.memory_space<vmem>>
    %dma_wait3A_1525 = arith.constant 0 : i32
    %dma_wait3A_1526 = tpu.memref_slice %arg5[%dma_wait3A_1521, %dma_wait3A_1525] : memref<80x128xi32, #tpu.memory_space<vmem>> -> memref<1x128xi32, #tpu.memory_space<vmem>>
    %dma_wait3A_1527 = tpu.memref_squeeze %dma_wait3A_1526 : memref<1x128xi32, #tpu.memory_space<vmem>> -> memref<128xi32, #tpu.memory_space<vmem>>
    %dma_wait3A_1528 = arith.constant 0 : i32
    %dma_wait3A_1529 = arith.constant 0 : i32
    %dma_wait3A_1530 = tpu.memref_slice %arg7[%dma_wait3A_1528, %dma_wait3A_1529] : memref<5120x128xf32, #tpu.memory_space<vmem_shared>> -> memref<5120x128xf32, #tpu.memory_space<vmem_shared>>
    tpu.wait_indirect_dma semaphore(%arg8 : memref<!tpu.dma_semaphore, #tpu.memory_space<semaphore_mem>>) src(%dma_wait3A_1524 : memref<128x128xf32, #tpu.memory_space<vmem>>) dst(%dma_wait3A_1530 : memref<5120x128xf32, #tpu.memory_space<vmem_shared>>)
    %add3A_1531 = arith.constant 9216 : i32
    %add3A_1532 = arith.addi %mul3A_2, %add3A_1531 : i32
    "tpu.region"() ({
      %run_scoped3A = tpu.sem_alloc : memref<!tpu.dma_semaphore, #tpu.memory_space<semaphore_mem>>
      %dma_start3A_1704 = arith.constant 0 : i32
      %dma_start3A_1705 = tpu.memref_slice %arg2[%add3A_1532, %dma_start3A_1704] : memref<163840x128xf32, #tpu.memory_space<hbm>> -> memref<256x128xf32, #tpu.memory_space<hbm>>
      %dma_start3A_1706 = arith.constant 0 : i32
      %dma_start3A_1707 = tpu.memref_slice %arg2[%add3A_1532, %dma_start3A_1706] : memref<163840x128xf32, #tpu.memory_space<hbm>> -> memref<256x128xf32, #tpu.memory_space<hbm>>
      tpu.enqueue_dma source(%dma_start3A_1707 : memref<256x128xf32, #tpu.memory_space<hbm>>) target(%arg6 : memref<256x128xf32, #tpu.memory_space<vmem>>) target_semaphore(%run_scoped3A : memref<!tpu.dma_semaphore, #tpu.memory_space<semaphore_mem>>)
      %dma_wait3A_1708 = arith.constant 0 : i32
      %dma_wait3A_1709 = tpu.memref_slice %arg2[%add3A_1532, %dma_wait3A_1708] : memref<163840x128xf32, #tpu.memory_space<hbm>> -> memref<256x128xf32, #tpu.memory_space<hbm>>
      %dma_wait3A_1710 = arith.constant 0 : i32
      %dma_wait3A_1711 = tpu.memref_slice %arg2[%add3A_1532, %dma_wait3A_1710] : memref<163840x128xf32, #tpu.memory_space<hbm>> -> memref<256x128xf32, #tpu.memory_space<hbm>>
      tpu.wait_dma2 semaphore(%run_scoped3A : memref<!tpu.dma_semaphore, #tpu.memory_space<semaphore_mem>>) src(%dma_wait3A_1711 : memref<256x128xf32, #tpu.memory_space<hbm>>) dst(%arg6 : memref<256x128xf32, #tpu.memory_space<vmem>>)
      tpu.yield
    }) : () -> ()
    %dma_start3A_1533 = arith.constant 72 : i32
    %dma_start3A_1534 = arith.constant 0 : i32
    %dma_start3A_1535 = arith.constant 0 : i32
    %dma_start3A_1536 = tpu.memref_slice %arg6[%dma_start3A_1534, %dma_start3A_1535] : memref<256x128xf32, #tpu.memory_space<vmem>> -> memref<128x128xf32, #tpu.memory_space<vmem>>
    %dma_start3A_1537 = arith.constant 0 : i32
    %dma_start3A_1538 = tpu.memref_slice %arg5[%dma_start3A_1533, %dma_start3A_1537] : memref<80x128xi32, #tpu.memory_space<vmem>> -> memref<1x128xi32, #tpu.memory_space<vmem>>
    %dma_start3A_1539 = tpu.memref_squeeze %dma_start3A_1538 : memref<1x128xi32, #tpu.memory_space<vmem>> -> memref<128xi32, #tpu.memory_space<vmem>>
    %dma_start3A_1540 = arith.constant 0 : i32
    %dma_start3A_1541 = arith.constant 0 : i32
    %dma_start3A_1542 = tpu.memref_slice %arg7[%dma_start3A_1540, %dma_start3A_1541] : memref<5120x128xf32, #tpu.memory_space<vmem_shared>> -> memref<5120x128xf32, #tpu.memory_space<vmem_shared>>
    tpu.enqueue_indirect_dma source(%dma_start3A_1536 : memref<128x128xf32, #tpu.memory_space<vmem>>) target(%dma_start3A_1542 : memref<5120x128xf32, #tpu.memory_space<vmem_shared>>) offsets(%dma_start3A_1539 : memref<128xi32, #tpu.memory_space<vmem>>) semaphore(%arg8 : memref<!tpu.dma_semaphore, #tpu.memory_space<semaphore_mem>>) {add = true}
    %dma_start3A_1543 = arith.constant 73 : i32
    %dma_start3A_1544 = arith.constant 128 : i32
    %dma_start3A_1545 = arith.constant 0 : i32
    %dma_start3A_1546 = tpu.memref_slice %arg6[%dma_start3A_1544, %dma_start3A_1545] : memref<256x128xf32, #tpu.memory_space<vmem>> -> memref<128x128xf32, #tpu.memory_space<vmem>>
    %dma_start3A_1547 = arith.constant 0 : i32
    %dma_start3A_1548 = tpu.memref_slice %arg5[%dma_start3A_1543, %dma_start3A_1547] : memref<80x128xi32, #tpu.memory_space<vmem>> -> memref<1x128xi32, #tpu.memory_space<vmem>>
    %dma_start3A_1549 = tpu.memref_squeeze %dma_start3A_1548 : memref<1x128xi32, #tpu.memory_space<vmem>> -> memref<128xi32, #tpu.memory_space<vmem>>
    %dma_start3A_1550 = arith.constant 0 : i32
    %dma_start3A_1551 = arith.constant 0 : i32
    %dma_start3A_1552 = tpu.memref_slice %arg7[%dma_start3A_1550, %dma_start3A_1551] : memref<5120x128xf32, #tpu.memory_space<vmem_shared>> -> memref<5120x128xf32, #tpu.memory_space<vmem_shared>>
    tpu.enqueue_indirect_dma source(%dma_start3A_1546 : memref<128x128xf32, #tpu.memory_space<vmem>>) target(%dma_start3A_1552 : memref<5120x128xf32, #tpu.memory_space<vmem_shared>>) offsets(%dma_start3A_1549 : memref<128xi32, #tpu.memory_space<vmem>>) semaphore(%arg8 : memref<!tpu.dma_semaphore, #tpu.memory_space<semaphore_mem>>) {add = true}
    %dma_wait3A_1553 = arith.constant 72 : i32
    %dma_wait3A_1554 = arith.constant 0 : i32
    %dma_wait3A_1555 = arith.constant 0 : i32
    %dma_wait3A_1556 = tpu.memref_slice %arg6[%dma_wait3A_1554, %dma_wait3A_1555] : memref<256x128xf32, #tpu.memory_space<vmem>> -> memref<128x128xf32, #tpu.memory_space<vmem>>
    %dma_wait3A_1557 = arith.constant 0 : i32
    %dma_wait3A_1558 = tpu.memref_slice %arg5[%dma_wait3A_1553, %dma_wait3A_1557] : memref<80x128xi32, #tpu.memory_space<vmem>> -> memref<1x128xi32, #tpu.memory_space<vmem>>
    %dma_wait3A_1559 = tpu.memref_squeeze %dma_wait3A_1558 : memref<1x128xi32, #tpu.memory_space<vmem>> -> memref<128xi32, #tpu.memory_space<vmem>>
    %dma_wait3A_1560 = arith.constant 0 : i32
    %dma_wait3A_1561 = arith.constant 0 : i32
    %dma_wait3A_1562 = tpu.memref_slice %arg7[%dma_wait3A_1560, %dma_wait3A_1561] : memref<5120x128xf32, #tpu.memory_space<vmem_shared>> -> memref<5120x128xf32, #tpu.memory_space<vmem_shared>>
    tpu.wait_indirect_dma semaphore(%arg8 : memref<!tpu.dma_semaphore, #tpu.memory_space<semaphore_mem>>) src(%dma_wait3A_1556 : memref<128x128xf32, #tpu.memory_space<vmem>>) dst(%dma_wait3A_1562 : memref<5120x128xf32, #tpu.memory_space<vmem_shared>>)
    %dma_wait3A_1563 = arith.constant 73 : i32
    %dma_wait3A_1564 = arith.constant 128 : i32
    %dma_wait3A_1565 = arith.constant 0 : i32
    %dma_wait3A_1566 = tpu.memref_slice %arg6[%dma_wait3A_1564, %dma_wait3A_1565] : memref<256x128xf32, #tpu.memory_space<vmem>> -> memref<128x128xf32, #tpu.memory_space<vmem>>
    %dma_wait3A_1567 = arith.constant 0 : i32
    %dma_wait3A_1568 = tpu.memref_slice %arg5[%dma_wait3A_1563, %dma_wait3A_1567] : memref<80x128xi32, #tpu.memory_space<vmem>> -> memref<1x128xi32, #tpu.memory_space<vmem>>
    %dma_wait3A_1569 = tpu.memref_squeeze %dma_wait3A_1568 : memref<1x128xi32, #tpu.memory_space<vmem>> -> memref<128xi32, #tpu.memory_space<vmem>>
    %dma_wait3A_1570 = arith.constant 0 : i32
    %dma_wait3A_1571 = arith.constant 0 : i32
    %dma_wait3A_1572 = tpu.memref_slice %arg7[%dma_wait3A_1570, %dma_wait3A_1571] : memref<5120x128xf32, #tpu.memory_space<vmem_shared>> -> memref<5120x128xf32, #tpu.memory_space<vmem_shared>>
    tpu.wait_indirect_dma semaphore(%arg8 : memref<!tpu.dma_semaphore, #tpu.memory_space<semaphore_mem>>) src(%dma_wait3A_1566 : memref<128x128xf32, #tpu.memory_space<vmem>>) dst(%dma_wait3A_1572 : memref<5120x128xf32, #tpu.memory_space<vmem_shared>>)
    %add3A_1573 = arith.constant 9472 : i32
    %add3A_1574 = arith.addi %mul3A_2, %add3A_1573 : i32
    "tpu.region"() ({
      %run_scoped3A = tpu.sem_alloc : memref<!tpu.dma_semaphore, #tpu.memory_space<semaphore_mem>>
      %dma_start3A_1704 = arith.constant 0 : i32
      %dma_start3A_1705 = tpu.memref_slice %arg2[%add3A_1574, %dma_start3A_1704] : memref<163840x128xf32, #tpu.memory_space<hbm>> -> memref<256x128xf32, #tpu.memory_space<hbm>>
      %dma_start3A_1706 = arith.constant 0 : i32
      %dma_start3A_1707 = tpu.memref_slice %arg2[%add3A_1574, %dma_start3A_1706] : memref<163840x128xf32, #tpu.memory_space<hbm>> -> memref<256x128xf32, #tpu.memory_space<hbm>>
      tpu.enqueue_dma source(%dma_start3A_1707 : memref<256x128xf32, #tpu.memory_space<hbm>>) target(%arg6 : memref<256x128xf32, #tpu.memory_space<vmem>>) target_semaphore(%run_scoped3A : memref<!tpu.dma_semaphore, #tpu.memory_space<semaphore_mem>>)
      %dma_wait3A_1708 = arith.constant 0 : i32
      %dma_wait3A_1709 = tpu.memref_slice %arg2[%add3A_1574, %dma_wait3A_1708] : memref<163840x128xf32, #tpu.memory_space<hbm>> -> memref<256x128xf32, #tpu.memory_space<hbm>>
      %dma_wait3A_1710 = arith.constant 0 : i32
      %dma_wait3A_1711 = tpu.memref_slice %arg2[%add3A_1574, %dma_wait3A_1710] : memref<163840x128xf32, #tpu.memory_space<hbm>> -> memref<256x128xf32, #tpu.memory_space<hbm>>
      tpu.wait_dma2 semaphore(%run_scoped3A : memref<!tpu.dma_semaphore, #tpu.memory_space<semaphore_mem>>) src(%dma_wait3A_1711 : memref<256x128xf32, #tpu.memory_space<hbm>>) dst(%arg6 : memref<256x128xf32, #tpu.memory_space<vmem>>)
      tpu.yield
    }) : () -> ()
    %dma_start3A_1575 = arith.constant 74 : i32
    %dma_start3A_1576 = arith.constant 0 : i32
    %dma_start3A_1577 = arith.constant 0 : i32
    %dma_start3A_1578 = tpu.memref_slice %arg6[%dma_start3A_1576, %dma_start3A_1577] : memref<256x128xf32, #tpu.memory_space<vmem>> -> memref<128x128xf32, #tpu.memory_space<vmem>>
    %dma_start3A_1579 = arith.constant 0 : i32
    %dma_start3A_1580 = tpu.memref_slice %arg5[%dma_start3A_1575, %dma_start3A_1579] : memref<80x128xi32, #tpu.memory_space<vmem>> -> memref<1x128xi32, #tpu.memory_space<vmem>>
    %dma_start3A_1581 = tpu.memref_squeeze %dma_start3A_1580 : memref<1x128xi32, #tpu.memory_space<vmem>> -> memref<128xi32, #tpu.memory_space<vmem>>
    %dma_start3A_1582 = arith.constant 0 : i32
    %dma_start3A_1583 = arith.constant 0 : i32
    %dma_start3A_1584 = tpu.memref_slice %arg7[%dma_start3A_1582, %dma_start3A_1583] : memref<5120x128xf32, #tpu.memory_space<vmem_shared>> -> memref<5120x128xf32, #tpu.memory_space<vmem_shared>>
    tpu.enqueue_indirect_dma source(%dma_start3A_1578 : memref<128x128xf32, #tpu.memory_space<vmem>>) target(%dma_start3A_1584 : memref<5120x128xf32, #tpu.memory_space<vmem_shared>>) offsets(%dma_start3A_1581 : memref<128xi32, #tpu.memory_space<vmem>>) semaphore(%arg8 : memref<!tpu.dma_semaphore, #tpu.memory_space<semaphore_mem>>) {add = true}
    %dma_start3A_1585 = arith.constant 75 : i32
    %dma_start3A_1586 = arith.constant 128 : i32
    %dma_start3A_1587 = arith.constant 0 : i32
    %dma_start3A_1588 = tpu.memref_slice %arg6[%dma_start3A_1586, %dma_start3A_1587] : memref<256x128xf32, #tpu.memory_space<vmem>> -> memref<128x128xf32, #tpu.memory_space<vmem>>
    %dma_start3A_1589 = arith.constant 0 : i32
    %dma_start3A_1590 = tpu.memref_slice %arg5[%dma_start3A_1585, %dma_start3A_1589] : memref<80x128xi32, #tpu.memory_space<vmem>> -> memref<1x128xi32, #tpu.memory_space<vmem>>
    %dma_start3A_1591 = tpu.memref_squeeze %dma_start3A_1590 : memref<1x128xi32, #tpu.memory_space<vmem>> -> memref<128xi32, #tpu.memory_space<vmem>>
    %dma_start3A_1592 = arith.constant 0 : i32
    %dma_start3A_1593 = arith.constant 0 : i32
    %dma_start3A_1594 = tpu.memref_slice %arg7[%dma_start3A_1592, %dma_start3A_1593] : memref<5120x128xf32, #tpu.memory_space<vmem_shared>> -> memref<5120x128xf32, #tpu.memory_space<vmem_shared>>
    tpu.enqueue_indirect_dma source(%dma_start3A_1588 : memref<128x128xf32, #tpu.memory_space<vmem>>) target(%dma_start3A_1594 : memref<5120x128xf32, #tpu.memory_space<vmem_shared>>) offsets(%dma_start3A_1591 : memref<128xi32, #tpu.memory_space<vmem>>) semaphore(%arg8 : memref<!tpu.dma_semaphore, #tpu.memory_space<semaphore_mem>>) {add = true}
    %dma_wait3A_1595 = arith.constant 74 : i32
    %dma_wait3A_1596 = arith.constant 0 : i32
    %dma_wait3A_1597 = arith.constant 0 : i32
    %dma_wait3A_1598 = tpu.memref_slice %arg6[%dma_wait3A_1596, %dma_wait3A_1597] : memref<256x128xf32, #tpu.memory_space<vmem>> -> memref<128x128xf32, #tpu.memory_space<vmem>>
    %dma_wait3A_1599 = arith.constant 0 : i32
    %dma_wait3A_1600 = tpu.memref_slice %arg5[%dma_wait3A_1595, %dma_wait3A_1599] : memref<80x128xi32, #tpu.memory_space<vmem>> -> memref<1x128xi32, #tpu.memory_space<vmem>>
    %dma_wait3A_1601 = tpu.memref_squeeze %dma_wait3A_1600 : memref<1x128xi32, #tpu.memory_space<vmem>> -> memref<128xi32, #tpu.memory_space<vmem>>
    %dma_wait3A_1602 = arith.constant 0 : i32
    %dma_wait3A_1603 = arith.constant 0 : i32
    %dma_wait3A_1604 = tpu.memref_slice %arg7[%dma_wait3A_1602, %dma_wait3A_1603] : memref<5120x128xf32, #tpu.memory_space<vmem_shared>> -> memref<5120x128xf32, #tpu.memory_space<vmem_shared>>
    tpu.wait_indirect_dma semaphore(%arg8 : memref<!tpu.dma_semaphore, #tpu.memory_space<semaphore_mem>>) src(%dma_wait3A_1598 : memref<128x128xf32, #tpu.memory_space<vmem>>) dst(%dma_wait3A_1604 : memref<5120x128xf32, #tpu.memory_space<vmem_shared>>)
    %dma_wait3A_1605 = arith.constant 75 : i32
    %dma_wait3A_1606 = arith.constant 128 : i32
    %dma_wait3A_1607 = arith.constant 0 : i32
    %dma_wait3A_1608 = tpu.memref_slice %arg6[%dma_wait3A_1606, %dma_wait3A_1607] : memref<256x128xf32, #tpu.memory_space<vmem>> -> memref<128x128xf32, #tpu.memory_space<vmem>>
    %dma_wait3A_1609 = arith.constant 0 : i32
    %dma_wait3A_1610 = tpu.memref_slice %arg5[%dma_wait3A_1605, %dma_wait3A_1609] : memref<80x128xi32, #tpu.memory_space<vmem>> -> memref<1x128xi32, #tpu.memory_space<vmem>>
    %dma_wait3A_1611 = tpu.memref_squeeze %dma_wait3A_1610 : memref<1x128xi32, #tpu.memory_space<vmem>> -> memref<128xi32, #tpu.memory_space<vmem>>
    %dma_wait3A_1612 = arith.constant 0 : i32
    %dma_wait3A_1613 = arith.constant 0 : i32
    %dma_wait3A_1614 = tpu.memref_slice %arg7[%dma_wait3A_1612, %dma_wait3A_1613] : memref<5120x128xf32, #tpu.memory_space<vmem_shared>> -> memref<5120x128xf32, #tpu.memory_space<vmem_shared>>
    tpu.wait_indirect_dma semaphore(%arg8 : memref<!tpu.dma_semaphore, #tpu.memory_space<semaphore_mem>>) src(%dma_wait3A_1608 : memref<128x128xf32, #tpu.memory_space<vmem>>) dst(%dma_wait3A_1614 : memref<5120x128xf32, #tpu.memory_space<vmem_shared>>)
    %add3A_1615 = arith.constant 9728 : i32
    %add3A_1616 = arith.addi %mul3A_2, %add3A_1615 : i32
    "tpu.region"() ({
      %run_scoped3A = tpu.sem_alloc : memref<!tpu.dma_semaphore, #tpu.memory_space<semaphore_mem>>
      %dma_start3A_1704 = arith.constant 0 : i32
      %dma_start3A_1705 = tpu.memref_slice %arg2[%add3A_1616, %dma_start3A_1704] : memref<163840x128xf32, #tpu.memory_space<hbm>> -> memref<256x128xf32, #tpu.memory_space<hbm>>
      %dma_start3A_1706 = arith.constant 0 : i32
      %dma_start3A_1707 = tpu.memref_slice %arg2[%add3A_1616, %dma_start3A_1706] : memref<163840x128xf32, #tpu.memory_space<hbm>> -> memref<256x128xf32, #tpu.memory_space<hbm>>
      tpu.enqueue_dma source(%dma_start3A_1707 : memref<256x128xf32, #tpu.memory_space<hbm>>) target(%arg6 : memref<256x128xf32, #tpu.memory_space<vmem>>) target_semaphore(%run_scoped3A : memref<!tpu.dma_semaphore, #tpu.memory_space<semaphore_mem>>)
      %dma_wait3A_1708 = arith.constant 0 : i32
      %dma_wait3A_1709 = tpu.memref_slice %arg2[%add3A_1616, %dma_wait3A_1708] : memref<163840x128xf32, #tpu.memory_space<hbm>> -> memref<256x128xf32, #tpu.memory_space<hbm>>
      %dma_wait3A_1710 = arith.constant 0 : i32
      %dma_wait3A_1711 = tpu.memref_slice %arg2[%add3A_1616, %dma_wait3A_1710] : memref<163840x128xf32, #tpu.memory_space<hbm>> -> memref<256x128xf32, #tpu.memory_space<hbm>>
      tpu.wait_dma2 semaphore(%run_scoped3A : memref<!tpu.dma_semaphore, #tpu.memory_space<semaphore_mem>>) src(%dma_wait3A_1711 : memref<256x128xf32, #tpu.memory_space<hbm>>) dst(%arg6 : memref<256x128xf32, #tpu.memory_space<vmem>>)
      tpu.yield
    }) : () -> ()
    %dma_start3A_1617 = arith.constant 76 : i32
    %dma_start3A_1618 = arith.constant 0 : i32
    %dma_start3A_1619 = arith.constant 0 : i32
    %dma_start3A_1620 = tpu.memref_slice %arg6[%dma_start3A_1618, %dma_start3A_1619] : memref<256x128xf32, #tpu.memory_space<vmem>> -> memref<128x128xf32, #tpu.memory_space<vmem>>
    %dma_start3A_1621 = arith.constant 0 : i32
    %dma_start3A_1622 = tpu.memref_slice %arg5[%dma_start3A_1617, %dma_start3A_1621] : memref<80x128xi32, #tpu.memory_space<vmem>> -> memref<1x128xi32, #tpu.memory_space<vmem>>
    %dma_start3A_1623 = tpu.memref_squeeze %dma_start3A_1622 : memref<1x128xi32, #tpu.memory_space<vmem>> -> memref<128xi32, #tpu.memory_space<vmem>>
    %dma_start3A_1624 = arith.constant 0 : i32
    %dma_start3A_1625 = arith.constant 0 : i32
    %dma_start3A_1626 = tpu.memref_slice %arg7[%dma_start3A_1624, %dma_start3A_1625] : memref<5120x128xf32, #tpu.memory_space<vmem_shared>> -> memref<5120x128xf32, #tpu.memory_space<vmem_shared>>
    tpu.enqueue_indirect_dma source(%dma_start3A_1620 : memref<128x128xf32, #tpu.memory_space<vmem>>) target(%dma_start3A_1626 : memref<5120x128xf32, #tpu.memory_space<vmem_shared>>) offsets(%dma_start3A_1623 : memref<128xi32, #tpu.memory_space<vmem>>) semaphore(%arg8 : memref<!tpu.dma_semaphore, #tpu.memory_space<semaphore_mem>>) {add = true}
    %dma_start3A_1627 = arith.constant 77 : i32
    %dma_start3A_1628 = arith.constant 128 : i32
    %dma_start3A_1629 = arith.constant 0 : i32
    %dma_start3A_1630 = tpu.memref_slice %arg6[%dma_start3A_1628, %dma_start3A_1629] : memref<256x128xf32, #tpu.memory_space<vmem>> -> memref<128x128xf32, #tpu.memory_space<vmem>>
    %dma_start3A_1631 = arith.constant 0 : i32
    %dma_start3A_1632 = tpu.memref_slice %arg5[%dma_start3A_1627, %dma_start3A_1631] : memref<80x128xi32, #tpu.memory_space<vmem>> -> memref<1x128xi32, #tpu.memory_space<vmem>>
    %dma_start3A_1633 = tpu.memref_squeeze %dma_start3A_1632 : memref<1x128xi32, #tpu.memory_space<vmem>> -> memref<128xi32, #tpu.memory_space<vmem>>
    %dma_start3A_1634 = arith.constant 0 : i32
    %dma_start3A_1635 = arith.constant 0 : i32
    %dma_start3A_1636 = tpu.memref_slice %arg7[%dma_start3A_1634, %dma_start3A_1635] : memref<5120x128xf32, #tpu.memory_space<vmem_shared>> -> memref<5120x128xf32, #tpu.memory_space<vmem_shared>>
    tpu.enqueue_indirect_dma source(%dma_start3A_1630 : memref<128x128xf32, #tpu.memory_space<vmem>>) target(%dma_start3A_1636 : memref<5120x128xf32, #tpu.memory_space<vmem_shared>>) offsets(%dma_start3A_1633 : memref<128xi32, #tpu.memory_space<vmem>>) semaphore(%arg8 : memref<!tpu.dma_semaphore, #tpu.memory_space<semaphore_mem>>) {add = true}
    %dma_wait3A_1637 = arith.constant 76 : i32
    %dma_wait3A_1638 = arith.constant 0 : i32
    %dma_wait3A_1639 = arith.constant 0 : i32
    %dma_wait3A_1640 = tpu.memref_slice %arg6[%dma_wait3A_1638, %dma_wait3A_1639] : memref<256x128xf32, #tpu.memory_space<vmem>> -> memref<128x128xf32, #tpu.memory_space<vmem>>
    %dma_wait3A_1641 = arith.constant 0 : i32
    %dma_wait3A_1642 = tpu.memref_slice %arg5[%dma_wait3A_1637, %dma_wait3A_1641] : memref<80x128xi32, #tpu.memory_space<vmem>> -> memref<1x128xi32, #tpu.memory_space<vmem>>
    %dma_wait3A_1643 = tpu.memref_squeeze %dma_wait3A_1642 : memref<1x128xi32, #tpu.memory_space<vmem>> -> memref<128xi32, #tpu.memory_space<vmem>>
    %dma_wait3A_1644 = arith.constant 0 : i32
    %dma_wait3A_1645 = arith.constant 0 : i32
    %dma_wait3A_1646 = tpu.memref_slice %arg7[%dma_wait3A_1644, %dma_wait3A_1645] : memref<5120x128xf32, #tpu.memory_space<vmem_shared>> -> memref<5120x128xf32, #tpu.memory_space<vmem_shared>>
    tpu.wait_indirect_dma semaphore(%arg8 : memref<!tpu.dma_semaphore, #tpu.memory_space<semaphore_mem>>) src(%dma_wait3A_1640 : memref<128x128xf32, #tpu.memory_space<vmem>>) dst(%dma_wait3A_1646 : memref<5120x128xf32, #tpu.memory_space<vmem_shared>>)
    %dma_wait3A_1647 = arith.constant 77 : i32
    %dma_wait3A_1648 = arith.constant 128 : i32
    %dma_wait3A_1649 = arith.constant 0 : i32
    %dma_wait3A_1650 = tpu.memref_slice %arg6[%dma_wait3A_1648, %dma_wait3A_1649] : memref<256x128xf32, #tpu.memory_space<vmem>> -> memref<128x128xf32, #tpu.memory_space<vmem>>
    %dma_wait3A_1651 = arith.constant 0 : i32
    %dma_wait3A_1652 = tpu.memref_slice %arg5[%dma_wait3A_1647, %dma_wait3A_1651] : memref<80x128xi32, #tpu.memory_space<vmem>> -> memref<1x128xi32, #tpu.memory_space<vmem>>
    %dma_wait3A_1653 = tpu.memref_squeeze %dma_wait3A_1652 : memref<1x128xi32, #tpu.memory_space<vmem>> -> memref<128xi32, #tpu.memory_space<vmem>>
    %dma_wait3A_1654 = arith.constant 0 : i32
    %dma_wait3A_1655 = arith.constant 0 : i32
    %dma_wait3A_1656 = tpu.memref_slice %arg7[%dma_wait3A_1654, %dma_wait3A_1655] : memref<5120x128xf32, #tpu.memory_space<vmem_shared>> -> memref<5120x128xf32, #tpu.memory_space<vmem_shared>>
    tpu.wait_indirect_dma semaphore(%arg8 : memref<!tpu.dma_semaphore, #tpu.memory_space<semaphore_mem>>) src(%dma_wait3A_1650 : memref<128x128xf32, #tpu.memory_space<vmem>>) dst(%dma_wait3A_1656 : memref<5120x128xf32, #tpu.memory_space<vmem_shared>>)
    %add3A_1657 = arith.constant 9984 : i32
    %add3A_1658 = arith.addi %mul3A_2, %add3A_1657 : i32
    "tpu.region"() ({
      %run_scoped3A = tpu.sem_alloc : memref<!tpu.dma_semaphore, #tpu.memory_space<semaphore_mem>>
      %dma_start3A_1704 = arith.constant 0 : i32
      %dma_start3A_1705 = tpu.memref_slice %arg2[%add3A_1658, %dma_start3A_1704] : memref<163840x128xf32, #tpu.memory_space<hbm>> -> memref<256x128xf32, #tpu.memory_space<hbm>>
      %dma_start3A_1706 = arith.constant 0 : i32
      %dma_start3A_1707 = tpu.memref_slice %arg2[%add3A_1658, %dma_start3A_1706] : memref<163840x128xf32, #tpu.memory_space<hbm>> -> memref<256x128xf32, #tpu.memory_space<hbm>>
      tpu.enqueue_dma source(%dma_start3A_1707 : memref<256x128xf32, #tpu.memory_space<hbm>>) target(%arg6 : memref<256x128xf32, #tpu.memory_space<vmem>>) target_semaphore(%run_scoped3A : memref<!tpu.dma_semaphore, #tpu.memory_space<semaphore_mem>>)
      %dma_wait3A_1708 = arith.constant 0 : i32
      %dma_wait3A_1709 = tpu.memref_slice %arg2[%add3A_1658, %dma_wait3A_1708] : memref<163840x128xf32, #tpu.memory_space<hbm>> -> memref<256x128xf32, #tpu.memory_space<hbm>>
      %dma_wait3A_1710 = arith.constant 0 : i32
      %dma_wait3A_1711 = tpu.memref_slice %arg2[%add3A_1658, %dma_wait3A_1710] : memref<163840x128xf32, #tpu.memory_space<hbm>> -> memref<256x128xf32, #tpu.memory_space<hbm>>
      tpu.wait_dma2 semaphore(%run_scoped3A : memref<!tpu.dma_semaphore, #tpu.memory_space<semaphore_mem>>) src(%dma_wait3A_1711 : memref<256x128xf32, #tpu.memory_space<hbm>>) dst(%arg6 : memref<256x128xf32, #tpu.memory_space<vmem>>)
      tpu.yield
    }) : () -> ()
    %dma_start3A_1659 = arith.constant 78 : i32
    %dma_start3A_1660 = arith.constant 0 : i32
    %dma_start3A_1661 = arith.constant 0 : i32
    %dma_start3A_1662 = tpu.memref_slice %arg6[%dma_start3A_1660, %dma_start3A_1661] : memref<256x128xf32, #tpu.memory_space<vmem>> -> memref<128x128xf32, #tpu.memory_space<vmem>>
    %dma_start3A_1663 = arith.constant 0 : i32
    %dma_start3A_1664 = tpu.memref_slice %arg5[%dma_start3A_1659, %dma_start3A_1663] : memref<80x128xi32, #tpu.memory_space<vmem>> -> memref<1x128xi32, #tpu.memory_space<vmem>>
    %dma_start3A_1665 = tpu.memref_squeeze %dma_start3A_1664 : memref<1x128xi32, #tpu.memory_space<vmem>> -> memref<128xi32, #tpu.memory_space<vmem>>
    %dma_start3A_1666 = arith.constant 0 : i32
    %dma_start3A_1667 = arith.constant 0 : i32
    %dma_start3A_1668 = tpu.memref_slice %arg7[%dma_start3A_1666, %dma_start3A_1667] : memref<5120x128xf32, #tpu.memory_space<vmem_shared>> -> memref<5120x128xf32, #tpu.memory_space<vmem_shared>>
    tpu.enqueue_indirect_dma source(%dma_start3A_1662 : memref<128x128xf32, #tpu.memory_space<vmem>>) target(%dma_start3A_1668 : memref<5120x128xf32, #tpu.memory_space<vmem_shared>>) offsets(%dma_start3A_1665 : memref<128xi32, #tpu.memory_space<vmem>>) semaphore(%arg8 : memref<!tpu.dma_semaphore, #tpu.memory_space<semaphore_mem>>) {add = true}
    %dma_start3A_1669 = arith.constant 79 : i32
    %dma_start3A_1670 = arith.constant 128 : i32
    %dma_start3A_1671 = arith.constant 0 : i32
    %dma_start3A_1672 = tpu.memref_slice %arg6[%dma_start3A_1670, %dma_start3A_1671] : memref<256x128xf32, #tpu.memory_space<vmem>> -> memref<128x128xf32, #tpu.memory_space<vmem>>
    %dma_start3A_1673 = arith.constant 0 : i32
    %dma_start3A_1674 = tpu.memref_slice %arg5[%dma_start3A_1669, %dma_start3A_1673] : memref<80x128xi32, #tpu.memory_space<vmem>> -> memref<1x128xi32, #tpu.memory_space<vmem>>
    %dma_start3A_1675 = tpu.memref_squeeze %dma_start3A_1674 : memref<1x128xi32, #tpu.memory_space<vmem>> -> memref<128xi32, #tpu.memory_space<vmem>>
    %dma_start3A_1676 = arith.constant 0 : i32
    %dma_start3A_1677 = arith.constant 0 : i32
    %dma_start3A_1678 = tpu.memref_slice %arg7[%dma_start3A_1676, %dma_start3A_1677] : memref<5120x128xf32, #tpu.memory_space<vmem_shared>> -> memref<5120x128xf32, #tpu.memory_space<vmem_shared>>
    tpu.enqueue_indirect_dma source(%dma_start3A_1672 : memref<128x128xf32, #tpu.memory_space<vmem>>) target(%dma_start3A_1678 : memref<5120x128xf32, #tpu.memory_space<vmem_shared>>) offsets(%dma_start3A_1675 : memref<128xi32, #tpu.memory_space<vmem>>) semaphore(%arg8 : memref<!tpu.dma_semaphore, #tpu.memory_space<semaphore_mem>>) {add = true}
    %dma_wait3A_1679 = arith.constant 78 : i32
    %dma_wait3A_1680 = arith.constant 0 : i32
    %dma_wait3A_1681 = arith.constant 0 : i32
    %dma_wait3A_1682 = tpu.memref_slice %arg6[%dma_wait3A_1680, %dma_wait3A_1681] : memref<256x128xf32, #tpu.memory_space<vmem>> -> memref<128x128xf32, #tpu.memory_space<vmem>>
    %dma_wait3A_1683 = arith.constant 0 : i32
    %dma_wait3A_1684 = tpu.memref_slice %arg5[%dma_wait3A_1679, %dma_wait3A_1683] : memref<80x128xi32, #tpu.memory_space<vmem>> -> memref<1x128xi32, #tpu.memory_space<vmem>>
    %dma_wait3A_1685 = tpu.memref_squeeze %dma_wait3A_1684 : memref<1x128xi32, #tpu.memory_space<vmem>> -> memref<128xi32, #tpu.memory_space<vmem>>
    %dma_wait3A_1686 = arith.constant 0 : i32
    %dma_wait3A_1687 = arith.constant 0 : i32
    %dma_wait3A_1688 = tpu.memref_slice %arg7[%dma_wait3A_1686, %dma_wait3A_1687] : memref<5120x128xf32, #tpu.memory_space<vmem_shared>> -> memref<5120x128xf32, #tpu.memory_space<vmem_shared>>
    tpu.wait_indirect_dma semaphore(%arg8 : memref<!tpu.dma_semaphore, #tpu.memory_space<semaphore_mem>>) src(%dma_wait3A_1682 : memref<128x128xf32, #tpu.memory_space<vmem>>) dst(%dma_wait3A_1688 : memref<5120x128xf32, #tpu.memory_space<vmem_shared>>)
    %dma_wait3A_1689 = arith.constant 79 : i32
    %dma_wait3A_1690 = arith.constant 128 : i32
    %dma_wait3A_1691 = arith.constant 0 : i32
    %dma_wait3A_1692 = tpu.memref_slice %arg6[%dma_wait3A_1690, %dma_wait3A_1691] : memref<256x128xf32, #tpu.memory_space<vmem>> -> memref<128x128xf32, #tpu.memory_space<vmem>>
    %dma_wait3A_1693 = arith.constant 0 : i32
    %dma_wait3A_1694 = tpu.memref_slice %arg5[%dma_wait3A_1689, %dma_wait3A_1693] : memref<80x128xi32, #tpu.memory_space<vmem>> -> memref<1x128xi32, #tpu.memory_space<vmem>>
    %dma_wait3A_1695 = tpu.memref_squeeze %dma_wait3A_1694 : memref<1x128xi32, #tpu.memory_space<vmem>> -> memref<128xi32, #tpu.memory_space<vmem>>
    %dma_wait3A_1696 = arith.constant 0 : i32
    %dma_wait3A_1697 = arith.constant 0 : i32
    %dma_wait3A_1698 = tpu.memref_slice %arg7[%dma_wait3A_1696, %dma_wait3A_1697] : memref<5120x128xf32, #tpu.memory_space<vmem_shared>> -> memref<5120x128xf32, #tpu.memory_space<vmem_shared>>
    tpu.wait_indirect_dma semaphore(%arg8 : memref<!tpu.dma_semaphore, #tpu.memory_space<semaphore_mem>>) src(%dma_wait3A_1692 : memref<128x128xf32, #tpu.memory_space<vmem>>) dst(%dma_wait3A_1698 : memref<5120x128xf32, #tpu.memory_space<vmem_shared>>)
    %barrier3A_1699 = arith.constant 0 : index
    tpu.barrier barrier_id(%barrier3A_1699)
    %mul3A_1700 = arith.constant 320 : i32
    %mul3A_1701 = arith.muli %arg1, %mul3A_1700 : i32
    %mul3A_1702 = arith.constant 320 : i32
    %mul3A_1703 = arith.muli %arg1, %mul3A_1702 : i32
    "tpu.region"() ({
      %run_scoped3A = tpu.sem_alloc : memref<!tpu.dma_semaphore, #tpu.memory_space<semaphore_mem>>
      %dma_start3A_1704 = arith.constant 0 : i32
      %dma_start3A_1705 = arith.constant 0 : i32
      %dma_start3A_1706 = tpu.memref_slice %arg4[%arg0, %dma_start3A_1704, %dma_start3A_1705] : memref<2x5120x48xf32, #tpu.memory_space<hbm>> -> memref<1x5120x48xf32, #tpu.memory_space<hbm>>
      %dma_start3A_1707 = tpu.memref_squeeze %dma_start3A_1706 : memref<1x5120x48xf32, #tpu.memory_space<hbm>> -> memref<5120x48xf32, #tpu.memory_space<hbm>>
      %dma_start3A_1708 = arith.constant 0 : i32
      %dma_start3A_1709 = tpu.memref_slice %dma_start3A_1707[%mul3A_1703, %dma_start3A_1708] : memref<5120x48xf32, #tpu.memory_space<hbm>> -> memref<320x48xf32, #tpu.memory_space<hbm>>
      %dma_start3A_1710 = arith.constant 0 : i32
      %dma_start3A_1711 = tpu.memref_slice %arg7[%mul3A_1701, %dma_start3A_1710] : memref<5120x128xf32, #tpu.memory_space<vmem_shared>> -> memref<320x48xf32, #tpu.memory_space<vmem_shared>>
      tpu.enqueue_dma source(%dma_start3A_1711 : memref<320x48xf32, #tpu.memory_space<vmem_shared>>) target(%dma_start3A_1709 : memref<320x48xf32, #tpu.memory_space<hbm>>) target_semaphore(%run_scoped3A : memref<!tpu.dma_semaphore, #tpu.memory_space<semaphore_mem>>)
      %dma_wait3A_1712 = arith.constant 0 : i32
      %dma_wait3A_1713 = arith.constant 0 : i32
      %dma_wait3A_1714 = tpu.memref_slice %arg4[%arg0, %dma_wait3A_1712, %dma_wait3A_1713] : memref<2x5120x48xf32, #tpu.memory_space<hbm>> -> memref<1x5120x48xf32, #tpu.memory_space<hbm>>
      %dma_wait3A_1715 = tpu.memref_squeeze %dma_wait3A_1714 : memref<1x5120x48xf32, #tpu.memory_space<hbm>> -> memref<5120x48xf32, #tpu.memory_space<hbm>>
      %dma_wait3A_1716 = arith.constant 0 : i32
      %dma_wait3A_1717 = tpu.memref_slice %dma_wait3A_1715[%mul3A_1703, %dma_wait3A_1716] : memref<5120x48xf32, #tpu.memory_space<hbm>> -> memref<320x48xf32, #tpu.memory_space<hbm>>
      %dma_wait3A_1718 = arith.constant 0 : i32
      %dma_wait3A_1719 = tpu.memref_slice %arg7[%mul3A_1701, %dma_wait3A_1718] : memref<5120x128xf32, #tpu.memory_space<vmem_shared>> -> memref<320x48xf32, #tpu.memory_space<vmem_shared>>
      tpu.wait_dma2 semaphore(%run_scoped3A : memref<!tpu.dma_semaphore, #tpu.memory_space<semaphore_mem>>) src(%dma_wait3A_1719 : memref<320x48xf32, #tpu.memory_space<vmem_shared>>) dst(%dma_wait3A_1717 : memref<320x48xf32, #tpu.memory_space<hbm>>)
      tpu.yield
    }) : () -> ()
    return
  }
}

module attributes {stable_mosaic.version = 14 : i64} {
  func.func @_bn_stats_body(%arg0: i32, %arg1: memref<3200x16xf32, #tpu.memory_space<vmem>>, %arg2: memref<8x16xf32, #tpu.memory_space<vmem>>, %arg3: memref<8x16xf32, #tpu.memory_space<vmem>>, %arg4: memref<16x3200xf32, #tpu.memory_space<vmem>>) attributes {dimension_semantics = [#tpu.dimension_semantics<arbitrary>], iteration_bounds = array<i64: 50>, scalar_prefetch = 0 : i64, scratch_operands = 0 : i64, tpu.core_type = #tpu.core_type<tc>, window_params = [{transform_indices = @transform_0, window_bounds = array<i64: 3200, 16>}, {pipeline_mode = #tpu.pipeline_mode<synchronous>, transform_indices = @transform_1, window_bounds = array<i64: 8, 16>}, {pipeline_mode = #tpu.pipeline_mode<synchronous>, transform_indices = @transform_2, window_bounds = array<i64: 8, 16>}, {transform_indices = @transform_3, window_bounds = array<i64: 16, 3200>}]} {
    %eq3A = arith.constant 0 : i32
    %eq3A_0 = arith.cmpi eq, %arg0, %eq3A : i32
    %convert_element_type3A = arith.extui %eq3A_0 : i1 to i32
    %cond3A = arith.constant 0 : i32
    %cond3A_1 = arith.cmpi ne, %convert_element_type3A, %cond3A : i32
    scf.if %cond3A_1 {
      %broadcast_in_dim3A_23 = arith.constant 0.000000e+00 : f32
      %broadcast_in_dim3A_24 = vector.broadcast %broadcast_in_dim3A_23 : f32 to vector<8x16xf32>
      %swap3A_25 = arith.constant 0 : index
      %swap3A_26 = arith.constant 0 : index
      %swap3A_27 = vector.load %arg2[%swap3A_25, %swap3A_26] : memref<8x16xf32, #tpu.memory_space<vmem>>, vector<8x16xf32>
      tpu.vector_store %arg2[%swap3A_25, %swap3A_26], %broadcast_in_dim3A_24 {strides = array<i32>} : memref<8x16xf32, #tpu.memory_space<vmem>>, vector<8x16xf32>,
      %broadcast_in_dim3A_28 = arith.constant 0.000000e+00 : f32
      %broadcast_in_dim3A_29 = vector.broadcast %broadcast_in_dim3A_28 : f32 to vector<8x16xf32>
      %swap3A_30 = arith.constant 0 : index
      %swap3A_31 = arith.constant 0 : index
      %swap3A_32 = vector.load %arg3[%swap3A_30, %swap3A_31] : memref<8x16xf32, #tpu.memory_space<vmem>>, vector<8x16xf32>
      tpu.vector_store %arg3[%swap3A_30, %swap3A_31], %broadcast_in_dim3A_29 {strides = array<i32>} : memref<8x16xf32, #tpu.memory_space<vmem>>, vector<8x16xf32>,
    } else {
    }
    %get3A = arith.constant 0 : index
    %get3A_2 = arith.constant 0 : index
    %get3A_3 = vector.load %arg1[%get3A, %get3A_2] : memref<3200x16xf32, #tpu.memory_space<vmem>>, vector<3200x16xf32>
    %get3A_4 = arith.constant 0 : index
    %get3A_5 = arith.constant 0 : index
    %get3A_6 = vector.load %arg2[%get3A_4, %get3A_5] : memref<8x16xf32, #tpu.memory_space<vmem>>, vector<1x16xf32>
    %reduce_sum3A = arith.constant dense<0.000000e+00> : vector<16xf32>
    %reduce_sum3A_7 = vector.multi_reduction <add>, %get3A_3, %reduce_sum3A [0] : vector<3200x16xf32> to vector<16xf32>
    %broadcast_in_dim3A = vector.shape_cast %reduce_sum3A_7 : vector<16xf32> to vector<1x16xf32>
    %add3A = arith.addf %get3A_6, %broadcast_in_dim3A : vector<1x16xf32>
    %swap3A = arith.constant 0 : index
    %swap3A_8 = arith.constant 0 : index
    %swap3A_9 = vector.load %arg2[%swap3A, %swap3A_8] : memref<8x16xf32, #tpu.memory_space<vmem>>, vector<1x16xf32>
    tpu.vector_store %arg2[%swap3A, %swap3A_8], %add3A {strides = array<i32>} : memref<8x16xf32, #tpu.memory_space<vmem>>, vector<1x16xf32>,
    %get3A_10 = arith.constant 0 : index
    %get3A_11 = arith.constant 0 : index
    %get3A_12 = vector.load %arg3[%get3A_10, %get3A_11] : memref<8x16xf32, #tpu.memory_space<vmem>>, vector<1x16xf32>
    %mul3A = arith.mulf %get3A_3, %get3A_3 : vector<3200x16xf32>
    %reduce_sum3A_13 = arith.constant dense<0.000000e+00> : vector<16xf32>
    %reduce_sum3A_14 = vector.multi_reduction <add>, %mul3A, %reduce_sum3A_13 [0] : vector<3200x16xf32> to vector<16xf32>
    %broadcast_in_dim3A_15 = vector.shape_cast %reduce_sum3A_14 : vector<16xf32> to vector<1x16xf32>
    %add3A_16 = arith.addf %get3A_12, %broadcast_in_dim3A_15 : vector<1x16xf32>
    %swap3A_17 = arith.constant 0 : index
    %swap3A_18 = arith.constant 0 : index
    %swap3A_19 = vector.load %arg3[%swap3A_17, %swap3A_18] : memref<8x16xf32, #tpu.memory_space<vmem>>, vector<1x16xf32>
    tpu.vector_store %arg3[%swap3A_17, %swap3A_18], %add3A_16 {strides = array<i32>} : memref<8x16xf32, #tpu.memory_space<vmem>>, vector<1x16xf32>,
    %transpose3A = tpu.transpose %get3A_3, [1, 0] : vector<3200x16xf32> -> vector<16x3200xf32>
    %swap3A_20 = arith.constant 0 : index
    %swap3A_21 = arith.constant 0 : index
    %swap3A_22 = vector.load %arg4[%swap3A_20, %swap3A_21] : memref<16x3200xf32, #tpu.memory_space<vmem>>, vector<16x3200xf32>
    tpu.vector_store %arg4[%swap3A_20, %swap3A_21], %transpose3A {strides = array<i32>} : memref<16x3200xf32, #tpu.memory_space<vmem>>, vector<16x3200xf32>,
    return
  }
  func.func @transform_0(%arg0: i32) -> (i32, i32) {
    %c0_i32 = arith.constant 0 : i32
    %c0_i32_0 = arith.constant 0 : i32
    return %arg0, %c0_i32 : i32, i32
  }
  func.func @transform_1(%arg0: i32) -> (i32, i32) {
    %c0_i32 = arith.constant 0 : i32
    %c0_i32_0 = arith.constant 0 : i32
    %c0_i32_1 = arith.constant 0 : i32
    return %c0_i32, %c0_i32_0 : i32, i32
  }
  func.func @transform_2(%arg0: i32) -> (i32, i32) {
    %c0_i32 = arith.constant 0 : i32
    %c0_i32_0 = arith.constant 0 : i32
    %c0_i32_1 = arith.constant 0 : i32
    return %c0_i32, %c0_i32_0 : i32, i32
  }
  func.func @transform_3(%arg0: i32) -> (i32, i32) {
    %c0_i32 = arith.constant 0 : i32
    %c0_i32_0 = arith.constant 0 : i32
    return %c0_i32, %arg0 : i32, i32
  }
}

module attributes {stable_mosaic.version = 14 : i64} {
  func.func @_edge_msg_body(%arg0: i32, %arg1: memref<16x2048xf32, #tpu.memory_space<vmem>>, %arg2: memref<2048x32xf32, #tpu.memory_space<vmem>>, %arg3: memref<8x16xf32, #tpu.memory_space<vmem>>, %arg4: memref<8x16xf32, #tpu.memory_space<vmem>>, %arg5: memref<1x16xf32, #tpu.memory_space<vmem>>, %arg6: memref<1x16xf32, #tpu.memory_space<vmem>>, %arg7: memref<16x512xbf16, #tpu.memory_space<vmem>>, %arg8: memref<32x512xbf16, #tpu.memory_space<vmem>>, %arg9: memref<512x128xbf16, #tpu.memory_space<vmem>>, %arg10: memref<32x128xbf16, #tpu.memory_space<vmem>>, %arg11: memref<1x128xf32, #tpu.memory_space<vmem>>, %arg12: memref<2048x128xf32, #tpu.memory_space<vmem>>) attributes {dimension_semantics = [#tpu.dimension_semantics<arbitrary>], iteration_bounds = array<i64: 80>, scalar_prefetch = 0 : i64, scratch_operands = 0 : i64, tpu.core_type = #tpu.core_type<tc>, window_params = [{transform_indices = @transform_0, window_bounds = array<i64: 16, 2048>}, {transform_indices = @transform_1, window_bounds = array<i64: 2048, 32>}, {pipeline_mode = #tpu.pipeline_mode<synchronous>, transform_indices = @transform_2, window_bounds = array<i64: 8, 16>}, {pipeline_mode = #tpu.pipeline_mode<synchronous>, transform_indices = @transform_3, window_bounds = array<i64: 8, 16>}, {pipeline_mode = #tpu.pipeline_mode<synchronous>, transform_indices = @transform_4, window_bounds = array<i64: 1, 16>}, {pipeline_mode = #tpu.pipeline_mode<synchronous>, transform_indices = @transform_5, window_bounds = array<i64: 1, 16>}, {pipeline_mode = #tpu.pipeline_mode<synchronous>, transform_indices = @transform_6, window_bounds = array<i64: 16, 512>}, {pipeline_mode = #tpu.pipeline_mode<synchronous>, transform_indices = @transform_7, window_bounds = array<i64: 32, 512>}, {pipeline_mode = #tpu.pipeline_mode<synchronous>, transform_indices = @transform_8, window_bounds = array<i64: 512, 128>}, {pipeline_mode = #tpu.pipeline_mode<synchronous>, transform_indices = @transform_9, window_bounds = array<i64: 32, 128>}, {pipeline_mode = #tpu.pipeline_mode<synchronous>, transform_indices = @transform_10, window_bounds = array<i64: 1, 128>}, {transform_indices = @transform_11, window_bounds = array<i64: 2048, 128>}]} {
    %get3A = arith.constant 0 : index
    %get3A_0 = arith.constant 0 : index
    %get3A_1 = vector.load %arg3[%get3A, %get3A_0] : memref<8x16xf32, #tpu.memory_space<vmem>>, vector<1x16xf32>
    %mul3A = arith.constant 6.250000e-06 : f32
    %mul3A_2 = vector.broadcast %mul3A : f32 to vector<1x16xf32>
    %mul3A_3 = arith.mulf %get3A_1, %mul3A_2 : vector<1x16xf32>
    %get3A_4 = arith.constant 0 : index
    %get3A_5 = arith.constant 0 : index
    %get3A_6 = vector.load %arg4[%get3A_4, %get3A_5] : memref<8x16xf32, #tpu.memory_space<vmem>>, vector<1x16xf32>
    %mul3A_7 = arith.constant 6.250000e-06 : f32
    %mul3A_8 = vector.broadcast %mul3A_7 : f32 to vector<1x16xf32>
    %mul3A_9 = arith.mulf %get3A_6, %mul3A_8 : vector<1x16xf32>
    %mul3A_10 = arith.mulf %mul3A_3, %mul3A_3 : vector<1x16xf32>
    %sub3A = arith.subf %mul3A_9, %mul3A_10 : vector<1x16xf32>
    %get3A_11 = arith.constant 0 : index
    %get3A_12 = arith.constant 0 : index
    %get3A_13 = vector.load %arg5[%get3A_11, %get3A_12] : memref<1x16xf32, #tpu.memory_space<vmem>>, vector<1x16xf32>
    %add3A = arith.constant 9.99999974E-6 : f32
    %add3A_14 = vector.broadcast %add3A : f32 to vector<1x16xf32>
    %add3A_15 = arith.addf %sub3A, %add3A_14 : vector<1x16xf32>
    %rsqrt3A = math.rsqrt %add3A_15 : vector<1x16xf32>
    %mul3A_16 = arith.mulf %get3A_13, %rsqrt3A : vector<1x16xf32>
    %get3A_17 = arith.constant 0 : index
    %get3A_18 = arith.constant 0 : index
    %get3A_19 = vector.load %arg1[%get3A_17, %get3A_18] : memref<16x2048xf32, #tpu.memory_space<vmem>>, vector<16x2048xf32>
    %transpose3A = tpu.transpose %get3A_19, [1, 0] : vector<16x2048xf32> -> vector<2048x16xf32>
    %sub3A_20 = vector.broadcast %mul3A_3 : vector<1x16xf32> to vector<2048x16xf32>
    %sub3A_21 = arith.subf %transpose3A, %sub3A_20 : vector<2048x16xf32>
    %mul3A_22 = vector.broadcast %mul3A_16 : vector<1x16xf32> to vector<2048x16xf32>
    %mul3A_23 = arith.mulf %sub3A_21, %mul3A_22 : vector<2048x16xf32>
    %get3A_24 = arith.constant 0 : index
    %get3A_25 = arith.constant 0 : index
    %get3A_26 = vector.load %arg6[%get3A_24, %get3A_25] : memref<1x16xf32, #tpu.memory_space<vmem>>, vector<1x16xf32>
    %add3A_27 = vector.broadcast %get3A_26 : vector<1x16xf32> to vector<2048x16xf32>
    %add3A_28 = arith.addf %mul3A_23, %add3A_27 : vector<2048x16xf32>
    %convert_element_type3A = arith.truncf %add3A_28 : vector<2048x16xf32> to vector<2048x16xbf16>
    %get3A_29 = arith.constant 0 : index
    %get3A_30 = arith.constant 0 : index
    %get3A_31 = vector.load %arg2[%get3A_29, %get3A_30] : memref<2048x32xf32, #tpu.memory_space<vmem>>, vector<2048x32xf32>
    %convert_element_type3A_32 = arith.truncf %get3A_31 : vector<2048x32xf32> to vector<2048x32xbf16>
    %get3A_33 = arith.constant 0 : index
    %get3A_34 = arith.constant 0 : index
    %get3A_35 = vector.load %arg7[%get3A_33, %get3A_34] : memref<16x512xbf16, #tpu.memory_space<vmem>>, vector<16x512xbf16>
    %dot_general3A = arith.constant dense<0.000000e+00> : vector<2048x512xf32>
    %dot_general3A_36 = tpu.matmul %convert_element_type3A, %get3A_35, %dot_general3A {dimension_numbers = #tpu.dot_dimension_numbers<[1], [0], [0], [1], [0, 0, 1, 1], [], []>, transpose_lhs_hint = false} : vector<2048x16xbf16>, vector<16x512xbf16>, vector<2048x512xf32> -> vector<2048x512xf32>
    %get3A_37 = arith.constant 0 : index
    %get3A_38 = arith.constant 0 : index
    %get3A_39 = vector.load %arg8[%get3A_37, %get3A_38] : memref<32x512xbf16, #tpu.memory_space<vmem>>, vector<32x512xbf16>
    %dot_general3A_40 = arith.constant dense<0.000000e+00> : vector<2048x512xf32>
    %dot_general3A_41 = tpu.matmul %convert_element_type3A_32, %get3A_39, %dot_general3A_40 {dimension_numbers = #tpu.dot_dimension_numbers<[1], [0], [0], [1], [0, 0, 1, 1], [], []>, transpose_lhs_hint = false} : vector<2048x32xbf16>, vector<32x512xbf16>, vector<2048x512xf32> -> vector<2048x512xf32>
    %mul3A_42 = arith.mulf %dot_general3A_36, %dot_general3A_41 : vector<2048x512xf32>
    %convert_element_type3A_43 = arith.truncf %mul3A_42 : vector<2048x512xf32> to vector<2048x512xbf16>
    %get3A_44 = arith.constant 0 : index
    %get3A_45 = arith.constant 0 : index
    %get3A_46 = vector.load %arg9[%get3A_44, %get3A_45] : memref<512x128xbf16, #tpu.memory_space<vmem>>, vector<512x128xbf16>
    %dot_general3A_47 = arith.constant dense<0.000000e+00> : vector<2048x128xf32>
    %dot_general3A_48 = tpu.matmul %convert_element_type3A_43, %get3A_46, %dot_general3A_47 {dimension_numbers = #tpu.dot_dimension_numbers<[1], [0], [0], [1], [0, 0, 1, 1], [], []>, transpose_lhs_hint = false} : vector<2048x512xbf16>, vector<512x128xbf16>, vector<2048x128xf32> -> vector<2048x128xf32>
    %get3A_49 = arith.constant 0 : index
    %get3A_50 = arith.constant 0 : index
    %get3A_51 = vector.load %arg10[%get3A_49, %get3A_50] : memref<32x128xbf16, #tpu.memory_space<vmem>>, vector<32x128xbf16>
    %dot_general3A_52 = arith.constant dense<0.000000e+00> : vector<2048x128xf32>
    %dot_general3A_53 = tpu.matmul %convert_element_type3A_32, %get3A_51, %dot_general3A_52 {dimension_numbers = #tpu.dot_dimension_numbers<[1], [0], [0], [1], [0, 0, 1, 1], [], []>, transpose_lhs_hint = false} : vector<2048x32xbf16>, vector<32x128xbf16>, vector<2048x128xf32> -> vector<2048x128xf32>
    %add3A_54 = arith.addf %dot_general3A_48, %dot_general3A_53 : vector<2048x128xf32>
    %get3A_55 = arith.constant 0 : index
    %get3A_56 = arith.constant 0 : index
    %get3A_57 = vector.load %arg11[%get3A_55, %get3A_56] : memref<1x128xf32, #tpu.memory_space<vmem>>, vector<1x128xf32>
    %add3A_58 = vector.broadcast %get3A_57 : vector<1x128xf32> to vector<2048x128xf32>
    %add3A_59 = arith.addf %add3A_54, %add3A_58 : vector<2048x128xf32>
    %swap3A = arith.constant 0 : index
    %swap3A_60 = arith.constant 0 : index
    %swap3A_61 = vector.load %arg12[%swap3A, %swap3A_60] : memref<2048x128xf32, #tpu.memory_space<vmem>>, vector<2048x128xf32>
    tpu.vector_store %arg12[%swap3A, %swap3A_60], %add3A_59 {strides = array<i32>} : memref<2048x128xf32, #tpu.memory_space<vmem>>, vector<2048x128xf32>,
    return
  }
  func.func @transform_0(%arg0: i32) -> (i32, i32) {
    %c0_i32 = arith.constant 0 : i32
    %c0_i32_0 = arith.constant 0 : i32
    return %c0_i32, %arg0 : i32, i32
  }
  func.func @transform_1(%arg0: i32) -> (i32, i32) {
    %c0_i32 = arith.constant 0 : i32
    %c0_i32_0 = arith.constant 0 : i32
    return %arg0, %c0_i32 : i32, i32
  }
  func.func @transform_2(%arg0: i32) -> (i32, i32) {
    %c0_i32 = arith.constant 0 : i32
    %c0_i32_0 = arith.constant 0 : i32
    %c0_i32_1 = arith.constant 0 : i32
    return %c0_i32, %c0_i32_0 : i32, i32
  }
  func.func @transform_3(%arg0: i32) -> (i32, i32) {
    %c0_i32 = arith.constant 0 : i32
    %c0_i32_0 = arith.constant 0 : i32
    %c0_i32_1 = arith.constant 0 : i32
    return %c0_i32, %c0_i32_0 : i32, i32
  }
  func.func @transform_4(%arg0: i32) -> (i32, i32) {
    %c0_i32 = arith.constant 0 : i32
    %c0_i32_0 = arith.constant 0 : i32
    %c0_i32_1 = arith.constant 0 : i32
    return %c0_i32, %c0_i32_0 : i32, i32
  }
  func.func @transform_5(%arg0: i32) -> (i32, i32) {
    %c0_i32 = arith.constant 0 : i32
    %c0_i32_0 = arith.constant 0 : i32
    %c0_i32_1 = arith.constant 0 : i32
    return %c0_i32, %c0_i32_0 : i32, i32
  }
  func.func @transform_6(%arg0: i32) -> (i32, i32) {
    %c0_i32 = arith.constant 0 : i32
    %c0_i32_0 = arith.constant 0 : i32
    %c0_i32_1 = arith.constant 0 : i32
    return %c0_i32, %c0_i32_0 : i32, i32
  }
  func.func @transform_7(%arg0: i32) -> (i32, i32) {
    %c0_i32 = arith.constant 0 : i32
    %c0_i32_0 = arith.constant 0 : i32
    %c0_i32_1 = arith.constant 0 : i32
    return %c0_i32, %c0_i32_0 : i32, i32
  }
  func.func @transform_8(%arg0: i32) -> (i32, i32) {
    %c0_i32 = arith.constant 0 : i32
    %c0_i32_0 = arith.constant 0 : i32
    %c0_i32_1 = arith.constant 0 : i32
    return %c0_i32, %c0_i32_0 : i32, i32
  }
  func.func @transform_9(%arg0: i32) -> (i32, i32) {
    %c0_i32 = arith.constant 0 : i32
    %c0_i32_0 = arith.constant 0 : i32
    %c0_i32_1 = arith.constant 0 : i32
    return %c0_i32, %c0_i32_0 : i32, i32
  }
  func.func @transform_10(%arg0: i32) -> (i32, i32) {
    %c0_i32 = arith.constant 0 : i32
    %c0_i32_0 = arith.constant 0 : i32
    %c0_i32_1 = arith.constant 0 : i32
    return %c0_i32, %c0_i32_0 : i32, i32
  }
  func.func @transform_11(%arg0: i32) -> (i32, i32) {
    %c0_i32 = arith.constant 0 : i32
    %c0_i32_0 = arith.constant 0 : i32
    return %arg0, %c0_i32 : i32, i32
  }
}

module attributes {stable_mosaic.version = 14 : i64} {
  func.func @_finish_body(%arg0: i32, %arg1: memref<10000x32xf32, #tpu.memory_space<vmem>>, %arg2: memref<1x5056x48xf32, #tpu.memory_space<vmem>>, %arg3: memref<1x4944x48xf32, #tpu.memory_space<vmem>>, %arg4: memref<1x32xf32, #tpu.memory_space<vmem>>, %arg5: memref<32x96xf32, #tpu.memory_space<vmem>>, %arg6: memref<32x96xf32, #tpu.memory_space<vmem>>, %arg7: memref<1x96xf32, #tpu.memory_space<vmem>>, %arg8: memref<1x96xf32, #tpu.memory_space<vmem>>, %arg9: memref<10000x32xf32, #tpu.memory_space<vmem>>) attributes {dimension_semantics = [#tpu.dimension_semantics<arbitrary>], iteration_bounds = array<i64: 1>, scalar_prefetch = 0 : i64, scratch_operands = 0 : i64, tpu.core_type = #tpu.core_type<tc>, window_params = [{pipeline_mode = #tpu.pipeline_mode<synchronous>, transform_indices = @transform_0, window_bounds = array<i64: 10000, 32>}, {transform_indices = @transform_1, window_bounds = array<i64: 1, 5056, 48>}, {transform_indices = @transform_2, window_bounds = array<i64: 1, 4944, 48>}, {pipeline_mode = #tpu.pipeline_mode<synchronous>, transform_indices = @transform_3, window_bounds = array<i64: 1, 32>}, {pipeline_mode = #tpu.pipeline_mode<synchronous>, transform_indices = @transform_4, window_bounds = array<i64: 32, 96>}, {pipeline_mode = #tpu.pipeline_mode<synchronous>, transform_indices = @transform_5, window_bounds = array<i64: 32, 96>}, {pipeline_mode = #tpu.pipeline_mode<synchronous>, transform_indices = @transform_6, window_bounds = array<i64: 1, 96>}, {pipeline_mode = #tpu.pipeline_mode<synchronous>, transform_indices = @transform_7, window_bounds = array<i64: 1, 96>}, {pipeline_mode = #tpu.pipeline_mode<synchronous>, transform_indices = @transform_8, window_bounds = array<i64: 10000, 32>}]} {
    %get3A = arith.constant 0 : index
    %get3A_0 = arith.constant 0 : index
    %get3A_1 = vector.load %arg1[%get3A, %get3A_0] : memref<10000x32xf32, #tpu.memory_space<vmem>>, vector<10000x32xf32>
    %get3A_2 = arith.constant 0 : index
    %get3A_3 = arith.constant 0 : index
    %get3A_4 = arith.constant 0 : index
    %get3A_5 = vector.load %arg2[%get3A_2, %get3A_3, %get3A_4] : memref<1x5056x48xf32, #tpu.memory_space<vmem>>, vector<1x5056x32xf32>
    %get3A_6 = vector.shape_cast %get3A_5 : vector<1x5056x32xf32> to vector<5056x32xf32>
    %get3A_7 = arith.constant 0 : index
    %get3A_8 = arith.constant 0 : index
    %get3A_9 = arith.constant 0 : index
    %get3A_10 = vector.load %arg3[%get3A_7, %get3A_8, %get3A_9] : memref<1x4944x48xf32, #tpu.memory_space<vmem>>, vector<1x4944x32xf32>
    %get3A_11 = vector.shape_cast %get3A_10 : vector<1x4944x32xf32> to vector<4944x32xf32>
    %concatenate3A = tpu.concatenate %get3A_6, %get3A_11 in 0 : vector<5056x32xf32>, vector<4944x32xf32> -> vector<10000x32xf32>
    %get3A_12 = arith.constant 0 : index
    %get3A_13 = arith.constant 0 : index
    %get3A_14 = arith.constant 32 : index
    %get3A_15 = vector.load %arg2[%get3A_12, %get3A_13, %get3A_14] : memref<1x5056x48xf32, #tpu.memory_space<vmem>>, vector<1x5056x1xf32>
    %get3A_16 = vector.shape_cast %get3A_15 : vector<1x5056x1xf32> to vector<5056x1xf32>
    %get3A_17 = arith.constant 0 : index
    %get3A_18 = arith.constant 0 : index
    %get3A_19 = arith.constant 32 : index
    %get3A_20 = vector.load %arg3[%get3A_17, %get3A_18, %get3A_19] : memref<1x4944x48xf32, #tpu.memory_space<vmem>>, vector<1x4944x1xf32>
    %get3A_21 = vector.shape_cast %get3A_20 : vector<1x4944x1xf32> to vector<4944x1xf32>
    %concatenate3A_22 = tpu.concatenate %get3A_16, %get3A_21 in 0 : vector<5056x1xf32>, vector<4944x1xf32> -> vector<10000x1xf32>
    %max3A = arith.constant 1.000000e+00 : f32
    %max3A_23 = vector.broadcast %max3A : f32 to vector<10000x1xf32>
    %max3A_24 = arith.maximumf %concatenate3A_22, %max3A_23 : vector<10000x1xf32>
    %div3A = vector.broadcast %max3A_24 : vector<10000x1xf32> to vector<10000x32xf32>
    %div3A_25 = arith.divf %concatenate3A, %div3A : vector<10000x32xf32>
    %get3A_26 = arith.constant 0 : index
    %get3A_27 = arith.constant 0 : index
    %get3A_28 = vector.load %arg4[%get3A_26, %get3A_27] : memref<1x32xf32, #tpu.memory_space<vmem>>, vector<1x32xf32>
    %add3A = vector.broadcast %get3A_28 : vector<1x32xf32> to vector<10000x32xf32>
    %add3A_29 = arith.addf %div3A_25, %add3A : vector<10000x32xf32>
    %max3A_30 = arith.constant 0.000000e+00 : f32
    %max3A_31 = vector.broadcast %max3A_30 : f32 to vector<10000x32xf32>
    %max3A_32 = arith.maximumf %add3A_29, %max3A_31 : vector<10000x32xf32>
    %get3A_33 = arith.constant 0 : index
    %get3A_34 = arith.constant 0 : index
    %get3A_35 = vector.load %arg5[%get3A_33, %get3A_34] : memref<32x96xf32, #tpu.memory_space<vmem>>, vector<32x96xf32>
    %dot_general3A = arith.constant dense<0.000000e+00> : vector<10000x96xf32>
    %dot_general3A_36 = tpu.matmul %max3A_32, %get3A_35, %dot_general3A {dimension_numbers = #tpu.dot_dimension_numbers<[1], [0], [0], [1], [0, 0, 1, 1], [], []>, transpose_lhs_hint = false} : vector<10000x32xf32>, vector<32x96xf32>, vector<10000x96xf32> -> vector<10000x96xf32>
    %get3A_37 = arith.constant 0 : index
    %get3A_38 = arith.constant 0 : index
    %get3A_39 = vector.load %arg7[%get3A_37, %get3A_38] : memref<1x96xf32, #tpu.memory_space<vmem>>, vector<1x96xf32>
    %add3A_40 = vector.broadcast %get3A_39 : vector<1x96xf32> to vector<10000x96xf32>
    %add3A_41 = arith.addf %dot_general3A_36, %add3A_40 : vector<10000x96xf32>
    %get3A_42 = arith.constant 0 : index
    %get3A_43 = arith.constant 0 : index
    %get3A_44 = vector.load %arg6[%get3A_42, %get3A_43] : memref<32x96xf32, #tpu.memory_space<vmem>>, vector<32x96xf32>
    %dot_general3A_45 = arith.constant dense<0.000000e+00> : vector<10000x96xf32>
    %dot_general3A_46 = tpu.matmul %get3A_1, %get3A_44, %dot_general3A_45 {dimension_numbers = #tpu.dot_dimension_numbers<[1], [0], [0], [1], [0, 0, 1, 1], [], []>, transpose_lhs_hint = false} : vector<10000x32xf32>, vector<32x96xf32>, vector<10000x96xf32> -> vector<10000x96xf32>
    %get3A_47 = arith.constant 0 : index
    %get3A_48 = arith.constant 0 : index
    %get3A_49 = vector.load %arg8[%get3A_47, %get3A_48] : memref<1x96xf32, #tpu.memory_space<vmem>>, vector<1x96xf32>
    %add3A_50 = vector.broadcast %get3A_49 : vector<1x96xf32> to vector<10000x96xf32>
    %add3A_51 = arith.addf %dot_general3A_46, %add3A_50 : vector<10000x96xf32>
    %slice3A = vector.extract_strided_slice %add3A_41 {offsets = [0, 0], sizes = [10000, 32], strides = [1, 1]} : vector<10000x96xf32> to vector<10000x32xf32>
    %slice3A_52 = vector.extract_strided_slice %add3A_51 {offsets = [0, 0], sizes = [10000, 32], strides = [1, 1]} : vector<10000x96xf32> to vector<10000x32xf32>
    %add3A_53 = arith.addf %slice3A, %slice3A_52 : vector<10000x32xf32>
    %logistic3A = arith.negf %add3A_53 : vector<10000x32xf32>
    %logistic3A_54 = math.exp %logistic3A : vector<10000x32xf32>
    %logistic3A_55 = arith.constant 1.000000e+00 : f32
    %logistic3A_56 = vector.broadcast %logistic3A_55 : f32 to vector<10000x32xf32>
    %logistic3A_57 = arith.addf %logistic3A_56, %logistic3A_54 : vector<10000x32xf32>
    %logistic3A_58 = arith.divf %logistic3A_56, %logistic3A_57 : vector<10000x32xf32>
    %slice3A_59 = vector.extract_strided_slice %add3A_41 {offsets = [0, 32], sizes = [10000, 32], strides = [1, 1]} : vector<10000x96xf32> to vector<10000x32xf32>
    %slice3A_60 = vector.extract_strided_slice %add3A_51 {offsets = [0, 32], sizes = [10000, 32], strides = [1, 1]} : vector<10000x96xf32> to vector<10000x32xf32>
    %add3A_61 = arith.addf %slice3A_59, %slice3A_60 : vector<10000x32xf32>
    %logistic3A_62 = arith.negf %add3A_61 : vector<10000x32xf32>
    %logistic3A_63 = math.exp %logistic3A_62 : vector<10000x32xf32>
    %logistic3A_64 = arith.constant 1.000000e+00 : f32
    %logistic3A_65 = vector.broadcast %logistic3A_64 : f32 to vector<10000x32xf32>
    %logistic3A_66 = arith.addf %logistic3A_65, %logistic3A_63 : vector<10000x32xf32>
    %logistic3A_67 = arith.divf %logistic3A_65, %logistic3A_66 : vector<10000x32xf32>
    %slice3A_68 = vector.extract_strided_slice %add3A_41 {offsets = [0, 64], sizes = [10000, 32], strides = [1, 1]} : vector<10000x96xf32> to vector<10000x32xf32>
    %slice3A_69 = vector.extract_strided_slice %add3A_51 {offsets = [0, 64], sizes = [10000, 32], strides = [1, 1]} : vector<10000x96xf32> to vector<10000x32xf32>
    %mul3A = arith.mulf %logistic3A_58, %slice3A_69 : vector<10000x32xf32>
    %add3A_70 = arith.addf %slice3A_68, %mul3A : vector<10000x32xf32>
    %tanh3A = math.tanh %add3A_70 : vector<10000x32xf32>
    %sub3A = arith.constant 1.000000e+00 : f32
    %sub3A_71 = vector.broadcast %sub3A : f32 to vector<10000x32xf32>
    %sub3A_72 = arith.subf %sub3A_71, %logistic3A_67 : vector<10000x32xf32>
    %mul3A_73 = arith.mulf %sub3A_72, %tanh3A : vector<10000x32xf32>
    %mul3A_74 = arith.mulf %logistic3A_67, %get3A_1 : vector<10000x32xf32>
    %add3A_75 = arith.addf %mul3A_73, %mul3A_74 : vector<10000x32xf32>
    %swap3A = arith.constant 0 : index
    %swap3A_76 = arith.constant 0 : index
    %swap3A_77 = vector.load %arg9[%swap3A, %swap3A_76] : memref<10000x32xf32, #tpu.memory_space<vmem>>, vector<10000x32xf32>
    tpu.vector_store %arg9[%swap3A, %swap3A_76], %add3A_75 {strides = array<i32>} : memref<10000x32xf32, #tpu.memory_space<vmem>>, vector<10000x32xf32>,
    return
  }
  func.func @transform_0(%arg0: i32) -> (i32, i32) {
    %c0_i32 = arith.constant 0 : i32
    %c0_i32_0 = arith.constant 0 : i32
    %c0_i32_1 = arith.constant 0 : i32
    return %c0_i32, %c0_i32_0 : i32, i32
  }
  func.func @transform_1(%arg0: i32) -> (i32, i32, i32) {
    %c0_i32 = arith.constant 0 : i32
    %c0_i32_0 = arith.constant 0 : i32
    %c0_i32_1 = arith.constant 0 : i32
    %c0_i32_2 = arith.constant 0 : i32
    return %c0_i32, %c0_i32_0, %c0_i32_1 : i32, i32, i32
  }
  func.func @transform_2(%arg0: i32) -> (i32, i32, i32) {
    %c1_i32 = arith.constant 1 : i32
    %c0_i32 = arith.constant 0 : i32
    %c0_i32_0 = arith.constant 0 : i32
    %c0_i32_1 = arith.constant 0 : i32
    return %c1_i32, %c0_i32, %c0_i32_0 : i32, i32, i32
  }
  func.func @transform_3(%arg0: i32) -> (i32, i32) {
    %c0_i32 = arith.constant 0 : i32
    %c0_i32_0 = arith.constant 0 : i32
    %c0_i32_1 = arith.constant 0 : i32
    return %c0_i32, %c0_i32_0 : i32, i32
  }
  func.func @transform_4(%arg0: i32) -> (i32, i32) {
    %c0_i32 = arith.constant 0 : i32
    %c0_i32_0 = arith.constant 0 : i32
    %c0_i32_1 = arith.constant 0 : i32
    return %c0_i32, %c0_i32_0 : i32, i32
  }
  func.func @transform_5(%arg0: i32) -> (i32, i32) {
    %c0_i32 = arith.constant 0 : i32
    %c0_i32_0 = arith.constant 0 : i32
    %c0_i32_1 = arith.constant 0 : i32
    return %c0_i32, %c0_i32_0 : i32, i32
  }
  func.func @transform_6(%arg0: i32) -> (i32, i32) {
    %c0_i32 = arith.constant 0 : i32
    %c0_i32_0 = arith.constant 0 : i32
    %c0_i32_1 = arith.constant 0 : i32
    return %c0_i32, %c0_i32_0 : i32, i32
  }
  func.func @transform_7(%arg0: i32) -> (i32, i32) {
    %c0_i32 = arith.constant 0 : i32
    %c0_i32_0 = arith.constant 0 : i32
    %c0_i32_1 = arith.constant 0 : i32
    return %c0_i32, %c0_i32_0 : i32, i32
  }
  func.func @transform_8(%arg0: i32) -> (i32, i32) {
    %c0_i32 = arith.constant 0 : i32
    %c0_i32_0 = arith.constant 0 : i32
    %c0_i32_1 = arith.constant 0 : i32
    return %c0_i32, %c0_i32_0 : i32, i32
  }
}

</mosaic_0001>

<sc_bundles>
// kernel: kernel.10.cloned.1.call-start
scs
__scs_entry_jumppad:
0x0: {  	(pc) =	sbr.rel $0x88, $3  }
0x1: {  	(tag) =	ssettag $0x0;
	lr =	simm.s32 $0x1  }
0x2: {  	[smem:$0x3F95] =	sst lr;
	_ =	strace $0xD0000000  }
0x3: {  	_ = 	snop  }
0x4: {  	_ = 	snop  }
0x5: {  	_ = 	snop  }
0x6: {  	_ = 	snop  }
0x7: {  	_ = 	snop  }
__scs_overlays_trampoline_lowered:
0x8: {  	[smem:$0x3FA4] =	sst s0  }
0x9: {  	[smem:$0x3FA5] =	sst s1  }
0xa: {  	[smem:$0x3FA6] =	sst s2  }
0xb: {  	[smem:$0x3FA7] =	sst s3  }
0xc: {  	[smem:$0x3FA8] =	sst s4  }
0xd: {  	[smem:$0x3FA9] =	sst s5  }
0xe: {  	[smem:$0x3FAA] =	sst s6  }
0xf: {  	[smem:$0x3FAB] =	sst s7  }
0x10: {  	[smem:$0x3FAC] =	sst s8  }
0x11: {  	[smem:$0x3FAD] =	sst s9;
	s0 =	simm.s32 @!p0 $0x0  }
0x12: {  	s1 =	sld [smem:$0x3F93];
	s0 =	simm.s32 @p0 $0x1  }
0x13: {  	[smem:$0x3FAE] =	sst s0;
	s0 =	simm.s32 @!p1 $0x0  }
0x14: {  	s2 =	sld [smem:$0x3F92];
	s0 =	simm.s32 @p1 $0x1  }
0x15: {  	[smem:$0x3FAF] =	sst s0;
	s0 =	simm.s32 @!p2 $0x0  }
0x16: {  	s3 =	sld [smem:$0x3FDB];
	s0 =	simm.s32 @p2 $0x1  }
0x17: {  	s4 =	simm.s32 $0x1BF5;
	[smem:$0x3FB1] =	sst s0  }
0x18: {  	s0 =	sld [smem:$0x3F94];
	_ =	swait.ge [sflag:s4], $0x0  }
0x19: {  	s7 =	sld [smem:$0x3F95]  }
0x1a: {  	s8 =	sadd.s32 $0xFFFFE003, lr  }
0x1b: {  	s9 =	sadd.s32 $0xFFFFFEF7, lr;
	s5 =	simm.s32 $0xFFFFFFFF;
	p2 =	slt.u32 s8, $0xFFFFF086  }
0x1c: {  	p1 =	slt.u32 s9, $0xF7A;
	s5 =	simm.s32 @!p2 $0x0  }
0x1d: {  	s5 =	simm.s32 @p1 $0x1;
	p0 =	seq.s32 s7, s2  }
0x1e: {  	s7 =	smul.u32 @!p0 $0xF7A, s2;
	p2 =	seq.s32 @!p0 s5, $0x0  }
0x1f: {  	s9 =	smul.u32 $0xF7A, s1;
	s8 =	simm.s32 @!p0 $0x1BF5;
	p2 =	por !p2, p0  }
0x20: {  	[sflag:s8] =	ssyncset.s32 @!p0 $0xFFFFF086;
	s6 =	sadd.s32 @!p0 s3, s7;
	s7 =	simm.s32 @!p0 $0x108  }
0x21: {  	s3 =	sadd.s32 s3, s9;
	s6 =	sadd.s32 @!p0 $0x88, s6;
	s7 =	simm.s32 @p2 $0x1082  }
0x22: {  	[simem:s7], [sflag:s8] =	dma.local @!p0 [hbm:s6], $0xF7A  }
0x23: {  	s9 =	sor.u32 $0xD0000000, s2;
	s6 =	simm.s32 $0x108;
	_ =	swait.ge @!p0 [sflag:s8], $0x0  }
0x24: {  	s3 =	sadd.s32 $0x88, s3;
	s6 =	simm.s32 @!p1 $0x1082;
	[sflag:s4] =	ssyncset.s32 $0xFFFFF086  }
0x25: {  	[simem:s6], [sflag:s4] =	dma.local [hbm:s3], $0xF7A  }
0x26: {  	[smem:$0x3F95] =	sst s1;
	(tag) =	ssettag s2;
	_ =	strace s9  }
0x27: {  	s1 =	sld [smem:$0x3FA5]  }
0x28: {  	s2 =	sld [smem:$0x3FA6]  }
0x29: {  	s4 =	sld [smem:$0x3FA8]  }
0x2a: {  	p0 =	seq.s32 s5, $0x0;
	s5 =	sld [smem:$0x3FA9]  }
0x2b: {  	s6 =	sld [smem:$0x3FAA]  }
0x2c: {  	s7 =	sld [smem:$0x3FAB]  }
0x2d: {  	s3 =	simm.s32 $0x108;
	s8 =	sld [smem:$0x3FAC]  }
0x2e: {  	s3 =	simm.s32 @!p0 $0x1082;
	s9 =	sld [smem:$0x3FAD]  }
0x2f: {  	lr =	sadd.s32 s0, s3;
	s0 =	sld [smem:$0x3FA4]  }
0x30: {  	s3 =	sld [smem:$0x3FA7]  }
0x31: {  	[smem:$0x3FB0] =	sst s10  }
0x32: {  	s10 =	sld [smem:$0x3FAE];
	_ =	sdelay $0x3  }
0x33: {  	p0 =	seq.s32 s10, $0x1;
	s10 =	sld [smem:$0x3FB0];
	_ =	sdelay $0x3  }
0x34: {  	[smem:$0x3FB0] =	sst s10  }
0x35: {  	s10 =	sld [smem:$0x3FAF];
	_ =	sdelay $0x3  }
0x36: {  	p1 =	seq.s32 s10, $0x1;
	s10 =	sld [smem:$0x3FB0];
	_ =	sdelay $0x3  }
0x37: {  	[smem:$0x3FB0] =	sst s10  }
0x38: {  	s10 =	sld [smem:$0x3FB1]  }
0x39: {  	_ = 	snop;
	(pc) =	sbr.ind lr, $3  }
0x3a: {  	_ = 	snop  }
0x3b: {  	_ = 	snop  }
0x3c: {  	p2 =	seq.s32 s10, $0x1;
	s10 =	sld [smem:$0x3FB0]  }
0x3d: {  	_ =	shalt  }
0x3e: {  	_ =	shalt  }
0x3f: {  	_ =	shalt  }
0x40: {  	_ =	shalt  }
0x41: {  	_ =	shalt  }
0x42: {  	_ =	shalt  }
0x43: {  	_ =	shalt  }
0x44: {  	_ =	shalt  }
0x45: {  	_ =	shalt  }
0x46: {  	_ =	shalt  }
0x47: {  	_ =	shalt  }
0x48: {  	_ =	shalt  }
0x49: {  	_ =	shalt  }
0x4a: {  	_ =	shalt  }
0x4b: {  	_ =	shalt  }
0x4c: {  	_ =	shalt  }
0x4d: {  	_ =	shalt  }
0x4e: {  	_ =	shalt  }
0x4f: {  	_ =	shalt  }
0x50: {  	_ =	shalt  }
0x51: {  	_ =	shalt  }
0x52: {  	_ =	shalt  }
0x53: {  	_ =	shalt  }
0x54: {  	_ =	shalt  }
0x55: {  	_ =	shalt  }
0x56: {  	_ =	shalt  }
0x57: {  	_ =	shalt  }
0x58: {  	_ =	shalt  }
0x59: {  	_ =	shalt  }
0x5a: {  	_ =	shalt  }
0x5b: {  	_ =	shalt  }
0x5c: {  	_ =	shalt  }
0x5d: {  	_ =	shalt  }
0x5e: {  	_ =	shalt  }
0x5f: {  	_ =	shalt  }
0x60: {  	_ =	shalt  }
0x61: {  	_ =	shalt  }
0x62: {  	_ =	shalt  }
0x63: {  	_ =	shalt  }
0x64: {  	_ =	shalt  }
0x65: {  	_ =	shalt  }
0x66: {  	_ =	shalt  }
0x67: {  	_ =	shalt  }
0x68: {  	_ =	shalt  }
0x69: {  	_ =	shalt  }
0x6a: {  	_ =	shalt  }
0x6b: {  	_ =	shalt  }
0x6c: {  	_ =	shalt  }
0x6d: {  	_ =	shalt  }
0x6e: {  	_ =	shalt  }
0x6f: {  	_ =	shalt  }
0x70: {  	_ =	shalt  }
0x71: {  	_ =	shalt  }
0x72: {  	_ =	shalt  }
0x73: {  	_ =	shalt  }
0x74: {  	_ =	shalt  }
0x75: {  	_ =	shalt  }
0x76: {  	_ =	shalt  }
0x77: {  	_ =	shalt  }
0x78: {  	_ =	shalt  }
0x79: {  	_ =	shalt  }
0x7a: {  	_ =	shalt  }
0x7b: {  	_ =	shalt  }
0x7c: {  	_ =	shalt  }
0x7d: {  	_ =	shalt  }
0x7e: {  	_ =	shalt  }
0x7f: {  	_ =	shalt  }
0x80: {  	_ =	shalt  }
0x81: {  	_ =	shalt  }
0x82: {  	_ =	shalt  }
0x83: {  	_ =	shalt  }
0x84: {  	_ =	shalt  }
0x85: {  	_ =	shalt  }
0x86: {  	_ =	shalt  }
0x87: {  	_ =	shalt  }
.Lfunc_end0:
.L_simem_size_0:
called_computation.1_lowered:
.L_overlay_start_0:
0x88: {  	s2 =	sld [smem:$0x3FD9]  }
0x89: {  	s3 =	sld [smem:$0x3FFE];
	_ =	sdelay $0x1  }
0x8a: {  	s1 =	srdreg.scid  }
0x8b: {  	s0 =	sand.u32 $0x1, s1  }
0x8c: {  	s16 =	sshll.u32 s0, $0xA;
	s2 =	sadd.s32 s3, s2  }
0x8d: {  	s2 =	sadd.s32 s2, s16  }
0x8e: {  	[smem:$0x3FBC] =	sst s2  }
0x8f: {  	_ = 	snop  }
0x90: {  	(tm) =	ssettm $0x1  }
0x91: {  	s17 =	sld [smem:$0x3FFB];
	_ =	sdelay $0x3  }
0x92: {  	_ =	strace s17  }
0x93: {  	s2 =	sld [smem:$0x3FFC];
	_ =	sdelay $0x3  }
0x94: {  	_ =	strace s2  }
0x95: {  	s2 =	sld [smem:$0x3FFD];
	_ =	sdelay $0x3  }
0x96: {  	_ =	strace s2  }
0x97: {  	_ =	strace $0x8FFFFFFF  }
0x98: {  	s18 =	sld [smem:$0x3FDB];
	_ =	sdelay $0x1  }
0x99: {  	s19 =	simm.s32 $_scs_section_size  }
0x9a: {  	s4 =	simm.s32 $_size__tile_overlayer_lowered;
	s5 =	simm.s32 $_tile_overlayer_lowered  }
0x9b: {  	s22 =	simm.s32 $0x1BFF;
	s21 =	sshll.u32 s5, $0x1;
	s2 =	sadd.s32 s19, s18  }
0x9c: {  	s6 =	simm.s32 $0x0;
	s20 =	sshll.u32 s4, $0x1;
	s4 =	sadd.s32 s21, s2  }
0x9d: {  	[timem:s6], [sflag:s22] =	dma.local [hbm:s4], s20  }
0x9e: {  	_ =	swait.ge [sflag:s22], s20  }
0x9f: {  	s3 =	ssub.s32 $0x0, s20;
	[sflag:s22] =	ssyncset.done $0x0  }
0xa0: {  	[sflag:s22] =	ssyncadd.s32 s3;
	_ =	sdelay $0x1  }
0xa1: {  	s23 =	simm.s32 $0x1B8B  }
0xa2: {  	_ =	swait.ge [sflag:s23], $0x1  }
0xa3: {  	[sflag:s23] =	ssyncset.done $0x0  }
0xa4: {  	s25 =	simm.s32 $0x1B8E;
	s24 =	sld [smem:$0x3FFE];
	[sflag:s23] =	ssyncadd.s32 $0xFFFFFFFF  }
0xa5: {  	s26 =	simm.s32 $execute0_lowered;
	[smem:$0x3FD2] =	sst s25  }
0xa6: {  	s4 =	sshll.u32 s26, $0x1;
	_ =	strace $0x80000049;
	[dreg:$0x1] =	wrdreg $0xFFFFFFFF  }
0xa7: {  	s28 =	simm.s32 $_size_execute0_lowered;
	s2 =	sadd.s32 s2, s4;
	[dreg:$0x0] =	wrdreg $0x0  }
0xa8: {  	s4 =	sshll.u32 s28, $0x1;
	[dreg:$0x2] =	wrdreg s2  }
0xa9: {  	[dreg:$0x3] =	wrdreg s4  }
0xaa: {  	[dreg:$0x4] =	wrdreg $0xC0  }
0xab: {  	_ =	task [dreg:s6], $0x5FFFF  }
0xac: {  	[dreg:$0x1] =	wrdreg $0xFFFFFFFF  }
0xad: {  	[dreg:$0x0] =	wrdreg $0x60  }
0xae: {  	[dreg:$0x2] =	wrdreg s24  }
0xaf: {  	[dreg:$0x3] =	wrdreg $0xA8000  }
0xb0: {  	[dreg:$0x4] =	wrdreg $0x9  }
0xb1: {  	_ =	task.clear_ibuf [dreg:s6], $0x5FFFF;
	_ =	strace $0x90000049  }
0xb2: {  	s29 =	simm.s32 $0x9;
	_ =	strace $0x8000004B  }
0xb3: {  	_ =	swait.ge [sflag:s29], $0x1  }
0xb4: {  	[sflag:s29] =	ssyncadd.s32 $0xFFFFFFFF  }
0xb5: {  	_ =	strace $0x9000004B  }
0xb6: {  	_ =	sfence  }
0xb7: {  	s30 =	sld [smem:$0x0];
	_ =	sdelay $0x2  }
0xb8: {  	s31 =	sshll.u32 s1, $0xD;
	s1 =	sshrl.u32 s1, $0x2  }
0xb9: {  	s3 =	sand.u32 $0x4000, s31;
	s1 =	sadd.s32 s1, s30  }
0xba: {  	s0 =	sor.u32 s3, s0;
	s1 =	sshll.u32 s1, $0x11  }
0xbb: {  	s0 =	sor.u32 s1, s0  }
0xbc: {  	s0 =	sadd.s32 $0x8F2B, s0  }
0xbd: {  	[sflag:s0] =	ssyncadd.remote.s32 $0x1  }
0xbe: {  	_ =	sfence.sel $0xFFFF  }
0xbf: {  	[dreg:$0x0] =	wrdreg $0xFFFFFFFF;
	(pc) =	sbr.abs _section_cstart, $3  }
0xc0: {  	[dreg:$0x1] =	wrdreg $0xFFFFFFFF  }
0xc1: {  	_ =	task.clear_ibuf [dreg:s6], $0x2FFFF;
	_ =	strace $0x9FFFFFFF  }
0xc2: {  	(tm) =	ssettm $0x7FFFFFFF  }
0xc3: {  	_ =	shalt  }
tec
execute0_lowered:
.L_overlay_start_1:
0x0: {  	(tag) =	ssettag $0x1  }
0x1: {  	s0 =	rddreg [dreg:$0x0]  }
0x2: {  	s2 =	rddreg [dreg:$0x1];
	s10 =	stileid.u32  }
0x3: {  	s3 =	simm.s32 $0x0;
	s1 =	srdreg.scid;
	s4 =	smul.u32 $0x500, s10  }
0x4: {  	[smem:$0x7FF] =	sst s3;
	s8 =	smul.u32 $0x140000, s10  }
0x5: {  	s1 =	sand.u32 $0x1, s1;
	s6 =	sadd.s32 $0x3C5400, s0;
	_ =	strace $0x8000004A  }
0x6: {  	s5 =	smul.u32 $0x7800, s1;
	s4 =	sadd.s32 s4, s0;
	s24 =	sshrl.u32 s8, $0x3  }
0x7: {  	s7 =	ssub.s32 $0x2, s1;
	s4 =	sadd.s32 $0x11D400, s4;
	s12 =	sadd.s32 s6, s24  }
0x8: {  	s28 =	smul.u32 $0xFFFFEC40, s1;
	[dreg:$0x3] =	wrdreg s4;
	s1 =	sadd.s32 $0x8000, s12  }
0x9: {  	s26 =	sadd.s32 $0x9000, s12;
	[dreg:$0x4] =	wrdreg s1  }
0xa: {  	s29 =	sadd.s32 $0xA000, s12;
	[dreg:$0x5] =	wrdreg s26  }
0xb: {  	s30 =	sadd.s32 $0xB000, s12;
	[dreg:$0x6] =	wrdreg s29  }
0xc: {  	s9 =	smul.u32 $0x28000, s10;
	s31 =	sadd.s32 $0xC000, s12;
	[dreg:$0x7] =	wrdreg s30  }
0xd: {  	s23 =	sshrl.u32 s7, $0x1;
	s4 =	sadd.s32 $0xD000, s12;
	[dreg:$0x8] =	wrdreg s31  }
0xe: {  	s13 =	ssub.s32 s7, s23;
	s7 =	sadd.s32 $0xE000, s12;
	[dreg:$0x9] =	wrdreg s4  }
0xf: {  	s25 =	sshrl.u32 s9, $0x2;
	s8 =	sadd.s32 $0xF000, s12;
	[dreg:$0xa] =	wrdreg s7  }
0x10: {  	s6 =	sadd.s32 s6, s9;
	s9 =	sadd.s32 $0x10000, s12;
	[dreg:$0xb] =	wrdreg s8  }
0x11: {  	s11 =	sadd.s32 $0x11000, s12;
	[dreg:$0xc] =	wrdreg s9  }
0x12: {  	s14 =	sadd.s32 $0x12000, s12;
	[dreg:$0xd] =	wrdreg s11  }
0x13: {  	s15 =	sadd.s32 $0x13000, s12;
	[dreg:$0xe] =	wrdreg s14  }
0x14: {  	s17 =	sadd.s32 $0x14000, s12;
	[dreg:$0xf] =	wrdreg s15  }
0x15: {  	s18 =	sadd.s32 $0x15000, s12;
	[dreg:$0x10] =	wrdreg s17  }
0x16: {  	s16 =	smul.u32 $0x780, s10;
	s19 =	sadd.s32 $0x16000, s12;
	[dreg:$0x11] =	wrdreg s18  }
0x17: {  	s0 =	sadd.s32 s5, s0;
	s20 =	sadd.s32 $0x17000, s12;
	[dreg:$0x13] =	wrdreg s19  }
0x18: {  	s5 =	sadd.s32 s25, s2;
	s21 =	sadd.s32 $0x18000, s12;
	[dreg:$0x14] =	wrdreg s20  }
0x19: {  	v0 =	vmov s28;
	s28 =	simm.s32 $0x0;
	s22 =	sadd.s32 $0x19000, s12;
	[dreg:$0x15] =	wrdreg s21  }
0x1a: {  	s0 =	sadd.s32 $0x29C00, s0;
	s23 =	sadd.s32 $0x1A000, s12;
	[dreg:$0x16] =	wrdreg s22  }
0x1b: {  	s24 =	sadd.s32 $0x1B000, s12;
	s25 =	sadd.s32 $0x1C000, s12;
	[dreg:$0x17] =	wrdreg s23  }
0x1c: {  	s10 =	sadd.s32 $0x25000, s12;
	s13 =	smax.u32 s13, $0x1;
	[dreg:$0x18] =	wrdreg s24  }
0x1d: {  	s0 =	sadd.s32 s16, s0;
	[dreg:$0x19] =	wrdreg s25;
	s26 =	sadd.s32 $0x1D000, s12  }
0x1e: {  	s29 =	sadd.s32 $0x1E000, s12;
	s30 =	sadd.s32 $0x1F000, s12;
	s31 =	sadd.s32 $0x20000, s12  }
0x1f: {  	s4 =	sadd.s32 $0x21000, s12;
	s7 =	sadd.s32 $0x22000, s12;
	s8 =	sadd.s32 $0x23000, s12  }
0x20: {  	s9 =	sadd.s32 $0x24000, s12;
	s11 =	sadd.s32 $0x26000, s12;
	s12 =	sadd.s32 $0x27000, s12  }
0x21: {  	s14 =	sadd.s32 $0x5000, s5;
	s15 =	sadd.s32 $0x1000, s6;
	s16 =	sadd.s32 $0x2000, s6  }
0x22: {  	s17 =	sadd.s32 $0x3000, s6;
	s18 =	sadd.s32 $0x4000, s6;
	[dreg:$0x12] =	wrdreg s0  }
0x23: {  	s19 =	sadd.s32 $0x5000, s6;
	s20 =	sadd.s32 $0x6000, s6;
	[dreg:$0x1a] =	wrdreg s26  }
0x24: {  	s21 =	sadd.s32 $0x7000, s6;
	s22 =	simm.s32 $0x2;
	[dreg:$0x1b] =	wrdreg s29  }
0x25: {  	s23 =	simm.s32 $0x2800;
	s24 =	simm.s32 $0x80;
	[dreg:$0x1c] =	wrdreg s30  }
0x26: {  	v1 =	vimm.f32 $0.0e+00;
	s25 =	simm.s32 $0x6800;
	[dreg:$0x1d] =	wrdreg s31;
	s26 =	simm.s32 $0x1  }
.LBB2_1:
0x27: {  	s0 =	rddreg [dreg:$0x3]  }
0x28: {  	[tilespmem:s3], [sflag:$0x2] =	stream.linear.gather [hbm4b:s0+s3], $0x2800, $0x38;
	[tilespmem:$0x14800] =	vst v63  }
0x29: {  	s31 =	sand.u32 $0x1FE00, s3;
	s30 =	sand.u32 $0x70, s3;
	_ =	swait.ge [sflag:s22], $0x2800  }
0x2a: {  	s29 =	simm.s32 $0x40;
	s0 =	sshrl.u32 s31, $0x2;
	[sflag:s22] =	ssyncset.done $0x0  }
0x2b: {  	s0 =	sor.u32 s30, s0;
	s30 =	simm.s32 $0x0;
	[sflag:s22] =	ssyncadd.s32 $0xFFFFD800  }
.LBB2_2:
0x2c: {  	p0 =	sne.s32 s29, $0x13FC0  }
0x2d: {  	[tilespmem:s0+$0x2800] =	vst v1;
	s30 =	sadd.s32 $0x10, s30;
	s0 =	smov.u32 s29;
	s29 =	sadd.s32 $0x40, s29  }
.Ltmp0:
0x2e: {  	(pc) =	sbr.rel @p0 .LBB2_2-.Ltmp0, $4  }
0x2f: {  	_ = 	snop  }
0x30: {  	s0 =	sand.u32 $0x1FE00, s0  }
0x31: {  	s31 =	sand.u32 $0x70, s30;
	s0 =	sshrl.u32 s0, $0x2  }
0x32: {  	s0 =	sor.u32 s31, s0  }
0x33: {  	[tilespmem:s0+$0x2800] =	vst v1  }
0x34: {  	[spmem:s5] =	stream.linear.scatter [tilespmem:s23], [sflag:$0x2], $0x5000, $0x38;
	[tilespmem:$0x14800] =	vst v63  }
0x35: {  	_ =	swait.ge [sflag:s22], $0x5000  }
0x36: {  	[sflag:s22] =	ssyncset.done $0x0  }
0x37: {  	s1 =	simm.s32 $0x0;
	[sflag:s22] =	ssyncadd.s32 $0xFFFFB000  }
0x38: {  	[spmem:s14] =	stream.linear.scatter [tilespmem:s23], [sflag:$0x2], $0x5000, $0x38;
	[tilespmem:$0x14800] =	vst v63  }
0x39: {  	s29 =	sand.u32 $0xFE00, s1;
	_ =	swait.ge [sflag:s22], $0x5000  }
0x3a: {  	s0 =	sand.u32 $0x70, s1;
	s29 =	sshrl.u32 s29, $0x2;
	[sflag:s22] =	ssyncset.done $0x0  }
0x3b: {  	s29 =	sor.u32 s0, s29;
	[sflag:s22] =	ssyncadd.s32 $0xFFFFB000  }
0x3c: {  	v2 =	vld [tilespmem:s29+$0x0];
	_ =	sdelay $0x3  }
0x3d: {  	s1 =	simm.s32 $0x40  }
0x3e: {  	s30 =	simm.s32 $0x80;
	s31 =	simm.s32 $0x10;
	s0 =	sand.u32 $0xFE00, s1;
	v2 =	vadd.s32 v0, v2  }
.LBB2_4:
0x3f: {  	p0 =	sne.s32 s30, $0x9FC0;
	s1 =	sand.u32 $0x70, s31;
	s0 =	sshrl.u32 s0, $0x2;
	v2 =	vmin.u32 v2, $0x13C0  }
0x40: {  	[tilespmem:s29+$0x0] =	vst v2;
	s29 =	sor.u32 s1, s0  }
0x41: {  	v2 =	vld [tilespmem:s29+$0x0]  }
.Ltmp1:
0x42: {  	(pc) =	sbr.rel @p0 .LBB2_4-.Ltmp1, $2  }
0x43: {  	_ =	sdelay $0x2  }
0x44: {  	s31 =	sadd.s32 $0x10, s31;
	s0 =	sand.u32 $0xFE00, s30;
	s30 =	sadd.s32 $0x40, s30;
	v2 =	vadd.s32 v0, v2  }
0x45: {  	s1 =	sand.u32 $0x70, s31;
	s0 =	sshrl.u32 s0, $0x2;
	v2 =	vmin.u32 v2, $0x13C0  }
0x46: {  	s0 =	sor.u32 s1, s0;
	[tilespmem:s29+$0x0] =	vst v2  }
0x47: {  	v2 =	vld [tilespmem:s0+$0x0];
	_ =	sdelay $0x4  }
0x48: {  	v2 =	vadd.s32 v0, v2  }
0x49: {  	v2 =	vmin.u32 v2, $0x13C0  }
0x4a: {  	[tilespmem:s0+$0x0] =	vst v2  }
0x4b: {  	[bflag:$0x0] =	sbarrier.arrive $0xFFFF  }
0x4c: {  	[tilespmem:s23], [sflag:$0x2] =	stream.linear.gather [hbm4b:s6+s3], $0x8000, $0x38;
	[tilespmem:$0x14800] =	vst v63  }
0x4d: {  	_ =	swait.ge [sflag:s22], $0x8000  }
0x4e: {  	[sflag:s22] =	ssyncset.done $0x0  }
0x4f: {  	[sflag:s22] =	ssyncadd.s32 $0xFFFF8000  }
0x50: {  	[spmem:s2] =	stream.indirect.scatter.add.f32 [tilespmem:s23], [sflag:$0x1], $0x80, s3, s24, $0xb8;
	[tilespmem:$0x14800] =	vst v63  }
0x51: {  	_ = 	snop  }
0x52: {  	[spmem:s2] =	stream.indirect.scatter.add.f32 [tilespmem:s25], [sflag:$0x1], $0x80, s24, s24, $0xb8;
	[tilespmem:$0x14800] =	vst v63  }
0x53: {  	_ =	swait.ge [sflag:s26], $0x4000  }
0x54: {  	[sflag:s26] =	ssyncset.done $0x0  }
0x55: {  	[sflag:s26] =	ssyncadd.s32 $0xFFFFC000  }
0x56: {  	_ =	swait.ge [sflag:s26], $0x4000  }
0x57: {  	[sflag:s26] =	ssyncset.done $0x0  }
0x58: {  	[sflag:s26] =	ssyncadd.s32 $0xFFFFC000  }
0x59: {  	[tilespmem:s23], [sflag:$0x2] =	stream.linear.gather [hbm4b:s15+s3], $0x8000, $0x38;
	[tilespmem:$0x14800] =	vst v63  }
0x5a: {  	_ =	swait.ge [sflag:s22], $0x8000  }
0x5b: {  	[sflag:s22] =	ssyncset.done $0x0  }
0x5c: {  	s1 =	simm.s32 $0x100;
	[sflag:s22] =	ssyncadd.s32 $0xFFFF8000  }
0x5d: {  	[spmem:s2] =	stream.indirect.scatter.add.f32 [tilespmem:s23], [sflag:$0x1], $0x80, s1, s24, $0xb8;
	[tilespmem:$0x14800] =	vst v63  }
0x5e: {  	s29 =	simm.s32 $0x180  }
0x5f: {  	[spmem:s2] =	stream.indirect.scatter.add.f32 [tilespmem:s25], [sflag:$0x1], $0x80, s29, s24, $0xb8;
	[tilespmem:$0x14800] =	vst v63  }
0x60: {  	_ =	swait.ge [sflag:s26], $0x4000  }
0x61: {  	[sflag:s26] =	ssyncset.done $0x0  }
0x62: {  	[sflag:s26] =	ssyncadd.s32 $0xFFFFC000  }
0x63: {  	_ =	swait.ge [sflag:s26], $0x4000  }
0x64: {  	[sflag:s26] =	ssyncset.done $0x0  }
0x65: {  	[sflag:s26] =	ssyncadd.s32 $0xFFFFC000  }
0x66: {  	[tilespmem:s23], [sflag:$0x2] =	stream.linear.gather [hbm4b:s16+s3], $0x8000, $0x38;
	[tilespmem:$0x14800] =	vst v63  }
0x67: {  	_ =	swait.ge [sflag:s22], $0x8000  }
0x68: {  	[sflag:s22] =	ssyncset.done $0x0  }
0x69: {  	s30 =	simm.s32 $0x200;
	[sflag:s22] =	ssyncadd.s32 $0xFFFF8000  }
0x6a: {  	[spmem:s2] =	stream.indirect.scatter.add.f32 [tilespmem:s23], [sflag:$0x1], $0x80, s30, s24, $0xb8;
	[tilespmem:$0x14800] =	vst v63  }
0x6b: {  	s31 =	simm.s32 $0x280  }
0x6c: {  	[spmem:s2] =	stream.indirect.scatter.add.f32 [tilespmem:s25], [sflag:$0x1], $0x80, s31, s24, $0xb8;
	[tilespmem:$0x14800] =	vst v63  }
0x6d: {  	_ =	swait.ge [sflag:s26], $0x4000  }
0x6e: {  	[sflag:s26] =	ssyncset.done $0x0  }
0x6f: {  	[sflag:s26] =	ssyncadd.s32 $0xFFFFC000  }
0x70: {  	_ =	swait.ge [sflag:s26], $0x4000  }
0x71: {  	[sflag:s26] =	ssyncset.done $0x0  }
0x72: {  	[sflag:s26] =	ssyncadd.s32 $0xFFFFC000  }
0x73: {  	[tilespmem:s23], [sflag:$0x2] =	stream.linear.gather [hbm4b:s17+s3], $0x8000, $0x38;
	[tilespmem:$0x14800] =	vst v63  }
0x74: {  	_ =	swait.ge [sflag:s22], $0x8000  }
0x75: {  	[sflag:s22] =	ssyncset.done $0x0  }
0x76: {  	s1 =	simm.s32 $0x300;
	[sflag:s22] =	ssyncadd.s32 $0xFFFF8000  }
0x77: {  	[spmem:s2] =	stream.indirect.scatter.add.f32 [tilespmem:s23], [sflag:$0x1], $0x80, s1, s24, $0xb8;
	[tilespmem:$0x14800] =	vst v63  }
0x78: {  	s29 =	simm.s32 $0x380  }
0x79: {  	[spmem:s2] =	stream.indirect.scatter.add.f32 [tilespmem:s25], [sflag:$0x1], $0x80, s29, s24, $0xb8;
	[tilespmem:$0x14800] =	vst v63  }
0x7a: {  	_ =	swait.ge [sflag:s26], $0x4000  }
0x7b: {  	[sflag:s26] =	ssyncset.done $0x0  }
0x7c: {  	[sflag:s26] =	ssyncadd.s32 $0xFFFFC000  }
0x7d: {  	_ =	swait.ge [sflag:s26], $0x4000  }
0x7e: {  	[sflag:s26] =	ssyncset.done $0x0  }
0x7f: {  	[sflag:s26] =	ssyncadd.s32 $0xFFFFC000  }
0x80: {  	[tilespmem:s23], [sflag:$0x2] =	stream.linear.gather [hbm4b:s18+s3], $0x8000, $0x38;
	[tilespmem:$0x14800] =	vst v63  }
0x81: {  	_ =	swait.ge [sflag:s22], $0x8000  }
0x82: {  	[sflag:s22] =	ssyncset.done $0x0  }
0x83: {  	s30 =	simm.s32 $0x400;
	[sflag:s22] =	ssyncadd.s32 $0xFFFF8000  }
0x84: {  	[spmem:s2] =	stream.indirect.scatter.add.f32 [tilespmem:s23], [sflag:$0x1], $0x80, s30, s24, $0xb8;
	[tilespmem:$0x14800] =	vst v63  }
0x85: {  	s31 =	simm.s32 $0x480  }
0x86: {  	[spmem:s2] =	stream.indirect.scatter.add.f32 [tilespmem:s25], [sflag:$0x1], $0x80, s31, s24, $0xb8;
	[tilespmem:$0x14800] =	vst v63  }
0x87: {  	_ =	swait.ge [sflag:s26], $0x4000  }
0x88: {  	[sflag:s26] =	ssyncset.done $0x0  }
0x89: {  	[sflag:s26] =	ssyncadd.s32 $0xFFFFC000  }
0x8a: {  	_ =	swait.ge [sflag:s26], $0x4000  }
0x8b: {  	[sflag:s26] =	ssyncset.done $0x0  }
0x8c: {  	[sflag:s26] =	ssyncadd.s32 $0xFFFFC000  }
0x8d: {  	[tilespmem:s23], [sflag:$0x2] =	stream.linear.gather [hbm4b:s19+s3], $0x8000, $0x38;
	[tilespmem:$0x14800] =	vst v63  }
0x8e: {  	_ =	swait.ge [sflag:s22], $0x8000  }
0x8f: {  	[sflag:s22] =	ssyncset.done $0x0  }
0x90: {  	s1 =	simm.s32 $0x500;
	[sflag:s22] =	ssyncadd.s32 $0xFFFF8000  }
0x91: {  	[spmem:s2] =	stream.indirect.scatter.add.f32 [tilespmem:s23], [sflag:$0x1], $0x80, s1, s24, $0xb8;
	[tilespmem:$0x14800] =	vst v63  }
0x92: {  	s29 =	simm.s32 $0x580  }
0x93: {  	[spmem:s2] =	stream.indirect.scatter.add.f32 [tilespmem:s25], [sflag:$0x1], $0x80, s29, s24, $0xb8;
	[tilespmem:$0x14800] =	vst v63  }
0x94: {  	_ =	swait.ge [sflag:s26], $0x4000  }
0x95: {  	[sflag:s26] =	ssyncset.done $0x0  }
0x96: {  	[sflag:s26] =	ssyncadd.s32 $0xFFFFC000  }
0x97: {  	_ =	swait.ge [sflag:s26], $0x4000  }
0x98: {  	[sflag:s26] =	ssyncset.done $0x0  }
0x99: {  	[sflag:s26] =	ssyncadd.s32 $0xFFFFC000  }
0x9a: {  	[tilespmem:s23], [sflag:$0x2] =	stream.linear.gather [hbm4b:s20+s3], $0x8000, $0x38;
	[tilespmem:$0x14800] =	vst v63  }
0x9b: {  	_ =	swait.ge [sflag:s22], $0x8000  }
0x9c: {  	[sflag:s22] =	ssyncset.done $0x0  }
0x9d: {  	s30 =	simm.s32 $0x600;
	[sflag:s22] =	ssyncadd.s32 $0xFFFF8000  }
0x9e: {  	[spmem:s2] =	stream.indirect.scatter.add.f32 [tilespmem:s23], [sflag:$0x1], $0x80, s30, s24, $0xb8;
	[tilespmem:$0x14800] =	vst v63  }
0x9f: {  	s31 =	simm.s32 $0x680  }
0xa0: {  	[spmem:s2] =	stream.indirect.scatter.add.f32 [tilespmem:s25], [sflag:$0x1], $0x80, s31, s24, $0xb8;
	[tilespmem:$0x14800] =	vst v63  }
0xa1: {  	_ =	swait.ge [sflag:s26], $0x4000  }
0xa2: {  	[sflag:s26] =	ssyncset.done $0x0  }
0xa3: {  	[sflag:s26] =	ssyncadd.s32 $0xFFFFC000  }
0xa4: {  	_ =	swait.ge [sflag:s26], $0x4000  }
0xa5: {  	[sflag:s26] =	ssyncset.done $0x0  }
0xa6: {  	[sflag:s26] =	ssyncadd.s32 $0xFFFFC000  }
0xa7: {  	[tilespmem:s23], [sflag:$0x2] =	stream.linear.gather [hbm4b:s21+s3], $0x8000, $0x38;
	[tilespmem:$0x14800] =	vst v63  }
0xa8: {  	_ =	swait.ge [sflag:s22], $0x8000  }
0xa9: {  	[sflag:s22] =	ssyncset.done $0x0  }
0xaa: {  	s1 =	simm.s32 $0x700;
	[sflag:s22] =	ssyncadd.s32 $0xFFFF8000  }
0xab: {  	[spmem:s2] =	stream.indirect.scatter.add.f32 [tilespmem:s23], [sflag:$0x1], $0x80, s1, s24, $0xb8;
	[tilespmem:$0x14800] =	vst v63  }
0xac: {  	s29 =	simm.s32 $0x780  }
0xad: {  	[spmem:s2] =	stream.indirect.scatter.add.f32 [tilespmem:s25], [sflag:$0x1], $0x80, s29, s24, $0xb8;
	[tilespmem:$0x14800] =	vst v63  }
0xae: {  	_ =	swait.ge [sflag:s26], $0x4000  }
0xaf: {  	[sflag:s26] =	ssyncset.done $0x0  }
0xb0: {  	[sflag:s26] =	ssyncadd.s32 $0xFFFFC000  }
0xb1: {  	_ =	swait.ge [sflag:s26], $0x4000  }
0xb2: {  	[sflag:s26] =	ssyncset.done $0x0  }
0xb3: {  	s30 =	rddreg [dreg:$0x4];
	[sflag:s26] =	ssyncadd.s32 $0xFFFFC000  }
0xb4: {  	[tilespmem:s23], [sflag:$0x2] =	stream.linear.gather [hbm4b:s30+s3], $0x8000, $0x38;
	[tilespmem:$0x14800] =	vst v63  }
0xb5: {  	_ =	swait.ge [sflag:s22], $0x8000  }
0xb6: {  	[sflag:s22] =	ssyncset.done $0x0  }
0xb7: {  	s31 =	simm.s32 $0x800;
	[sflag:s22] =	ssyncadd.s32 $0xFFFF8000  }
0xb8: {  	[spmem:s2] =	stream.indirect.scatter.add.f32 [tilespmem:s23], [sflag:$0x1], $0x80, s31, s24, $0xb8;
	[tilespmem:$0x14800] =	vst v63  }
0xb9: {  	s1 =	simm.s32 $0x880  }
0xba: {  	[spmem:s2] =	stream.indirect.scatter.add.f32 [tilespmem:s25], [sflag:$0x1], $0x80, s1, s24, $0xb8;
	[tilespmem:$0x14800] =	vst v63  }
0xbb: {  	_ =	swait.ge [sflag:s26], $0x4000  }
0xbc: {  	[sflag:s26] =	ssyncset.done $0x0  }
0xbd: {  	[sflag:s26] =	ssyncadd.s32 $0xFFFFC000  }
0xbe: {  	_ =	swait.ge [sflag:s26], $0x4000  }
0xbf: {  	[sflag:s26] =	ssyncset.done $0x0  }
0xc0: {  	s29 =	rddreg [dreg:$0x5];
	[sflag:s26] =	ssyncadd.s32 $0xFFFFC000  }
0xc1: {  	[tilespmem:s23], [sflag:$0x2] =	stream.linear.gather [hbm4b:s29+s3], $0x8000, $0x38;
	[tilespmem:$0x14800] =	vst v63  }
0xc2: {  	_ =	swait.ge [sflag:s22], $0x8000  }
0xc3: {  	[sflag:s22] =	ssyncset.done $0x0  }
0xc4: {  	s30 =	simm.s32 $0x900;
	[sflag:s22] =	ssyncadd.s32 $0xFFFF8000  }
0xc5: {  	[spmem:s2] =	stream.indirect.scatter.add.f32 [tilespmem:s23], [sflag:$0x1], $0x80, s30, s24, $0xb8;
	[tilespmem:$0x14800] =	vst v63  }
0xc6: {  	s31 =	simm.s32 $0x980  }
0xc7: {  	[spmem:s2] =	stream.indirect.scatter.add.f32 [tilespmem:s25], [sflag:$0x1], $0x80, s31, s24, $0xb8;
	[tilespmem:$0x14800] =	vst v63  }
0xc8: {  	_ =	swait.ge [sflag:s26], $0x4000  }
0xc9: {  	[sflag:s26] =	ssyncset.done $0x0  }
0xca: {  	[sflag:s26] =	ssyncadd.s32 $0xFFFFC000  }
0xcb: {  	_ =	swait.ge [sflag:s26], $0x4000  }
0xcc: {  	[sflag:s26] =	ssyncset.done $0x0  }
0xcd: {  	s1 =	rddreg [dreg:$0x6];
	[sflag:s26] =	ssyncadd.s32 $0xFFFFC000  }
0xce: {  	[tilespmem:s23], [sflag:$0x2] =	stream.linear.gather [hbm4b:s1+s3], $0x8000, $0x38;
	[tilespmem:$0x14800] =	vst v63  }
0xcf: {  	_ =	swait.ge [sflag:s22], $0x8000  }
0xd0: {  	[sflag:s22] =	ssyncset.done $0x0  }
0xd1: {  	s29 =	simm.s32 $0xA00;
	[sflag:s22] =	ssyncadd.s32 $0xFFFF8000  }
0xd2: {  	[spmem:s2] =	stream.indirect.scatter.add.f32 [tilespmem:s23], [sflag:$0x1], $0x80, s29, s24, $0xb8;
	[tilespmem:$0x14800] =	vst v63  }
0xd3: {  	s30 =	simm.s32 $0xA80  }
0xd4: {  	[spmem:s2] =	stream.indirect.scatter.add.f32 [tilespmem:s25], [sflag:$0x1], $0x80, s30, s24, $0xb8;
	[tilespmem:$0x14800] =	vst v63  }
0xd5: {  	_ =	swait.ge [sflag:s26], $0x4000  }
0xd6: {  	[sflag:s26] =	ssyncset.done $0x0  }
0xd7: {  	[sflag:s26] =	ssyncadd.s32 $0xFFFFC000  }
0xd8: {  	_ =	swait.ge [sflag:s26], $0x4000  }
0xd9: {  	[sflag:s26] =	ssyncset.done $0x0  }
0xda: {  	s31 =	rddreg [dreg:$0x7];
	[sflag:s26] =	ssyncadd.s32 $0xFFFFC000  }
0xdb: {  	[tilespmem:s23], [sflag:$0x2] =	stream.linear.gather [hbm4b:s31+s3], $0x8000, $0x38;
	[tilespmem:$0x14800] =	vst v63  }
0xdc: {  	_ =	swait.ge [sflag:s22], $0x8000  }
0xdd: {  	[sflag:s22] =	ssyncset.done $0x0  }
0xde: {  	s1 =	simm.s32 $0xB00;
	[sflag:s22] =	ssyncadd.s32 $0xFFFF8000  }
0xdf: {  	[spmem:s2] =	stream.indirect.scatter.add.f32 [tilespmem:s23], [sflag:$0x1], $0x80, s1, s24, $0xb8;
	[tilespmem:$0x14800] =	vst v63  }
0xe0: {  	s29 =	simm.s32 $0xB80  }
0xe1: {  	[spmem:s2] =	stream.indirect.scatter.add.f32 [tilespmem:s25], [sflag:$0x1], $0x80, s29, s24, $0xb8;
	[tilespmem:$0x14800] =	vst v63  }
0xe2: {  	_ =	swait.ge [sflag:s26], $0x4000  }
0xe3: {  	[sflag:s26] =	ssyncset.done $0x0  }
0xe4: {  	[sflag:s26] =	ssyncadd.s32 $0xFFFFC000  }
0xe5: {  	_ =	swait.ge [sflag:s26], $0x4000  }
0xe6: {  	[sflag:s26] =	ssyncset.done $0x0  }
0xe7: {  	s30 =	rddreg [dreg:$0x8];
	[sflag:s26] =	ssyncadd.s32 $0xFFFFC000  }
0xe8: {  	[tilespmem:s23], [sflag:$0x2] =	stream.linear.gather [hbm4b:s30+s3], $0x8000, $0x38;
	[tilespmem:$0x14800] =	vst v63  }
0xe9: {  	_ =	swait.ge [sflag:s22], $0x8000  }
0xea: {  	[sflag:s22] =	ssyncset.done $0x0  }
0xeb: {  	s31 =	simm.s32 $0xC00;
	[sflag:s22] =	ssyncadd.s32 $0xFFFF8000  }
0xec: {  	[spmem:s2] =	stream.indirect.scatter.add.f32 [tilespmem:s23], [sflag:$0x1], $0x80, s31, s24, $0xb8;
	[tilespmem:$0x14800] =	vst v63  }
0xed: {  	s1 =	simm.s32 $0xC80  }
0xee: {  	[spmem:s2] =	stream.indirect.scatter.add.f32 [tilespmem:s25], [sflag:$0x1], $0x80, s1, s24, $0xb8;
	[tilespmem:$0x14800] =	vst v63  }
0xef: {  	_ =	swait.ge [sflag:s26], $0x4000  }
0xf0: {  	[sflag:s26] =	ssyncset.done $0x0  }
0xf1: {  	[sflag:s26] =	ssyncadd.s32 $0xFFFFC000  }
0xf2: {  	_ =	swait.ge [sflag:s26], $0x4000  }
0xf3: {  	[sflag:s26] =	ssyncset.done $0x0  }
0xf4: {  	s29 =	rddreg [dreg:$0x9];
	[sflag:s26] =	ssyncadd.s32 $0xFFFFC000  }
0xf5: {  	[tilespmem:s23], [sflag:$0x2] =	stream.linear.gather [hbm4b:s29+s3], $0x8000, $0x38;
	[tilespmem:$0x14800] =	vst v63  }
0xf6: {  	_ =	swait.ge [sflag:s22], $0x8000  }
0xf7: {  	[sflag:s22] =	ssyncset.done $0x0  }
0xf8: {  	s30 =	simm.s32 $0xD00;
	[sflag:s22] =	ssyncadd.s32 $0xFFFF8000  }
0xf9: {  	[spmem:s2] =	stream.indirect.scatter.add.f32 [tilespmem:s23], [sflag:$0x1], $0x80, s30, s24, $0xb8;
	[tilespmem:$0x14800] =	vst v63  }
0xfa: {  	s31 =	simm.s32 $0xD80  }
0xfb: {  	[spmem:s2] =	stream.indirect.scatter.add.f32 [tilespmem:s25], [sflag:$0x1], $0x80, s31, s24, $0xb8;
	[tilespmem:$0x14800] =	vst v63  }
0xfc: {  	_ =	swait.ge [sflag:s26], $0x4000  }
0xfd: {  	[sflag:s26] =	ssyncset.done $0x0  }
0xfe: {  	[sflag:s26] =	ssyncadd.s32 $0xFFFFC000  }
0xff: {  	_ =	swait.ge [sflag:s26], $0x4000  }
0x100: {  	[sflag:s26] =	ssyncset.done $0x0  }
0x101: {  	s1 =	rddreg [dreg:$0xa];
	[sflag:s26] =	ssyncadd.s32 $0xFFFFC000  }
0x102: {  	[tilespmem:s23], [sflag:$0x2] =	stream.linear.gather [hbm4b:s1+s3], $0x8000, $0x38;
	[tilespmem:$0x14800] =	vst v63  }
0x103: {  	_ =	swait.ge [sflag:s22], $0x8000  }
0x104: {  	[sflag:s22] =	ssyncset.done $0x0  }
0x105: {  	s29 =	simm.s32 $0xE00;
	[sflag:s22] =	ssyncadd.s32 $0xFFFF8000  }
0x106: {  	[spmem:s2] =	stream.indirect.scatter.add.f32 [tilespmem:s23], [sflag:$0x1], $0x80, s29, s24, $0xb8;
	[tilespmem:$0x14800] =	vst v63  }
0x107: {  	s30 =	simm.s32 $0xE80  }
0x108: {  	[spmem:s2] =	stream.indirect.scatter.add.f32 [tilespmem:s25], [sflag:$0x1], $0x80, s30, s24, $0xb8;
	[tilespmem:$0x14800] =	vst v63  }
0x109: {  	_ =	swait.ge [sflag:s26], $0x4000  }
0x10a: {  	[sflag:s26] =	ssyncset.done $0x0  }
0x10b: {  	[sflag:s26] =	ssyncadd.s32 $0xFFFFC000  }
0x10c: {  	_ =	swait.ge [sflag:s26], $0x4000  }
0x10d: {  	[sflag:s26] =	ssyncset.done $0x0  }
0x10e: {  	s31 =	rddreg [dreg:$0xb];
	[sflag:s26] =	ssyncadd.s32 $0xFFFFC000  }
0x10f: {  	[tilespmem:s23], [sflag:$0x2] =	stream.linear.gather [hbm4b:s31+s3], $0x8000, $0x38;
	[tilespmem:$0x14800] =	vst v63  }
0x110: {  	_ =	swait.ge [sflag:s22], $0x8000  }
0x111: {  	[sflag:s22] =	ssyncset.done $0x0  }
0x112: {  	s1 =	simm.s32 $0xF00;
	[sflag:s22] =	ssyncadd.s32 $0xFFFF8000  }
0x113: {  	[spmem:s2] =	stream.indirect.scatter.add.f32 [tilespmem:s23], [sflag:$0x1], $0x80, s1, s24, $0xb8;
	[tilespmem:$0x14800] =	vst v63  }
0x114: {  	s29 =	simm.s32 $0xF80  }
0x115: {  	[spmem:s2] =	stream.indirect.scatter.add.f32 [tilespmem:s25], [sflag:$0x1], $0x80, s29, s24, $0xb8;
	[tilespmem:$0x14800] =	vst v63  }
0x116: {  	_ =	swait.ge [sflag:s26], $0x4000  }
0x117: {  	[sflag:s26] =	ssyncset.done $0x0  }
0x118: {  	[sflag:s26] =	ssyncadd.s32 $0xFFFFC000  }
0x119: {  	_ =	swait.ge [sflag:s26], $0x4000  }
0x11a: {  	[sflag:s26] =	ssyncset.done $0x0  }
0x11b: {  	s30 =	rddreg [dreg:$0xc];
	[sflag:s26] =	ssyncadd.s32 $0xFFFFC000  }
0x11c: {  	[tilespmem:s23], [sflag:$0x2] =	stream.linear.gather [hbm4b:s30+s3], $0x8000, $0x38;
	[tilespmem:$0x14800] =	vst v63  }
0x11d: {  	_ =	swait.ge [sflag:s22], $0x8000  }
0x11e: {  	[sflag:s22] =	ssyncset.done $0x0  }
0x11f: {  	s31 =	simm.s32 $0x1000;
	[sflag:s22] =	ssyncadd.s32 $0xFFFF8000  }
0x120: {  	[spmem:s2] =	stream.indirect.scatter.add.f32 [tilespmem:s23], [sflag:$0x1], $0x80, s31, s24, $0xb8;
	[tilespmem:$0x14800] =	vst v63  }
0x121: {  	s1 =	simm.s32 $0x1080  }
0x122: {  	[spmem:s2] =	stream.indirect.scatter.add.f32 [tilespmem:s25], [sflag:$0x1], $0x80, s1, s24, $0xb8;
	[tilespmem:$0x14800] =	vst v63  }
0x123: {  	_ =	swait.ge [sflag:s26], $0x4000  }
0x124: {  	[sflag:s26] =	ssyncset.done $0x0  }
0x125: {  	[sflag:s26] =	ssyncadd.s32 $0xFFFFC000  }
0x126: {  	_ =	swait.ge [sflag:s26], $0x4000  }
0x127: {  	[sflag:s26] =	ssyncset.done $0x0  }
0x128: {  	s29 =	rddreg [dreg:$0xd];
	[sflag:s26] =	ssyncadd.s32 $0xFFFFC000  }
0x129: {  	[tilespmem:s23], [sflag:$0x2] =	stream.linear.gather [hbm4b:s29+s3], $0x8000, $0x38;
	[tilespmem:$0x14800] =	vst v63  }
0x12a: {  	_ =	swait.ge [sflag:s22], $0x8000  }
0x12b: {  	[sflag:s22] =	ssyncset.done $0x0  }
0x12c: {  	s30 =	simm.s32 $0x1100;
	[sflag:s22] =	ssyncadd.s32 $0xFFFF8000  }
0x12d: {  	[spmem:s2] =	stream.indirect.scatter.add.f32 [tilespmem:s23], [sflag:$0x1], $0x80, s30, s24, $0xb8;
	[tilespmem:$0x14800] =	vst v63  }
0x12e: {  	s31 =	simm.s32 $0x1180  }
0x12f: {  	[spmem:s2] =	stream.indirect.scatter.add.f32 [tilespmem:s25], [sflag:$0x1], $0x80, s31, s24, $0xb8;
	[tilespmem:$0x14800] =	vst v63  }
0x130: {  	_ =	swait.ge [sflag:s26], $0x4000  }
0x131: {  	[sflag:s26] =	ssyncset.done $0x0  }
0x132: {  	[sflag:s26] =	ssyncadd.s32 $0xFFFFC000  }
0x133: {  	_ =	swait.ge [sflag:s26], $0x4000  }
0x134: {  	[sflag:s26] =	ssyncset.done $0x0  }
0x135: {  	s1 =	rddreg [dreg:$0xe];
	[sflag:s26] =	ssyncadd.s32 $0xFFFFC000  }
0x136: {  	[tilespmem:s23], [sflag:$0x2] =	stream.linear.gather [hbm4b:s1+s3], $0x8000, $0x38;
	[tilespmem:$0x14800] =	vst v63  }
0x137: {  	_ =	swait.ge [sflag:s22], $0x8000  }
0x138: {  	[sflag:s22] =	ssyncset.done $0x0  }
0x139: {  	s29 =	simm.s32 $0x1200;
	[sflag:s22] =	ssyncadd.s32 $0xFFFF8000  }
0x13a: {  	[spmem:s2] =	stream.indirect.scatter.add.f32 [tilespmem:s23], [sflag:$0x1], $0x80, s29, s24, $0xb8;
	[tilespmem:$0x14800] =	vst v63  }
0x13b: {  	s30 =	simm.s32 $0x1280  }
0x13c: {  	[spmem:s2] =	stream.indirect.scatter.add.f32 [tilespmem:s25], [sflag:$0x1], $0x80, s30, s24, $0xb8;
	[tilespmem:$0x14800] =	vst v63  }
0x13d: {  	_ =	swait.ge [sflag:s26], $0x4000  }
0x13e: {  	[sflag:s26] =	ssyncset.done $0x0  }
0x13f: {  	[sflag:s26] =	ssyncadd.s32 $0xFFFFC000  }
0x140: {  	_ =	swait.ge [sflag:s26], $0x4000  }
0x141: {  	[sflag:s26] =	ssyncset.done $0x0  }
0x142: {  	s31 =	rddreg [dreg:$0xf];
	[sflag:s26] =	ssyncadd.s32 $0xFFFFC000  }
0x143: {  	[tilespmem:s23], [sflag:$0x2] =	stream.linear.gather [hbm4b:s31+s3], $0x8000, $0x38;
	[tilespmem:$0x14800] =	vst v63  }
0x144: {  	_ =	swait.ge [sflag:s22], $0x8000  }
0x145: {  	[sflag:s22] =	ssyncset.done $0x0  }
0x146: {  	s1 =	simm.s32 $0x1300;
	[sflag:s22] =	ssyncadd.s32 $0xFFFF8000  }
0x147: {  	[spmem:s2] =	stream.indirect.scatter.add.f32 [tilespmem:s23], [sflag:$0x1], $0x80, s1, s24, $0xb8;
	[tilespmem:$0x14800] =	vst v63  }
0x148: {  	s29 =	simm.s32 $0x1380  }
0x149: {  	[spmem:s2] =	stream.indirect.scatter.add.f32 [tilespmem:s25], [sflag:$0x1], $0x80, s29, s24, $0xb8;
	[tilespmem:$0x14800] =	vst v63  }
0x14a: {  	_ =	swait.ge [sflag:s26], $0x4000  }
0x14b: {  	[sflag:s26] =	ssyncset.done $0x0  }
0x14c: {  	[sflag:s26] =	ssyncadd.s32 $0xFFFFC000  }
0x14d: {  	_ =	swait.ge [sflag:s26], $0x4000  }
0x14e: {  	[sflag:s26] =	ssyncset.done $0x0  }
0x14f: {  	s30 =	rddreg [dreg:$0x10];
	[sflag:s26] =	ssyncadd.s32 $0xFFFFC000  }
0x150: {  	[tilespmem:s23], [sflag:$0x2] =	stream.linear.gather [hbm4b:s30+s3], $0x8000, $0x38;
	[tilespmem:$0x14800] =	vst v63  }
0x151: {  	_ =	swait.ge [sflag:s22], $0x8000  }
0x152: {  	[sflag:s22] =	ssyncset.done $0x0  }
0x153: {  	s31 =	simm.s32 $0x1400;
	[sflag:s22] =	ssyncadd.s32 $0xFFFF8000  }
0x154: {  	[spmem:s2] =	stream.indirect.scatter.add.f32 [tilespmem:s23], [sflag:$0x1], $0x80, s31, s24, $0xb8;
	[tilespmem:$0x14800] =	vst v63  }
0x155: {  	s1 =	simm.s32 $0x1480  }
0x156: {  	[spmem:s2] =	stream.indirect.scatter.add.f32 [tilespmem:s25], [sflag:$0x1], $0x80, s1, s24, $0xb8;
	[tilespmem:$0x14800] =	vst v63  }
0x157: {  	_ =	swait.ge [sflag:s26], $0x4000  }
0x158: {  	[sflag:s26] =	ssyncset.done $0x0  }
0x159: {  	[sflag:s26] =	ssyncadd.s32 $0xFFFFC000  }
0x15a: {  	_ =	swait.ge [sflag:s26], $0x4000  }
0x15b: {  	[sflag:s26] =	ssyncset.done $0x0  }
0x15c: {  	s29 =	rddreg [dreg:$0x11];
	[sflag:s26] =	ssyncadd.s32 $0xFFFFC000  }
0x15d: {  	[tilespmem:s23], [sflag:$0x2] =	stream.linear.gather [hbm4b:s29+s3], $0x8000, $0x38;
	[tilespmem:$0x14800] =	vst v63  }
0x15e: {  	_ =	swait.ge [sflag:s22], $0x8000  }
0x15f: {  	[sflag:s22] =	ssyncset.done $0x0  }
0x160: {  	s30 =	simm.s32 $0x1500;
	[sflag:s22] =	ssyncadd.s32 $0xFFFF8000  }
0x161: {  	[spmem:s2] =	stream.indirect.scatter.add.f32 [tilespmem:s23], [sflag:$0x1], $0x80, s30, s24, $0xb8;
	[tilespmem:$0x14800] =	vst v63  }
0x162: {  	s31 =	simm.s32 $0x1580  }
0x163: {  	[spmem:s2] =	stream.indirect.scatter.add.f32 [tilespmem:s25], [sflag:$0x1], $0x80, s31, s24, $0xb8;
	[tilespmem:$0x14800] =	vst v63  }
0x164: {  	_ =	swait.ge [sflag:s26], $0x4000  }
0x165: {  	[sflag:s26] =	ssyncset.done $0x0  }
0x166: {  	[sflag:s26] =	ssyncadd.s32 $0xFFFFC000  }
0x167: {  	_ =	swait.ge [sflag:s26], $0x4000  }
0x168: {  	[sflag:s26] =	ssyncset.done $0x0  }
0x169: {  	s1 =	rddreg [dreg:$0x13];
	[sflag:s26] =	ssyncadd.s32 $0xFFFFC000  }
0x16a: {  	[tilespmem:s23], [sflag:$0x2] =	stream.linear.gather [hbm4b:s1+s3], $0x8000, $0x38;
	[tilespmem:$0x14800] =	vst v63  }
0x16b: {  	_ =	swait.ge [sflag:s22], $0x8000  }
0x16c: {  	[sflag:s22] =	ssyncset.done $0x0  }
0x16d: {  	s29 =	simm.s32 $0x1600;
	[sflag:s22] =	ssyncadd.s32 $0xFFFF8000  }
0x16e: {  	[spmem:s2] =	stream.indirect.scatter.add.f32 [tilespmem:s23], [sflag:$0x1], $0x80, s29, s24, $0xb8;
	[tilespmem:$0x14800] =	vst v63  }
0x16f: {  	s30 =	simm.s32 $0x1680  }
0x170: {  	[spmem:s2] =	stream.indirect.scatter.add.f32 [tilespmem:s25], [sflag:$0x1], $0x80, s30, s24, $0xb8;
	[tilespmem:$0x14800] =	vst v63  }
0x171: {  	_ =	swait.ge [sflag:s26], $0x4000  }
0x172: {  	[sflag:s26] =	ssyncset.done $0x0  }
0x173: {  	[sflag:s26] =	ssyncadd.s32 $0xFFFFC000  }
0x174: {  	_ =	swait.ge [sflag:s26], $0x4000  }
0x175: {  	[sflag:s26] =	ssyncset.done $0x0  }
0x176: {  	s31 =	rddreg [dreg:$0x14];
	[sflag:s26] =	ssyncadd.s32 $0xFFFFC000  }
0x177: {  	[tilespmem:s23], [sflag:$0x2] =	stream.linear.gather [hbm4b:s31+s3], $0x8000, $0x38;
	[tilespmem:$0x14800] =	vst v63  }
0x178: {  	_ =	swait.ge [sflag:s22], $0x8000  }
0x179: {  	[sflag:s22] =	ssyncset.done $0x0  }
0x17a: {  	s1 =	simm.s32 $0x1700;
	[sflag:s22] =	ssyncadd.s32 $0xFFFF8000  }
0x17b: {  	[spmem:s2] =	stream.indirect.scatter.add.f32 [tilespmem:s23], [sflag:$0x1], $0x80, s1, s24, $0xb8;
	[tilespmem:$0x14800] =	vst v63  }
0x17c: {  	s29 =	simm.s32 $0x1780  }
0x17d: {  	[spmem:s2] =	stream.indirect.scatter.add.f32 [tilespmem:s25], [sflag:$0x1], $0x80, s29, s24, $0xb8;
	[tilespmem:$0x14800] =	vst v63  }
0x17e: {  	_ =	swait.ge [sflag:s26], $0x4000  }
0x17f: {  	[sflag:s26] =	ssyncset.done $0x0  }
0x180: {  	[sflag:s26] =	ssyncadd.s32 $0xFFFFC000  }
0x181: {  	_ =	swait.ge [sflag:s26], $0x4000  }
0x182: {  	[sflag:s26] =	ssyncset.done $0x0  }
0x183: {  	s30 =	rddreg [dreg:$0x15];
	[sflag:s26] =	ssyncadd.s32 $0xFFFFC000  }
0x184: {  	[tilespmem:s23], [sflag:$0x2] =	stream.linear.gather [hbm4b:s30+s3], $0x8000, $0x38;
	[tilespmem:$0x14800] =	vst v63  }
0x185: {  	_ =	swait.ge [sflag:s22], $0x8000  }
0x186: {  	[sflag:s22] =	ssyncset.done $0x0  }
0x187: {  	s31 =	simm.s32 $0x1800;
	[sflag:s22] =	ssyncadd.s32 $0xFFFF8000  }
0x188: {  	[spmem:s2] =	stream.indirect.scatter.add.f32 [tilespmem:s23], [sflag:$0x1], $0x80, s31, s24, $0xb8;
	[tilespmem:$0x14800] =	vst v63  }
0x189: {  	s1 =	simm.s32 $0x1880  }
0x18a: {  	[spmem:s2] =	stream.indirect.scatter.add.f32 [tilespmem:s25], [sflag:$0x1], $0x80, s1, s24, $0xb8;
	[tilespmem:$0x14800] =	vst v63  }
0x18b: {  	_ =	swait.ge [sflag:s26], $0x4000  }
0x18c: {  	[sflag:s26] =	ssyncset.done $0x0  }
0x18d: {  	[sflag:s26] =	ssyncadd.s32 $0xFFFFC000  }
0x18e: {  	_ =	swait.ge [sflag:s26], $0x4000  }
0x18f: {  	[sflag:s26] =	ssyncset.done $0x0  }
0x190: {  	s29 =	rddreg [dreg:$0x16];
	[sflag:s26] =	ssyncadd.s32 $0xFFFFC000  }
0x191: {  	[tilespmem:s23], [sflag:$0x2] =	stream.linear.gather [hbm4b:s29+s3], $0x8000, $0x38;
	[tilespmem:$0x14800] =	vst v63  }
0x192: {  	_ =	swait.ge [sflag:s22], $0x8000  }
0x193: {  	[sflag:s22] =	ssyncset.done $0x0  }
0x194: {  	s30 =	simm.s32 $0x1900;
	[sflag:s22] =	ssyncadd.s32 $0xFFFF8000  }
0x195: {  	[spmem:s2] =	stream.indirect.scatter.add.f32 [tilespmem:s23], [sflag:$0x1], $0x80, s30, s24, $0xb8;
	[tilespmem:$0x14800] =	vst v63  }
0x196: {  	s31 =	simm.s32 $0x1980  }
0x197: {  	[spmem:s2] =	stream.indirect.scatter.add.f32 [tilespmem:s25], [sflag:$0x1], $0x80, s31, s24, $0xb8;
	[tilespmem:$0x14800] =	vst v63  }
0x198: {  	_ =	swait.ge [sflag:s26], $0x4000  }
0x199: {  	[sflag:s26] =	ssyncset.done $0x0  }
0x19a: {  	[sflag:s26] =	ssyncadd.s32 $0xFFFFC000  }
0x19b: {  	_ =	swait.ge [sflag:s26], $0x4000  }
0x19c: {  	[sflag:s26] =	ssyncset.done $0x0  }
0x19d: {  	s1 =	rddreg [dreg:$0x17];
	[sflag:s26] =	ssyncadd.s32 $0xFFFFC000  }
0x19e: {  	[tilespmem:s23], [sflag:$0x2] =	stream.linear.gather [hbm4b:s1+s3], $0x8000, $0x38;
	[tilespmem:$0x14800] =	vst v63  }
0x19f: {  	_ =	swait.ge [sflag:s22], $0x8000  }
0x1a0: {  	[sflag:s22] =	ssyncset.done $0x0  }
0x1a1: {  	s29 =	simm.s32 $0x1A00;
	[sflag:s22] =	ssyncadd.s32 $0xFFFF8000  }
0x1a2: {  	[spmem:s2] =	stream.indirect.scatter.add.f32 [tilespmem:s23], [sflag:$0x1], $0x80, s29, s24, $0xb8;
	[tilespmem:$0x14800] =	vst v63  }
0x1a3: {  	s30 =	simm.s32 $0x1A80  }
0x1a4: {  	[spmem:s2] =	stream.indirect.scatter.add.f32 [tilespmem:s25], [sflag:$0x1], $0x80, s30, s24, $0xb8;
	[tilespmem:$0x14800] =	vst v63  }
0x1a5: {  	_ =	swait.ge [sflag:s26], $0x4000  }
0x1a6: {  	[sflag:s26] =	ssyncset.done $0x0  }
0x1a7: {  	[sflag:s26] =	ssyncadd.s32 $0xFFFFC000  }
0x1a8: {  	_ =	swait.ge [sflag:s26], $0x4000  }
0x1a9: {  	[sflag:s26] =	ssyncset.done $0x0  }
0x1aa: {  	s31 =	rddreg [dreg:$0x18];
	[sflag:s26] =	ssyncadd.s32 $0xFFFFC000  }
0x1ab: {  	[tilespmem:s23], [sflag:$0x2] =	stream.linear.gather [hbm4b:s31+s3], $0x8000, $0x38;
	[tilespmem:$0x14800] =	vst v63  }
0x1ac: {  	_ =	swait.ge [sflag:s22], $0x8000  }
0x1ad: {  	[sflag:s22] =	ssyncset.done $0x0  }
0x1ae: {  	s1 =	simm.s32 $0x1B00;
	[sflag:s22] =	ssyncadd.s32 $0xFFFF8000  }
0x1af: {  	[spmem:s2] =	stream.indirect.scatter.add.f32 [tilespmem:s23], [sflag:$0x1], $0x80, s1, s24, $0xb8;
	[tilespmem:$0x14800] =	vst v63  }
0x1b0: {  	s29 =	simm.s32 $0x1B80  }
0x1b1: {  	[spmem:s2] =	stream.indirect.scatter.add.f32 [tilespmem:s25], [sflag:$0x1], $0x80, s29, s24, $0xb8;
	[tilespmem:$0x14800] =	vst v63  }
0x1b2: {  	_ =	swait.ge [sflag:s26], $0x4000  }
0x1b3: {  	[sflag:s26] =	ssyncset.done $0x0  }
0x1b4: {  	[sflag:s26] =	ssyncadd.s32 $0xFFFFC000  }
0x1b5: {  	_ =	swait.ge [sflag:s26], $0x4000  }
0x1b6: {  	[sflag:s26] =	ssyncset.done $0x0  }
0x1b7: {  	s30 =	rddreg [dreg:$0x19];
	[sflag:s26] =	ssyncadd.s32 $0xFFFFC000  }
0x1b8: {  	[tilespmem:s23], [sflag:$0x2] =	stream.linear.gather [hbm4b:s30+s3], $0x8000, $0x38;
	[tilespmem:$0x14800] =	vst v63  }
0x1b9: {  	_ =	swait.ge [sflag:s22], $0x8000  }
0x1ba: {  	[sflag:s22] =	ssyncset.done $0x0  }
0x1bb: {  	s31 =	simm.s32 $0x1C00;
	[sflag:s22] =	ssyncadd.s32 $0xFFFF8000  }
0x1bc: {  	[spmem:s2] =	stream.indirect.scatter.add.f32 [tilespmem:s23], [sflag:$0x1], $0x80, s31, s24, $0xb8;
	[tilespmem:$0x14800] =	vst v63  }
0x1bd: {  	s1 =	simm.s32 $0x1C80  }
0x1be: {  	[spmem:s2] =	stream.indirect.scatter.add.f32 [tilespmem:s25], [sflag:$0x1], $0x80, s1, s24, $0xb8;
	[tilespmem:$0x14800] =	vst v63  }
0x1bf: {  	_ =	swait.ge [sflag:s26], $0x4000  }
0x1c0: {  	[sflag:s26] =	ssyncset.done $0x0  }
0x1c1: {  	[sflag:s26] =	ssyncadd.s32 $0xFFFFC000  }
0x1c2: {  	_ =	swait.ge [sflag:s26], $0x4000  }
0x1c3: {  	[sflag:s26] =	ssyncset.done $0x0  }
0x1c4: {  	s29 =	rddreg [dreg:$0x1a];
	[sflag:s26] =	ssyncadd.s32 $0xFFFFC000  }
0x1c5: {  	[tilespmem:s23], [sflag:$0x2] =	stream.linear.gather [hbm4b:s29+s3], $0x8000, $0x38;
	[tilespmem:$0x14800] =	vst v63  }
0x1c6: {  	_ =	swait.ge [sflag:s22], $0x8000  }
0x1c7: {  	[sflag:s22] =	ssyncset.done $0x0  }
0x1c8: {  	s30 =	simm.s32 $0x1D00;
	[sflag:s22] =	ssyncadd.s32 $0xFFFF8000  }
0x1c9: {  	[spmem:s2] =	stream.indirect.scatter.add.f32 [tilespmem:s23], [sflag:$0x1], $0x80, s30, s24, $0xb8;
	[tilespmem:$0x14800] =	vst v63  }
0x1ca: {  	s31 =	simm.s32 $0x1D80  }
0x1cb: {  	[spmem:s2] =	stream.indirect.scatter.add.f32 [tilespmem:s25], [sflag:$0x1], $0x80, s31, s24, $0xb8;
	[tilespmem:$0x14800] =	vst v63  }
0x1cc: {  	_ =	swait.ge [sflag:s26], $0x4000  }
0x1cd: {  	[sflag:s26] =	ssyncset.done $0x0  }
0x1ce: {  	[sflag:s26] =	ssyncadd.s32 $0xFFFFC000  }
0x1cf: {  	_ =	swait.ge [sflag:s26], $0x4000  }
0x1d0: {  	[sflag:s26] =	ssyncset.done $0x0  }
0x1d1: {  	s1 =	rddreg [dreg:$0x1b];
	[sflag:s26] =	ssyncadd.s32 $0xFFFFC000  }
0x1d2: {  	[tilespmem:s23], [sflag:$0x2] =	stream.linear.gather [hbm4b:s1+s3], $0x8000, $0x38;
	[tilespmem:$0x14800] =	vst v63  }
0x1d3: {  	_ =	swait.ge [sflag:s22], $0x8000  }
0x1d4: {  	[sflag:s22] =	ssyncset.done $0x0  }
0x1d5: {  	s29 =	simm.s32 $0x1E00;
	[sflag:s22] =	ssyncadd.s32 $0xFFFF8000  }
0x1d6: {  	[spmem:s2] =	stream.indirect.scatter.add.f32 [tilespmem:s23], [sflag:$0x1], $0x80, s29, s24, $0xb8;
	[tilespmem:$0x14800] =	vst v63  }
0x1d7: {  	s30 =	simm.s32 $0x1E80  }
0x1d8: {  	[spmem:s2] =	stream.indirect.scatter.add.f32 [tilespmem:s25], [sflag:$0x1], $0x80, s30, s24, $0xb8;
	[tilespmem:$0x14800] =	vst v63  }
0x1d9: {  	_ =	swait.ge [sflag:s26], $0x4000  }
0x1da: {  	[sflag:s26] =	ssyncset.done $0x0  }
0x1db: {  	[sflag:s26] =	ssyncadd.s32 $0xFFFFC000  }
0x1dc: {  	_ =	swait.ge [sflag:s26], $0x4000  }
0x1dd: {  	[sflag:s26] =	ssyncset.done $0x0  }
0x1de: {  	s31 =	rddreg [dreg:$0x1c];
	[sflag:s26] =	ssyncadd.s32 $0xFFFFC000  }
0x1df: {  	[tilespmem:s23], [sflag:$0x2] =	stream.linear.gather [hbm4b:s31+s3], $0x8000, $0x38;
	[tilespmem:$0x14800] =	vst v63  }
0x1e0: {  	_ =	swait.ge [sflag:s22], $0x8000  }
0x1e1: {  	[sflag:s22] =	ssyncset.done $0x0  }
0x1e2: {  	s1 =	simm.s32 $0x1F00;
	[sflag:s22] =	ssyncadd.s32 $0xFFFF8000  }
0x1e3: {  	[spmem:s2] =	stream.indirect.scatter.add.f32 [tilespmem:s23], [sflag:$0x1], $0x80, s1, s24, $0xb8;
	[tilespmem:$0x14800] =	vst v63  }
0x1e4: {  	s29 =	simm.s32 $0x1F80  }
0x1e5: {  	[spmem:s2] =	stream.indirect.scatter.add.f32 [tilespmem:s25], [sflag:$0x1], $0x80, s29, s24, $0xb8;
	[tilespmem:$0x14800] =	vst v63  }
0x1e6: {  	_ =	swait.ge [sflag:s26], $0x4000  }
0x1e7: {  	[sflag:s26] =	ssyncset.done $0x0  }
0x1e8: {  	[sflag:s26] =	ssyncadd.s32 $0xFFFFC000  }
0x1e9: {  	_ =	swait.ge [sflag:s26], $0x4000  }
0x1ea: {  	[sflag:s26] =	ssyncset.done $0x0  }
0x1eb: {  	s30 =	rddreg [dreg:$0x1d];
	[sflag:s26] =	ssyncadd.s32 $0xFFFFC000  }
0x1ec: {  	[tilespmem:s23], [sflag:$0x2] =	stream.linear.gather [hbm4b:s30+s3], $0x8000, $0x38;
	[tilespmem:$0x14800] =	vst v63  }
0x1ed: {  	_ =	swait.ge [sflag:s22], $0x8000  }
0x1ee: {  	[sflag:s22] =	ssyncset.done $0x0  }
0x1ef: {  	s31 =	simm.s32 $0x2000;
	[sflag:s22] =	ssyncadd.s32 $0xFFFF8000  }
0x1f0: {  	[spmem:s2] =	stream.indirect.scatter.add.f32 [tilespmem:s23], [sflag:$0x1], $0x80, s31, s24, $0xb8;
	[tilespmem:$0x14800] =	vst v63  }
0x1f1: {  	s1 =	simm.s32 $0x2080  }
0x1f2: {  	[spmem:s2] =	stream.indirect.scatter.add.f32 [tilespmem:s25], [sflag:$0x1], $0x80, s1, s24, $0xb8;
	[tilespmem:$0x14800] =	vst v63  }
0x1f3: {  	_ =	swait.ge [sflag:s26], $0x4000  }
0x1f4: {  	[sflag:s26] =	ssyncset.done $0x0  }
0x1f5: {  	[sflag:s26] =	ssyncadd.s32 $0xFFFFC000  }
0x1f6: {  	_ =	swait.ge [sflag:s26], $0x4000  }
0x1f7: {  	[sflag:s26] =	ssyncset.done $0x0  }
0x1f8: {  	[sflag:s26] =	ssyncadd.s32 $0xFFFFC000  }
0x1f9: {  	[tilespmem:s23], [sflag:$0x2] =	stream.linear.gather [hbm4b:s4+s3], $0x8000, $0x38;
	[tilespmem:$0x14800] =	vst v63  }
0x1fa: {  	_ =	swait.ge [sflag:s22], $0x8000  }
0x1fb: {  	[sflag:s22] =	ssyncset.done $0x0  }
0x1fc: {  	s29 =	simm.s32 $0x2100;
	[sflag:s22] =	ssyncadd.s32 $0xFFFF8000  }
0x1fd: {  	[spmem:s2] =	stream.indirect.scatter.add.f32 [tilespmem:s23], [sflag:$0x1], $0x80, s29, s24, $0xb8;
	[tilespmem:$0x14800] =	vst v63  }
0x1fe: {  	s30 =	simm.s32 $0x2180  }
0x1ff: {  	[spmem:s2] =	stream.indirect.scatter.add.f32 [tilespmem:s25], [sflag:$0x1], $0x80, s30, s24, $0xb8;
	[tilespmem:$0x14800] =	vst v63  }
0x200: {  	_ =	swait.ge [sflag:s26], $0x4000  }
0x201: {  	[sflag:s26] =	ssyncset.done $0x0  }
0x202: {  	[sflag:s26] =	ssyncadd.s32 $0xFFFFC000  }
0x203: {  	_ =	swait.ge [sflag:s26], $0x4000  }
0x204: {  	[sflag:s26] =	ssyncset.done $0x0  }
0x205: {  	[sflag:s26] =	ssyncadd.s32 $0xFFFFC000  }
0x206: {  	[tilespmem:s23], [sflag:$0x2] =	stream.linear.gather [hbm4b:s7+s3], $0x8000, $0x38;
	[tilespmem:$0x14800] =	vst v63  }
0x207: {  	_ =	swait.ge [sflag:s22], $0x8000  }
0x208: {  	[sflag:s22] =	ssyncset.done $0x0  }
0x209: {  	s31 =	simm.s32 $0x2200;
	[sflag:s22] =	ssyncadd.s32 $0xFFFF8000  }
0x20a: {  	[spmem:s2] =	stream.indirect.scatter.add.f32 [tilespmem:s23], [sflag:$0x1], $0x80, s31, s24, $0xb8;
	[tilespmem:$0x14800] =	vst v63  }
0x20b: {  	s1 =	simm.s32 $0x2280  }
0x20c: {  	[spmem:s2] =	stream.indirect.scatter.add.f32 [tilespmem:s25], [sflag:$0x1], $0x80, s1, s24, $0xb8;
	[tilespmem:$0x14800] =	vst v63  }
0x20d: {  	_ =	swait.ge [sflag:s26], $0x4000  }
0x20e: {  	[sflag:s26] =	ssyncset.done $0x0  }
0x20f: {  	[sflag:s26] =	ssyncadd.s32 $0xFFFFC000  }
0x210: {  	_ =	swait.ge [sflag:s26], $0x4000  }
0x211: {  	[sflag:s26] =	ssyncset.done $0x0  }
0x212: {  	[sflag:s26] =	ssyncadd.s32 $0xFFFFC000  }
0x213: {  	[tilespmem:s23], [sflag:$0x2] =	stream.linear.gather [hbm4b:s8+s3], $0x8000, $0x38;
	[tilespmem:$0x14800] =	vst v63  }
0x214: {  	_ =	swait.ge [sflag:s22], $0x8000  }
0x215: {  	[sflag:s22] =	ssyncset.done $0x0  }
0x216: {  	s29 =	simm.s32 $0x2300;
	[sflag:s22] =	ssyncadd.s32 $0xFFFF8000  }
0x217: {  	[spmem:s2] =	stream.indirect.scatter.add.f32 [tilespmem:s23], [sflag:$0x1], $0x80, s29, s24, $0xb8;
	[tilespmem:$0x14800] =	vst v63  }
0x218: {  	s30 =	simm.s32 $0x2380  }
0x219: {  	[spmem:s2] =	stream.indirect.scatter.add.f32 [tilespmem:s25], [sflag:$0x1], $0x80, s30, s24, $0xb8;
	[tilespmem:$0x14800] =	vst v63  }
0x21a: {  	_ =	swait.ge [sflag:s26], $0x4000  }
0x21b: {  	[sflag:s26] =	ssyncset.done $0x0  }
0x21c: {  	[sflag:s26] =	ssyncadd.s32 $0xFFFFC000  }
0x21d: {  	_ =	swait.ge [sflag:s26], $0x4000  }
0x21e: {  	[sflag:s26] =	ssyncset.done $0x0  }
0x21f: {  	[sflag:s26] =	ssyncadd.s32 $0xFFFFC000  }
0x220: {  	[tilespmem:s23], [sflag:$0x2] =	stream.linear.gather [hbm4b:s9+s3], $0x8000, $0x38;
	[tilespmem:$0x14800] =	vst v63  }
0x221: {  	_ =	swait.ge [sflag:s22], $0x8000  }
0x222: {  	[sflag:s22] =	ssyncset.done $0x0  }
0x223: {  	s31 =	simm.s32 $0x2400;
	[sflag:s22] =	ssyncadd.s32 $0xFFFF8000  }
0x224: {  	[spmem:s2] =	stream.indirect.scatter.add.f32 [tilespmem:s23], [sflag:$0x1], $0x80, s31, s24, $0xb8;
	[tilespmem:$0x14800] =	vst v63  }
0x225: {  	s1 =	simm.s32 $0x2480  }
0x226: {  	[spmem:s2] =	stream.indirect.scatter.add.f32 [tilespmem:s25], [sflag:$0x1], $0x80, s1, s24, $0xb8;
	[tilespmem:$0x14800] =	vst v63  }
0x227: {  	_ =	swait.ge [sflag:s26], $0x4000  }
0x228: {  	[sflag:s26] =	ssyncset.done $0x0  }
0x229: {  	[sflag:s26] =	ssyncadd.s32 $0xFFFFC000  }
0x22a: {  	_ =	swait.ge [sflag:s26], $0x4000  }
0x22b: {  	[sflag:s26] =	ssyncset.done $0x0  }
0x22c: {  	[sflag:s26] =	ssyncadd.s32 $0xFFFFC000  }
0x22d: {  	[tilespmem:s23], [sflag:$0x2] =	stream.linear.gather [hbm4b:s10+s3], $0x8000, $0x38;
	[tilespmem:$0x14800] =	vst v63  }
0x22e: {  	_ =	swait.ge [sflag:s22], $0x8000  }
0x22f: {  	[sflag:s22] =	ssyncset.done $0x0  }
0x230: {  	s29 =	simm.s32 $0x2500;
	[sflag:s22] =	ssyncadd.s32 $0xFFFF8000  }
0x231: {  	[spmem:s2] =	stream.indirect.scatter.add.f32 [tilespmem:s23], [sflag:$0x1], $0x80, s29, s24, $0xb8;
	[tilespmem:$0x14800] =	vst v63  }
0x232: {  	s30 =	simm.s32 $0x2580  }
0x233: {  	[spmem:s2] =	stream.indirect.scatter.add.f32 [tilespmem:s25], [sflag:$0x1], $0x80, s30, s24, $0xb8;
	[tilespmem:$0x14800] =	vst v63  }
0x234: {  	_ =	swait.ge [sflag:s26], $0x4000  }
0x235: {  	[sflag:s26] =	ssyncset.done $0x0  }
0x236: {  	[sflag:s26] =	ssyncadd.s32 $0xFFFFC000  }
0x237: {  	_ =	swait.ge [sflag:s26], $0x4000  }
0x238: {  	[sflag:s26] =	ssyncset.done $0x0  }
0x239: {  	[sflag:s26] =	ssyncadd.s32 $0xFFFFC000  }
0x23a: {  	[tilespmem:s23], [sflag:$0x2] =	stream.linear.gather [hbm4b:s11+s3], $0x8000, $0x38;
	[tilespmem:$0x14800] =	vst v63  }
0x23b: {  	_ =	swait.ge [sflag:s22], $0x8000  }
0x23c: {  	[sflag:s22] =	ssyncset.done $0x0  }
0x23d: {  	s31 =	simm.s32 $0x2600;
	[sflag:s22] =	ssyncadd.s32 $0xFFFF8000  }
0x23e: {  	[spmem:s2] =	stream.indirect.scatter.add.f32 [tilespmem:s23], [sflag:$0x1], $0x80, s31, s24, $0xb8;
	[tilespmem:$0x14800] =	vst v63  }
0x23f: {  	s1 =	simm.s32 $0x2680  }
0x240: {  	[spmem:s2] =	stream.indirect.scatter.add.f32 [tilespmem:s25], [sflag:$0x1], $0x80, s1, s24, $0xb8;
	[tilespmem:$0x14800] =	vst v63  }
0x241: {  	_ =	swait.ge [sflag:s26], $0x4000  }
0x242: {  	[sflag:s26] =	ssyncset.done $0x0  }
0x243: {  	[sflag:s26] =	ssyncadd.s32 $0xFFFFC000  }
0x244: {  	_ =	swait.ge [sflag:s26], $0x4000  }
0x245: {  	[sflag:s26] =	ssyncset.done $0x0  }
0x246: {  	[sflag:s26] =	ssyncadd.s32 $0xFFFFC000  }
0x247: {  	[tilespmem:s23], [sflag:$0x2] =	stream.linear.gather [hbm4b:s12+s3], $0x8000, $0x38;
	[tilespmem:$0x14800] =	vst v63  }
0x248: {  	_ =	swait.ge [sflag:s22], $0x8000  }
0x249: {  	[sflag:s22] =	ssyncset.done $0x0  }
0x24a: {  	s29 =	simm.s32 $0x2700;
	[sflag:s22] =	ssyncadd.s32 $0xFFFF8000  }
0x24b: {  	[spmem:s2] =	stream.indirect.scatter.add.f32 [tilespmem:s23], [sflag:$0x1], $0x80, s29, s24, $0xb8;
	[tilespmem:$0x14800] =	vst v63  }
0x24c: {  	s30 =	simm.s32 $0x2780  }
0x24d: {  	[spmem:s2] =	stream.indirect.scatter.add.f32 [tilespmem:s25], [sflag:$0x1], $0x80, s30, s24, $0xb8;
	[tilespmem:$0x14800] =	vst v63  }
0x24e: {  	_ =	swait.ge [sflag:s26], $0x4000  }
0x24f: {  	[sflag:s26] =	ssyncset.done $0x0  }
0x250: {  	[sflag:s26] =	ssyncadd.s32 $0xFFFFC000  }
0x251: {  	s28 =	sadd.s32 $0x1, s28;
	_ =	swait.ge [sflag:s26], $0x4000  }
0x252: {  	p0 =	sne.s32 s28, s13;
	s31 =	stileid.u32;
	[sflag:s26] =	ssyncset.done $0x0  }
0x253: {  	s0 =	sshll.u32 s31, $0x6;
	s31 =	simm.s32 $0x10;
	[sflag:s26] =	ssyncadd.s32 $0xFFFFC000  }
0x254: {  	s0 =	sor.u32 $0x1C02, s0;
	s1 =	sshrl.u32 s5, $0x3;
	[bflag:$0x0] =	sbarrier.arrive $0xFFFF  }
.Ltmp2:
0x255: {  	s30 =	simm.s32 $0x6;
	s29 =	rddreg [dreg:$0x12];
	(pc) =	sbr.rel @p0 .LBB2_1-.Ltmp2, $4  }
0x256: {  	[hbm:s29@s30], [sflag:s0] =	dma.strided [spmem:s1@s31], $0x780, s26, $0x6   }
0x257: {  	_ =	swait.ge [sflag:s22], $0x780  }
0x258: {  	[sflag:s22] =	ssyncset.done $0x0  }
0x259: {  	[sflag:s22] =	ssyncadd.s32 $0xFFFFF880  }
0x25a: {  	_ =	sfence.sel $0x180000  }
0x25b: {  	[bflag:$0x0] =	sbarrier.arrive $0xFFFF  }
0x25c: {  	_ =	strace $0x9000004A  }
0x25d: {  	s0 =	stileid.u32;
	[bflag:$0x2] =	sbarrier.arrive $0xFFFF  }
0x25e: {  	p0 =	sne.s32 s0, $0x0;
	s0 =	rddreg [dreg:$0x2]  }
0x25f: {  	s0 =	sadd.s32 @!p0 $0x100000, s0  }
0x260: {  	[sflag:s0] =	ssyncadd.tile.s32 @!p0 $0x1;
	_ =	shalt  }
.Lfunc_end2:
_tile_overlayer_lowered:
.L_overlay_start_2:
0x261: {  	(tag) =	ssettag $0x2  }
0x262: {  	s0 =	rddreg [dreg:$0x0];
	s2 =	stileid.u32  }
0x263: {  	s1 =	rddreg [dreg:$0x1];
	p0 =	sne.s32 s2, $0x0  }
0x264: {  	s3 =	rddreg [dreg:$0x2];
	[bflag:$0x3] =	sbarrier.arrive $0xFFFF;
	s2 =	simm.s32 @!p0 $0x1C02  }
0x265: {  	[timem:s3], [sflag:s2] =	dma.local @!p0 [hbm:s0], s1  }
0x266: {  	s0 =	simm.s32 @!p0 $0x2  }
0x267: {  	_ =	swait.ge @!p0 [sflag:s0], s1  }
0x268: {  	s1 =	ssub.s32 @!p0 $0x0, s1;
	[sflag:s0] =	ssyncset.done @!p0 $0x0  }
0x269: {  	[sflag:s0] =	ssyncadd.s32 @!p0 s1  }
0x26a: {  	[bflag:$0x3] =	sbarrier.arrive $0xFFFF  }
0x26b: {  	_ =	shalt  }

// kernel: kernel.7.cloned.1.call-start
scs
__scs_entry_jumppad:
0x0: {  	(pc) =	sbr.rel $0x88, $3  }
0x1: {  	(tag) =	ssettag $0x0;
	lr =	simm.s32 $0x1  }
0x2: {  	[smem:$0x3F95] =	sst lr;
	_ =	strace $0xD0000000  }
0x3: {  	_ = 	snop  }
0x4: {  	_ = 	snop  }
0x5: {  	_ = 	snop  }
0x6: {  	_ = 	snop  }
0x7: {  	_ = 	snop  }
__scs_overlays_trampoline_lowered:
0x8: {  	[smem:$0x3FA4] =	sst s0  }
0x9: {  	[smem:$0x3FA5] =	sst s1  }
0xa: {  	[smem:$0x3FA6] =	sst s2  }
0xb: {  	[smem:$0x3FA7] =	sst s3  }
0xc: {  	[smem:$0x3FA8] =	sst s4  }
0xd: {  	[smem:$0x3FA9] =	sst s5  }
0xe: {  	[smem:$0x3FAA] =	sst s6  }
0xf: {  	[smem:$0x3FAB] =	sst s7  }
0x10: {  	[smem:$0x3FAC] =	sst s8  }
0x11: {  	[smem:$0x3FAD] =	sst s9;
	s0 =	simm.s32 @!p0 $0x0  }
0x12: {  	s1 =	sld [smem:$0x3F93];
	s0 =	simm.s32 @p0 $0x1  }
0x13: {  	[smem:$0x3FAE] =	sst s0;
	s0 =	simm.s32 @!p1 $0x0  }
0x14: {  	s2 =	sld [smem:$0x3F92];
	s0 =	simm.s32 @p1 $0x1  }
0x15: {  	[smem:$0x3FAF] =	sst s0;
	s0 =	simm.s32 @!p2 $0x0  }
0x16: {  	s3 =	sld [smem:$0x3FDB];
	s0 =	simm.s32 @p2 $0x1  }
0x17: {  	s4 =	simm.s32 $0x1BF5;
	[smem:$0x3FB1] =	sst s0  }
0x18: {  	s0 =	sld [smem:$0x3F94];
	_ =	swait.ge [sflag:s4], $0x0  }
0x19: {  	s7 =	sld [smem:$0x3F95]  }
0x1a: {  	s8 =	sadd.s32 $0xFFFFE003, lr  }
0x1b: {  	s9 =	sadd.s32 $0xFFFFFEF7, lr;
	s5 =	simm.s32 $0xFFFFFFFF;
	p2 =	slt.u32 s8, $0xFFFFF086  }
0x1c: {  	p1 =	slt.u32 s9, $0xF7A;
	s5 =	simm.s32 @!p2 $0x0  }
0x1d: {  	s5 =	simm.s32 @p1 $0x1;
	p0 =	seq.s32 s7, s2  }
0x1e: {  	s7 =	smul.u32 @!p0 $0xF7A, s2;
	p2 =	seq.s32 @!p0 s5, $0x0  }
0x1f: {  	s9 =	smul.u32 $0xF7A, s1;
	s8 =	simm.s32 @!p0 $0x1BF5;
	p2 =	por !p2, p0  }
0x20: {  	[sflag:s8] =	ssyncset.s32 @!p0 $0xFFFFF086;
	s6 =	sadd.s32 @!p0 s3, s7;
	s7 =	simm.s32 @!p0 $0x108  }
0x21: {  	s3 =	sadd.s32 s3, s9;
	s6 =	sadd.s32 @!p0 $0x88, s6;
	s7 =	simm.s32 @p2 $0x1082  }
0x22: {  	[simem:s7], [sflag:s8] =	dma.local @!p0 [hbm:s6], $0xF7A  }
0x23: {  	s9 =	sor.u32 $0xD0000000, s2;
	s6 =	simm.s32 $0x108;
	_ =	swait.ge @!p0 [sflag:s8], $0x0  }
0x24: {  	s3 =	sadd.s32 $0x88, s3;
	s6 =	simm.s32 @!p1 $0x1082;
	[sflag:s4] =	ssyncset.s32 $0xFFFFF086  }
0x25: {  	[simem:s6], [sflag:s4] =	dma.local [hbm:s3], $0xF7A  }
0x26: {  	[smem:$0x3F95] =	sst s1;
	(tag) =	ssettag s2;
	_ =	strace s9  }
0x27: {  	s1 =	sld [smem:$0x3FA5]  }
0x28: {  	s2 =	sld [smem:$0x3FA6]  }
0x29: {  	s4 =	sld [smem:$0x3FA8]  }
0x2a: {  	p0 =	seq.s32 s5, $0x0;
	s5 =	sld [smem:$0x3FA9]  }
0x2b: {  	s6 =	sld [smem:$0x3FAA]  }
0x2c: {  	s7 =	sld [smem:$0x3FAB]  }
0x2d: {  	s3 =	simm.s32 $0x108;
	s8 =	sld [smem:$0x3FAC]  }
0x2e: {  	s3 =	simm.s32 @!p0 $0x1082;
	s9 =	sld [smem:$0x3FAD]  }
0x2f: {  	lr =	sadd.s32 s0, s3;
	s0 =	sld [smem:$0x3FA4]  }
0x30: {  	s3 =	sld [smem:$0x3FA7]  }
0x31: {  	[smem:$0x3FB0] =	sst s10  }
0x32: {  	s10 =	sld [smem:$0x3FAE];
	_ =	sdelay $0x3  }
0x33: {  	p0 =	seq.s32 s10, $0x1;
	s10 =	sld [smem:$0x3FB0];
	_ =	sdelay $0x3  }
0x34: {  	[smem:$0x3FB0] =	sst s10  }
0x35: {  	s10 =	sld [smem:$0x3FAF];
	_ =	sdelay $0x3  }
0x36: {  	p1 =	seq.s32 s10, $0x1;
	s10 =	sld [smem:$0x3FB0];
	_ =	sdelay $0x3  }
0x37: {  	[smem:$0x3FB0] =	sst s10  }
0x38: {  	s10 =	sld [smem:$0x3FB1]  }
0x39: {  	_ = 	snop;
	(pc) =	sbr.ind lr, $3  }
0x3a: {  	_ = 	snop  }
0x3b: {  	_ = 	snop  }
0x3c: {  	p2 =	seq.s32 s10, $0x1;
	s10 =	sld [smem:$0x3FB0]  }
0x3d: {  	_ =	shalt  }
0x3e: {  	_ =	shalt  }
0x3f: {  	_ =	shalt  }
0x40: {  	_ =	shalt  }
0x41: {  	_ =	shalt  }
0x42: {  	_ =	shalt  }
0x43: {  	_ =	shalt  }
0x44: {  	_ =	shalt  }
0x45: {  	_ =	shalt  }
0x46: {  	_ =	shalt  }
0x47: {  	_ =	shalt  }
0x48: {  	_ =	shalt  }
0x49: {  	_ =	shalt  }
0x4a: {  	_ =	shalt  }
0x4b: {  	_ =	shalt  }
0x4c: {  	_ =	shalt  }
0x4d: {  	_ =	shalt  }
0x4e: {  	_ =	shalt  }
0x4f: {  	_ =	shalt  }
0x50: {  	_ =	shalt  }
0x51: {  	_ =	shalt  }
0x52: {  	_ =	shalt  }
0x53: {  	_ =	shalt  }
0x54: {  	_ =	shalt  }
0x55: {  	_ =	shalt  }
0x56: {  	_ =	shalt  }
0x57: {  	_ =	shalt  }
0x58: {  	_ =	shalt  }
0x59: {  	_ =	shalt  }
0x5a: {  	_ =	shalt  }
0x5b: {  	_ =	shalt  }
0x5c: {  	_ =	shalt  }
0x5d: {  	_ =	shalt  }
0x5e: {  	_ =	shalt  }
0x5f: {  	_ =	shalt  }
0x60: {  	_ =	shalt  }
0x61: {  	_ =	shalt  }
0x62: {  	_ =	shalt  }
0x63: {  	_ =	shalt  }
0x64: {  	_ =	shalt  }
0x65: {  	_ =	shalt  }
0x66: {  	_ =	shalt  }
0x67: {  	_ =	shalt  }
0x68: {  	_ =	shalt  }
0x69: {  	_ =	shalt  }
0x6a: {  	_ =	shalt  }
0x6b: {  	_ =	shalt  }
0x6c: {  	_ =	shalt  }
0x6d: {  	_ =	shalt  }
0x6e: {  	_ =	shalt  }
0x6f: {  	_ =	shalt  }
0x70: {  	_ =	shalt  }
0x71: {  	_ =	shalt  }
0x72: {  	_ =	shalt  }
0x73: {  	_ =	shalt  }
0x74: {  	_ =	shalt  }
0x75: {  	_ =	shalt  }
0x76: {  	_ =	shalt  }
0x77: {  	_ =	shalt  }
0x78: {  	_ =	shalt  }
0x79: {  	_ =	shalt  }
0x7a: {  	_ =	shalt  }
0x7b: {  	_ =	shalt  }
0x7c: {  	_ =	shalt  }
0x7d: {  	_ =	shalt  }
0x7e: {  	_ =	shalt  }
0x7f: {  	_ =	shalt  }
0x80: {  	_ =	shalt  }
0x81: {  	_ =	shalt  }
0x82: {  	_ =	shalt  }
0x83: {  	_ =	shalt  }
0x84: {  	_ =	shalt  }
0x85: {  	_ =	shalt  }
0x86: {  	_ =	shalt  }
0x87: {  	_ =	shalt  }
.Lfunc_end0:
.L_simem_size_0:
called_computation_lowered:
.L_overlay_start_0:
0x88: {  	s2 =	sld [smem:$0x3FD9]  }
0x89: {  	s3 =	sld [smem:$0x3FFE];
	_ =	sdelay $0x1  }
0x8a: {  	s1 =	srdreg.scid  }
0x8b: {  	s0 =	sand.u32 $0x1, s1  }
0x8c: {  	s17 =	sshll.u32 s0, $0xA;
	s2 =	sadd.s32 s3, s2  }
0x8d: {  	s2 =	sadd.s32 s2, s17  }
0x8e: {  	[smem:$0x3FBC] =	sst s2  }
0x8f: {  	_ = 	snop  }
0x90: {  	s2 =	sld [smem:$0x3FD0];
	(tm) =	ssettm $0x1  }
0x91: {  	s18 =	sld [smem:$0x3FFB];
	_ =	sdelay $0x3  }
0x92: {  	_ =	strace s18  }
0x93: {  	s3 =	sld [smem:$0x3FFC];
	_ =	sdelay $0x3  }
0x94: {  	_ =	strace s3  }
0x95: {  	s3 =	sld [smem:$0x3FFD];
	_ =	sdelay $0x3  }
0x96: {  	_ =	strace s3  }
0x97: {  	_ =	strace $0x8FFFFFFF  }
0x98: {  	s19 =	sld [smem:$0x3FDB];
	_ =	sdelay $0x1  }
0x99: {  	s4 =	simm.s32 $_scs_section_size  }
0x9a: {  	s5 =	simm.s32 $_size__tile_overlayer_lowered;
	s6 =	simm.s32 $_tile_overlayer_lowered  }
0x9b: {  	s22 =	simm.s32 $0x1BFF;
	s21 =	sshll.u32 s6, $0x1;
	s3 =	sadd.s32 s4, s19  }
0x9c: {  	s7 =	simm.s32 $0x0;
	s20 =	sshll.u32 s5, $0x1;
	s5 =	sadd.s32 s21, s3  }
0x9d: {  	[timem:s7], [sflag:s22] =	dma.local [hbm:s5], s20  }
0x9e: {  	_ =	swait.ge [sflag:s22], s20  }
0x9f: {  	s4 =	ssub.s32 $0x0, s20;
	[sflag:s22] =	ssyncset.done $0x0  }
0xa0: {  	[sflag:s22] =	ssyncadd.s32 s4;
	_ =	sdelay $0x1  }
0xa1: {  	s23 =	simm.s32 $0x1B8B  }
0xa2: {  	_ =	swait.ge [sflag:s23], $0x1  }
0xa3: {  	[sflag:s23] =	ssyncset.done $0x0  }
0xa4: {  	s25 =	simm.s32 $0x1B8E;
	s24 =	sld [smem:$0x3FFE];
	[sflag:s23] =	ssyncadd.s32 $0xFFFFFFFF  }
0xa5: {  	s26 =	simm.s32 $execute0_lowered;
	[smem:$0x3FD2] =	sst s25  }
0xa6: {  	s5 =	sshll.u32 s26, $0x1;
	_ =	strace $0x80000046;
	[dreg:$0x1] =	wrdreg $0xFFFFFFFF  }
0xa7: {  	s28 =	simm.s32 $_size_execute0_lowered;
	s3 =	sadd.s32 s3, s5;
	[dreg:$0x0] =	wrdreg $0x0  }
0xa8: {  	s5 =	sshll.u32 s28, $0x1;
	[dreg:$0x2] =	wrdreg s3  }
0xa9: {  	[dreg:$0x3] =	wrdreg s5  }
0xaa: {  	[dreg:$0x4] =	wrdreg $0xC0  }
0xab: {  	_ =	task [dreg:s7], $0x5FFFF  }
0xac: {  	[dreg:$0x1] =	wrdreg $0xFFFFFFFF  }
0xad: {  	[dreg:$0x0] =	wrdreg $0x60  }
0xae: {  	[dreg:$0x2] =	wrdreg s2  }
0xaf: {  	[dreg:$0x3] =	wrdreg s24  }
0xb0: {  	[dreg:$0x4] =	wrdreg $0x9  }
0xb1: {  	_ =	task.clear_ibuf [dreg:s7], $0x5FFFF;
	_ =	strace $0x90000046  }
0xb2: {  	s29 =	simm.s32 $0x9;
	_ =	strace $0x80000048  }
0xb3: {  	_ =	swait.ge [sflag:s29], $0x1  }
0xb4: {  	[sflag:s29] =	ssyncadd.s32 $0xFFFFFFFF  }
0xb5: {  	_ =	strace $0x90000048  }
0xb6: {  	_ =	sfence  }
0xb7: {  	s30 =	sld [smem:$0x0];
	_ =	sdelay $0x2  }
0xb8: {  	s31 =	sshll.u32 s1, $0xD;
	s1 =	sshrl.u32 s1, $0x2  }
0xb9: {  	s3 =	sand.u32 $0x4000, s31;
	s1 =	sadd.s32 s1, s30  }
0xba: {  	s0 =	sor.u32 s3, s0;
	s1 =	sshll.u32 s1, $0x11  }
0xbb: {  	s0 =	sor.u32 s1, s0  }
0xbc: {  	s0 =	sadd.s32 $0x8F2B, s0  }
0xbd: {  	[sflag:s0] =	ssyncadd.remote.s32 $0x1  }
0xbe: {  	_ =	sfence.sel $0xFFFF  }
0xbf: {  	[dreg:$0x0] =	wrdreg $0xFFFFFFFF;
	(pc) =	sbr.abs _section_cstart, $3  }
0xc0: {  	[dreg:$0x1] =	wrdreg $0xFFFFFFFF  }
0xc1: {  	_ =	task.clear_ibuf [dreg:s7], $0x2FFFF;
	_ =	strace $0x9FFFFFFF  }
0xc2: {  	(tm) =	ssettm $0x7FFFFFFF  }
0xc3: {  	_ =	shalt  }
tec
execute0_lowered:
.L_overlay_start_1:
0x0: {  	(tag) =	ssettag $0x1  }
0x1: {  	s8 =	stileid.u32;
	s5 =	rddreg [dreg:$0x0]  }
0x2: {  	s0 =	srdreg.scid;
	s4 =	rddreg [dreg:$0x1];
	s2 =	simm.s32 $0x0  }
0x3: {  	s28 =	simm.s32 $0x8E00;
	s29 =	simm.s32 $0x9E00;
	s30 =	simm.s32 $0xAE00  }
0x4: {  	s31 =	simm.s32 $0x1;
	s1 =	smul.u32 $0x14, s8;
	s0 =	sand.u32 $0x1, s0  }
0x5: {  	s3 =	smul.u32 $0x3C, s8;
	[smem:$0x7FF] =	sst s2;
	s7 =	sshrl.u32 s8, $0x3  }
0x6: {  	s15 =	sand.u32 $0x7, s8;
	p0 =	seq.s32 s0, $0x0;
	s12 =	smul.u32 $0x1388, s7  }
0x7: {  	_ =	strace $0x80000047;
	s0 =	ssub.s32 $0x2, s0;
	s13 =	smul.u32 $0x2710, s15  }
0x8: {  	s7 =	smul.u32 $0x4E20, s7;
	s1 =	sadd.s32 $0x3C0, s1;
	s16 =	sshrl.u32 s0, $0x1  }
0x9: {  	s1 =	smov.u32 @p0 s3;
	s0 =	ssub.s32 s0, s16;
	s17 =	sadd.s32 s12, s13  }
0xa: {  	s7 =	sadd.s32 s5, s7;
	s19 =	sadd.s32 $0x3E8, s12;
	s10 =	sadd.s32 $0x7D0, s12  }
0xb: {  	s23 =	sadd.s32 $0xBB8, s12;
	s15 =	sadd.s32 $0xFA0, s12;
	s3 =	sshll.u32 s1, $0x4  }
0xc: {  	s1 =	sshll.u32 s1, $0x9;
	s18 =	sshll.u32 s17, $0x2;
	[dreg:$0x4] =	wrdreg s7  }
0xd: {  	s20 =	sshll.u32 s19, $0x2;
	s11 =	sadd.s32 s13, s10;
	s22 =	sshll.u32 s10, $0x2  }
0xe: {  	s14 =	sshll.u32 s23, $0x2;
	s24 =	sadd.s32 s13, s15;
	s25 =	sshll.u32 s15, $0x2  }
0xf: {  	s16 =	smax.u32 s0, $0x1;
	s6 =	sadd.s32 s3, s4;
	s1 =	sadd.s32 s1, s4  }
0x10: {  	s3 =	sadd.s32 $0x2F000, s4;
	s4 =	simm.s32 $0x7800;
	s21 =	sadd.s32 s5, s20  }
0x11: {  	s11 =	sshll.u32 s11, $0x2;
	s10 =	sadd.s32 s5, s22;
	s12 =	sadd.s32 s5, s14  }
0x12: {  	s26 =	sshll.u32 s24, $0x2;
	s14 =	sadd.s32 s5, s25;
	s20 =	simm.s32 $0x80  }
0x13: {  	s22 =	simm.s32 $0x3E00;
	s24 =	simm.s32 $0x5E00;
	s25 =	simm.s32 $0x6E00  }
0x14: {  	s4 =	simm.s32 @!p0 $0x2800;
	s6 =	sadd.s32 $0x29C00, s6;
	[dreg:$0x6] =	wrdreg s21  }
0x15: {  	s11 =	sadd.s32 s3, s11;
	[dreg:$0x3] =	wrdreg s6;
	s6 =	sadd.s32 s3, s18  }
0x16: {  	s15 =	sadd.s32 s3, s26;
	[dreg:$0x5] =	wrdreg s6;
	s6 =	sadd.s32 s13, s19  }
0x17: {  	s17 =	sadd.s32 $0x7D200, s1;
	s21 =	simm.s32 $0x2E00;
	s6 =	sshll.u32 s6, $0x2  }
0x18: {  	s26 =	simm.s32 $0x7E00;
	s9 =	sadd.s32 s3, s6;
	s6 =	sadd.s32 s13, s23  }
0x19: {  	s1 =	simm.s32 $0x0;
	s18 =	simm.s32 $0x2;
	s6 =	sshll.u32 s6, $0x2  }
0x1a: {  	s19 =	simm.s32 $0x1E00;
	s23 =	simm.s32 $0x4E00;
	s13 =	sadd.s32 s3, s6  }
.LBB2_1:
0x1b: {  	s0 =	rddreg [dreg:$0x3]  }
0x1c: {  	[tilespmem:s2], [sflag:$0x2] =	stream.linear.gather [hbm4b:s0+s2], $0x1E00, $0x38;
	[tilespmem:$0xBE00] =	vst v63  }
0x1d: {  	_ =	swait.ge [sflag:s18], $0x1E00  }
0x1e: {  	[sflag:s18] =	ssyncset.done $0x0  }
0x1f: {  	s6 =	rddreg [dreg:$0x4];
	[sflag:s18] =	ssyncadd.s32 $0xFFFFE200  }
0x20: {  	[tilespmem:s19], [sflag:$0x2] =	stream.linear.gather [hbm4b:s6+s2], $0x7D00, $0x38;
	[tilespmem:$0xBE00] =	vst v63  }
0x21: {  	_ =	swait.ge [sflag:s18], $0x7D00  }
0x22: {  	[sflag:s18] =	ssyncset.done $0x0  }
0x23: {  	s7 =	rddreg [dreg:$0x5];
	[sflag:s18] =	ssyncadd.s32 $0xFFFF8300  }
0x24: {  	[hbm4b:s7+s2] =	stream.linear.scatter [tilespmem:s19], [sflag:$0x2], $0x7D00, $0x38;
	[tilespmem:$0xBE00] =	vst v63  }
0x25: {  	_ =	swait.ge [sflag:s18], $0x7D00  }
0x26: {  	[sflag:s18] =	ssyncset.done $0x0  }
0x27: {  	s8 =	rddreg [dreg:$0x6];
	[sflag:s18] =	ssyncadd.s32 $0xFFFF8300  }
0x28: {  	[tilespmem:s19], [sflag:$0x2] =	stream.linear.gather [hbm4b:s8+s2], $0x7D00, $0x38;
	[tilespmem:$0xBE00] =	vst v63  }
0x29: {  	_ =	swait.ge [sflag:s18], $0x7D00  }
0x2a: {  	[sflag:s18] =	ssyncset.done $0x0  }
0x2b: {  	[sflag:s18] =	ssyncadd.s32 $0xFFFF8300  }
0x2c: {  	[hbm4b:s9+s2] =	stream.linear.scatter [tilespmem:s19], [sflag:$0x2], $0x7D00, $0x38;
	[tilespmem:$0xBE00] =	vst v63  }
0x2d: {  	_ =	swait.ge [sflag:s18], $0x7D00  }
0x2e: {  	[sflag:s18] =	ssyncset.done $0x0  }
0x2f: {  	[sflag:s18] =	ssyncadd.s32 $0xFFFF8300  }
0x30: {  	[tilespmem:s19], [sflag:$0x2] =	stream.linear.gather [hbm4b:s10+s2], $0x7D00, $0x38;
	[tilespmem:$0xBE00] =	vst v63  }
0x31: {  	_ =	swait.ge [sflag:s18], $0x7D00  }
0x32: {  	[sflag:s18] =	ssyncset.done $0x0  }
0x33: {  	[sflag:s18] =	ssyncadd.s32 $0xFFFF8300  }
0x34: {  	[hbm4b:s11+s2] =	stream.linear.scatter [tilespmem:s19], [sflag:$0x2], $0x7D00, $0x38;
	[tilespmem:$0xBE00] =	vst v63  }
0x35: {  	_ =	swait.ge [sflag:s18], $0x7D00  }
0x36: {  	[sflag:s18] =	ssyncset.done $0x0  }
0x37: {  	[sflag:s18] =	ssyncadd.s32 $0xFFFF8300  }
0x38: {  	[tilespmem:s19], [sflag:$0x2] =	stream.linear.gather [hbm4b:s12+s2], $0x7D00, $0x38;
	[tilespmem:$0xBE00] =	vst v63  }
0x39: {  	_ =	swait.ge [sflag:s18], $0x7D00  }
0x3a: {  	[sflag:s18] =	ssyncset.done $0x0  }
0x3b: {  	[sflag:s18] =	ssyncadd.s32 $0xFFFF8300  }
0x3c: {  	[hbm4b:s13+s2] =	stream.linear.scatter [tilespmem:s19], [sflag:$0x2], $0x7D00, $0x38;
	[tilespmem:$0xBE00] =	vst v63  }
0x3d: {  	_ =	swait.ge [sflag:s18], $0x7D00  }
0x3e: {  	[sflag:s18] =	ssyncset.done $0x0  }
0x3f: {  	[sflag:s18] =	ssyncadd.s32 $0xFFFF8300  }
0x40: {  	[tilespmem:s19], [sflag:$0x2] =	stream.linear.gather [hbm4b:s14+s2], $0x7D00, $0x38;
	[tilespmem:$0xBE00] =	vst v63  }
0x41: {  	_ =	swait.ge [sflag:s18], $0x7D00  }
0x42: {  	[sflag:s18] =	ssyncset.done $0x0  }
0x43: {  	p1 =	sne.s32 s4, $0x1400;
	[sflag:s18] =	ssyncadd.s32 $0xFFFF8300  }
0x44: {  	[hbm4b:s15+s2] =	stream.linear.scatter [tilespmem:s19], [sflag:$0x2], $0x7D00, $0x38;
	[tilespmem:$0xBE00] =	vst v63  }
.Ltmp0:
0x45: {  	_ =	swait.ge [sflag:s18], $0x7D00;
	(pc) =	sbr.rel @!p1 .LBB2_6-.Ltmp0, $4  }
0x46: {  	[sflag:s18] =	ssyncset.done $0x0  }
0x47: {  	[sflag:s18] =	ssyncadd.s32 $0xFFFF8300  }
0x48: {  	[bflag:$0x0] =	sbarrier.arrive $0xFFFF  }
0x49: {  	p0 =	por $0x0, $0x0;
	s5 =	simm.s32 $0x0;
	s0 =	simm.s32 $0x1400  }
0x4a: {  	s5 =	simm.s32 $0x0  }
0x4b: {  	[tilespmem:s19], [sflag:$0x1] =	stream.indirect.gather [hbm4b:s3+s20], $0x20, s5, s20, $0xb8;
	[tilespmem:$0xBE00] =	vst v63  }
0x4c: {  	s8 =	simm.s32 $0x80  }
0x4d: {  	[tilespmem:s21], [sflag:$0x1] =	stream.indirect.gather [hbm4b:s3+s20], $0x20, s8, s20, $0xb8;
	[tilespmem:$0xBE00] =	vst v63  }
0x4e: {  	s6 =	simm.s32 $0x100  }
0x4f: {  	[tilespmem:s22], [sflag:$0x1] =	stream.indirect.gather [hbm4b:s3+s20], $0x20, s6, s20, $0xb8;
	[tilespmem:$0xBE00] =	vst v63  }
0x50: {  	s7 =	simm.s32 $0x180  }
0x51: {  	[tilespmem:s23], [sflag:$0x1] =	stream.indirect.gather [hbm4b:s3+s20], $0x20, s7, s20, $0xb8;
	[tilespmem:$0xBE00] =	vst v63  }
0x52: {  	s8 =	simm.s32 $0x200  }
0x53: {  	[tilespmem:s24], [sflag:$0x1] =	stream.indirect.gather [hbm4b:s3+s20], $0x20, s8, s20, $0xb8;
	[tilespmem:$0xBE00] =	vst v63  }
0x54: {  	s6 =	simm.s32 $0x280  }
0x55: {  	[tilespmem:s25], [sflag:$0x1] =	stream.indirect.gather [hbm4b:s3+s20], $0x20, s6, s20, $0xb8;
	[tilespmem:$0xBE00] =	vst v63  }
0x56: {  	s7 =	simm.s32 $0x300  }
0x57: {  	[tilespmem:s26], [sflag:$0x1] =	stream.indirect.gather [hbm4b:s3+s20], $0x20, s7, s20, $0xb8;
	[tilespmem:$0xBE00] =	vst v63  }
0x58: {  	s8 =	simm.s32 $0x380  }
0x59: {  	[tilespmem:s28], [sflag:$0x1] =	stream.indirect.gather [hbm4b:s3+s20], $0x20, s8, s20, $0xb8;
	[tilespmem:$0xBE00] =	vst v63  }
0x5a: {  	s6 =	simm.s32 $0x400  }
0x5b: {  	[tilespmem:s29], [sflag:$0x1] =	stream.indirect.gather [hbm4b:s3+s20], $0x20, s6, s20, $0xb8;
	[tilespmem:$0xBE00] =	vst v63  }
0x5c: {  	s7 =	simm.s32 $0x480  }
0x5d: {  	[tilespmem:s30], [sflag:$0x1] =	stream.indirect.gather [hbm4b:s3+s20], $0x20, s7, s20, $0xb8;
	[tilespmem:$0xBE00] =	vst v63  }
0x5e: {  	_ =	swait.ge [sflag:s31], $0x1000  }
0x5f: {  	[sflag:s31] =	ssyncset.done $0x0  }
0x60: {  	[sflag:s31] =	ssyncadd.s32 $0xFFFFF000  }
0x61: {  	_ =	swait.ge [sflag:s31], $0x1000  }
0x62: {  	[sflag:s31] =	ssyncset.done $0x0  }
0x63: {  	[sflag:s31] =	ssyncadd.s32 $0xFFFFF000  }
0x64: {  	_ =	swait.ge [sflag:s31], $0x1000  }
0x65: {  	[sflag:s31] =	ssyncset.done $0x0  }
0x66: {  	[sflag:s31] =	ssyncadd.s32 $0xFFFFF000  }
0x67: {  	_ =	swait.ge [sflag:s31], $0x1000  }
0x68: {  	[sflag:s31] =	ssyncset.done $0x0  }
0x69: {  	[sflag:s31] =	ssyncadd.s32 $0xFFFFF000  }
0x6a: {  	_ =	swait.ge [sflag:s31], $0x1000  }
0x6b: {  	[sflag:s31] =	ssyncset.done $0x0  }
0x6c: {  	[sflag:s31] =	ssyncadd.s32 $0xFFFFF000  }
0x6d: {  	_ =	swait.ge [sflag:s31], $0x1000  }
0x6e: {  	[sflag:s31] =	ssyncset.done $0x0  }
0x6f: {  	[sflag:s31] =	ssyncadd.s32 $0xFFFFF000  }
0x70: {  	_ =	swait.ge [sflag:s31], $0x1000  }
0x71: {  	[sflag:s31] =	ssyncset.done $0x0  }
0x72: {  	[sflag:s31] =	ssyncadd.s32 $0xFFFFF000  }
0x73: {  	_ =	swait.ge [sflag:s31], $0x1000  }
0x74: {  	[sflag:s31] =	ssyncset.done $0x0  }
0x75: {  	[sflag:s31] =	ssyncadd.s32 $0xFFFFF000  }
0x76: {  	_ =	swait.ge [sflag:s31], $0x1000  }
0x77: {  	[sflag:s31] =	ssyncset.done $0x0  }
0x78: {  	[sflag:s31] =	ssyncadd.s32 $0xFFFFF000  }
0x79: {  	p1 =	sne.s32 s4, $0x2800;
	_ =	swait.ge [sflag:s31], $0x1000  }
.Ltmp1:
0x7a: {  	[sflag:s31] =	ssyncset.done $0x0;
	(pc) =	sbr.rel @!p1 .LBB2_3-.Ltmp1, $4  }
0x7b: {  	s8 =	sadd.s32 $0x0, s17;
	[sflag:s31] =	ssyncadd.s32 $0xFFFFF000  }
0x7c: {  	[hbm4b:s8+s2] =	stream.linear.scatter [tilespmem:s19], [sflag:$0x2], $0xA000, $0x38;
	[tilespmem:$0xBE00] =	vst v63  }
0x7d: {  	_ =	swait.ge [sflag:s18], $0xA000  }
0x7e: {  	p0 =	por $0x1, $0x1;
	s5 =	simm.s32 $0x2800;
	[sflag:s18] =	ssyncset.done $0x0  }
.LBB2_4:
0x7f: {  	s7 =	sshra.s32 s0, $0x2  }
0x80: {  	[sflag:s18] =	ssyncadd.s32 $0xFFFF6000;
	s6 =	smov.u32 s5;
	s5 =	sadd.s32 $0x1400, s5  }
0x81: {  	[tilespmem:s19], [sflag:$0x1] =	stream.indirect.gather [hbm4b:s3+s20], $0x20, s7, s20, $0xb8;
	[tilespmem:$0xBE00] =	vst v63  }
0x82: {  	p1 =	sne.s32 s4, s5;
	s8 =	sadd.s32 $0x80, s7  }
0x83: {  	[tilespmem:s21], [sflag:$0x1] =	stream.indirect.gather [hbm4b:s3+s20], $0x20, s8, s20, $0xb8;
	[tilespmem:$0xBE00] =	vst v63  }
0x84: {  	s8 =	sadd.s32 $0x100, s7  }
0x85: {  	[tilespmem:s22], [sflag:$0x1] =	stream.indirect.gather [hbm4b:s3+s20], $0x20, s8, s20, $0xb8;
	[tilespmem:$0xBE00] =	vst v63  }
0x86: {  	s8 =	sadd.s32 $0x180, s7  }
0x87: {  	[tilespmem:s23], [sflag:$0x1] =	stream.indirect.gather [hbm4b:s3+s20], $0x20, s8, s20, $0xb8;
	[tilespmem:$0xBE00] =	vst v63  }
0x88: {  	s8 =	sadd.s32 $0x200, s7  }
0x89: {  	[tilespmem:s24], [sflag:$0x1] =	stream.indirect.gather [hbm4b:s3+s20], $0x20, s8, s20, $0xb8;
	[tilespmem:$0xBE00] =	vst v63  }
0x8a: {  	s8 =	sadd.s32 $0x280, s7  }
0x8b: {  	[tilespmem:s25], [sflag:$0x1] =	stream.indirect.gather [hbm4b:s3+s20], $0x20, s8, s20, $0xb8;
	[tilespmem:$0xBE00] =	vst v63  }
0x8c: {  	s8 =	sadd.s32 $0x300, s7  }
0x8d: {  	[tilespmem:s26], [sflag:$0x1] =	stream.indirect.gather [hbm4b:s3+s20], $0x20, s8, s20, $0xb8;
	[tilespmem:$0xBE00] =	vst v63  }
0x8e: {  	s8 =	sadd.s32 $0x380, s7  }
0x8f: {  	[tilespmem:s28], [sflag:$0x1] =	stream.indirect.gather [hbm4b:s3+s20], $0x20, s8, s20, $0xb8;
	[tilespmem:$0xBE00] =	vst v63  }
0x90: {  	s8 =	sadd.s32 $0x400, s7  }
0x91: {  	[tilespmem:s29], [sflag:$0x1] =	stream.indirect.gather [hbm4b:s3+s20], $0x20, s8, s20, $0xb8;
	[tilespmem:$0xBE00] =	vst v63  }
0x92: {  	s7 =	sadd.s32 $0x480, s7  }
0x93: {  	[tilespmem:s30], [sflag:$0x1] =	stream.indirect.gather [hbm4b:s3+s20], $0x20, s7, s20, $0xb8;
	[tilespmem:$0xBE00] =	vst v63  }
0x94: {  	_ =	swait.ge [sflag:s31], $0x1000  }
0x95: {  	[sflag:s31] =	ssyncset.done $0x0  }
0x96: {  	[sflag:s31] =	ssyncadd.s32 $0xFFFFF000  }
0x97: {  	_ =	swait.ge [sflag:s31], $0x1000  }
0x98: {  	[sflag:s31] =	ssyncset.done $0x0  }
0x99: {  	[sflag:s31] =	ssyncadd.s32 $0xFFFFF000  }
0x9a: {  	_ =	swait.ge [sflag:s31], $0x1000  }
0x9b: {  	[sflag:s31] =	ssyncset.done $0x0  }
0x9c: {  	[sflag:s31] =	ssyncadd.s32 $0xFFFFF000  }
0x9d: {  	_ =	swait.ge [sflag:s31], $0x1000  }
0x9e: {  	[sflag:s31] =	ssyncset.done $0x0  }
0x9f: {  	[sflag:s31] =	ssyncadd.s32 $0xFFFFF000  }
0xa0: {  	_ =	swait.ge [sflag:s31], $0x1000  }
0xa1: {  	[sflag:s31] =	ssyncset.done $0x0  }
0xa2: {  	[sflag:s31] =	ssyncadd.s32 $0xFFFFF000  }
0xa3: {  	_ =	swait.ge [sflag:s31], $0x1000  }
0xa4: {  	[sflag:s31] =	ssyncset.done $0x0  }
0xa5: {  	[sflag:s31] =	ssyncadd.s32 $0xFFFFF000  }
0xa6: {  	_ =	swait.ge [sflag:s31], $0x1000  }
0xa7: {  	[sflag:s31] =	ssyncset.done $0x0  }
0xa8: {  	[sflag:s31] =	ssyncadd.s32 $0xFFFFF000  }
0xa9: {  	_ =	swait.ge [sflag:s31], $0x1000  }
0xaa: {  	[sflag:s31] =	ssyncset.done $0x0  }
0xab: {  	[sflag:s31] =	ssyncadd.s32 $0xFFFFF000  }
0xac: {  	_ =	swait.ge [sflag:s31], $0x1000  }
0xad: {  	[sflag:s31] =	ssyncset.done $0x0  }
0xae: {  	[sflag:s31] =	ssyncadd.s32 $0xFFFFF000  }
0xaf: {  	_ =	swait.ge [sflag:s31], $0x1000  }
.Ltmp2:
0xb0: {  	[sflag:s31] =	ssyncset.done $0x0;
	(pc) =	sbr.rel @p1 .LBB2_4-.Ltmp2, $4  }
0xb1: {  	s7 =	sadd.s32 s0, s17;
	s0 =	smov.u32 s6;
	[sflag:s31] =	ssyncadd.s32 $0xFFFFF000  }
0xb2: {  	[hbm4b:s7+s2] =	stream.linear.scatter [tilespmem:s19], [sflag:$0x2], $0xA000, $0x38;
	[tilespmem:$0xBE00] =	vst v63  }
0xb3: {  	_ =	swait.ge [sflag:s18], $0xA000  }
0xb4: {  	[sflag:s18] =	ssyncset.done $0x0  }
0xb5: {  	s5 =	smov.u32 s0  }
.LBB2_6:
0xb6: {  	s0 =	sshra.s32 s5, $0x2;
	[sflag:s18] =	ssyncadd.s32 @p0 $0xFFFF6000  }
0xb7: {  	[tilespmem:s19], [sflag:$0x1] =	stream.indirect.gather [hbm4b:s3+s20], $0x20, s0, s20, $0xb8;
	[tilespmem:$0xBE00] =	vst v63  }
0xb8: {  	s6 =	sadd.s32 $0x80, s0  }
0xb9: {  	[tilespmem:s21], [sflag:$0x1] =	stream.indirect.gather [hbm4b:s3+s20], $0x20, s6, s20, $0xb8;
	[tilespmem:$0xBE00] =	vst v63  }
0xba: {  	s7 =	sadd.s32 $0x100, s0  }
0xbb: {  	[tilespmem:s22], [sflag:$0x1] =	stream.indirect.gather [hbm4b:s3+s20], $0x20, s7, s20, $0xb8;
	[tilespmem:$0xBE00] =	vst v63  }
0xbc: {  	s8 =	sadd.s32 $0x180, s0  }
0xbd: {  	[tilespmem:s23], [sflag:$0x1] =	stream.indirect.gather [hbm4b:s3+s20], $0x20, s8, s20, $0xb8;
	[tilespmem:$0xBE00] =	vst v63  }
0xbe: {  	s7 =	sadd.s32 $0x200, s0  }
0xbf: {  	[tilespmem:s24], [sflag:$0x1] =	stream.indirect.gather [hbm4b:s3+s20], $0x20, s7, s20, $0xb8;
	[tilespmem:$0xBE00] =	vst v63  }
0xc0: {  	s8 =	sadd.s32 $0x280, s0  }
0xc1: {  	[tilespmem:s25], [sflag:$0x1] =	stream.indirect.gather [hbm4b:s3+s20], $0x20, s8, s20, $0xb8;
	[tilespmem:$0xBE00] =	vst v63  }
0xc2: {  	s7 =	sadd.s32 $0x300, s0  }
0xc3: {  	[tilespmem:s26], [sflag:$0x1] =	stream.indirect.gather [hbm4b:s3+s20], $0x20, s7, s20, $0xb8;
	[tilespmem:$0xBE00] =	vst v63  }
0xc4: {  	s8 =	sadd.s32 $0x380, s0  }
0xc5: {  	[tilespmem:s28], [sflag:$0x1] =	stream.indirect.gather [hbm4b:s3+s20], $0x20, s8, s20, $0xb8;
	[tilespmem:$0xBE00] =	vst v63  }
0xc6: {  	s7 =	sadd.s32 $0x400, s0  }
0xc7: {  	[tilespmem:s29], [sflag:$0x1] =	stream.indirect.gather [hbm4b:s3+s20], $0x20, s7, s20, $0xb8;
	[tilespmem:$0xBE00] =	vst v63  }
0xc8: {  	s0 =	sadd.s32 $0x480, s0  }
0xc9: {  	[tilespmem:s30], [sflag:$0x1] =	stream.indirect.gather [hbm4b:s3+s20], $0x20, s0, s20, $0xb8;
	[tilespmem:$0xBE00] =	vst v63  }
0xca: {  	_ =	swait.ge [sflag:s31], $0x1000  }
0xcb: {  	[sflag:s31] =	ssyncset.done $0x0  }
0xcc: {  	[sflag:s31] =	ssyncadd.s32 $0xFFFFF000  }
0xcd: {  	_ =	swait.ge [sflag:s31], $0x1000  }
0xce: {  	[sflag:s31] =	ssyncset.done $0x0  }
0xcf: {  	[sflag:s31] =	ssyncadd.s32 $0xFFFFF000  }
0xd0: {  	_ =	swait.ge [sflag:s31], $0x1000  }
0xd1: {  	[sflag:s31] =	ssyncset.done $0x0  }
0xd2: {  	[sflag:s31] =	ssyncadd.s32 $0xFFFFF000  }
0xd3: {  	_ =	swait.ge [sflag:s31], $0x1000  }
0xd4: {  	[sflag:s31] =	ssyncset.done $0x0  }
0xd5: {  	[sflag:s31] =	ssyncadd.s32 $0xFFFFF000  }
0xd6: {  	_ =	swait.ge [sflag:s31], $0x1000  }
0xd7: {  	[sflag:s31] =	ssyncset.done $0x0  }
0xd8: {  	[sflag:s31] =	ssyncadd.s32 $0xFFFFF000  }
0xd9: {  	_ =	swait.ge [sflag:s31], $0x1000  }
0xda: {  	[sflag:s31] =	ssyncset.done $0x0  }
0xdb: {  	[sflag:s31] =	ssyncadd.s32 $0xFFFFF000  }
0xdc: {  	_ =	swait.ge [sflag:s31], $0x1000  }
0xdd: {  	[sflag:s31] =	ssyncset.done $0x0  }
0xde: {  	[sflag:s31] =	ssyncadd.s32 $0xFFFFF000  }
0xdf: {  	_ =	swait.ge [sflag:s31], $0x1000  }
0xe0: {  	[sflag:s31] =	ssyncset.done $0x0  }
0xe1: {  	[sflag:s31] =	ssyncadd.s32 $0xFFFFF000  }
0xe2: {  	_ =	swait.ge [sflag:s31], $0x1000  }
0xe3: {  	[sflag:s31] =	ssyncset.done $0x0  }
0xe4: {  	[sflag:s31] =	ssyncadd.s32 $0xFFFFF000  }
0xe5: {  	_ =	swait.ge [sflag:s31], $0x1000  }
0xe6: {  	s1 =	sadd.s32 $0x1, s1;
	[sflag:s31] =	ssyncset.done $0x0  }
0xe7: {  	p0 =	sne.s32 s1, s16;
	s8 =	sadd.s32 s5, s17;
	[sflag:s31] =	ssyncadd.s32 $0xFFFFF000  }
0xe8: {  	[hbm4b:s8+s2] =	stream.linear.scatter [tilespmem:s19], [sflag:$0x2], $0xA000, $0x38;
	[tilespmem:$0xBE00] =	vst v63  }
.Ltmp3:
0xe9: {  	_ = 	snop;
	(pc) =	sbr.rel @p0 .LBB2_1-.Ltmp3, $4  }
.Ltmp4:
0xea: {  	_ = 	snop;
	(pc) =	sbr.rel @!p0 .LBB2_7-.Ltmp4, $4  }
0xeb: {  	_ =	swait.ge [sflag:s18], $0xA000  }
0xec: {  	[sflag:s18] =	ssyncset.done $0x0  }
0xed: {  	[sflag:s18] =	ssyncadd.s32 $0xFFFF6000  }
0xee: {  	_ = 	snop  }
.LBB2_3:
.Ltmp5:
0xef: {  	(pc) =	sbr.rel .LBB2_6-.Ltmp5, $2  }
0xf0: {  	_ =	sdelay $0x2  }
0xf1: {  	s5 =	simm.s32 $0x1400  }
.LBB2_7:
0xf2: {  	_ =	sfence.sel $0x180000  }
0xf3: {  	[bflag:$0x0] =	sbarrier.arrive $0xFFFF  }
0xf4: {  	_ =	strace $0x90000047  }
0xf5: {  	s0 =	stileid.u32;
	[bflag:$0x2] =	sbarrier.arrive $0xFFFF  }
0xf6: {  	p0 =	sne.s32 s0, $0x0;
	s0 =	rddreg [dreg:$0x2]  }
0xf7: {  	s0 =	sadd.s32 @!p0 $0x100000, s0  }
0xf8: {  	[sflag:s0] =	ssyncadd.tile.s32 @!p0 $0x1;
	_ =	shalt  }
.Lfunc_end2:
_tile_overlayer_lowered:
.L_overlay_start_2:
0xf9: {  	(tag) =	ssettag $0x2  }
0xfa: {  	s0 =	rddreg [dreg:$0x0];
	s2 =	stileid.u32  }
0xfb: {  	s1 =	rddreg [dreg:$0x1];
	p0 =	sne.s32 s2, $0x0  }
0xfc: {  	s3 =	rddreg [dreg:$0x2];
	[bflag:$0x3] =	sbarrier.arrive $0xFFFF;
	s2 =	simm.s32 @!p0 $0x1C02  }
0xfd: {  	[timem:s3], [sflag:s2] =	dma.local @!p0 [hbm:s0], s1  }
0xfe: {  	s0 =	simm.s32 @!p0 $0x2  }
0xff: {  	_ =	swait.ge @!p0 [sflag:s0], s1  }
0x100: {  	s1 =	ssub.s32 @!p0 $0x0, s1;
	[sflag:s0] =	ssyncset.done @!p0 $0x0  }
0x101: {  	[sflag:s0] =	ssyncadd.s32 @!p0 s1  }
0x102: {  	[bflag:$0x3] =	sbarrier.arrive $0xFFFF  }
0x103: {  	_ =	shalt  }

</sc_bundles>
